<compile_context>
chip_gen: v7x
topology: tpu7x:2x2x1
jax: 0.10.2.dev20260603
libtpu: 0.0.44.dev20260713+nightly
codegen_flags: <defaults>
</compile_context>

<pallas_src>
import dataclasses
import functools

import jax
import jax.numpy as jnp
from jax import lax
from jax.experimental import pallas as pl
from jax.experimental.pallas import tpu as pltpu
from jax.experimental.pallas import tpu_sc as plsc

N_NODES = 10000
N_EDGES = 160000
DIM = 256
HD = 128
N_TILES = 16
CHUNK = 128
PER_TILE = 10240
NCH = PER_TILE // CHUNK
SUP = 16
NSUP = NCH // SUP
PAD_E = PER_TILE * N_TILES
NPAD = 10112
RPT = NPAD // N_TILES

ROWS_BLK = 400


def _make_agg():
  mesh = plsc.VectorSubcoreMesh(core_axis_name="c", subcore_axis_name="s")

  @functools.partial(
      pl.kernel,
      out_type=jax.ShapeDtypeStruct((2, NPAD, HD), jnp.float32),
      mesh=mesh,
      scratch_types=[
          pltpu.VMEM((2, SUP, CHUNK), jnp.int32),
          pltpu.VMEM((2, CHUNK, HD), jnp.float32),
          pltpu.VMEM_SHARED((NPAD, HD), jnp.float32),
          pltpu.SemaphoreType.DMA,
          pltpu.SemaphoreType.DMA,
          pltpu.SemaphoreType.DMA,
          pltpu.SemaphoreType.DMA,
      ],
  )
  def agg_kernel(data_hbm, edge_hbm, z128_hbm, agg_hbm,
                 idx_v, rows_v, acc_sh, g0, g1, s0, s1):
    gsem = (g0, g1)
    ssem = (s0, s1)
    src_v = idx_v.at[0]
    dst_v = idx_v.at[1]
    c = lax.axis_index("c")
    s = lax.axis_index("s")
    base = s * RPT

    pltpu.sync_copy(z128_hbm.at[pl.ds(base, RPT)], acc_sh.at[pl.ds(base, RPT)])
    plsc.subcore_barrier()

    @pl.loop(0, NSUP)
    def _(g):
      pltpu.sync_copy(edge_hbm.at[s, g], idx_v)

      pltpu.async_copy(data_hbm.at[c].at[src_v.at[0]], rows_v.at[0], gsem[0])
      for k in range(SUP):
        b = k % 2
        if k + 1 < SUP:
          ob = 1 - b
          if k >= 1:
            pltpu.make_async_copy(rows_v.at[ob],
                                  acc_sh.at[dst_v.at[k - 1]],
                                  ssem[ob]).wait()
          pltpu.async_copy(data_hbm.at[c].at[src_v.at[k + 1]], rows_v.at[ob],
                           gsem[ob])
        pltpu.make_async_copy(data_hbm.at[c].at[src_v.at[k]], rows_v.at[b],
                              gsem[b]).wait()
        pltpu.async_copy(rows_v.at[b], acc_sh.at[dst_v.at[k]], ssem[b],
                         add=True)
      pltpu.make_async_copy(rows_v.at[(SUP - 2) % 2],
                            acc_sh.at[dst_v.at[SUP - 2]], ssem[0]).wait()
      pltpu.make_async_copy(rows_v.at[(SUP - 1) % 2],
                            acc_sh.at[dst_v.at[SUP - 1]], ssem[1]).wait()

    plsc.subcore_barrier()
    pltpu.sync_copy(acc_sh.at[pl.ds(base, RPT)],
                    agg_hbm.at[c].at[pl.ds(base, RPT)])

  return agg_kernel


def _make_deg():
  mesh = plsc.VectorSubcoreMesh(core_axis_name="c", subcore_axis_name="s")
  cp = pltpu.CompilerParams()
  if "needs_layout_passes" in pltpu.CompilerParams.__dataclass_fields__:
    cp = dataclasses.replace(cp, needs_layout_passes=False)
  half = NCH // 2

  @functools.partial(
      pl.kernel,
      out_type=jax.ShapeDtypeStruct((2, N_TILES, NPAD), jnp.float32),
      mesh=mesh,
      scratch_types=[
          pltpu.VMEM((half, CHUNK), jnp.int32),
          pltpu.VMEM((NPAD,), jnp.float32),
      ],
      compiler_params=cp,
  )
  def deg_kernel(dst_hbm, z1_hbm, deg_hbm, dst_v, hist_v):
    c = lax.axis_index("c")
    s = lax.axis_index("s")
    pltpu.sync_copy(z1_hbm, hist_v)
    pltpu.sync_copy(dst_hbm.at[s, pl.ds(c * half, half)], dst_v)

    @pl.loop(0, half)
    def _(k):
      @pl.loop(0, CHUNK // 16)
      def _(l):
        vec = dst_v[k, pl.ds(l * 16, 16)]
        plsc.addupdate_scatter(hist_v, [vec], jnp.ones((16,), jnp.float32))

    pltpu.sync_copy(hist_v, deg_hbm.at[c].at[s])

  return deg_kernel


_agg = _make_agg()
_deg_hist = _make_deg()


def _dot(a, b):
  return jax.lax.dot_general(a, b, (((1,), (0,)), ((), ())),
                             precision=jax.lax.Precision.HIGHEST,
                             preferred_element_type=jnp.float32)


def _layer1_body(agg_ref, deg_ref, x_ref, wl_ref, wr_ref, b_ref, m_ref,
                 out_ref):
  deg = jnp.sum(deg_ref[...], axis=1, keepdims=True)
  inv = 1.0 / jnp.maximum(deg, 1.0)
  z = (_dot(agg_ref[0] * inv, wl_ref[:HD, :])
       + _dot(agg_ref[1] * inv, wl_ref[HD:, :])
       + _dot(x_ref[...], wr_ref[...])
       + b_ref[...])
  h = jnp.maximum(z, 0.0) * m_ref[...]
  out_ref[0] = h[:, :HD]
  out_ref[1] = h[:, HD:]


def _layer2_body(agg_ref, deg_ref, h_ref, wl_ref, wr_ref, b_ref, out_ref):
  deg = jnp.sum(deg_ref[...], axis=1, keepdims=True)
  inv = 1.0 / jnp.maximum(deg, 1.0)
  z = (_dot(agg_ref[0] * inv, wl_ref[:HD, :])
       + _dot(agg_ref[1] * inv, wl_ref[HD:, :])
       + _dot(h_ref[0], wr_ref[:HD, :])
       + _dot(h_ref[1], wr_ref[HD:, :])
       + b_ref[...])
  z = z - jnp.max(z, axis=1, keepdims=True)
  e = jnp.exp(z)
  out_ref[...] = e / jnp.sum(e, axis=1, keepdims=True)


_GRID = N_NODES // ROWS_BLK
_split_spec = pl.BlockSpec((2, ROWS_BLK, HD), lambda i: (0, i, 0))
_deg_spec = pl.BlockSpec((ROWS_BLK, 2 * N_TILES), lambda i: (i, 0))
_full_spec = pl.BlockSpec((ROWS_BLK, DIM), lambda i: (i, 0))
_w_spec = pl.BlockSpec((DIM, DIM), lambda i: (0, 0))
_b_spec = pl.BlockSpec((1, DIM), lambda i: (0, 0))

_layer1 = pl.pallas_call(
    _layer1_body,
    grid=(_GRID,),
    in_specs=[_split_spec, _deg_spec, _full_spec, _w_spec, _w_spec, _b_spec,
              _full_spec],
    out_specs=_split_spec,
    out_shape=jax.ShapeDtypeStruct((2, N_NODES, HD), jnp.float32),
)

_layer2 = pl.pallas_call(
    _layer2_body,
    grid=(_GRID,),
    in_specs=[_split_spec, _deg_spec, _split_spec, _w_spec, _w_spec, _b_spec],
    out_specs=_full_spec,
    out_shape=jax.ShapeDtypeStruct((N_NODES, DIM), jnp.float32),
)


def kernel(x, edge_index, W1_l, W1_r, b1, W2_l, W2_r, b2):
  src = edge_index[0].astype(jnp.int32)
  dst = edge_index[1].astype(jnp.int32)
  pad = PAD_E - N_EDGES
  src_r = jnp.concatenate([src, jnp.zeros((pad,), jnp.int32)]).reshape(
      N_TILES, NCH, CHUNK)
  dst_r = jnp.concatenate([dst, jnp.full((pad,), N_NODES, jnp.int32)]).reshape(
      N_TILES, NCH, CHUNK)

  x_split = x.reshape(N_NODES, 2, HD).transpose(1, 0, 2)
  z128 = jnp.zeros((NPAD, HD), jnp.float32)
  z1 = jnp.zeros((NPAD,), jnp.float32)

  keep = jax.random.bernoulli(jax.random.key(42), 0.5, (N_NODES, DIM))
  mask_mult = keep.astype(jnp.float32) * 2.0

  edges_r = jnp.stack([src_r.reshape(N_TILES, NSUP, SUP, CHUNK),
                       dst_r.reshape(N_TILES, NSUP, SUP, CHUNK)],
                      axis=2)
  hist = _deg_hist(dst_r, z1)
  deg_t = hist.reshape(2 * N_TILES, NPAD).T
  agg1 = _agg(x_split, edges_r, z128)
  h_split = _layer1(agg1, deg_t, x, W1_l, W1_r, b1.reshape(1, DIM), mask_mult)
  agg2 = _agg(h_split, edges_r, z128)
  out = _layer2(agg2, deg_t, h_split, W2_l, W2_r, b2.reshape(1, DIM))
  return out

# --- scband reference (transcript-rebuilt; emitter-appended) ---
"""Pipeline reference for scband-graph-sage-mc-8426725835328 (READ-ONLY COPY).

The authoritative reference and input builder live on the scoring server;
editing this copy changes nothing except your own understanding.
"""

import jax, jax.numpy as jnp
import numpy as np

N_NODES = 10000
N_EDGES = 160000
DIM_IN = 256
DIM_H = 256
DIM_OUT = 256
MC_PROB = 0.5


def setup_inputs(seed: int = 0) -> dict:
    key = jax.random.key(seed)
    ks = jax.random.split(key, 8)
    x = jax.random.normal(ks[0], (N_NODES, DIM_IN), dtype=jnp.float32)
    edge_index = jax.random.randint(ks[1], (2, N_EDGES), 0, N_NODES, dtype=jnp.int64)
    s1 = 1.0 / np.sqrt(DIM_IN)
    s2 = 1.0 / np.sqrt(DIM_H)
    W1_l = jax.random.uniform(ks[2], (DIM_IN, DIM_H), jnp.float32, -s1, s1)
    W1_r = jax.random.uniform(ks[3], (DIM_IN, DIM_H), jnp.float32, -s1, s1)
    b1 = jax.random.uniform(ks[4], (DIM_H,), jnp.float32, -s1, s1)
    W2_l = jax.random.uniform(ks[5], (DIM_H, DIM_OUT), jnp.float32, -s2, s2)
    W2_r = jax.random.uniform(ks[6], (DIM_H, DIM_OUT), jnp.float32, -s2, s2)
    b2 = jax.random.uniform(ks[7], (DIM_OUT,), jnp.float32, -s2, s2)
    return {"x": x, "edge_index": edge_index, "W1_l": W1_l, "W1_r": W1_r, "b1": b1,
            "W2_l": W2_l, "W2_r": W2_r, "b2": b2}


def _sage_conv(x, edge_index, W_l, W_r, b):
    # PyG SAGEConv (mean aggregator): out = lin_l(mean_j x_j) + lin_r(x_i)
    src = edge_index[0]
    dst = edge_index[1]
    msgs = jnp.take(x, src, axis=0)
    agg = jax.ops.segment_sum(msgs, dst, num_segments=N_NODES)
    deg = jax.ops.segment_sum(jnp.ones((msgs.shape[0],), dtype=x.dtype), dst, num_segments=N_NODES)
    mean = agg / jnp.clip(deg, 1.0, None)[:, None]
    return mean @ W_l + b + x @ W_r


def reference(x, edge_index, W1_l, W1_r, b1, W2_l, W2_r, b2):
    h = _sage_conv(x, edge_index, W1_l, W1_r, b1)
    h = jax.nn.relu(h)
    # Monte-Carlo dropout, always active (training=True), fixed key for determinism
    keep = jax.random.bernoulli(jax.random.key(42), 1.0 - MC_PROB, h.shape)
    h = jnp.where(keep, h / (1.0 - MC_PROB), 0.0)
    h = _sage_conv(h, edge_index, W2_l, W2_r, b2)
    return jax.nn.softmax(h, axis=1)

if __name__ == "__main__":
    import jax
    _d = setup_inputs()
    print(jax.jit(kernel)(*tuple(_d.values())))

</pallas_src>

<mosaic_0001>
#map = affine_map<(d0, d1) -> (0, 0, 0)>
#map1 = affine_map<(d0, d1) -> (0, 0, 0, 0, 0)>
#map2 = affine_map<(d0, d1) -> (0, 0)>
module attributes {stable_mosaic.version = 14 : i64} {
  func.func @agg_kernel(%arg0: i32, %arg1: i32, %arg2: memref<2x10000x128xf32, #tpu.memory_space<hbm>>, %arg3: memref<16x5x2x16x128xi32, #tpu.memory_space<hbm>>, %arg4: memref<10112x128xf32, #tpu.memory_space<hbm>>, %arg5: memref<2x10112x128xf32, #tpu.memory_space<hbm>>, %arg6: memref<2x16x128xi32, #tpu.memory_space<vmem>>, %arg7: memref<2x128x128xf32, #tpu.memory_space<vmem>>, %arg8: memref<10112x128xf32, #tpu.memory_space<vmem_shared>>, %arg9: memref<!tpu.dma_semaphore, #tpu.memory_space<semaphore_mem>>, %arg10: memref<!tpu.dma_semaphore, #tpu.memory_space<semaphore_mem>>, %arg11: memref<!tpu.dma_semaphore, #tpu.memory_space<semaphore_mem>>, %arg12: memref<!tpu.dma_semaphore, #tpu.memory_space<semaphore_mem>>) attributes {dimension_semantics = [#tpu.dimension_semantics<core_parallel>, #tpu.dimension_semantics<subcore_parallel>], iteration_bounds = array<i64: 2, 16>, scalar_prefetch = 0 : i64, scratch_operands = 7 : i64, tpu.core_type = #tpu.core_type<sc_vector_subcore>, window_params = [{transform_indices = #map}, {transform_indices = #map1}, {transform_indices = #map2}, {transform_indices = #map}]} {
    %mul3A = arith.constant 632 : i32
    %mul3A_0 = arith.muli %arg1, %mul3A : i32
    "tpu.region"() ({
      %run_scoped3A = tpu.sem_alloc : memref<!tpu.dma_semaphore, #tpu.memory_space<semaphore_mem>>
      %dma_start3A = arith.constant 0 : i32
      %dma_start3A_8 = tpu.memref_slice %arg8[%mul3A_0, %dma_start3A] : memref<10112x128xf32, #tpu.memory_space<vmem_shared>> -> memref<632x128xf32, #tpu.memory_space<vmem_shared>>
      %dma_start3A_9 = arith.constant 0 : i32
      %dma_start3A_10 = tpu.memref_slice %arg4[%mul3A_0, %dma_start3A_9] : memref<10112x128xf32, #tpu.memory_space<hbm>> -> memref<632x128xf32, #tpu.memory_space<hbm>>
      tpu.enqueue_dma source(%dma_start3A_10 : memref<632x128xf32, #tpu.memory_space<hbm>>) target(%dma_start3A_8 : memref<632x128xf32, #tpu.memory_space<vmem_shared>>) target_semaphore(%run_scoped3A : memref<!tpu.dma_semaphore, #tpu.memory_space<semaphore_mem>>)
      %dma_wait3A = arith.constant 0 : i32
      %dma_wait3A_11 = tpu.memref_slice %arg8[%mul3A_0, %dma_wait3A] : memref<10112x128xf32, #tpu.memory_space<vmem_shared>> -> memref<632x128xf32, #tpu.memory_space<vmem_shared>>
      %dma_wait3A_12 = arith.constant 0 : i32
      %dma_wait3A_13 = tpu.memref_slice %arg4[%mul3A_0, %dma_wait3A_12] : memref<10112x128xf32, #tpu.memory_space<hbm>> -> memref<632x128xf32, #tpu.memory_space<hbm>>
      tpu.wait_dma2 semaphore(%run_scoped3A : memref<!tpu.dma_semaphore, #tpu.memory_space<semaphore_mem>>) src(%dma_wait3A_13 : memref<632x128xf32, #tpu.memory_space<hbm>>) dst(%dma_wait3A_11 : memref<632x128xf32, #tpu.memory_space<vmem_shared>>)
      tpu.yield
    }) : () -> ()
    %barrier3A = arith.constant 0 : index
    tpu.barrier barrier_id(%barrier3A)
    %scan3A = arith.constant 0 : i32
    %scan3A_1 = arith.constant 1 : i32
    %scan3A_2 = arith.constant 0 : i32
    %scan3A_3 = arith.constant 5 : i32
    %scan3A_4 = arith.addi %scan3A_2, %scan3A_3 : i32
    %scan3A_5 = arith.constant 1 : i32
    scf.for %scan3A_8 = %scan3A_2 to %scan3A_4 step %scan3A_5  : i32 {
      %mul3A_9 = arith.constant 1 : i32
      %mul3A_10 = arith.muli %scan3A_8, %mul3A_9 : i32
      %add3A = arith.constant 0 : i32
      %add3A_11 = arith.addi %add3A, %mul3A_10 : i32
      "tpu.region"() ({
        %run_scoped3A = tpu.sem_alloc : memref<!tpu.dma_semaphore, #tpu.memory_space<semaphore_mem>>
        %dma_start3A_1162 = arith.constant 0 : i32
        %dma_start3A_1163 = arith.constant 0 : i32
        %dma_start3A_1164 = arith.constant 0 : i32
        %dma_start3A_1165 = tpu.memref_slice %arg3[%arg1, %add3A_11, %dma_start3A_1162, %dma_start3A_1163, %dma_start3A_1164] : memref<16x5x2x16x128xi32, #tpu.memory_space<hbm>> -> memref<1x1x2x16x128xi32, #tpu.memory_space<hbm>>
        %dma_start3A_1166 = tpu.memref_squeeze %dma_start3A_1165 : memref<1x1x2x16x128xi32, #tpu.memory_space<hbm>> -> memref<2x16x128xi32, #tpu.memory_space<hbm>>
        %dma_start3A_1167 = arith.constant 0 : i32
        %dma_start3A_1168 = arith.constant 0 : i32
        %dma_start3A_1169 = arith.constant 0 : i32
        %dma_start3A_1170 = tpu.memref_slice %arg3[%arg1, %add3A_11, %dma_start3A_1167, %dma_start3A_1168, %dma_start3A_1169] : memref<16x5x2x16x128xi32, #tpu.memory_space<hbm>> -> memref<1x1x2x16x128xi32, #tpu.memory_space<hbm>>
        %dma_start3A_1171 = tpu.memref_squeeze %dma_start3A_1170 : memref<1x1x2x16x128xi32, #tpu.memory_space<hbm>> -> memref<2x16x128xi32, #tpu.memory_space<hbm>>
        tpu.enqueue_dma source(%dma_start3A_1171 : memref<2x16x128xi32, #tpu.memory_space<hbm>>) target(%arg6 : memref<2x16x128xi32, #tpu.memory_space<vmem>>) target_semaphore(%run_scoped3A : memref<!tpu.dma_semaphore, #tpu.memory_space<semaphore_mem>>)
        %dma_wait3A_1172 = arith.constant 0 : i32
        %dma_wait3A_1173 = arith.constant 0 : i32
        %dma_wait3A_1174 = arith.constant 0 : i32
        %dma_wait3A_1175 = tpu.memref_slice %arg3[%arg1, %add3A_11, %dma_wait3A_1172, %dma_wait3A_1173, %dma_wait3A_1174] : memref<16x5x2x16x128xi32, #tpu.memory_space<hbm>> -> memref<1x1x2x16x128xi32, #tpu.memory_space<hbm>>
        %dma_wait3A_1176 = tpu.memref_squeeze %dma_wait3A_1175 : memref<1x1x2x16x128xi32, #tpu.memory_space<hbm>> -> memref<2x16x128xi32, #tpu.memory_space<hbm>>
        %dma_wait3A_1177 = arith.constant 0 : i32
        %dma_wait3A_1178 = arith.constant 0 : i32
        %dma_wait3A_1179 = arith.constant 0 : i32
        %dma_wait3A_1180 = tpu.memref_slice %arg3[%arg1, %add3A_11, %dma_wait3A_1177, %dma_wait3A_1178, %dma_wait3A_1179] : memref<16x5x2x16x128xi32, #tpu.memory_space<hbm>> -> memref<1x1x2x16x128xi32, #tpu.memory_space<hbm>>
        %dma_wait3A_1181 = tpu.memref_squeeze %dma_wait3A_1180 : memref<1x1x2x16x128xi32, #tpu.memory_space<hbm>> -> memref<2x16x128xi32, #tpu.memory_space<hbm>>
        tpu.wait_dma2 semaphore(%run_scoped3A : memref<!tpu.dma_semaphore, #tpu.memory_space<semaphore_mem>>) src(%dma_wait3A_1181 : memref<2x16x128xi32, #tpu.memory_space<hbm>>) dst(%arg6 : memref<2x16x128xi32, #tpu.memory_space<vmem>>)
        tpu.yield
      }) : () -> ()
      %dma_start3A = arith.constant 0 : i32
      %dma_start3A_12 = arith.constant 0 : i32
      %dma_start3A_13 = arith.constant 0 : i32
      %dma_start3A_14 = arith.constant 0 : i32
      %dma_start3A_15 = tpu.memref_slice %arg7[%dma_start3A_12, %dma_start3A_13, %dma_start3A_14] : memref<2x128x128xf32, #tpu.memory_space<vmem>> -> memref<1x128x128xf32, #tpu.memory_space<vmem>>
      %dma_start3A_16 = tpu.memref_squeeze %dma_start3A_15 : memref<1x128x128xf32, #tpu.memory_space<vmem>> -> memref<128x128xf32, #tpu.memory_space<vmem>>
      %dma_start3A_17 = arith.constant 0 : i32
      %dma_start3A_18 = arith.constant 0 : i32
      %dma_start3A_19 = tpu.memref_slice %arg6[%scan3A, %dma_start3A_17, %dma_start3A_18] : memref<2x16x128xi32, #tpu.memory_space<vmem>> -> memref<1x16x128xi32, #tpu.memory_space<vmem>>
      %dma_start3A_20 = tpu.memref_squeeze %dma_start3A_19 : memref<1x16x128xi32, #tpu.memory_space<vmem>> -> memref<16x128xi32, #tpu.memory_space<vmem>>
      %dma_start3A_21 = arith.constant 0 : i32
      %dma_start3A_22 = tpu.memref_slice %dma_start3A_20[%dma_start3A, %dma_start3A_21] : memref<16x128xi32, #tpu.memory_space<vmem>> -> memref<1x128xi32, #tpu.memory_space<vmem>>
      %dma_start3A_23 = tpu.memref_squeeze %dma_start3A_22 : memref<1x128xi32, #tpu.memory_space<vmem>> -> memref<128xi32, #tpu.memory_space<vmem>>
      %dma_start3A_24 = arith.constant 0 : i32
      %dma_start3A_25 = arith.constant 0 : i32
      %dma_start3A_26 = tpu.memref_slice %arg2[%arg0, %dma_start3A_24, %dma_start3A_25] : memref<2x10000x128xf32, #tpu.memory_space<hbm>> -> memref<1x10000x128xf32, #tpu.memory_space<hbm>>
      %dma_start3A_27 = tpu.memref_squeeze %dma_start3A_26 : memref<1x10000x128xf32, #tpu.memory_space<hbm>> -> memref<10000x128xf32, #tpu.memory_space<hbm>>
      %dma_start3A_28 = arith.constant 0 : i32
      %dma_start3A_29 = arith.constant 0 : i32
      %dma_start3A_30 = tpu.memref_slice %dma_start3A_27[%dma_start3A_28, %dma_start3A_29] : memref<10000x128xf32, #tpu.memory_space<hbm>> -> memref<10000x128xf32, #tpu.memory_space<hbm>>
      tpu.enqueue_indirect_dma source(%dma_start3A_30 : memref<10000x128xf32, #tpu.memory_space<hbm>>) target(%dma_start3A_16 : memref<128x128xf32, #tpu.memory_space<vmem>>) offsets(%dma_start3A_23 : memref<128xi32, #tpu.memory_space<vmem>>) semaphore(%arg9 : memref<!tpu.dma_semaphore, #tpu.memory_space<semaphore_mem>>)
      %dma_start3A_31 = arith.constant 1 : i32
      %dma_start3A_32 = arith.constant 1 : i32
      %dma_start3A_33 = arith.constant 0 : i32
      %dma_start3A_34 = arith.constant 0 : i32
      %dma_start3A_35 = tpu.memref_slice %arg7[%dma_start3A_32, %dma_start3A_33, %dma_start3A_34] : memref<2x128x128xf32, #tpu.memory_space<vmem>> -> memref<1x128x128xf32, #tpu.memory_space<vmem>>
      %dma_start3A_36 = tpu.memref_squeeze %dma_start3A_35 : memref<1x128x128xf32, #tpu.memory_space<vmem>> -> memref<128x128xf32, #tpu.memory_space<vmem>>
      %dma_start3A_37 = arith.constant 0 : i32
      %dma_start3A_38 = arith.constant 0 : i32
      %dma_start3A_39 = tpu.memref_slice %arg6[%scan3A, %dma_start3A_37, %dma_start3A_38] : memref<2x16x128xi32, #tpu.memory_space<vmem>> -> memref<1x16x128xi32, #tpu.memory_space<vmem>>
      %dma_start3A_40 = tpu.memref_squeeze %dma_start3A_39 : memref<1x16x128xi32, #tpu.memory_space<vmem>> -> memref<16x128xi32, #tpu.memory_space<vmem>>
      %dma_start3A_41 = arith.constant 0 : i32
      %dma_start3A_42 = tpu.memref_slice %dma_start3A_40[%dma_start3A_31, %dma_start3A_41] : memref<16x128xi32, #tpu.memory_space<vmem>> -> memref<1x128xi32, #tpu.memory_space<vmem>>
      %dma_start3A_43 = tpu.memref_squeeze %dma_start3A_42 : memref<1x128xi32, #tpu.memory_space<vmem>> -> memref<128xi32, #tpu.memory_space<vmem>>
      %dma_start3A_44 = arith.constant 0 : i32
      %dma_start3A_45 = arith.constant 0 : i32
      %dma_start3A_46 = tpu.memref_slice %arg2[%arg0, %dma_start3A_44, %dma_start3A_45] : memref<2x10000x128xf32, #tpu.memory_space<hbm>> -> memref<1x10000x128xf32, #tpu.memory_space<hbm>>
      %dma_start3A_47 = tpu.memref_squeeze %dma_start3A_46 : memref<1x10000x128xf32, #tpu.memory_space<hbm>> -> memref<10000x128xf32, #tpu.memory_space<hbm>>
      %dma_start3A_48 = arith.constant 0 : i32
      %dma_start3A_49 = arith.constant 0 : i32
      %dma_start3A_50 = tpu.memref_slice %dma_start3A_47[%dma_start3A_48, %dma_start3A_49] : memref<10000x128xf32, #tpu.memory_space<hbm>> -> memref<10000x128xf32, #tpu.memory_space<hbm>>
      tpu.enqueue_indirect_dma source(%dma_start3A_50 : memref<10000x128xf32, #tpu.memory_space<hbm>>) target(%dma_start3A_36 : memref<128x128xf32, #tpu.memory_space<vmem>>) offsets(%dma_start3A_43 : memref<128xi32, #tpu.memory_space<vmem>>) semaphore(%arg10 : memref<!tpu.dma_semaphore, #tpu.memory_space<semaphore_mem>>)
      %dma_wait3A = arith.constant 0 : i32
      %dma_wait3A_51 = arith.constant 0 : i32
      %dma_wait3A_52 = arith.constant 0 : i32
      %dma_wait3A_53 = arith.constant 0 : i32
      %dma_wait3A_54 = tpu.memref_slice %arg7[%dma_wait3A_51, %dma_wait3A_52, %dma_wait3A_53] : memref<2x128x128xf32, #tpu.memory_space<vmem>> -> memref<1x128x128xf32, #tpu.memory_space<vmem>>
      %dma_wait3A_55 = tpu.memref_squeeze %dma_wait3A_54 : memref<1x128x128xf32, #tpu.memory_space<vmem>> -> memref<128x128xf32, #tpu.memory_space<vmem>>
      %dma_wait3A_56 = arith.constant 0 : i32
      %dma_wait3A_57 = arith.constant 0 : i32
      %dma_wait3A_58 = tpu.memref_slice %arg6[%scan3A, %dma_wait3A_56, %dma_wait3A_57] : memref<2x16x128xi32, #tpu.memory_space<vmem>> -> memref<1x16x128xi32, #tpu.memory_space<vmem>>
      %dma_wait3A_59 = tpu.memref_squeeze %dma_wait3A_58 : memref<1x16x128xi32, #tpu.memory_space<vmem>> -> memref<16x128xi32, #tpu.memory_space<vmem>>
      %dma_wait3A_60 = arith.constant 0 : i32
      %dma_wait3A_61 = tpu.memref_slice %dma_wait3A_59[%dma_wait3A, %dma_wait3A_60] : memref<16x128xi32, #tpu.memory_space<vmem>> -> memref<1x128xi32, #tpu.memory_space<vmem>>
      %dma_wait3A_62 = tpu.memref_squeeze %dma_wait3A_61 : memref<1x128xi32, #tpu.memory_space<vmem>> -> memref<128xi32, #tpu.memory_space<vmem>>
      %dma_wait3A_63 = arith.constant 0 : i32
      %dma_wait3A_64 = arith.constant 0 : i32
      %dma_wait3A_65 = tpu.memref_slice %arg2[%arg0, %dma_wait3A_63, %dma_wait3A_64] : memref<2x10000x128xf32, #tpu.memory_space<hbm>> -> memref<1x10000x128xf32, #tpu.memory_space<hbm>>
      %dma_wait3A_66 = tpu.memref_squeeze %dma_wait3A_65 : memref<1x10000x128xf32, #tpu.memory_space<hbm>> -> memref<10000x128xf32, #tpu.memory_space<hbm>>
      %dma_wait3A_67 = arith.constant 0 : i32
      %dma_wait3A_68 = arith.constant 0 : i32
      %dma_wait3A_69 = tpu.memref_slice %dma_wait3A_66[%dma_wait3A_67, %dma_wait3A_68] : memref<10000x128xf32, #tpu.memory_space<hbm>> -> memref<10000x128xf32, #tpu.memory_space<hbm>>
      tpu.wait_indirect_dma semaphore(%arg9 : memref<!tpu.dma_semaphore, #tpu.memory_space<semaphore_mem>>) src(%dma_wait3A_69 : memref<10000x128xf32, #tpu.memory_space<hbm>>) dst(%dma_wait3A_55 : memref<128x128xf32, #tpu.memory_space<vmem>>)
      %dma_start3A_70 = arith.constant 0 : i32
      %dma_start3A_71 = arith.constant 0 : i32
      %dma_start3A_72 = arith.constant 0 : i32
      %dma_start3A_73 = arith.constant 0 : i32
      %dma_start3A_74 = tpu.memref_slice %arg7[%dma_start3A_70, %dma_start3A_72, %dma_start3A_73] : memref<2x128x128xf32, #tpu.memory_space<vmem>> -> memref<1x128x128xf32, #tpu.memory_space<vmem>>
      %dma_start3A_75 = tpu.memref_squeeze %dma_start3A_74 : memref<1x128x128xf32, #tpu.memory_space<vmem>> -> memref<128x128xf32, #tpu.memory_space<vmem>>
      %dma_start3A_76 = arith.constant 0 : i32
      %dma_start3A_77 = arith.constant 0 : i32
      %dma_start3A_78 = tpu.memref_slice %arg6[%scan3A_1, %dma_start3A_76, %dma_start3A_77] : memref<2x16x128xi32, #tpu.memory_space<vmem>> -> memref<1x16x128xi32, #tpu.memory_space<vmem>>
      %dma_start3A_79 = tpu.memref_squeeze %dma_start3A_78 : memref<1x16x128xi32, #tpu.memory_space<vmem>> -> memref<16x128xi32, #tpu.memory_space<vmem>>
      %dma_start3A_80 = arith.constant 0 : i32
      %dma_start3A_81 = tpu.memref_slice %dma_start3A_79[%dma_start3A_71, %dma_start3A_80] : memref<16x128xi32, #tpu.memory_space<vmem>> -> memref<1x128xi32, #tpu.memory_space<vmem>>
      %dma_start3A_82 = tpu.memref_squeeze %dma_start3A_81 : memref<1x128xi32, #tpu.memory_space<vmem>> -> memref<128xi32, #tpu.memory_space<vmem>>
      %dma_start3A_83 = arith.constant 0 : i32
      %dma_start3A_84 = arith.constant 0 : i32
      %dma_start3A_85 = tpu.memref_slice %arg8[%dma_start3A_83, %dma_start3A_84] : memref<10112x128xf32, #tpu.memory_space<vmem_shared>> -> memref<10112x128xf32, #tpu.memory_space<vmem_shared>>
      tpu.enqueue_indirect_dma source(%dma_start3A_75 : memref<128x128xf32, #tpu.memory_space<vmem>>) target(%dma_start3A_85 : memref<10112x128xf32, #tpu.memory_space<vmem_shared>>) offsets(%dma_start3A_82 : memref<128xi32, #tpu.memory_space<vmem>>) semaphore(%arg11 : memref<!tpu.dma_semaphore, #tpu.memory_space<semaphore_mem>>) {add = true}
      %dma_wait3A_86 = arith.constant 0 : i32
      %dma_wait3A_87 = arith.constant 0 : i32
      %dma_wait3A_88 = arith.constant 0 : i32
      %dma_wait3A_89 = arith.constant 0 : i32
      %dma_wait3A_90 = tpu.memref_slice %arg7[%dma_wait3A_86, %dma_wait3A_88, %dma_wait3A_89] : memref<2x128x128xf32, #tpu.memory_space<vmem>> -> memref<1x128x128xf32, #tpu.memory_space<vmem>>
      %dma_wait3A_91 = tpu.memref_squeeze %dma_wait3A_90 : memref<1x128x128xf32, #tpu.memory_space<vmem>> -> memref<128x128xf32, #tpu.memory_space<vmem>>
      %dma_wait3A_92 = arith.constant 0 : i32
      %dma_wait3A_93 = arith.constant 0 : i32
      %dma_wait3A_94 = tpu.memref_slice %arg6[%scan3A_1, %dma_wait3A_92, %dma_wait3A_93] : memref<2x16x128xi32, #tpu.memory_space<vmem>> -> memref<1x16x128xi32, #tpu.memory_space<vmem>>
      %dma_wait3A_95 = tpu.memref_squeeze %dma_wait3A_94 : memref<1x16x128xi32, #tpu.memory_space<vmem>> -> memref<16x128xi32, #tpu.memory_space<vmem>>
      %dma_wait3A_96 = arith.constant 0 : i32
      %dma_wait3A_97 = tpu.memref_slice %dma_wait3A_95[%dma_wait3A_87, %dma_wait3A_96] : memref<16x128xi32, #tpu.memory_space<vmem>> -> memref<1x128xi32, #tpu.memory_space<vmem>>
      %dma_wait3A_98 = tpu.memref_squeeze %dma_wait3A_97 : memref<1x128xi32, #tpu.memory_space<vmem>> -> memref<128xi32, #tpu.memory_space<vmem>>
      %dma_wait3A_99 = arith.constant 0 : i32
      %dma_wait3A_100 = arith.constant 0 : i32
      %dma_wait3A_101 = tpu.memref_slice %arg8[%dma_wait3A_99, %dma_wait3A_100] : memref<10112x128xf32, #tpu.memory_space<vmem_shared>> -> memref<10112x128xf32, #tpu.memory_space<vmem_shared>>
      tpu.wait_indirect_dma semaphore(%arg11 : memref<!tpu.dma_semaphore, #tpu.memory_space<semaphore_mem>>) src(%dma_wait3A_91 : memref<128x128xf32, #tpu.memory_space<vmem>>) dst(%dma_wait3A_101 : memref<10112x128xf32, #tpu.memory_space<vmem_shared>>)
      %dma_start3A_102 = arith.constant 2 : i32
      %dma_start3A_103 = arith.constant 0 : i32
      %dma_start3A_104 = arith.constant 0 : i32
      %dma_start3A_105 = arith.constant 0 : i32
      %dma_start3A_106 = tpu.memref_slice %arg7[%dma_start3A_103, %dma_start3A_104, %dma_start3A_105] : memref<2x128x128xf32, #tpu.memory_space<vmem>> -> memref<1x128x128xf32, #tpu.memory_space<vmem>>
      %dma_start3A_107 = tpu.memref_squeeze %dma_start3A_106 : memref<1x128x128xf32, #tpu.memory_space<vmem>> -> memref<128x128xf32, #tpu.memory_space<vmem>>
      %dma_start3A_108 = arith.constant 0 : i32
      %dma_start3A_109 = arith.constant 0 : i32
      %dma_start3A_110 = tpu.memref_slice %arg6[%scan3A, %dma_start3A_108, %dma_start3A_109] : memref<2x16x128xi32, #tpu.memory_space<vmem>> -> memref<1x16x128xi32, #tpu.memory_space<vmem>>
      %dma_start3A_111 = tpu.memref_squeeze %dma_start3A_110 : memref<1x16x128xi32, #tpu.memory_space<vmem>> -> memref<16x128xi32, #tpu.memory_space<vmem>>
      %dma_start3A_112 = arith.constant 0 : i32
      %dma_start3A_113 = tpu.memref_slice %dma_start3A_111[%dma_start3A_102, %dma_start3A_112] : memref<16x128xi32, #tpu.memory_space<vmem>> -> memref<1x128xi32, #tpu.memory_space<vmem>>
      %dma_start3A_114 = tpu.memref_squeeze %dma_start3A_113 : memref<1x128xi32, #tpu.memory_space<vmem>> -> memref<128xi32, #tpu.memory_space<vmem>>
      %dma_start3A_115 = arith.constant 0 : i32
      %dma_start3A_116 = arith.constant 0 : i32
      %dma_start3A_117 = tpu.memref_slice %arg2[%arg0, %dma_start3A_115, %dma_start3A_116] : memref<2x10000x128xf32, #tpu.memory_space<hbm>> -> memref<1x10000x128xf32, #tpu.memory_space<hbm>>
      %dma_start3A_118 = tpu.memref_squeeze %dma_start3A_117 : memref<1x10000x128xf32, #tpu.memory_space<hbm>> -> memref<10000x128xf32, #tpu.memory_space<hbm>>
      %dma_start3A_119 = arith.constant 0 : i32
      %dma_start3A_120 = arith.constant 0 : i32
      %dma_start3A_121 = tpu.memref_slice %dma_start3A_118[%dma_start3A_119, %dma_start3A_120] : memref<10000x128xf32, #tpu.memory_space<hbm>> -> memref<10000x128xf32, #tpu.memory_space<hbm>>
      tpu.enqueue_indirect_dma source(%dma_start3A_121 : memref<10000x128xf32, #tpu.memory_space<hbm>>) target(%dma_start3A_107 : memref<128x128xf32, #tpu.memory_space<vmem>>) offsets(%dma_start3A_114 : memref<128xi32, #tpu.memory_space<vmem>>) semaphore(%arg9 : memref<!tpu.dma_semaphore, #tpu.memory_space<semaphore_mem>>)
      %dma_wait3A_122 = arith.constant 1 : i32
      %dma_wait3A_123 = arith.constant 1 : i32
      %dma_wait3A_124 = arith.constant 0 : i32
      %dma_wait3A_125 = arith.constant 0 : i32
      %dma_wait3A_126 = tpu.memref_slice %arg7[%dma_wait3A_123, %dma_wait3A_124, %dma_wait3A_125] : memref<2x128x128xf32, #tpu.memory_space<vmem>> -> memref<1x128x128xf32, #tpu.memory_space<vmem>>
      %dma_wait3A_127 = tpu.memref_squeeze %dma_wait3A_126 : memref<1x128x128xf32, #tpu.memory_space<vmem>> -> memref<128x128xf32, #tpu.memory_space<vmem>>
      %dma_wait3A_128 = arith.constant 0 : i32
      %dma_wait3A_129 = arith.constant 0 : i32
      %dma_wait3A_130 = tpu.memref_slice %arg6[%scan3A, %dma_wait3A_128, %dma_wait3A_129] : memref<2x16x128xi32, #tpu.memory_space<vmem>> -> memref<1x16x128xi32, #tpu.memory_space<vmem>>
      %dma_wait3A_131 = tpu.memref_squeeze %dma_wait3A_130 : memref<1x16x128xi32, #tpu.memory_space<vmem>> -> memref<16x128xi32, #tpu.memory_space<vmem>>
      %dma_wait3A_132 = arith.constant 0 : i32
      %dma_wait3A_133 = tpu.memref_slice %dma_wait3A_131[%dma_wait3A_122, %dma_wait3A_132] : memref<16x128xi32, #tpu.memory_space<vmem>> -> memref<1x128xi32, #tpu.memory_space<vmem>>
      %dma_wait3A_134 = tpu.memref_squeeze %dma_wait3A_133 : memref<1x128xi32, #tpu.memory_space<vmem>> -> memref<128xi32, #tpu.memory_space<vmem>>
      %dma_wait3A_135 = arith.constant 0 : i32
      %dma_wait3A_136 = arith.constant 0 : i32
      %dma_wait3A_137 = tpu.memref_slice %arg2[%arg0, %dma_wait3A_135, %dma_wait3A_136] : memref<2x10000x128xf32, #tpu.memory_space<hbm>> -> memref<1x10000x128xf32, #tpu.memory_space<hbm>>
      %dma_wait3A_138 = tpu.memref_squeeze %dma_wait3A_137 : memref<1x10000x128xf32, #tpu.memory_space<hbm>> -> memref<10000x128xf32, #tpu.memory_space<hbm>>
      %dma_wait3A_139 = arith.constant 0 : i32
      %dma_wait3A_140 = arith.constant 0 : i32
      %dma_wait3A_141 = tpu.memref_slice %dma_wait3A_138[%dma_wait3A_139, %dma_wait3A_140] : memref<10000x128xf32, #tpu.memory_space<hbm>> -> memref<10000x128xf32, #tpu.memory_space<hbm>>
      tpu.wait_indirect_dma semaphore(%arg10 : memref<!tpu.dma_semaphore, #tpu.memory_space<semaphore_mem>>) src(%dma_wait3A_141 : memref<10000x128xf32, #tpu.memory_space<hbm>>) dst(%dma_wait3A_127 : memref<128x128xf32, #tpu.memory_space<vmem>>)
      %dma_start3A_142 = arith.constant 1 : i32
      %dma_start3A_143 = arith.constant 1 : i32
      %dma_start3A_144 = arith.constant 0 : i32
      %dma_start3A_145 = arith.constant 0 : i32
      %dma_start3A_146 = tpu.memref_slice %arg7[%dma_start3A_142, %dma_start3A_144, %dma_start3A_145] : memref<2x128x128xf32, #tpu.memory_space<vmem>> -> memref<1x128x128xf32, #tpu.memory_space<vmem>>
      %dma_start3A_147 = tpu.memref_squeeze %dma_start3A_146 : memref<1x128x128xf32, #tpu.memory_space<vmem>> -> memref<128x128xf32, #tpu.memory_space<vmem>>
      %dma_start3A_148 = arith.constant 0 : i32
      %dma_start3A_149 = arith.constant 0 : i32
      %dma_start3A_150 = tpu.memref_slice %arg6[%scan3A_1, %dma_start3A_148, %dma_start3A_149] : memref<2x16x128xi32, #tpu.memory_space<vmem>> -> memref<1x16x128xi32, #tpu.memory_space<vmem>>
      %dma_start3A_151 = tpu.memref_squeeze %dma_start3A_150 : memref<1x16x128xi32, #tpu.memory_space<vmem>> -> memref<16x128xi32, #tpu.memory_space<vmem>>
      %dma_start3A_152 = arith.constant 0 : i32
      %dma_start3A_153 = tpu.memref_slice %dma_start3A_151[%dma_start3A_143, %dma_start3A_152] : memref<16x128xi32, #tpu.memory_space<vmem>> -> memref<1x128xi32, #tpu.memory_space<vmem>>
      %dma_start3A_154 = tpu.memref_squeeze %dma_start3A_153 : memref<1x128xi32, #tpu.memory_space<vmem>> -> memref<128xi32, #tpu.memory_space<vmem>>
      %dma_start3A_155 = arith.constant 0 : i32
      %dma_start3A_156 = arith.constant 0 : i32
      %dma_start3A_157 = tpu.memref_slice %arg8[%dma_start3A_155, %dma_start3A_156] : memref<10112x128xf32, #tpu.memory_space<vmem_shared>> -> memref<10112x128xf32, #tpu.memory_space<vmem_shared>>
      tpu.enqueue_indirect_dma source(%dma_start3A_147 : memref<128x128xf32, #tpu.memory_space<vmem>>) target(%dma_start3A_157 : memref<10112x128xf32, #tpu.memory_space<vmem_shared>>) offsets(%dma_start3A_154 : memref<128xi32, #tpu.memory_space<vmem>>) semaphore(%arg12 : memref<!tpu.dma_semaphore, #tpu.memory_space<semaphore_mem>>) {add = true}
      %dma_wait3A_158 = arith.constant 1 : i32
      %dma_wait3A_159 = arith.constant 1 : i32
      %dma_wait3A_160 = arith.constant 0 : i32
      %dma_wait3A_161 = arith.constant 0 : i32
      %dma_wait3A_162 = tpu.memref_slice %arg7[%dma_wait3A_158, %dma_wait3A_160, %dma_wait3A_161] : memref<2x128x128xf32, #tpu.memory_space<vmem>> -> memref<1x128x128xf32, #tpu.memory_space<vmem>>
      %dma_wait3A_163 = tpu.memref_squeeze %dma_wait3A_162 : memref<1x128x128xf32, #tpu.memory_space<vmem>> -> memref<128x128xf32, #tpu.memory_space<vmem>>
      %dma_wait3A_164 = arith.constant 0 : i32
      %dma_wait3A_165 = arith.constant 0 : i32
      %dma_wait3A_166 = tpu.memref_slice %arg6[%scan3A_1, %dma_wait3A_164, %dma_wait3A_165] : memref<2x16x128xi32, #tpu.memory_space<vmem>> -> memref<1x16x128xi32, #tpu.memory_space<vmem>>
      %dma_wait3A_167 = tpu.memref_squeeze %dma_wait3A_166 : memref<1x16x128xi32, #tpu.memory_space<vmem>> -> memref<16x128xi32, #tpu.memory_space<vmem>>
      %dma_wait3A_168 = arith.constant 0 : i32
      %dma_wait3A_169 = tpu.memref_slice %dma_wait3A_167[%dma_wait3A_159, %dma_wait3A_168] : memref<16x128xi32, #tpu.memory_space<vmem>> -> memref<1x128xi32, #tpu.memory_space<vmem>>
      %dma_wait3A_170 = tpu.memref_squeeze %dma_wait3A_169 : memref<1x128xi32, #tpu.memory_space<vmem>> -> memref<128xi32, #tpu.memory_space<vmem>>
      %dma_wait3A_171 = arith.constant 0 : i32
      %dma_wait3A_172 = arith.constant 0 : i32
      %dma_wait3A_173 = tpu.memref_slice %arg8[%dma_wait3A_171, %dma_wait3A_172] : memref<10112x128xf32, #tpu.memory_space<vmem_shared>> -> memref<10112x128xf32, #tpu.memory_space<vmem_shared>>
      tpu.wait_indirect_dma semaphore(%arg12 : memref<!tpu.dma_semaphore, #tpu.memory_space<semaphore_mem>>) src(%dma_wait3A_163 : memref<128x128xf32, #tpu.memory_space<vmem>>) dst(%dma_wait3A_173 : memref<10112x128xf32, #tpu.memory_space<vmem_shared>>)
      %dma_start3A_174 = arith.constant 3 : i32
      %dma_start3A_175 = arith.constant 1 : i32
      %dma_start3A_176 = arith.constant 0 : i32
      %dma_start3A_177 = arith.constant 0 : i32
      %dma_start3A_178 = tpu.memref_slice %arg7[%dma_start3A_175, %dma_start3A_176, %dma_start3A_177] : memref<2x128x128xf32, #tpu.memory_space<vmem>> -> memref<1x128x128xf32, #tpu.memory_space<vmem>>
      %dma_start3A_179 = tpu.memref_squeeze %dma_start3A_178 : memref<1x128x128xf32, #tpu.memory_space<vmem>> -> memref<128x128xf32, #tpu.memory_space<vmem>>
      %dma_start3A_180 = arith.constant 0 : i32
      %dma_start3A_181 = arith.constant 0 : i32
      %dma_start3A_182 = tpu.memref_slice %arg6[%scan3A, %dma_start3A_180, %dma_start3A_181] : memref<2x16x128xi32, #tpu.memory_space<vmem>> -> memref<1x16x128xi32, #tpu.memory_space<vmem>>
      %dma_start3A_183 = tpu.memref_squeeze %dma_start3A_182 : memref<1x16x128xi32, #tpu.memory_space<vmem>> -> memref<16x128xi32, #tpu.memory_space<vmem>>
      %dma_start3A_184 = arith.constant 0 : i32
      %dma_start3A_185 = tpu.memref_slice %dma_start3A_183[%dma_start3A_174, %dma_start3A_184] : memref<16x128xi32, #tpu.memory_space<vmem>> -> memref<1x128xi32, #tpu.memory_space<vmem>>
      %dma_start3A_186 = tpu.memref_squeeze %dma_start3A_185 : memref<1x128xi32, #tpu.memory_space<vmem>> -> memref<128xi32, #tpu.memory_space<vmem>>
      %dma_start3A_187 = arith.constant 0 : i32
      %dma_start3A_188 = arith.constant 0 : i32
      %dma_start3A_189 = tpu.memref_slice %arg2[%arg0, %dma_start3A_187, %dma_start3A_188] : memref<2x10000x128xf32, #tpu.memory_space<hbm>> -> memref<1x10000x128xf32, #tpu.memory_space<hbm>>
      %dma_start3A_190 = tpu.memref_squeeze %dma_start3A_189 : memref<1x10000x128xf32, #tpu.memory_space<hbm>> -> memref<10000x128xf32, #tpu.memory_space<hbm>>
      %dma_start3A_191 = arith.constant 0 : i32
      %dma_start3A_192 = arith.constant 0 : i32
      %dma_start3A_193 = tpu.memref_slice %dma_start3A_190[%dma_start3A_191, %dma_start3A_192] : memref<10000x128xf32, #tpu.memory_space<hbm>> -> memref<10000x128xf32, #tpu.memory_space<hbm>>
      tpu.enqueue_indirect_dma source(%dma_start3A_193 : memref<10000x128xf32, #tpu.memory_space<hbm>>) target(%dma_start3A_179 : memref<128x128xf32, #tpu.memory_space<vmem>>) offsets(%dma_start3A_186 : memref<128xi32, #tpu.memory_space<vmem>>) semaphore(%arg10 : memref<!tpu.dma_semaphore, #tpu.memory_space<semaphore_mem>>)
      %dma_wait3A_194 = arith.constant 2 : i32
      %dma_wait3A_195 = arith.constant 0 : i32
      %dma_wait3A_196 = arith.constant 0 : i32
      %dma_wait3A_197 = arith.constant 0 : i32
      %dma_wait3A_198 = tpu.memref_slice %arg7[%dma_wait3A_195, %dma_wait3A_196, %dma_wait3A_197] : memref<2x128x128xf32, #tpu.memory_space<vmem>> -> memref<1x128x128xf32, #tpu.memory_space<vmem>>
      %dma_wait3A_199 = tpu.memref_squeeze %dma_wait3A_198 : memref<1x128x128xf32, #tpu.memory_space<vmem>> -> memref<128x128xf32, #tpu.memory_space<vmem>>
      %dma_wait3A_200 = arith.constant 0 : i32
      %dma_wait3A_201 = arith.constant 0 : i32
      %dma_wait3A_202 = tpu.memref_slice %arg6[%scan3A, %dma_wait3A_200, %dma_wait3A_201] : memref<2x16x128xi32, #tpu.memory_space<vmem>> -> memref<1x16x128xi32, #tpu.memory_space<vmem>>
      %dma_wait3A_203 = tpu.memref_squeeze %dma_wait3A_202 : memref<1x16x128xi32, #tpu.memory_space<vmem>> -> memref<16x128xi32, #tpu.memory_space<vmem>>
      %dma_wait3A_204 = arith.constant 0 : i32
      %dma_wait3A_205 = tpu.memref_slice %dma_wait3A_203[%dma_wait3A_194, %dma_wait3A_204] : memref<16x128xi32, #tpu.memory_space<vmem>> -> memref<1x128xi32, #tpu.memory_space<vmem>>
      %dma_wait3A_206 = tpu.memref_squeeze %dma_wait3A_205 : memref<1x128xi32, #tpu.memory_space<vmem>> -> memref<128xi32, #tpu.memory_space<vmem>>
      %dma_wait3A_207 = arith.constant 0 : i32
      %dma_wait3A_208 = arith.constant 0 : i32
      %dma_wait3A_209 = tpu.memref_slice %arg2[%arg0, %dma_wait3A_207, %dma_wait3A_208] : memref<2x10000x128xf32, #tpu.memory_space<hbm>> -> memref<1x10000x128xf32, #tpu.memory_space<hbm>>
      %dma_wait3A_210 = tpu.memref_squeeze %dma_wait3A_209 : memref<1x10000x128xf32, #tpu.memory_space<hbm>> -> memref<10000x128xf32, #tpu.memory_space<hbm>>
      %dma_wait3A_211 = arith.constant 0 : i32
      %dma_wait3A_212 = arith.constant 0 : i32
      %dma_wait3A_213 = tpu.memref_slice %dma_wait3A_210[%dma_wait3A_211, %dma_wait3A_212] : memref<10000x128xf32, #tpu.memory_space<hbm>> -> memref<10000x128xf32, #tpu.memory_space<hbm>>
      tpu.wait_indirect_dma semaphore(%arg9 : memref<!tpu.dma_semaphore, #tpu.memory_space<semaphore_mem>>) src(%dma_wait3A_213 : memref<10000x128xf32, #tpu.memory_space<hbm>>) dst(%dma_wait3A_199 : memref<128x128xf32, #tpu.memory_space<vmem>>)
      %dma_start3A_214 = arith.constant 0 : i32
      %dma_start3A_215 = arith.constant 2 : i32
      %dma_start3A_216 = arith.constant 0 : i32
      %dma_start3A_217 = arith.constant 0 : i32
      %dma_start3A_218 = tpu.memref_slice %arg7[%dma_start3A_214, %dma_start3A_216, %dma_start3A_217] : memref<2x128x128xf32, #tpu.memory_space<vmem>> -> memref<1x128x128xf32, #tpu.memory_space<vmem>>
      %dma_start3A_219 = tpu.memref_squeeze %dma_start3A_218 : memref<1x128x128xf32, #tpu.memory_space<vmem>> -> memref<128x128xf32, #tpu.memory_space<vmem>>
      %dma_start3A_220 = arith.constant 0 : i32
      %dma_start3A_221 = arith.constant 0 : i32
      %dma_start3A_222 = tpu.memref_slice %arg6[%scan3A_1, %dma_start3A_220, %dma_start3A_221] : memref<2x16x128xi32, #tpu.memory_space<vmem>> -> memref<1x16x128xi32, #tpu.memory_space<vmem>>
      %dma_start3A_223 = tpu.memref_squeeze %dma_start3A_222 : memref<1x16x128xi32, #tpu.memory_space<vmem>> -> memref<16x128xi32, #tpu.memory_space<vmem>>
      %dma_start3A_224 = arith.constant 0 : i32
      %dma_start3A_225 = tpu.memref_slice %dma_start3A_223[%dma_start3A_215, %dma_start3A_224] : memref<16x128xi32, #tpu.memory_space<vmem>> -> memref<1x128xi32, #tpu.memory_space<vmem>>
      %dma_start3A_226 = tpu.memref_squeeze %dma_start3A_225 : memref<1x128xi32, #tpu.memory_space<vmem>> -> memref<128xi32, #tpu.memory_space<vmem>>
      %dma_start3A_227 = arith.constant 0 : i32
      %dma_start3A_228 = arith.constant 0 : i32
      %dma_start3A_229 = tpu.memref_slice %arg8[%dma_start3A_227, %dma_start3A_228] : memref<10112x128xf32, #tpu.memory_space<vmem_shared>> -> memref<10112x128xf32, #tpu.memory_space<vmem_shared>>
      tpu.enqueue_indirect_dma source(%dma_start3A_219 : memref<128x128xf32, #tpu.memory_space<vmem>>) target(%dma_start3A_229 : memref<10112x128xf32, #tpu.memory_space<vmem_shared>>) offsets(%dma_start3A_226 : memref<128xi32, #tpu.memory_space<vmem>>) semaphore(%arg11 : memref<!tpu.dma_semaphore, #tpu.memory_space<semaphore_mem>>) {add = true}
      %dma_wait3A_230 = arith.constant 0 : i32
      %dma_wait3A_231 = arith.constant 2 : i32
      %dma_wait3A_232 = arith.constant 0 : i32
      %dma_wait3A_233 = arith.constant 0 : i32
      %dma_wait3A_234 = tpu.memref_slice %arg7[%dma_wait3A_230, %dma_wait3A_232, %dma_wait3A_233] : memref<2x128x128xf32, #tpu.memory_space<vmem>> -> memref<1x128x128xf32, #tpu.memory_space<vmem>>
      %dma_wait3A_235 = tpu.memref_squeeze %dma_wait3A_234 : memref<1x128x128xf32, #tpu.memory_space<vmem>> -> memref<128x128xf32, #tpu.memory_space<vmem>>
      %dma_wait3A_236 = arith.constant 0 : i32
      %dma_wait3A_237 = arith.constant 0 : i32
      %dma_wait3A_238 = tpu.memref_slice %arg6[%scan3A_1, %dma_wait3A_236, %dma_wait3A_237] : memref<2x16x128xi32, #tpu.memory_space<vmem>> -> memref<1x16x128xi32, #tpu.memory_space<vmem>>
      %dma_wait3A_239 = tpu.memref_squeeze %dma_wait3A_238 : memref<1x16x128xi32, #tpu.memory_space<vmem>> -> memref<16x128xi32, #tpu.memory_space<vmem>>
      %dma_wait3A_240 = arith.constant 0 : i32
      %dma_wait3A_241 = tpu.memref_slice %dma_wait3A_239[%dma_wait3A_231, %dma_wait3A_240] : memref<16x128xi32, #tpu.memory_space<vmem>> -> memref<1x128xi32, #tpu.memory_space<vmem>>
      %dma_wait3A_242 = tpu.memref_squeeze %dma_wait3A_241 : memref<1x128xi32, #tpu.memory_space<vmem>> -> memref<128xi32, #tpu.memory_space<vmem>>
      %dma_wait3A_243 = arith.constant 0 : i32
      %dma_wait3A_244 = arith.constant 0 : i32
      %dma_wait3A_245 = tpu.memref_slice %arg8[%dma_wait3A_243, %dma_wait3A_244] : memref<10112x128xf32, #tpu.memory_space<vmem_shared>> -> memref<10112x128xf32, #tpu.memory_space<vmem_shared>>
      tpu.wait_indirect_dma semaphore(%arg11 : memref<!tpu.dma_semaphore, #tpu.memory_space<semaphore_mem>>) src(%dma_wait3A_235 : memref<128x128xf32, #tpu.memory_space<vmem>>) dst(%dma_wait3A_245 : memref<10112x128xf32, #tpu.memory_space<vmem_shared>>)
      %dma_start3A_246 = arith.constant 4 : i32
      %dma_start3A_247 = arith.constant 0 : i32
      %dma_start3A_248 = arith.constant 0 : i32
      %dma_start3A_249 = arith.constant 0 : i32
      %dma_start3A_250 = tpu.memref_slice %arg7[%dma_start3A_247, %dma_start3A_248, %dma_start3A_249] : memref<2x128x128xf32, #tpu.memory_space<vmem>> -> memref<1x128x128xf32, #tpu.memory_space<vmem>>
      %dma_start3A_251 = tpu.memref_squeeze %dma_start3A_250 : memref<1x128x128xf32, #tpu.memory_space<vmem>> -> memref<128x128xf32, #tpu.memory_space<vmem>>
      %dma_start3A_252 = arith.constant 0 : i32
      %dma_start3A_253 = arith.constant 0 : i32
      %dma_start3A_254 = tpu.memref_slice %arg6[%scan3A, %dma_start3A_252, %dma_start3A_253] : memref<2x16x128xi32, #tpu.memory_space<vmem>> -> memref<1x16x128xi32, #tpu.memory_space<vmem>>
      %dma_start3A_255 = tpu.memref_squeeze %dma_start3A_254 : memref<1x16x128xi32, #tpu.memory_space<vmem>> -> memref<16x128xi32, #tpu.memory_space<vmem>>
      %dma_start3A_256 = arith.constant 0 : i32
      %dma_start3A_257 = tpu.memref_slice %dma_start3A_255[%dma_start3A_246, %dma_start3A_256] : memref<16x128xi32, #tpu.memory_space<vmem>> -> memref<1x128xi32, #tpu.memory_space<vmem>>
      %dma_start3A_258 = tpu.memref_squeeze %dma_start3A_257 : memref<1x128xi32, #tpu.memory_space<vmem>> -> memref<128xi32, #tpu.memory_space<vmem>>
      %dma_start3A_259 = arith.constant 0 : i32
      %dma_start3A_260 = arith.constant 0 : i32
      %dma_start3A_261 = tpu.memref_slice %arg2[%arg0, %dma_start3A_259, %dma_start3A_260] : memref<2x10000x128xf32, #tpu.memory_space<hbm>> -> memref<1x10000x128xf32, #tpu.memory_space<hbm>>
      %dma_start3A_262 = tpu.memref_squeeze %dma_start3A_261 : memref<1x10000x128xf32, #tpu.memory_space<hbm>> -> memref<10000x128xf32, #tpu.memory_space<hbm>>
      %dma_start3A_263 = arith.constant 0 : i32
      %dma_start3A_264 = arith.constant 0 : i32
      %dma_start3A_265 = tpu.memref_slice %dma_start3A_262[%dma_start3A_263, %dma_start3A_264] : memref<10000x128xf32, #tpu.memory_space<hbm>> -> memref<10000x128xf32, #tpu.memory_space<hbm>>
      tpu.enqueue_indirect_dma source(%dma_start3A_265 : memref<10000x128xf32, #tpu.memory_space<hbm>>) target(%dma_start3A_251 : memref<128x128xf32, #tpu.memory_space<vmem>>) offsets(%dma_start3A_258 : memref<128xi32, #tpu.memory_space<vmem>>) semaphore(%arg9 : memref<!tpu.dma_semaphore, #tpu.memory_space<semaphore_mem>>)
      %dma_wait3A_266 = arith.constant 3 : i32
      %dma_wait3A_267 = arith.constant 1 : i32
      %dma_wait3A_268 = arith.constant 0 : i32
      %dma_wait3A_269 = arith.constant 0 : i32
      %dma_wait3A_270 = tpu.memref_slice %arg7[%dma_wait3A_267, %dma_wait3A_268, %dma_wait3A_269] : memref<2x128x128xf32, #tpu.memory_space<vmem>> -> memref<1x128x128xf32, #tpu.memory_space<vmem>>
      %dma_wait3A_271 = tpu.memref_squeeze %dma_wait3A_270 : memref<1x128x128xf32, #tpu.memory_space<vmem>> -> memref<128x128xf32, #tpu.memory_space<vmem>>
      %dma_wait3A_272 = arith.constant 0 : i32
      %dma_wait3A_273 = arith.constant 0 : i32
      %dma_wait3A_274 = tpu.memref_slice %arg6[%scan3A, %dma_wait3A_272, %dma_wait3A_273] : memref<2x16x128xi32, #tpu.memory_space<vmem>> -> memref<1x16x128xi32, #tpu.memory_space<vmem>>
      %dma_wait3A_275 = tpu.memref_squeeze %dma_wait3A_274 : memref<1x16x128xi32, #tpu.memory_space<vmem>> -> memref<16x128xi32, #tpu.memory_space<vmem>>
      %dma_wait3A_276 = arith.constant 0 : i32
      %dma_wait3A_277 = tpu.memref_slice %dma_wait3A_275[%dma_wait3A_266, %dma_wait3A_276] : memref<16x128xi32, #tpu.memory_space<vmem>> -> memref<1x128xi32, #tpu.memory_space<vmem>>
      %dma_wait3A_278 = tpu.memref_squeeze %dma_wait3A_277 : memref<1x128xi32, #tpu.memory_space<vmem>> -> memref<128xi32, #tpu.memory_space<vmem>>
      %dma_wait3A_279 = arith.constant 0 : i32
      %dma_wait3A_280 = arith.constant 0 : i32
      %dma_wait3A_281 = tpu.memref_slice %arg2[%arg0, %dma_wait3A_279, %dma_wait3A_280] : memref<2x10000x128xf32, #tpu.memory_space<hbm>> -> memref<1x10000x128xf32, #tpu.memory_space<hbm>>
      %dma_wait3A_282 = tpu.memref_squeeze %dma_wait3A_281 : memref<1x10000x128xf32, #tpu.memory_space<hbm>> -> memref<10000x128xf32, #tpu.memory_space<hbm>>
      %dma_wait3A_283 = arith.constant 0 : i32
      %dma_wait3A_284 = arith.constant 0 : i32
      %dma_wait3A_285 = tpu.memref_slice %dma_wait3A_282[%dma_wait3A_283, %dma_wait3A_284] : memref<10000x128xf32, #tpu.memory_space<hbm>> -> memref<10000x128xf32, #tpu.memory_space<hbm>>
      tpu.wait_indirect_dma semaphore(%arg10 : memref<!tpu.dma_semaphore, #tpu.memory_space<semaphore_mem>>) src(%dma_wait3A_285 : memref<10000x128xf32, #tpu.memory_space<hbm>>) dst(%dma_wait3A_271 : memref<128x128xf32, #tpu.memory_space<vmem>>)
      %dma_start3A_286 = arith.constant 1 : i32
      %dma_start3A_287 = arith.constant 3 : i32
      %dma_start3A_288 = arith.constant 0 : i32
      %dma_start3A_289 = arith.constant 0 : i32
      %dma_start3A_290 = tpu.memref_slice %arg7[%dma_start3A_286, %dma_start3A_288, %dma_start3A_289] : memref<2x128x128xf32, #tpu.memory_space<vmem>> -> memref<1x128x128xf32, #tpu.memory_space<vmem>>
      %dma_start3A_291 = tpu.memref_squeeze %dma_start3A_290 : memref<1x128x128xf32, #tpu.memory_space<vmem>> -> memref<128x128xf32, #tpu.memory_space<vmem>>
      %dma_start3A_292 = arith.constant 0 : i32
      %dma_start3A_293 = arith.constant 0 : i32
      %dma_start3A_294 = tpu.memref_slice %arg6[%scan3A_1, %dma_start3A_292, %dma_start3A_293] : memref<2x16x128xi32, #tpu.memory_space<vmem>> -> memref<1x16x128xi32, #tpu.memory_space<vmem>>
      %dma_start3A_295 = tpu.memref_squeeze %dma_start3A_294 : memref<1x16x128xi32, #tpu.memory_space<vmem>> -> memref<16x128xi32, #tpu.memory_space<vmem>>
      %dma_start3A_296 = arith.constant 0 : i32
      %dma_start3A_297 = tpu.memref_slice %dma_start3A_295[%dma_start3A_287, %dma_start3A_296] : memref<16x128xi32, #tpu.memory_space<vmem>> -> memref<1x128xi32, #tpu.memory_space<vmem>>
      %dma_start3A_298 = tpu.memref_squeeze %dma_start3A_297 : memref<1x128xi32, #tpu.memory_space<vmem>> -> memref<128xi32, #tpu.memory_space<vmem>>
      %dma_start3A_299 = arith.constant 0 : i32
      %dma_start3A_300 = arith.constant 0 : i32
      %dma_start3A_301 = tpu.memref_slice %arg8[%dma_start3A_299, %dma_start3A_300] : memref<10112x128xf32, #tpu.memory_space<vmem_shared>> -> memref<10112x128xf32, #tpu.memory_space<vmem_shared>>
      tpu.enqueue_indirect_dma source(%dma_start3A_291 : memref<128x128xf32, #tpu.memory_space<vmem>>) target(%dma_start3A_301 : memref<10112x128xf32, #tpu.memory_space<vmem_shared>>) offsets(%dma_start3A_298 : memref<128xi32, #tpu.memory_space<vmem>>) semaphore(%arg12 : memref<!tpu.dma_semaphore, #tpu.memory_space<semaphore_mem>>) {add = true}
      %dma_wait3A_302 = arith.constant 1 : i32
      %dma_wait3A_303 = arith.constant 3 : i32
      %dma_wait3A_304 = arith.constant 0 : i32
      %dma_wait3A_305 = arith.constant 0 : i32
      %dma_wait3A_306 = tpu.memref_slice %arg7[%dma_wait3A_302, %dma_wait3A_304, %dma_wait3A_305] : memref<2x128x128xf32, #tpu.memory_space<vmem>> -> memref<1x128x128xf32, #tpu.memory_space<vmem>>
      %dma_wait3A_307 = tpu.memref_squeeze %dma_wait3A_306 : memref<1x128x128xf32, #tpu.memory_space<vmem>> -> memref<128x128xf32, #tpu.memory_space<vmem>>
      %dma_wait3A_308 = arith.constant 0 : i32
      %dma_wait3A_309 = arith.constant 0 : i32
      %dma_wait3A_310 = tpu.memref_slice %arg6[%scan3A_1, %dma_wait3A_308, %dma_wait3A_309] : memref<2x16x128xi32, #tpu.memory_space<vmem>> -> memref<1x16x128xi32, #tpu.memory_space<vmem>>
      %dma_wait3A_311 = tpu.memref_squeeze %dma_wait3A_310 : memref<1x16x128xi32, #tpu.memory_space<vmem>> -> memref<16x128xi32, #tpu.memory_space<vmem>>
      %dma_wait3A_312 = arith.constant 0 : i32
      %dma_wait3A_313 = tpu.memref_slice %dma_wait3A_311[%dma_wait3A_303, %dma_wait3A_312] : memref<16x128xi32, #tpu.memory_space<vmem>> -> memref<1x128xi32, #tpu.memory_space<vmem>>
      %dma_wait3A_314 = tpu.memref_squeeze %dma_wait3A_313 : memref<1x128xi32, #tpu.memory_space<vmem>> -> memref<128xi32, #tpu.memory_space<vmem>>
      %dma_wait3A_315 = arith.constant 0 : i32
      %dma_wait3A_316 = arith.constant 0 : i32
      %dma_wait3A_317 = tpu.memref_slice %arg8[%dma_wait3A_315, %dma_wait3A_316] : memref<10112x128xf32, #tpu.memory_space<vmem_shared>> -> memref<10112x128xf32, #tpu.memory_space<vmem_shared>>
      tpu.wait_indirect_dma semaphore(%arg12 : memref<!tpu.dma_semaphore, #tpu.memory_space<semaphore_mem>>) src(%dma_wait3A_307 : memref<128x128xf32, #tpu.memory_space<vmem>>) dst(%dma_wait3A_317 : memref<10112x128xf32, #tpu.memory_space<vmem_shared>>)
      %dma_start3A_318 = arith.constant 5 : i32
      %dma_start3A_319 = arith.constant 1 : i32
      %dma_start3A_320 = arith.constant 0 : i32
      %dma_start3A_321 = arith.constant 0 : i32
      %dma_start3A_322 = tpu.memref_slice %arg7[%dma_start3A_319, %dma_start3A_320, %dma_start3A_321] : memref<2x128x128xf32, #tpu.memory_space<vmem>> -> memref<1x128x128xf32, #tpu.memory_space<vmem>>
      %dma_start3A_323 = tpu.memref_squeeze %dma_start3A_322 : memref<1x128x128xf32, #tpu.memory_space<vmem>> -> memref<128x128xf32, #tpu.memory_space<vmem>>
      %dma_start3A_324 = arith.constant 0 : i32
      %dma_start3A_325 = arith.constant 0 : i32
      %dma_start3A_326 = tpu.memref_slice %arg6[%scan3A, %dma_start3A_324, %dma_start3A_325] : memref<2x16x128xi32, #tpu.memory_space<vmem>> -> memref<1x16x128xi32, #tpu.memory_space<vmem>>
      %dma_start3A_327 = tpu.memref_squeeze %dma_start3A_326 : memref<1x16x128xi32, #tpu.memory_space<vmem>> -> memref<16x128xi32, #tpu.memory_space<vmem>>
      %dma_start3A_328 = arith.constant 0 : i32
      %dma_start3A_329 = tpu.memref_slice %dma_start3A_327[%dma_start3A_318, %dma_start3A_328] : memref<16x128xi32, #tpu.memory_space<vmem>> -> memref<1x128xi32, #tpu.memory_space<vmem>>
      %dma_start3A_330 = tpu.memref_squeeze %dma_start3A_329 : memref<1x128xi32, #tpu.memory_space<vmem>> -> memref<128xi32, #tpu.memory_space<vmem>>
      %dma_start3A_331 = arith.constant 0 : i32
      %dma_start3A_332 = arith.constant 0 : i32
      %dma_start3A_333 = tpu.memref_slice %arg2[%arg0, %dma_start3A_331, %dma_start3A_332] : memref<2x10000x128xf32, #tpu.memory_space<hbm>> -> memref<1x10000x128xf32, #tpu.memory_space<hbm>>
      %dma_start3A_334 = tpu.memref_squeeze %dma_start3A_333 : memref<1x10000x128xf32, #tpu.memory_space<hbm>> -> memref<10000x128xf32, #tpu.memory_space<hbm>>
      %dma_start3A_335 = arith.constant 0 : i32
      %dma_start3A_336 = arith.constant 0 : i32
      %dma_start3A_337 = tpu.memref_slice %dma_start3A_334[%dma_start3A_335, %dma_start3A_336] : memref<10000x128xf32, #tpu.memory_space<hbm>> -> memref<10000x128xf32, #tpu.memory_space<hbm>>
      tpu.enqueue_indirect_dma source(%dma_start3A_337 : memref<10000x128xf32, #tpu.memory_space<hbm>>) target(%dma_start3A_323 : memref<128x128xf32, #tpu.memory_space<vmem>>) offsets(%dma_start3A_330 : memref<128xi32, #tpu.memory_space<vmem>>) semaphore(%arg10 : memref<!tpu.dma_semaphore, #tpu.memory_space<semaphore_mem>>)
      %dma_wait3A_338 = arith.constant 4 : i32
      %dma_wait3A_339 = arith.constant 0 : i32
      %dma_wait3A_340 = arith.constant 0 : i32
      %dma_wait3A_341 = arith.constant 0 : i32
      %dma_wait3A_342 = tpu.memref_slice %arg7[%dma_wait3A_339, %dma_wait3A_340, %dma_wait3A_341] : memref<2x128x128xf32, #tpu.memory_space<vmem>> -> memref<1x128x128xf32, #tpu.memory_space<vmem>>
      %dma_wait3A_343 = tpu.memref_squeeze %dma_wait3A_342 : memref<1x128x128xf32, #tpu.memory_space<vmem>> -> memref<128x128xf32, #tpu.memory_space<vmem>>
      %dma_wait3A_344 = arith.constant 0 : i32
      %dma_wait3A_345 = arith.constant 0 : i32
      %dma_wait3A_346 = tpu.memref_slice %arg6[%scan3A, %dma_wait3A_344, %dma_wait3A_345] : memref<2x16x128xi32, #tpu.memory_space<vmem>> -> memref<1x16x128xi32, #tpu.memory_space<vmem>>
      %dma_wait3A_347 = tpu.memref_squeeze %dma_wait3A_346 : memref<1x16x128xi32, #tpu.memory_space<vmem>> -> memref<16x128xi32, #tpu.memory_space<vmem>>
      %dma_wait3A_348 = arith.constant 0 : i32
      %dma_wait3A_349 = tpu.memref_slice %dma_wait3A_347[%dma_wait3A_338, %dma_wait3A_348] : memref<16x128xi32, #tpu.memory_space<vmem>> -> memref<1x128xi32, #tpu.memory_space<vmem>>
      %dma_wait3A_350 = tpu.memref_squeeze %dma_wait3A_349 : memref<1x128xi32, #tpu.memory_space<vmem>> -> memref<128xi32, #tpu.memory_space<vmem>>
      %dma_wait3A_351 = arith.constant 0 : i32
      %dma_wait3A_352 = arith.constant 0 : i32
      %dma_wait3A_353 = tpu.memref_slice %arg2[%arg0, %dma_wait3A_351, %dma_wait3A_352] : memref<2x10000x128xf32, #tpu.memory_space<hbm>> -> memref<1x10000x128xf32, #tpu.memory_space<hbm>>
      %dma_wait3A_354 = tpu.memref_squeeze %dma_wait3A_353 : memref<1x10000x128xf32, #tpu.memory_space<hbm>> -> memref<10000x128xf32, #tpu.memory_space<hbm>>
      %dma_wait3A_355 = arith.constant 0 : i32
      %dma_wait3A_356 = arith.constant 0 : i32
      %dma_wait3A_357 = tpu.memref_slice %dma_wait3A_354[%dma_wait3A_355, %dma_wait3A_356] : memref<10000x128xf32, #tpu.memory_space<hbm>> -> memref<10000x128xf32, #tpu.memory_space<hbm>>
      tpu.wait_indirect_dma semaphore(%arg9 : memref<!tpu.dma_semaphore, #tpu.memory_space<semaphore_mem>>) src(%dma_wait3A_357 : memref<10000x128xf32, #tpu.memory_space<hbm>>) dst(%dma_wait3A_343 : memref<128x128xf32, #tpu.memory_space<vmem>>)
      %dma_start3A_358 = arith.constant 0 : i32
      %dma_start3A_359 = arith.constant 4 : i32
      %dma_start3A_360 = arith.constant 0 : i32
      %dma_start3A_361 = arith.constant 0 : i32
      %dma_start3A_362 = tpu.memref_slice %arg7[%dma_start3A_358, %dma_start3A_360, %dma_start3A_361] : memref<2x128x128xf32, #tpu.memory_space<vmem>> -> memref<1x128x128xf32, #tpu.memory_space<vmem>>
      %dma_start3A_363 = tpu.memref_squeeze %dma_start3A_362 : memref<1x128x128xf32, #tpu.memory_space<vmem>> -> memref<128x128xf32, #tpu.memory_space<vmem>>
      %dma_start3A_364 = arith.constant 0 : i32
      %dma_start3A_365 = arith.constant 0 : i32
      %dma_start3A_366 = tpu.memref_slice %arg6[%scan3A_1, %dma_start3A_364, %dma_start3A_365] : memref<2x16x128xi32, #tpu.memory_space<vmem>> -> memref<1x16x128xi32, #tpu.memory_space<vmem>>
      %dma_start3A_367 = tpu.memref_squeeze %dma_start3A_366 : memref<1x16x128xi32, #tpu.memory_space<vmem>> -> memref<16x128xi32, #tpu.memory_space<vmem>>
      %dma_start3A_368 = arith.constant 0 : i32
      %dma_start3A_369 = tpu.memref_slice %dma_start3A_367[%dma_start3A_359, %dma_start3A_368] : memref<16x128xi32, #tpu.memory_space<vmem>> -> memref<1x128xi32, #tpu.memory_space<vmem>>
      %dma_start3A_370 = tpu.memref_squeeze %dma_start3A_369 : memref<1x128xi32, #tpu.memory_space<vmem>> -> memref<128xi32, #tpu.memory_space<vmem>>
      %dma_start3A_371 = arith.constant 0 : i32
      %dma_start3A_372 = arith.constant 0 : i32
      %dma_start3A_373 = tpu.memref_slice %arg8[%dma_start3A_371, %dma_start3A_372] : memref<10112x128xf32, #tpu.memory_space<vmem_shared>> -> memref<10112x128xf32, #tpu.memory_space<vmem_shared>>
      tpu.enqueue_indirect_dma source(%dma_start3A_363 : memref<128x128xf32, #tpu.memory_space<vmem>>) target(%dma_start3A_373 : memref<10112x128xf32, #tpu.memory_space<vmem_shared>>) offsets(%dma_start3A_370 : memref<128xi32, #tpu.memory_space<vmem>>) semaphore(%arg11 : memref<!tpu.dma_semaphore, #tpu.memory_space<semaphore_mem>>) {add = true}
      %dma_wait3A_374 = arith.constant 0 : i32
      %dma_wait3A_375 = arith.constant 4 : i32
      %dma_wait3A_376 = arith.constant 0 : i32
      %dma_wait3A_377 = arith.constant 0 : i32
      %dma_wait3A_378 = tpu.memref_slice %arg7[%dma_wait3A_374, %dma_wait3A_376, %dma_wait3A_377] : memref<2x128x128xf32, #tpu.memory_space<vmem>> -> memref<1x128x128xf32, #tpu.memory_space<vmem>>
      %dma_wait3A_379 = tpu.memref_squeeze %dma_wait3A_378 : memref<1x128x128xf32, #tpu.memory_space<vmem>> -> memref<128x128xf32, #tpu.memory_space<vmem>>
      %dma_wait3A_380 = arith.constant 0 : i32
      %dma_wait3A_381 = arith.constant 0 : i32
      %dma_wait3A_382 = tpu.memref_slice %arg6[%scan3A_1, %dma_wait3A_380, %dma_wait3A_381] : memref<2x16x128xi32, #tpu.memory_space<vmem>> -> memref<1x16x128xi32, #tpu.memory_space<vmem>>
      %dma_wait3A_383 = tpu.memref_squeeze %dma_wait3A_382 : memref<1x16x128xi32, #tpu.memory_space<vmem>> -> memref<16x128xi32, #tpu.memory_space<vmem>>
      %dma_wait3A_384 = arith.constant 0 : i32
      %dma_wait3A_385 = tpu.memref_slice %dma_wait3A_383[%dma_wait3A_375, %dma_wait3A_384] : memref<16x128xi32, #tpu.memory_space<vmem>> -> memref<1x128xi32, #tpu.memory_space<vmem>>
      %dma_wait3A_386 = tpu.memref_squeeze %dma_wait3A_385 : memref<1x128xi32, #tpu.memory_space<vmem>> -> memref<128xi32, #tpu.memory_space<vmem>>
      %dma_wait3A_387 = arith.constant 0 : i32
      %dma_wait3A_388 = arith.constant 0 : i32
      %dma_wait3A_389 = tpu.memref_slice %arg8[%dma_wait3A_387, %dma_wait3A_388] : memref<10112x128xf32, #tpu.memory_space<vmem_shared>> -> memref<10112x128xf32, #tpu.memory_space<vmem_shared>>
      tpu.wait_indirect_dma semaphore(%arg11 : memref<!tpu.dma_semaphore, #tpu.memory_space<semaphore_mem>>) src(%dma_wait3A_379 : memref<128x128xf32, #tpu.memory_space<vmem>>) dst(%dma_wait3A_389 : memref<10112x128xf32, #tpu.memory_space<vmem_shared>>)
      %dma_start3A_390 = arith.constant 6 : i32
      %dma_start3A_391 = arith.constant 0 : i32
      %dma_start3A_392 = arith.constant 0 : i32
      %dma_start3A_393 = arith.constant 0 : i32
      %dma_start3A_394 = tpu.memref_slice %arg7[%dma_start3A_391, %dma_start3A_392, %dma_start3A_393] : memref<2x128x128xf32, #tpu.memory_space<vmem>> -> memref<1x128x128xf32, #tpu.memory_space<vmem>>
      %dma_start3A_395 = tpu.memref_squeeze %dma_start3A_394 : memref<1x128x128xf32, #tpu.memory_space<vmem>> -> memref<128x128xf32, #tpu.memory_space<vmem>>
      %dma_start3A_396 = arith.constant 0 : i32
      %dma_start3A_397 = arith.constant 0 : i32
      %dma_start3A_398 = tpu.memref_slice %arg6[%scan3A, %dma_start3A_396, %dma_start3A_397] : memref<2x16x128xi32, #tpu.memory_space<vmem>> -> memref<1x16x128xi32, #tpu.memory_space<vmem>>
      %dma_start3A_399 = tpu.memref_squeeze %dma_start3A_398 : memref<1x16x128xi32, #tpu.memory_space<vmem>> -> memref<16x128xi32, #tpu.memory_space<vmem>>
      %dma_start3A_400 = arith.constant 0 : i32
      %dma_start3A_401 = tpu.memref_slice %dma_start3A_399[%dma_start3A_390, %dma_start3A_400] : memref<16x128xi32, #tpu.memory_space<vmem>> -> memref<1x128xi32, #tpu.memory_space<vmem>>
      %dma_start3A_402 = tpu.memref_squeeze %dma_start3A_401 : memref<1x128xi32, #tpu.memory_space<vmem>> -> memref<128xi32, #tpu.memory_space<vmem>>
      %dma_start3A_403 = arith.constant 0 : i32
      %dma_start3A_404 = arith.constant 0 : i32
      %dma_start3A_405 = tpu.memref_slice %arg2[%arg0, %dma_start3A_403, %dma_start3A_404] : memref<2x10000x128xf32, #tpu.memory_space<hbm>> -> memref<1x10000x128xf32, #tpu.memory_space<hbm>>
      %dma_start3A_406 = tpu.memref_squeeze %dma_start3A_405 : memref<1x10000x128xf32, #tpu.memory_space<hbm>> -> memref<10000x128xf32, #tpu.memory_space<hbm>>
      %dma_start3A_407 = arith.constant 0 : i32
      %dma_start3A_408 = arith.constant 0 : i32
      %dma_start3A_409 = tpu.memref_slice %dma_start3A_406[%dma_start3A_407, %dma_start3A_408] : memref<10000x128xf32, #tpu.memory_space<hbm>> -> memref<10000x128xf32, #tpu.memory_space<hbm>>
      tpu.enqueue_indirect_dma source(%dma_start3A_409 : memref<10000x128xf32, #tpu.memory_space<hbm>>) target(%dma_start3A_395 : memref<128x128xf32, #tpu.memory_space<vmem>>) offsets(%dma_start3A_402 : memref<128xi32, #tpu.memory_space<vmem>>) semaphore(%arg9 : memref<!tpu.dma_semaphore, #tpu.memory_space<semaphore_mem>>)
      %dma_wait3A_410 = arith.constant 5 : i32
      %dma_wait3A_411 = arith.constant 1 : i32
      %dma_wait3A_412 = arith.constant 0 : i32
      %dma_wait3A_413 = arith.constant 0 : i32
      %dma_wait3A_414 = tpu.memref_slice %arg7[%dma_wait3A_411, %dma_wait3A_412, %dma_wait3A_413] : memref<2x128x128xf32, #tpu.memory_space<vmem>> -> memref<1x128x128xf32, #tpu.memory_space<vmem>>
      %dma_wait3A_415 = tpu.memref_squeeze %dma_wait3A_414 : memref<1x128x128xf32, #tpu.memory_space<vmem>> -> memref<128x128xf32, #tpu.memory_space<vmem>>
      %dma_wait3A_416 = arith.constant 0 : i32
      %dma_wait3A_417 = arith.constant 0 : i32
      %dma_wait3A_418 = tpu.memref_slice %arg6[%scan3A, %dma_wait3A_416, %dma_wait3A_417] : memref<2x16x128xi32, #tpu.memory_space<vmem>> -> memref<1x16x128xi32, #tpu.memory_space<vmem>>
      %dma_wait3A_419 = tpu.memref_squeeze %dma_wait3A_418 : memref<1x16x128xi32, #tpu.memory_space<vmem>> -> memref<16x128xi32, #tpu.memory_space<vmem>>
      %dma_wait3A_420 = arith.constant 0 : i32
      %dma_wait3A_421 = tpu.memref_slice %dma_wait3A_419[%dma_wait3A_410, %dma_wait3A_420] : memref<16x128xi32, #tpu.memory_space<vmem>> -> memref<1x128xi32, #tpu.memory_space<vmem>>
      %dma_wait3A_422 = tpu.memref_squeeze %dma_wait3A_421 : memref<1x128xi32, #tpu.memory_space<vmem>> -> memref<128xi32, #tpu.memory_space<vmem>>
      %dma_wait3A_423 = arith.constant 0 : i32
      %dma_wait3A_424 = arith.constant 0 : i32
      %dma_wait3A_425 = tpu.memref_slice %arg2[%arg0, %dma_wait3A_423, %dma_wait3A_424] : memref<2x10000x128xf32, #tpu.memory_space<hbm>> -> memref<1x10000x128xf32, #tpu.memory_space<hbm>>
      %dma_wait3A_426 = tpu.memref_squeeze %dma_wait3A_425 : memref<1x10000x128xf32, #tpu.memory_space<hbm>> -> memref<10000x128xf32, #tpu.memory_space<hbm>>
      %dma_wait3A_427 = arith.constant 0 : i32
      %dma_wait3A_428 = arith.constant 0 : i32
      %dma_wait3A_429 = tpu.memref_slice %dma_wait3A_426[%dma_wait3A_427, %dma_wait3A_428] : memref<10000x128xf32, #tpu.memory_space<hbm>> -> memref<10000x128xf32, #tpu.memory_space<hbm>>
      tpu.wait_indirect_dma semaphore(%arg10 : memref<!tpu.dma_semaphore, #tpu.memory_space<semaphore_mem>>) src(%dma_wait3A_429 : memref<10000x128xf32, #tpu.memory_space<hbm>>) dst(%dma_wait3A_415 : memref<128x128xf32, #tpu.memory_space<vmem>>)
      %dma_start3A_430 = arith.constant 1 : i32
      %dma_start3A_431 = arith.constant 5 : i32
      %dma_start3A_432 = arith.constant 0 : i32
      %dma_start3A_433 = arith.constant 0 : i32
      %dma_start3A_434 = tpu.memref_slice %arg7[%dma_start3A_430, %dma_start3A_432, %dma_start3A_433] : memref<2x128x128xf32, #tpu.memory_space<vmem>> -> memref<1x128x128xf32, #tpu.memory_space<vmem>>
      %dma_start3A_435 = tpu.memref_squeeze %dma_start3A_434 : memref<1x128x128xf32, #tpu.memory_space<vmem>> -> memref<128x128xf32, #tpu.memory_space<vmem>>
      %dma_start3A_436 = arith.constant 0 : i32
      %dma_start3A_437 = arith.constant 0 : i32
      %dma_start3A_438 = tpu.memref_slice %arg6[%scan3A_1, %dma_start3A_436, %dma_start3A_437] : memref<2x16x128xi32, #tpu.memory_space<vmem>> -> memref<1x16x128xi32, #tpu.memory_space<vmem>>
      %dma_start3A_439 = tpu.memref_squeeze %dma_start3A_438 : memref<1x16x128xi32, #tpu.memory_space<vmem>> -> memref<16x128xi32, #tpu.memory_space<vmem>>
      %dma_start3A_440 = arith.constant 0 : i32
      %dma_start3A_441 = tpu.memref_slice %dma_start3A_439[%dma_start3A_431, %dma_start3A_440] : memref<16x128xi32, #tpu.memory_space<vmem>> -> memref<1x128xi32, #tpu.memory_space<vmem>>
      %dma_start3A_442 = tpu.memref_squeeze %dma_start3A_441 : memref<1x128xi32, #tpu.memory_space<vmem>> -> memref<128xi32, #tpu.memory_space<vmem>>
      %dma_start3A_443 = arith.constant 0 : i32
      %dma_start3A_444 = arith.constant 0 : i32
      %dma_start3A_445 = tpu.memref_slice %arg8[%dma_start3A_443, %dma_start3A_444] : memref<10112x128xf32, #tpu.memory_space<vmem_shared>> -> memref<10112x128xf32, #tpu.memory_space<vmem_shared>>
      tpu.enqueue_indirect_dma source(%dma_start3A_435 : memref<128x128xf32, #tpu.memory_space<vmem>>) target(%dma_start3A_445 : memref<10112x128xf32, #tpu.memory_space<vmem_shared>>) offsets(%dma_start3A_442 : memref<128xi32, #tpu.memory_space<vmem>>) semaphore(%arg12 : memref<!tpu.dma_semaphore, #tpu.memory_space<semaphore_mem>>) {add = true}
      %dma_wait3A_446 = arith.constant 1 : i32
      %dma_wait3A_447 = arith.constant 5 : i32
      %dma_wait3A_448 = arith.constant 0 : i32
      %dma_wait3A_449 = arith.constant 0 : i32
      %dma_wait3A_450 = tpu.memref_slice %arg7[%dma_wait3A_446, %dma_wait3A_448, %dma_wait3A_449] : memref<2x128x128xf32, #tpu.memory_space<vmem>> -> memref<1x128x128xf32, #tpu.memory_space<vmem>>
      %dma_wait3A_451 = tpu.memref_squeeze %dma_wait3A_450 : memref<1x128x128xf32, #tpu.memory_space<vmem>> -> memref<128x128xf32, #tpu.memory_space<vmem>>
      %dma_wait3A_452 = arith.constant 0 : i32
      %dma_wait3A_453 = arith.constant 0 : i32
      %dma_wait3A_454 = tpu.memref_slice %arg6[%scan3A_1, %dma_wait3A_452, %dma_wait3A_453] : memref<2x16x128xi32, #tpu.memory_space<vmem>> -> memref<1x16x128xi32, #tpu.memory_space<vmem>>
      %dma_wait3A_455 = tpu.memref_squeeze %dma_wait3A_454 : memref<1x16x128xi32, #tpu.memory_space<vmem>> -> memref<16x128xi32, #tpu.memory_space<vmem>>
      %dma_wait3A_456 = arith.constant 0 : i32
      %dma_wait3A_457 = tpu.memref_slice %dma_wait3A_455[%dma_wait3A_447, %dma_wait3A_456] : memref<16x128xi32, #tpu.memory_space<vmem>> -> memref<1x128xi32, #tpu.memory_space<vmem>>
      %dma_wait3A_458 = tpu.memref_squeeze %dma_wait3A_457 : memref<1x128xi32, #tpu.memory_space<vmem>> -> memref<128xi32, #tpu.memory_space<vmem>>
      %dma_wait3A_459 = arith.constant 0 : i32
      %dma_wait3A_460 = arith.constant 0 : i32
      %dma_wait3A_461 = tpu.memref_slice %arg8[%dma_wait3A_459, %dma_wait3A_460] : memref<10112x128xf32, #tpu.memory_space<vmem_shared>> -> memref<10112x128xf32, #tpu.memory_space<vmem_shared>>
      tpu.wait_indirect_dma semaphore(%arg12 : memref<!tpu.dma_semaphore, #tpu.memory_space<semaphore_mem>>) src(%dma_wait3A_451 : memref<128x128xf32, #tpu.memory_space<vmem>>) dst(%dma_wait3A_461 : memref<10112x128xf32, #tpu.memory_space<vmem_shared>>)
      %dma_start3A_462 = arith.constant 7 : i32
      %dma_start3A_463 = arith.constant 1 : i32
      %dma_start3A_464 = arith.constant 0 : i32
      %dma_start3A_465 = arith.constant 0 : i32
      %dma_start3A_466 = tpu.memref_slice %arg7[%dma_start3A_463, %dma_start3A_464, %dma_start3A_465] : memref<2x128x128xf32, #tpu.memory_space<vmem>> -> memref<1x128x128xf32, #tpu.memory_space<vmem>>
      %dma_start3A_467 = tpu.memref_squeeze %dma_start3A_466 : memref<1x128x128xf32, #tpu.memory_space<vmem>> -> memref<128x128xf32, #tpu.memory_space<vmem>>
      %dma_start3A_468 = arith.constant 0 : i32
      %dma_start3A_469 = arith.constant 0 : i32
      %dma_start3A_470 = tpu.memref_slice %arg6[%scan3A, %dma_start3A_468, %dma_start3A_469] : memref<2x16x128xi32, #tpu.memory_space<vmem>> -> memref<1x16x128xi32, #tpu.memory_space<vmem>>
      %dma_start3A_471 = tpu.memref_squeeze %dma_start3A_470 : memref<1x16x128xi32, #tpu.memory_space<vmem>> -> memref<16x128xi32, #tpu.memory_space<vmem>>
      %dma_start3A_472 = arith.constant 0 : i32
      %dma_start3A_473 = tpu.memref_slice %dma_start3A_471[%dma_start3A_462, %dma_start3A_472] : memref<16x128xi32, #tpu.memory_space<vmem>> -> memref<1x128xi32, #tpu.memory_space<vmem>>
      %dma_start3A_474 = tpu.memref_squeeze %dma_start3A_473 : memref<1x128xi32, #tpu.memory_space<vmem>> -> memref<128xi32, #tpu.memory_space<vmem>>
      %dma_start3A_475 = arith.constant 0 : i32
      %dma_start3A_476 = arith.constant 0 : i32
      %dma_start3A_477 = tpu.memref_slice %arg2[%arg0, %dma_start3A_475, %dma_start3A_476] : memref<2x10000x128xf32, #tpu.memory_space<hbm>> -> memref<1x10000x128xf32, #tpu.memory_space<hbm>>
      %dma_start3A_478 = tpu.memref_squeeze %dma_start3A_477 : memref<1x10000x128xf32, #tpu.memory_space<hbm>> -> memref<10000x128xf32, #tpu.memory_space<hbm>>
      %dma_start3A_479 = arith.constant 0 : i32
      %dma_start3A_480 = arith.constant 0 : i32
      %dma_start3A_481 = tpu.memref_slice %dma_start3A_478[%dma_start3A_479, %dma_start3A_480] : memref<10000x128xf32, #tpu.memory_space<hbm>> -> memref<10000x128xf32, #tpu.memory_space<hbm>>
      tpu.enqueue_indirect_dma source(%dma_start3A_481 : memref<10000x128xf32, #tpu.memory_space<hbm>>) target(%dma_start3A_467 : memref<128x128xf32, #tpu.memory_space<vmem>>) offsets(%dma_start3A_474 : memref<128xi32, #tpu.memory_space<vmem>>) semaphore(%arg10 : memref<!tpu.dma_semaphore, #tpu.memory_space<semaphore_mem>>)
      %dma_wait3A_482 = arith.constant 6 : i32
      %dma_wait3A_483 = arith.constant 0 : i32
      %dma_wait3A_484 = arith.constant 0 : i32
      %dma_wait3A_485 = arith.constant 0 : i32
      %dma_wait3A_486 = tpu.memref_slice %arg7[%dma_wait3A_483, %dma_wait3A_484, %dma_wait3A_485] : memref<2x128x128xf32, #tpu.memory_space<vmem>> -> memref<1x128x128xf32, #tpu.memory_space<vmem>>
      %dma_wait3A_487 = tpu.memref_squeeze %dma_wait3A_486 : memref<1x128x128xf32, #tpu.memory_space<vmem>> -> memref<128x128xf32, #tpu.memory_space<vmem>>
      %dma_wait3A_488 = arith.constant 0 : i32
      %dma_wait3A_489 = arith.constant 0 : i32
      %dma_wait3A_490 = tpu.memref_slice %arg6[%scan3A, %dma_wait3A_488, %dma_wait3A_489] : memref<2x16x128xi32, #tpu.memory_space<vmem>> -> memref<1x16x128xi32, #tpu.memory_space<vmem>>
      %dma_wait3A_491 = tpu.memref_squeeze %dma_wait3A_490 : memref<1x16x128xi32, #tpu.memory_space<vmem>> -> memref<16x128xi32, #tpu.memory_space<vmem>>
      %dma_wait3A_492 = arith.constant 0 : i32
      %dma_wait3A_493 = tpu.memref_slice %dma_wait3A_491[%dma_wait3A_482, %dma_wait3A_492] : memref<16x128xi32, #tpu.memory_space<vmem>> -> memref<1x128xi32, #tpu.memory_space<vmem>>
      %dma_wait3A_494 = tpu.memref_squeeze %dma_wait3A_493 : memref<1x128xi32, #tpu.memory_space<vmem>> -> memref<128xi32, #tpu.memory_space<vmem>>
      %dma_wait3A_495 = arith.constant 0 : i32
      %dma_wait3A_496 = arith.constant 0 : i32
      %dma_wait3A_497 = tpu.memref_slice %arg2[%arg0, %dma_wait3A_495, %dma_wait3A_496] : memref<2x10000x128xf32, #tpu.memory_space<hbm>> -> memref<1x10000x128xf32, #tpu.memory_space<hbm>>
      %dma_wait3A_498 = tpu.memref_squeeze %dma_wait3A_497 : memref<1x10000x128xf32, #tpu.memory_space<hbm>> -> memref<10000x128xf32, #tpu.memory_space<hbm>>
      %dma_wait3A_499 = arith.constant 0 : i32
      %dma_wait3A_500 = arith.constant 0 : i32
      %dma_wait3A_501 = tpu.memref_slice %dma_wait3A_498[%dma_wait3A_499, %dma_wait3A_500] : memref<10000x128xf32, #tpu.memory_space<hbm>> -> memref<10000x128xf32, #tpu.memory_space<hbm>>
      tpu.wait_indirect_dma semaphore(%arg9 : memref<!tpu.dma_semaphore, #tpu.memory_space<semaphore_mem>>) src(%dma_wait3A_501 : memref<10000x128xf32, #tpu.memory_space<hbm>>) dst(%dma_wait3A_487 : memref<128x128xf32, #tpu.memory_space<vmem>>)
      %dma_start3A_502 = arith.constant 0 : i32
      %dma_start3A_503 = arith.constant 6 : i32
      %dma_start3A_504 = arith.constant 0 : i32
      %dma_start3A_505 = arith.constant 0 : i32
      %dma_start3A_506 = tpu.memref_slice %arg7[%dma_start3A_502, %dma_start3A_504, %dma_start3A_505] : memref<2x128x128xf32, #tpu.memory_space<vmem>> -> memref<1x128x128xf32, #tpu.memory_space<vmem>>
      %dma_start3A_507 = tpu.memref_squeeze %dma_start3A_506 : memref<1x128x128xf32, #tpu.memory_space<vmem>> -> memref<128x128xf32, #tpu.memory_space<vmem>>
      %dma_start3A_508 = arith.constant 0 : i32
      %dma_start3A_509 = arith.constant 0 : i32
      %dma_start3A_510 = tpu.memref_slice %arg6[%scan3A_1, %dma_start3A_508, %dma_start3A_509] : memref<2x16x128xi32, #tpu.memory_space<vmem>> -> memref<1x16x128xi32, #tpu.memory_space<vmem>>
      %dma_start3A_511 = tpu.memref_squeeze %dma_start3A_510 : memref<1x16x128xi32, #tpu.memory_space<vmem>> -> memref<16x128xi32, #tpu.memory_space<vmem>>
      %dma_start3A_512 = arith.constant 0 : i32
      %dma_start3A_513 = tpu.memref_slice %dma_start3A_511[%dma_start3A_503, %dma_start3A_512] : memref<16x128xi32, #tpu.memory_space<vmem>> -> memref<1x128xi32, #tpu.memory_space<vmem>>
      %dma_start3A_514 = tpu.memref_squeeze %dma_start3A_513 : memref<1x128xi32, #tpu.memory_space<vmem>> -> memref<128xi32, #tpu.memory_space<vmem>>
      %dma_start3A_515 = arith.constant 0 : i32
      %dma_start3A_516 = arith.constant 0 : i32
      %dma_start3A_517 = tpu.memref_slice %arg8[%dma_start3A_515, %dma_start3A_516] : memref<10112x128xf32, #tpu.memory_space<vmem_shared>> -> memref<10112x128xf32, #tpu.memory_space<vmem_shared>>
      tpu.enqueue_indirect_dma source(%dma_start3A_507 : memref<128x128xf32, #tpu.memory_space<vmem>>) target(%dma_start3A_517 : memref<10112x128xf32, #tpu.memory_space<vmem_shared>>) offsets(%dma_start3A_514 : memref<128xi32, #tpu.memory_space<vmem>>) semaphore(%arg11 : memref<!tpu.dma_semaphore, #tpu.memory_space<semaphore_mem>>) {add = true}
      %dma_wait3A_518 = arith.constant 0 : i32
      %dma_wait3A_519 = arith.constant 6 : i32
      %dma_wait3A_520 = arith.constant 0 : i32
      %dma_wait3A_521 = arith.constant 0 : i32
      %dma_wait3A_522 = tpu.memref_slice %arg7[%dma_wait3A_518, %dma_wait3A_520, %dma_wait3A_521] : memref<2x128x128xf32, #tpu.memory_space<vmem>> -> memref<1x128x128xf32, #tpu.memory_space<vmem>>
      %dma_wait3A_523 = tpu.memref_squeeze %dma_wait3A_522 : memref<1x128x128xf32, #tpu.memory_space<vmem>> -> memref<128x128xf32, #tpu.memory_space<vmem>>
      %dma_wait3A_524 = arith.constant 0 : i32
      %dma_wait3A_525 = arith.constant 0 : i32
      %dma_wait3A_526 = tpu.memref_slice %arg6[%scan3A_1, %dma_wait3A_524, %dma_wait3A_525] : memref<2x16x128xi32, #tpu.memory_space<vmem>> -> memref<1x16x128xi32, #tpu.memory_space<vmem>>
      %dma_wait3A_527 = tpu.memref_squeeze %dma_wait3A_526 : memref<1x16x128xi32, #tpu.memory_space<vmem>> -> memref<16x128xi32, #tpu.memory_space<vmem>>
      %dma_wait3A_528 = arith.constant 0 : i32
      %dma_wait3A_529 = tpu.memref_slice %dma_wait3A_527[%dma_wait3A_519, %dma_wait3A_528] : memref<16x128xi32, #tpu.memory_space<vmem>> -> memref<1x128xi32, #tpu.memory_space<vmem>>
      %dma_wait3A_530 = tpu.memref_squeeze %dma_wait3A_529 : memref<1x128xi32, #tpu.memory_space<vmem>> -> memref<128xi32, #tpu.memory_space<vmem>>
      %dma_wait3A_531 = arith.constant 0 : i32
      %dma_wait3A_532 = arith.constant 0 : i32
      %dma_wait3A_533 = tpu.memref_slice %arg8[%dma_wait3A_531, %dma_wait3A_532] : memref<10112x128xf32, #tpu.memory_space<vmem_shared>> -> memref<10112x128xf32, #tpu.memory_space<vmem_shared>>
      tpu.wait_indirect_dma semaphore(%arg11 : memref<!tpu.dma_semaphore, #tpu.memory_space<semaphore_mem>>) src(%dma_wait3A_523 : memref<128x128xf32, #tpu.memory_space<vmem>>) dst(%dma_wait3A_533 : memref<10112x128xf32, #tpu.memory_space<vmem_shared>>)
      %dma_start3A_534 = arith.constant 8 : i32
      %dma_start3A_535 = arith.constant 0 : i32
      %dma_start3A_536 = arith.constant 0 : i32
      %dma_start3A_537 = arith.constant 0 : i32
      %dma_start3A_538 = tpu.memref_slice %arg7[%dma_start3A_535, %dma_start3A_536, %dma_start3A_537] : memref<2x128x128xf32, #tpu.memory_space<vmem>> -> memref<1x128x128xf32, #tpu.memory_space<vmem>>
      %dma_start3A_539 = tpu.memref_squeeze %dma_start3A_538 : memref<1x128x128xf32, #tpu.memory_space<vmem>> -> memref<128x128xf32, #tpu.memory_space<vmem>>
      %dma_start3A_540 = arith.constant 0 : i32
      %dma_start3A_541 = arith.constant 0 : i32
      %dma_start3A_542 = tpu.memref_slice %arg6[%scan3A, %dma_start3A_540, %dma_start3A_541] : memref<2x16x128xi32, #tpu.memory_space<vmem>> -> memref<1x16x128xi32, #tpu.memory_space<vmem>>
      %dma_start3A_543 = tpu.memref_squeeze %dma_start3A_542 : memref<1x16x128xi32, #tpu.memory_space<vmem>> -> memref<16x128xi32, #tpu.memory_space<vmem>>
      %dma_start3A_544 = arith.constant 0 : i32
      %dma_start3A_545 = tpu.memref_slice %dma_start3A_543[%dma_start3A_534, %dma_start3A_544] : memref<16x128xi32, #tpu.memory_space<vmem>> -> memref<1x128xi32, #tpu.memory_space<vmem>>
      %dma_start3A_546 = tpu.memref_squeeze %dma_start3A_545 : memref<1x128xi32, #tpu.memory_space<vmem>> -> memref<128xi32, #tpu.memory_space<vmem>>
      %dma_start3A_547 = arith.constant 0 : i32
      %dma_start3A_548 = arith.constant 0 : i32
      %dma_start3A_549 = tpu.memref_slice %arg2[%arg0, %dma_start3A_547, %dma_start3A_548] : memref<2x10000x128xf32, #tpu.memory_space<hbm>> -> memref<1x10000x128xf32, #tpu.memory_space<hbm>>
      %dma_start3A_550 = tpu.memref_squeeze %dma_start3A_549 : memref<1x10000x128xf32, #tpu.memory_space<hbm>> -> memref<10000x128xf32, #tpu.memory_space<hbm>>
      %dma_start3A_551 = arith.constant 0 : i32
      %dma_start3A_552 = arith.constant 0 : i32
      %dma_start3A_553 = tpu.memref_slice %dma_start3A_550[%dma_start3A_551, %dma_start3A_552] : memref<10000x128xf32, #tpu.memory_space<hbm>> -> memref<10000x128xf32, #tpu.memory_space<hbm>>
      tpu.enqueue_indirect_dma source(%dma_start3A_553 : memref<10000x128xf32, #tpu.memory_space<hbm>>) target(%dma_start3A_539 : memref<128x128xf32, #tpu.memory_space<vmem>>) offsets(%dma_start3A_546 : memref<128xi32, #tpu.memory_space<vmem>>) semaphore(%arg9 : memref<!tpu.dma_semaphore, #tpu.memory_space<semaphore_mem>>)
      %dma_wait3A_554 = arith.constant 7 : i32
      %dma_wait3A_555 = arith.constant 1 : i32
      %dma_wait3A_556 = arith.constant 0 : i32
      %dma_wait3A_557 = arith.constant 0 : i32
      %dma_wait3A_558 = tpu.memref_slice %arg7[%dma_wait3A_555, %dma_wait3A_556, %dma_wait3A_557] : memref<2x128x128xf32, #tpu.memory_space<vmem>> -> memref<1x128x128xf32, #tpu.memory_space<vmem>>
      %dma_wait3A_559 = tpu.memref_squeeze %dma_wait3A_558 : memref<1x128x128xf32, #tpu.memory_space<vmem>> -> memref<128x128xf32, #tpu.memory_space<vmem>>
      %dma_wait3A_560 = arith.constant 0 : i32
      %dma_wait3A_561 = arith.constant 0 : i32
      %dma_wait3A_562 = tpu.memref_slice %arg6[%scan3A, %dma_wait3A_560, %dma_wait3A_561] : memref<2x16x128xi32, #tpu.memory_space<vmem>> -> memref<1x16x128xi32, #tpu.memory_space<vmem>>
      %dma_wait3A_563 = tpu.memref_squeeze %dma_wait3A_562 : memref<1x16x128xi32, #tpu.memory_space<vmem>> -> memref<16x128xi32, #tpu.memory_space<vmem>>
      %dma_wait3A_564 = arith.constant 0 : i32
      %dma_wait3A_565 = tpu.memref_slice %dma_wait3A_563[%dma_wait3A_554, %dma_wait3A_564] : memref<16x128xi32, #tpu.memory_space<vmem>> -> memref<1x128xi32, #tpu.memory_space<vmem>>
      %dma_wait3A_566 = tpu.memref_squeeze %dma_wait3A_565 : memref<1x128xi32, #tpu.memory_space<vmem>> -> memref<128xi32, #tpu.memory_space<vmem>>
      %dma_wait3A_567 = arith.constant 0 : i32
      %dma_wait3A_568 = arith.constant 0 : i32
      %dma_wait3A_569 = tpu.memref_slice %arg2[%arg0, %dma_wait3A_567, %dma_wait3A_568] : memref<2x10000x128xf32, #tpu.memory_space<hbm>> -> memref<1x10000x128xf32, #tpu.memory_space<hbm>>
      %dma_wait3A_570 = tpu.memref_squeeze %dma_wait3A_569 : memref<1x10000x128xf32, #tpu.memory_space<hbm>> -> memref<10000x128xf32, #tpu.memory_space<hbm>>
      %dma_wait3A_571 = arith.constant 0 : i32
      %dma_wait3A_572 = arith.constant 0 : i32
      %dma_wait3A_573 = tpu.memref_slice %dma_wait3A_570[%dma_wait3A_571, %dma_wait3A_572] : memref<10000x128xf32, #tpu.memory_space<hbm>> -> memref<10000x128xf32, #tpu.memory_space<hbm>>
      tpu.wait_indirect_dma semaphore(%arg10 : memref<!tpu.dma_semaphore, #tpu.memory_space<semaphore_mem>>) src(%dma_wait3A_573 : memref<10000x128xf32, #tpu.memory_space<hbm>>) dst(%dma_wait3A_559 : memref<128x128xf32, #tpu.memory_space<vmem>>)
      %dma_start3A_574 = arith.constant 1 : i32
      %dma_start3A_575 = arith.constant 7 : i32
      %dma_start3A_576 = arith.constant 0 : i32
      %dma_start3A_577 = arith.constant 0 : i32
      %dma_start3A_578 = tpu.memref_slice %arg7[%dma_start3A_574, %dma_start3A_576, %dma_start3A_577] : memref<2x128x128xf32, #tpu.memory_space<vmem>> -> memref<1x128x128xf32, #tpu.memory_space<vmem>>
      %dma_start3A_579 = tpu.memref_squeeze %dma_start3A_578 : memref<1x128x128xf32, #tpu.memory_space<vmem>> -> memref<128x128xf32, #tpu.memory_space<vmem>>
      %dma_start3A_580 = arith.constant 0 : i32
      %dma_start3A_581 = arith.constant 0 : i32
      %dma_start3A_582 = tpu.memref_slice %arg6[%scan3A_1, %dma_start3A_580, %dma_start3A_581] : memref<2x16x128xi32, #tpu.memory_space<vmem>> -> memref<1x16x128xi32, #tpu.memory_space<vmem>>
      %dma_start3A_583 = tpu.memref_squeeze %dma_start3A_582 : memref<1x16x128xi32, #tpu.memory_space<vmem>> -> memref<16x128xi32, #tpu.memory_space<vmem>>
      %dma_start3A_584 = arith.constant 0 : i32
      %dma_start3A_585 = tpu.memref_slice %dma_start3A_583[%dma_start3A_575, %dma_start3A_584] : memref<16x128xi32, #tpu.memory_space<vmem>> -> memref<1x128xi32, #tpu.memory_space<vmem>>
      %dma_start3A_586 = tpu.memref_squeeze %dma_start3A_585 : memref<1x128xi32, #tpu.memory_space<vmem>> -> memref<128xi32, #tpu.memory_space<vmem>>
      %dma_start3A_587 = arith.constant 0 : i32
      %dma_start3A_588 = arith.constant 0 : i32
      %dma_start3A_589 = tpu.memref_slice %arg8[%dma_start3A_587, %dma_start3A_588] : memref<10112x128xf32, #tpu.memory_space<vmem_shared>> -> memref<10112x128xf32, #tpu.memory_space<vmem_shared>>
      tpu.enqueue_indirect_dma source(%dma_start3A_579 : memref<128x128xf32, #tpu.memory_space<vmem>>) target(%dma_start3A_589 : memref<10112x128xf32, #tpu.memory_space<vmem_shared>>) offsets(%dma_start3A_586 : memref<128xi32, #tpu.memory_space<vmem>>) semaphore(%arg12 : memref<!tpu.dma_semaphore, #tpu.memory_space<semaphore_mem>>) {add = true}
      %dma_wait3A_590 = arith.constant 1 : i32
      %dma_wait3A_591 = arith.constant 7 : i32
      %dma_wait3A_592 = arith.constant 0 : i32
      %dma_wait3A_593 = arith.constant 0 : i32
      %dma_wait3A_594 = tpu.memref_slice %arg7[%dma_wait3A_590, %dma_wait3A_592, %dma_wait3A_593] : memref<2x128x128xf32, #tpu.memory_space<vmem>> -> memref<1x128x128xf32, #tpu.memory_space<vmem>>
      %dma_wait3A_595 = tpu.memref_squeeze %dma_wait3A_594 : memref<1x128x128xf32, #tpu.memory_space<vmem>> -> memref<128x128xf32, #tpu.memory_space<vmem>>
      %dma_wait3A_596 = arith.constant 0 : i32
      %dma_wait3A_597 = arith.constant 0 : i32
      %dma_wait3A_598 = tpu.memref_slice %arg6[%scan3A_1, %dma_wait3A_596, %dma_wait3A_597] : memref<2x16x128xi32, #tpu.memory_space<vmem>> -> memref<1x16x128xi32, #tpu.memory_space<vmem>>
      %dma_wait3A_599 = tpu.memref_squeeze %dma_wait3A_598 : memref<1x16x128xi32, #tpu.memory_space<vmem>> -> memref<16x128xi32, #tpu.memory_space<vmem>>
      %dma_wait3A_600 = arith.constant 0 : i32
      %dma_wait3A_601 = tpu.memref_slice %dma_wait3A_599[%dma_wait3A_591, %dma_wait3A_600] : memref<16x128xi32, #tpu.memory_space<vmem>> -> memref<1x128xi32, #tpu.memory_space<vmem>>
      %dma_wait3A_602 = tpu.memref_squeeze %dma_wait3A_601 : memref<1x128xi32, #tpu.memory_space<vmem>> -> memref<128xi32, #tpu.memory_space<vmem>>
      %dma_wait3A_603 = arith.constant 0 : i32
      %dma_wait3A_604 = arith.constant 0 : i32
      %dma_wait3A_605 = tpu.memref_slice %arg8[%dma_wait3A_603, %dma_wait3A_604] : memref<10112x128xf32, #tpu.memory_space<vmem_shared>> -> memref<10112x128xf32, #tpu.memory_space<vmem_shared>>
      tpu.wait_indirect_dma semaphore(%arg12 : memref<!tpu.dma_semaphore, #tpu.memory_space<semaphore_mem>>) src(%dma_wait3A_595 : memref<128x128xf32, #tpu.memory_space<vmem>>) dst(%dma_wait3A_605 : memref<10112x128xf32, #tpu.memory_space<vmem_shared>>)
      %dma_start3A_606 = arith.constant 9 : i32
      %dma_start3A_607 = arith.constant 1 : i32
      %dma_start3A_608 = arith.constant 0 : i32
      %dma_start3A_609 = arith.constant 0 : i32
      %dma_start3A_610 = tpu.memref_slice %arg7[%dma_start3A_607, %dma_start3A_608, %dma_start3A_609] : memref<2x128x128xf32, #tpu.memory_space<vmem>> -> memref<1x128x128xf32, #tpu.memory_space<vmem>>
      %dma_start3A_611 = tpu.memref_squeeze %dma_start3A_610 : memref<1x128x128xf32, #tpu.memory_space<vmem>> -> memref<128x128xf32, #tpu.memory_space<vmem>>
      %dma_start3A_612 = arith.constant 0 : i32
      %dma_start3A_613 = arith.constant 0 : i32
      %dma_start3A_614 = tpu.memref_slice %arg6[%scan3A, %dma_start3A_612, %dma_start3A_613] : memref<2x16x128xi32, #tpu.memory_space<vmem>> -> memref<1x16x128xi32, #tpu.memory_space<vmem>>
      %dma_start3A_615 = tpu.memref_squeeze %dma_start3A_614 : memref<1x16x128xi32, #tpu.memory_space<vmem>> -> memref<16x128xi32, #tpu.memory_space<vmem>>
      %dma_start3A_616 = arith.constant 0 : i32
      %dma_start3A_617 = tpu.memref_slice %dma_start3A_615[%dma_start3A_606, %dma_start3A_616] : memref<16x128xi32, #tpu.memory_space<vmem>> -> memref<1x128xi32, #tpu.memory_space<vmem>>
      %dma_start3A_618 = tpu.memref_squeeze %dma_start3A_617 : memref<1x128xi32, #tpu.memory_space<vmem>> -> memref<128xi32, #tpu.memory_space<vmem>>
      %dma_start3A_619 = arith.constant 0 : i32
      %dma_start3A_620 = arith.constant 0 : i32
      %dma_start3A_621 = tpu.memref_slice %arg2[%arg0, %dma_start3A_619, %dma_start3A_620] : memref<2x10000x128xf32, #tpu.memory_space<hbm>> -> memref<1x10000x128xf32, #tpu.memory_space<hbm>>
      %dma_start3A_622 = tpu.memref_squeeze %dma_start3A_621 : memref<1x10000x128xf32, #tpu.memory_space<hbm>> -> memref<10000x128xf32, #tpu.memory_space<hbm>>
      %dma_start3A_623 = arith.constant 0 : i32
      %dma_start3A_624 = arith.constant 0 : i32
      %dma_start3A_625 = tpu.memref_slice %dma_start3A_622[%dma_start3A_623, %dma_start3A_624] : memref<10000x128xf32, #tpu.memory_space<hbm>> -> memref<10000x128xf32, #tpu.memory_space<hbm>>
      tpu.enqueue_indirect_dma source(%dma_start3A_625 : memref<10000x128xf32, #tpu.memory_space<hbm>>) target(%dma_start3A_611 : memref<128x128xf32, #tpu.memory_space<vmem>>) offsets(%dma_start3A_618 : memref<128xi32, #tpu.memory_space<vmem>>) semaphore(%arg10 : memref<!tpu.dma_semaphore, #tpu.memory_space<semaphore_mem>>)
      %dma_wait3A_626 = arith.constant 8 : i32
      %dma_wait3A_627 = arith.constant 0 : i32
      %dma_wait3A_628 = arith.constant 0 : i32
      %dma_wait3A_629 = arith.constant 0 : i32
      %dma_wait3A_630 = tpu.memref_slice %arg7[%dma_wait3A_627, %dma_wait3A_628, %dma_wait3A_629] : memref<2x128x128xf32, #tpu.memory_space<vmem>> -> memref<1x128x128xf32, #tpu.memory_space<vmem>>
      %dma_wait3A_631 = tpu.memref_squeeze %dma_wait3A_630 : memref<1x128x128xf32, #tpu.memory_space<vmem>> -> memref<128x128xf32, #tpu.memory_space<vmem>>
      %dma_wait3A_632 = arith.constant 0 : i32
      %dma_wait3A_633 = arith.constant 0 : i32
      %dma_wait3A_634 = tpu.memref_slice %arg6[%scan3A, %dma_wait3A_632, %dma_wait3A_633] : memref<2x16x128xi32, #tpu.memory_space<vmem>> -> memref<1x16x128xi32, #tpu.memory_space<vmem>>
      %dma_wait3A_635 = tpu.memref_squeeze %dma_wait3A_634 : memref<1x16x128xi32, #tpu.memory_space<vmem>> -> memref<16x128xi32, #tpu.memory_space<vmem>>
      %dma_wait3A_636 = arith.constant 0 : i32
      %dma_wait3A_637 = tpu.memref_slice %dma_wait3A_635[%dma_wait3A_626, %dma_wait3A_636] : memref<16x128xi32, #tpu.memory_space<vmem>> -> memref<1x128xi32, #tpu.memory_space<vmem>>
      %dma_wait3A_638 = tpu.memref_squeeze %dma_wait3A_637 : memref<1x128xi32, #tpu.memory_space<vmem>> -> memref<128xi32, #tpu.memory_space<vmem>>
      %dma_wait3A_639 = arith.constant 0 : i32
      %dma_wait3A_640 = arith.constant 0 : i32
      %dma_wait3A_641 = tpu.memref_slice %arg2[%arg0, %dma_wait3A_639, %dma_wait3A_640] : memref<2x10000x128xf32, #tpu.memory_space<hbm>> -> memref<1x10000x128xf32, #tpu.memory_space<hbm>>
      %dma_wait3A_642 = tpu.memref_squeeze %dma_wait3A_641 : memref<1x10000x128xf32, #tpu.memory_space<hbm>> -> memref<10000x128xf32, #tpu.memory_space<hbm>>
      %dma_wait3A_643 = arith.constant 0 : i32
      %dma_wait3A_644 = arith.constant 0 : i32
      %dma_wait3A_645 = tpu.memref_slice %dma_wait3A_642[%dma_wait3A_643, %dma_wait3A_644] : memref<10000x128xf32, #tpu.memory_space<hbm>> -> memref<10000x128xf32, #tpu.memory_space<hbm>>
      tpu.wait_indirect_dma semaphore(%arg9 : memref<!tpu.dma_semaphore, #tpu.memory_space<semaphore_mem>>) src(%dma_wait3A_645 : memref<10000x128xf32, #tpu.memory_space<hbm>>) dst(%dma_wait3A_631 : memref<128x128xf32, #tpu.memory_space<vmem>>)
      %dma_start3A_646 = arith.constant 0 : i32
      %dma_start3A_647 = arith.constant 8 : i32
      %dma_start3A_648 = arith.constant 0 : i32
      %dma_start3A_649 = arith.constant 0 : i32
      %dma_start3A_650 = tpu.memref_slice %arg7[%dma_start3A_646, %dma_start3A_648, %dma_start3A_649] : memref<2x128x128xf32, #tpu.memory_space<vmem>> -> memref<1x128x128xf32, #tpu.memory_space<vmem>>
      %dma_start3A_651 = tpu.memref_squeeze %dma_start3A_650 : memref<1x128x128xf32, #tpu.memory_space<vmem>> -> memref<128x128xf32, #tpu.memory_space<vmem>>
      %dma_start3A_652 = arith.constant 0 : i32
      %dma_start3A_653 = arith.constant 0 : i32
      %dma_start3A_654 = tpu.memref_slice %arg6[%scan3A_1, %dma_start3A_652, %dma_start3A_653] : memref<2x16x128xi32, #tpu.memory_space<vmem>> -> memref<1x16x128xi32, #tpu.memory_space<vmem>>
      %dma_start3A_655 = tpu.memref_squeeze %dma_start3A_654 : memref<1x16x128xi32, #tpu.memory_space<vmem>> -> memref<16x128xi32, #tpu.memory_space<vmem>>
      %dma_start3A_656 = arith.constant 0 : i32
      %dma_start3A_657 = tpu.memref_slice %dma_start3A_655[%dma_start3A_647, %dma_start3A_656] : memref<16x128xi32, #tpu.memory_space<vmem>> -> memref<1x128xi32, #tpu.memory_space<vmem>>
      %dma_start3A_658 = tpu.memref_squeeze %dma_start3A_657 : memref<1x128xi32, #tpu.memory_space<vmem>> -> memref<128xi32, #tpu.memory_space<vmem>>
      %dma_start3A_659 = arith.constant 0 : i32
      %dma_start3A_660 = arith.constant 0 : i32
      %dma_start3A_661 = tpu.memref_slice %arg8[%dma_start3A_659, %dma_start3A_660] : memref<10112x128xf32, #tpu.memory_space<vmem_shared>> -> memref<10112x128xf32, #tpu.memory_space<vmem_shared>>
      tpu.enqueue_indirect_dma source(%dma_start3A_651 : memref<128x128xf32, #tpu.memory_space<vmem>>) target(%dma_start3A_661 : memref<10112x128xf32, #tpu.memory_space<vmem_shared>>) offsets(%dma_start3A_658 : memref<128xi32, #tpu.memory_space<vmem>>) semaphore(%arg11 : memref<!tpu.dma_semaphore, #tpu.memory_space<semaphore_mem>>) {add = true}
      %dma_wait3A_662 = arith.constant 0 : i32
      %dma_wait3A_663 = arith.constant 8 : i32
      %dma_wait3A_664 = arith.constant 0 : i32
      %dma_wait3A_665 = arith.constant 0 : i32
      %dma_wait3A_666 = tpu.memref_slice %arg7[%dma_wait3A_662, %dma_wait3A_664, %dma_wait3A_665] : memref<2x128x128xf32, #tpu.memory_space<vmem>> -> memref<1x128x128xf32, #tpu.memory_space<vmem>>
      %dma_wait3A_667 = tpu.memref_squeeze %dma_wait3A_666 : memref<1x128x128xf32, #tpu.memory_space<vmem>> -> memref<128x128xf32, #tpu.memory_space<vmem>>
      %dma_wait3A_668 = arith.constant 0 : i32
      %dma_wait3A_669 = arith.constant 0 : i32
      %dma_wait3A_670 = tpu.memref_slice %arg6[%scan3A_1, %dma_wait3A_668, %dma_wait3A_669] : memref<2x16x128xi32, #tpu.memory_space<vmem>> -> memref<1x16x128xi32, #tpu.memory_space<vmem>>
      %dma_wait3A_671 = tpu.memref_squeeze %dma_wait3A_670 : memref<1x16x128xi32, #tpu.memory_space<vmem>> -> memref<16x128xi32, #tpu.memory_space<vmem>>
      %dma_wait3A_672 = arith.constant 0 : i32
      %dma_wait3A_673 = tpu.memref_slice %dma_wait3A_671[%dma_wait3A_663, %dma_wait3A_672] : memref<16x128xi32, #tpu.memory_space<vmem>> -> memref<1x128xi32, #tpu.memory_space<vmem>>
      %dma_wait3A_674 = tpu.memref_squeeze %dma_wait3A_673 : memref<1x128xi32, #tpu.memory_space<vmem>> -> memref<128xi32, #tpu.memory_space<vmem>>
      %dma_wait3A_675 = arith.constant 0 : i32
      %dma_wait3A_676 = arith.constant 0 : i32
      %dma_wait3A_677 = tpu.memref_slice %arg8[%dma_wait3A_675, %dma_wait3A_676] : memref<10112x128xf32, #tpu.memory_space<vmem_shared>> -> memref<10112x128xf32, #tpu.memory_space<vmem_shared>>
      tpu.wait_indirect_dma semaphore(%arg11 : memref<!tpu.dma_semaphore, #tpu.memory_space<semaphore_mem>>) src(%dma_wait3A_667 : memref<128x128xf32, #tpu.memory_space<vmem>>) dst(%dma_wait3A_677 : memref<10112x128xf32, #tpu.memory_space<vmem_shared>>)
      %dma_start3A_678 = arith.constant 10 : i32
      %dma_start3A_679 = arith.constant 0 : i32
      %dma_start3A_680 = arith.constant 0 : i32
      %dma_start3A_681 = arith.constant 0 : i32
      %dma_start3A_682 = tpu.memref_slice %arg7[%dma_start3A_679, %dma_start3A_680, %dma_start3A_681] : memref<2x128x128xf32, #tpu.memory_space<vmem>> -> memref<1x128x128xf32, #tpu.memory_space<vmem>>
      %dma_start3A_683 = tpu.memref_squeeze %dma_start3A_682 : memref<1x128x128xf32, #tpu.memory_space<vmem>> -> memref<128x128xf32, #tpu.memory_space<vmem>>
      %dma_start3A_684 = arith.constant 0 : i32
      %dma_start3A_685 = arith.constant 0 : i32
      %dma_start3A_686 = tpu.memref_slice %arg6[%scan3A, %dma_start3A_684, %dma_start3A_685] : memref<2x16x128xi32, #tpu.memory_space<vmem>> -> memref<1x16x128xi32, #tpu.memory_space<vmem>>
      %dma_start3A_687 = tpu.memref_squeeze %dma_start3A_686 : memref<1x16x128xi32, #tpu.memory_space<vmem>> -> memref<16x128xi32, #tpu.memory_space<vmem>>
      %dma_start3A_688 = arith.constant 0 : i32
      %dma_start3A_689 = tpu.memref_slice %dma_start3A_687[%dma_start3A_678, %dma_start3A_688] : memref<16x128xi32, #tpu.memory_space<vmem>> -> memref<1x128xi32, #tpu.memory_space<vmem>>
      %dma_start3A_690 = tpu.memref_squeeze %dma_start3A_689 : memref<1x128xi32, #tpu.memory_space<vmem>> -> memref<128xi32, #tpu.memory_space<vmem>>
      %dma_start3A_691 = arith.constant 0 : i32
      %dma_start3A_692 = arith.constant 0 : i32
      %dma_start3A_693 = tpu.memref_slice %arg2[%arg0, %dma_start3A_691, %dma_start3A_692] : memref<2x10000x128xf32, #tpu.memory_space<hbm>> -> memref<1x10000x128xf32, #tpu.memory_space<hbm>>
      %dma_start3A_694 = tpu.memref_squeeze %dma_start3A_693 : memref<1x10000x128xf32, #tpu.memory_space<hbm>> -> memref<10000x128xf32, #tpu.memory_space<hbm>>
      %dma_start3A_695 = arith.constant 0 : i32
      %dma_start3A_696 = arith.constant 0 : i32
      %dma_start3A_697 = tpu.memref_slice %dma_start3A_694[%dma_start3A_695, %dma_start3A_696] : memref<10000x128xf32, #tpu.memory_space<hbm>> -> memref<10000x128xf32, #tpu.memory_space<hbm>>
      tpu.enqueue_indirect_dma source(%dma_start3A_697 : memref<10000x128xf32, #tpu.memory_space<hbm>>) target(%dma_start3A_683 : memref<128x128xf32, #tpu.memory_space<vmem>>) offsets(%dma_start3A_690 : memref<128xi32, #tpu.memory_space<vmem>>) semaphore(%arg9 : memref<!tpu.dma_semaphore, #tpu.memory_space<semaphore_mem>>)
      %dma_wait3A_698 = arith.constant 9 : i32
      %dma_wait3A_699 = arith.constant 1 : i32
      %dma_wait3A_700 = arith.constant 0 : i32
      %dma_wait3A_701 = arith.constant 0 : i32
      %dma_wait3A_702 = tpu.memref_slice %arg7[%dma_wait3A_699, %dma_wait3A_700, %dma_wait3A_701] : memref<2x128x128xf32, #tpu.memory_space<vmem>> -> memref<1x128x128xf32, #tpu.memory_space<vmem>>
      %dma_wait3A_703 = tpu.memref_squeeze %dma_wait3A_702 : memref<1x128x128xf32, #tpu.memory_space<vmem>> -> memref<128x128xf32, #tpu.memory_space<vmem>>
      %dma_wait3A_704 = arith.constant 0 : i32
      %dma_wait3A_705 = arith.constant 0 : i32
      %dma_wait3A_706 = tpu.memref_slice %arg6[%scan3A, %dma_wait3A_704, %dma_wait3A_705] : memref<2x16x128xi32, #tpu.memory_space<vmem>> -> memref<1x16x128xi32, #tpu.memory_space<vmem>>
      %dma_wait3A_707 = tpu.memref_squeeze %dma_wait3A_706 : memref<1x16x128xi32, #tpu.memory_space<vmem>> -> memref<16x128xi32, #tpu.memory_space<vmem>>
      %dma_wait3A_708 = arith.constant 0 : i32
      %dma_wait3A_709 = tpu.memref_slice %dma_wait3A_707[%dma_wait3A_698, %dma_wait3A_708] : memref<16x128xi32, #tpu.memory_space<vmem>> -> memref<1x128xi32, #tpu.memory_space<vmem>>
      %dma_wait3A_710 = tpu.memref_squeeze %dma_wait3A_709 : memref<1x128xi32, #tpu.memory_space<vmem>> -> memref<128xi32, #tpu.memory_space<vmem>>
      %dma_wait3A_711 = arith.constant 0 : i32
      %dma_wait3A_712 = arith.constant 0 : i32
      %dma_wait3A_713 = tpu.memref_slice %arg2[%arg0, %dma_wait3A_711, %dma_wait3A_712] : memref<2x10000x128xf32, #tpu.memory_space<hbm>> -> memref<1x10000x128xf32, #tpu.memory_space<hbm>>
      %dma_wait3A_714 = tpu.memref_squeeze %dma_wait3A_713 : memref<1x10000x128xf32, #tpu.memory_space<hbm>> -> memref<10000x128xf32, #tpu.memory_space<hbm>>
      %dma_wait3A_715 = arith.constant 0 : i32
      %dma_wait3A_716 = arith.constant 0 : i32
      %dma_wait3A_717 = tpu.memref_slice %dma_wait3A_714[%dma_wait3A_715, %dma_wait3A_716] : memref<10000x128xf32, #tpu.memory_space<hbm>> -> memref<10000x128xf32, #tpu.memory_space<hbm>>
      tpu.wait_indirect_dma semaphore(%arg10 : memref<!tpu.dma_semaphore, #tpu.memory_space<semaphore_mem>>) src(%dma_wait3A_717 : memref<10000x128xf32, #tpu.memory_space<hbm>>) dst(%dma_wait3A_703 : memref<128x128xf32, #tpu.memory_space<vmem>>)
      %dma_start3A_718 = arith.constant 1 : i32
      %dma_start3A_719 = arith.constant 9 : i32
      %dma_start3A_720 = arith.constant 0 : i32
      %dma_start3A_721 = arith.constant 0 : i32
      %dma_start3A_722 = tpu.memref_slice %arg7[%dma_start3A_718, %dma_start3A_720, %dma_start3A_721] : memref<2x128x128xf32, #tpu.memory_space<vmem>> -> memref<1x128x128xf32, #tpu.memory_space<vmem>>
      %dma_start3A_723 = tpu.memref_squeeze %dma_start3A_722 : memref<1x128x128xf32, #tpu.memory_space<vmem>> -> memref<128x128xf32, #tpu.memory_space<vmem>>
      %dma_start3A_724 = arith.constant 0 : i32
      %dma_start3A_725 = arith.constant 0 : i32
      %dma_start3A_726 = tpu.memref_slice %arg6[%scan3A_1, %dma_start3A_724, %dma_start3A_725] : memref<2x16x128xi32, #tpu.memory_space<vmem>> -> memref<1x16x128xi32, #tpu.memory_space<vmem>>
      %dma_start3A_727 = tpu.memref_squeeze %dma_start3A_726 : memref<1x16x128xi32, #tpu.memory_space<vmem>> -> memref<16x128xi32, #tpu.memory_space<vmem>>
      %dma_start3A_728 = arith.constant 0 : i32
      %dma_start3A_729 = tpu.memref_slice %dma_start3A_727[%dma_start3A_719, %dma_start3A_728] : memref<16x128xi32, #tpu.memory_space<vmem>> -> memref<1x128xi32, #tpu.memory_space<vmem>>
      %dma_start3A_730 = tpu.memref_squeeze %dma_start3A_729 : memref<1x128xi32, #tpu.memory_space<vmem>> -> memref<128xi32, #tpu.memory_space<vmem>>
      %dma_start3A_731 = arith.constant 0 : i32
      %dma_start3A_732 = arith.constant 0 : i32
      %dma_start3A_733 = tpu.memref_slice %arg8[%dma_start3A_731, %dma_start3A_732] : memref<10112x128xf32, #tpu.memory_space<vmem_shared>> -> memref<10112x128xf32, #tpu.memory_space<vmem_shared>>
      tpu.enqueue_indirect_dma source(%dma_start3A_723 : memref<128x128xf32, #tpu.memory_space<vmem>>) target(%dma_start3A_733 : memref<10112x128xf32, #tpu.memory_space<vmem_shared>>) offsets(%dma_start3A_730 : memref<128xi32, #tpu.memory_space<vmem>>) semaphore(%arg12 : memref<!tpu.dma_semaphore, #tpu.memory_space<semaphore_mem>>) {add = true}
      %dma_wait3A_734 = arith.constant 1 : i32
      %dma_wait3A_735 = arith.constant 9 : i32
      %dma_wait3A_736 = arith.constant 0 : i32
      %dma_wait3A_737 = arith.constant 0 : i32
      %dma_wait3A_738 = tpu.memref_slice %arg7[%dma_wait3A_734, %dma_wait3A_736, %dma_wait3A_737] : memref<2x128x128xf32, #tpu.memory_space<vmem>> -> memref<1x128x128xf32, #tpu.memory_space<vmem>>
      %dma_wait3A_739 = tpu.memref_squeeze %dma_wait3A_738 : memref<1x128x128xf32, #tpu.memory_space<vmem>> -> memref<128x128xf32, #tpu.memory_space<vmem>>
      %dma_wait3A_740 = arith.constant 0 : i32
      %dma_wait3A_741 = arith.constant 0 : i32
      %dma_wait3A_742 = tpu.memref_slice %arg6[%scan3A_1, %dma_wait3A_740, %dma_wait3A_741] : memref<2x16x128xi32, #tpu.memory_space<vmem>> -> memref<1x16x128xi32, #tpu.memory_space<vmem>>
      %dma_wait3A_743 = tpu.memref_squeeze %dma_wait3A_742 : memref<1x16x128xi32, #tpu.memory_space<vmem>> -> memref<16x128xi32, #tpu.memory_space<vmem>>
      %dma_wait3A_744 = arith.constant 0 : i32
      %dma_wait3A_745 = tpu.memref_slice %dma_wait3A_743[%dma_wait3A_735, %dma_wait3A_744] : memref<16x128xi32, #tpu.memory_space<vmem>> -> memref<1x128xi32, #tpu.memory_space<vmem>>
      %dma_wait3A_746 = tpu.memref_squeeze %dma_wait3A_745 : memref<1x128xi32, #tpu.memory_space<vmem>> -> memref<128xi32, #tpu.memory_space<vmem>>
      %dma_wait3A_747 = arith.constant 0 : i32
      %dma_wait3A_748 = arith.constant 0 : i32
      %dma_wait3A_749 = tpu.memref_slice %arg8[%dma_wait3A_747, %dma_wait3A_748] : memref<10112x128xf32, #tpu.memory_space<vmem_shared>> -> memref<10112x128xf32, #tpu.memory_space<vmem_shared>>
      tpu.wait_indirect_dma semaphore(%arg12 : memref<!tpu.dma_semaphore, #tpu.memory_space<semaphore_mem>>) src(%dma_wait3A_739 : memref<128x128xf32, #tpu.memory_space<vmem>>) dst(%dma_wait3A_749 : memref<10112x128xf32, #tpu.memory_space<vmem_shared>>)
      %dma_start3A_750 = arith.constant 11 : i32
      %dma_start3A_751 = arith.constant 1 : i32
      %dma_start3A_752 = arith.constant 0 : i32
      %dma_start3A_753 = arith.constant 0 : i32
      %dma_start3A_754 = tpu.memref_slice %arg7[%dma_start3A_751, %dma_start3A_752, %dma_start3A_753] : memref<2x128x128xf32, #tpu.memory_space<vmem>> -> memref<1x128x128xf32, #tpu.memory_space<vmem>>
      %dma_start3A_755 = tpu.memref_squeeze %dma_start3A_754 : memref<1x128x128xf32, #tpu.memory_space<vmem>> -> memref<128x128xf32, #tpu.memory_space<vmem>>
      %dma_start3A_756 = arith.constant 0 : i32
      %dma_start3A_757 = arith.constant 0 : i32
      %dma_start3A_758 = tpu.memref_slice %arg6[%scan3A, %dma_start3A_756, %dma_start3A_757] : memref<2x16x128xi32, #tpu.memory_space<vmem>> -> memref<1x16x128xi32, #tpu.memory_space<vmem>>
      %dma_start3A_759 = tpu.memref_squeeze %dma_start3A_758 : memref<1x16x128xi32, #tpu.memory_space<vmem>> -> memref<16x128xi32, #tpu.memory_space<vmem>>
      %dma_start3A_760 = arith.constant 0 : i32
      %dma_start3A_761 = tpu.memref_slice %dma_start3A_759[%dma_start3A_750, %dma_start3A_760] : memref<16x128xi32, #tpu.memory_space<vmem>> -> memref<1x128xi32, #tpu.memory_space<vmem>>
      %dma_start3A_762 = tpu.memref_squeeze %dma_start3A_761 : memref<1x128xi32, #tpu.memory_space<vmem>> -> memref<128xi32, #tpu.memory_space<vmem>>
      %dma_start3A_763 = arith.constant 0 : i32
      %dma_start3A_764 = arith.constant 0 : i32
      %dma_start3A_765 = tpu.memref_slice %arg2[%arg0, %dma_start3A_763, %dma_start3A_764] : memref<2x10000x128xf32, #tpu.memory_space<hbm>> -> memref<1x10000x128xf32, #tpu.memory_space<hbm>>
      %dma_start3A_766 = tpu.memref_squeeze %dma_start3A_765 : memref<1x10000x128xf32, #tpu.memory_space<hbm>> -> memref<10000x128xf32, #tpu.memory_space<hbm>>
      %dma_start3A_767 = arith.constant 0 : i32
      %dma_start3A_768 = arith.constant 0 : i32
      %dma_start3A_769 = tpu.memref_slice %dma_start3A_766[%dma_start3A_767, %dma_start3A_768] : memref<10000x128xf32, #tpu.memory_space<hbm>> -> memref<10000x128xf32, #tpu.memory_space<hbm>>
      tpu.enqueue_indirect_dma source(%dma_start3A_769 : memref<10000x128xf32, #tpu.memory_space<hbm>>) target(%dma_start3A_755 : memref<128x128xf32, #tpu.memory_space<vmem>>) offsets(%dma_start3A_762 : memref<128xi32, #tpu.memory_space<vmem>>) semaphore(%arg10 : memref<!tpu.dma_semaphore, #tpu.memory_space<semaphore_mem>>)
      %dma_wait3A_770 = arith.constant 10 : i32
      %dma_wait3A_771 = arith.constant 0 : i32
      %dma_wait3A_772 = arith.constant 0 : i32
      %dma_wait3A_773 = arith.constant 0 : i32
      %dma_wait3A_774 = tpu.memref_slice %arg7[%dma_wait3A_771, %dma_wait3A_772, %dma_wait3A_773] : memref<2x128x128xf32, #tpu.memory_space<vmem>> -> memref<1x128x128xf32, #tpu.memory_space<vmem>>
      %dma_wait3A_775 = tpu.memref_squeeze %dma_wait3A_774 : memref<1x128x128xf32, #tpu.memory_space<vmem>> -> memref<128x128xf32, #tpu.memory_space<vmem>>
      %dma_wait3A_776 = arith.constant 0 : i32
      %dma_wait3A_777 = arith.constant 0 : i32
      %dma_wait3A_778 = tpu.memref_slice %arg6[%scan3A, %dma_wait3A_776, %dma_wait3A_777] : memref<2x16x128xi32, #tpu.memory_space<vmem>> -> memref<1x16x128xi32, #tpu.memory_space<vmem>>
      %dma_wait3A_779 = tpu.memref_squeeze %dma_wait3A_778 : memref<1x16x128xi32, #tpu.memory_space<vmem>> -> memref<16x128xi32, #tpu.memory_space<vmem>>
      %dma_wait3A_780 = arith.constant 0 : i32
      %dma_wait3A_781 = tpu.memref_slice %dma_wait3A_779[%dma_wait3A_770, %dma_wait3A_780] : memref<16x128xi32, #tpu.memory_space<vmem>> -> memref<1x128xi32, #tpu.memory_space<vmem>>
      %dma_wait3A_782 = tpu.memref_squeeze %dma_wait3A_781 : memref<1x128xi32, #tpu.memory_space<vmem>> -> memref<128xi32, #tpu.memory_space<vmem>>
      %dma_wait3A_783 = arith.constant 0 : i32
      %dma_wait3A_784 = arith.constant 0 : i32
      %dma_wait3A_785 = tpu.memref_slice %arg2[%arg0, %dma_wait3A_783, %dma_wait3A_784] : memref<2x10000x128xf32, #tpu.memory_space<hbm>> -> memref<1x10000x128xf32, #tpu.memory_space<hbm>>
      %dma_wait3A_786 = tpu.memref_squeeze %dma_wait3A_785 : memref<1x10000x128xf32, #tpu.memory_space<hbm>> -> memref<10000x128xf32, #tpu.memory_space<hbm>>
      %dma_wait3A_787 = arith.constant 0 : i32
      %dma_wait3A_788 = arith.constant 0 : i32
      %dma_wait3A_789 = tpu.memref_slice %dma_wait3A_786[%dma_wait3A_787, %dma_wait3A_788] : memref<10000x128xf32, #tpu.memory_space<hbm>> -> memref<10000x128xf32, #tpu.memory_space<hbm>>
      tpu.wait_indirect_dma semaphore(%arg9 : memref<!tpu.dma_semaphore, #tpu.memory_space<semaphore_mem>>) src(%dma_wait3A_789 : memref<10000x128xf32, #tpu.memory_space<hbm>>) dst(%dma_wait3A_775 : memref<128x128xf32, #tpu.memory_space<vmem>>)
      %dma_start3A_790 = arith.constant 0 : i32
      %dma_start3A_791 = arith.constant 10 : i32
      %dma_start3A_792 = arith.constant 0 : i32
      %dma_start3A_793 = arith.constant 0 : i32
      %dma_start3A_794 = tpu.memref_slice %arg7[%dma_start3A_790, %dma_start3A_792, %dma_start3A_793] : memref<2x128x128xf32, #tpu.memory_space<vmem>> -> memref<1x128x128xf32, #tpu.memory_space<vmem>>
      %dma_start3A_795 = tpu.memref_squeeze %dma_start3A_794 : memref<1x128x128xf32, #tpu.memory_space<vmem>> -> memref<128x128xf32, #tpu.memory_space<vmem>>
      %dma_start3A_796 = arith.constant 0 : i32
      %dma_start3A_797 = arith.constant 0 : i32
      %dma_start3A_798 = tpu.memref_slice %arg6[%scan3A_1, %dma_start3A_796, %dma_start3A_797] : memref<2x16x128xi32, #tpu.memory_space<vmem>> -> memref<1x16x128xi32, #tpu.memory_space<vmem>>
      %dma_start3A_799 = tpu.memref_squeeze %dma_start3A_798 : memref<1x16x128xi32, #tpu.memory_space<vmem>> -> memref<16x128xi32, #tpu.memory_space<vmem>>
      %dma_start3A_800 = arith.constant 0 : i32
      %dma_start3A_801 = tpu.memref_slice %dma_start3A_799[%dma_start3A_791, %dma_start3A_800] : memref<16x128xi32, #tpu.memory_space<vmem>> -> memref<1x128xi32, #tpu.memory_space<vmem>>
      %dma_start3A_802 = tpu.memref_squeeze %dma_start3A_801 : memref<1x128xi32, #tpu.memory_space<vmem>> -> memref<128xi32, #tpu.memory_space<vmem>>
      %dma_start3A_803 = arith.constant 0 : i32
      %dma_start3A_804 = arith.constant 0 : i32
      %dma_start3A_805 = tpu.memref_slice %arg8[%dma_start3A_803, %dma_start3A_804] : memref<10112x128xf32, #tpu.memory_space<vmem_shared>> -> memref<10112x128xf32, #tpu.memory_space<vmem_shared>>
      tpu.enqueue_indirect_dma source(%dma_start3A_795 : memref<128x128xf32, #tpu.memory_space<vmem>>) target(%dma_start3A_805 : memref<10112x128xf32, #tpu.memory_space<vmem_shared>>) offsets(%dma_start3A_802 : memref<128xi32, #tpu.memory_space<vmem>>) semaphore(%arg11 : memref<!tpu.dma_semaphore, #tpu.memory_space<semaphore_mem>>) {add = true}
      %dma_wait3A_806 = arith.constant 0 : i32
      %dma_wait3A_807 = arith.constant 10 : i32
      %dma_wait3A_808 = arith.constant 0 : i32
      %dma_wait3A_809 = arith.constant 0 : i32
      %dma_wait3A_810 = tpu.memref_slice %arg7[%dma_wait3A_806, %dma_wait3A_808, %dma_wait3A_809] : memref<2x128x128xf32, #tpu.memory_space<vmem>> -> memref<1x128x128xf32, #tpu.memory_space<vmem>>
      %dma_wait3A_811 = tpu.memref_squeeze %dma_wait3A_810 : memref<1x128x128xf32, #tpu.memory_space<vmem>> -> memref<128x128xf32, #tpu.memory_space<vmem>>
      %dma_wait3A_812 = arith.constant 0 : i32
      %dma_wait3A_813 = arith.constant 0 : i32
      %dma_wait3A_814 = tpu.memref_slice %arg6[%scan3A_1, %dma_wait3A_812, %dma_wait3A_813] : memref<2x16x128xi32, #tpu.memory_space<vmem>> -> memref<1x16x128xi32, #tpu.memory_space<vmem>>
      %dma_wait3A_815 = tpu.memref_squeeze %dma_wait3A_814 : memref<1x16x128xi32, #tpu.memory_space<vmem>> -> memref<16x128xi32, #tpu.memory_space<vmem>>
      %dma_wait3A_816 = arith.constant 0 : i32
      %dma_wait3A_817 = tpu.memref_slice %dma_wait3A_815[%dma_wait3A_807, %dma_wait3A_816] : memref<16x128xi32, #tpu.memory_space<vmem>> -> memref<1x128xi32, #tpu.memory_space<vmem>>
      %dma_wait3A_818 = tpu.memref_squeeze %dma_wait3A_817 : memref<1x128xi32, #tpu.memory_space<vmem>> -> memref<128xi32, #tpu.memory_space<vmem>>
      %dma_wait3A_819 = arith.constant 0 : i32
      %dma_wait3A_820 = arith.constant 0 : i32
      %dma_wait3A_821 = tpu.memref_slice %arg8[%dma_wait3A_819, %dma_wait3A_820] : memref<10112x128xf32, #tpu.memory_space<vmem_shared>> -> memref<10112x128xf32, #tpu.memory_space<vmem_shared>>
      tpu.wait_indirect_dma semaphore(%arg11 : memref<!tpu.dma_semaphore, #tpu.memory_space<semaphore_mem>>) src(%dma_wait3A_811 : memref<128x128xf32, #tpu.memory_space<vmem>>) dst(%dma_wait3A_821 : memref<10112x128xf32, #tpu.memory_space<vmem_shared>>)
      %dma_start3A_822 = arith.constant 12 : i32
      %dma_start3A_823 = arith.constant 0 : i32
      %dma_start3A_824 = arith.constant 0 : i32
      %dma_start3A_825 = arith.constant 0 : i32
      %dma_start3A_826 = tpu.memref_slice %arg7[%dma_start3A_823, %dma_start3A_824, %dma_start3A_825] : memref<2x128x128xf32, #tpu.memory_space<vmem>> -> memref<1x128x128xf32, #tpu.memory_space<vmem>>
      %dma_start3A_827 = tpu.memref_squeeze %dma_start3A_826 : memref<1x128x128xf32, #tpu.memory_space<vmem>> -> memref<128x128xf32, #tpu.memory_space<vmem>>
      %dma_start3A_828 = arith.constant 0 : i32
      %dma_start3A_829 = arith.constant 0 : i32
      %dma_start3A_830 = tpu.memref_slice %arg6[%scan3A, %dma_start3A_828, %dma_start3A_829] : memref<2x16x128xi32, #tpu.memory_space<vmem>> -> memref<1x16x128xi32, #tpu.memory_space<vmem>>
      %dma_start3A_831 = tpu.memref_squeeze %dma_start3A_830 : memref<1x16x128xi32, #tpu.memory_space<vmem>> -> memref<16x128xi32, #tpu.memory_space<vmem>>
      %dma_start3A_832 = arith.constant 0 : i32
      %dma_start3A_833 = tpu.memref_slice %dma_start3A_831[%dma_start3A_822, %dma_start3A_832] : memref<16x128xi32, #tpu.memory_space<vmem>> -> memref<1x128xi32, #tpu.memory_space<vmem>>
      %dma_start3A_834 = tpu.memref_squeeze %dma_start3A_833 : memref<1x128xi32, #tpu.memory_space<vmem>> -> memref<128xi32, #tpu.memory_space<vmem>>
      %dma_start3A_835 = arith.constant 0 : i32
      %dma_start3A_836 = arith.constant 0 : i32
      %dma_start3A_837 = tpu.memref_slice %arg2[%arg0, %dma_start3A_835, %dma_start3A_836] : memref<2x10000x128xf32, #tpu.memory_space<hbm>> -> memref<1x10000x128xf32, #tpu.memory_space<hbm>>
      %dma_start3A_838 = tpu.memref_squeeze %dma_start3A_837 : memref<1x10000x128xf32, #tpu.memory_space<hbm>> -> memref<10000x128xf32, #tpu.memory_space<hbm>>
      %dma_start3A_839 = arith.constant 0 : i32
      %dma_start3A_840 = arith.constant 0 : i32
      %dma_start3A_841 = tpu.memref_slice %dma_start3A_838[%dma_start3A_839, %dma_start3A_840] : memref<10000x128xf32, #tpu.memory_space<hbm>> -> memref<10000x128xf32, #tpu.memory_space<hbm>>
      tpu.enqueue_indirect_dma source(%dma_start3A_841 : memref<10000x128xf32, #tpu.memory_space<hbm>>) target(%dma_start3A_827 : memref<128x128xf32, #tpu.memory_space<vmem>>) offsets(%dma_start3A_834 : memref<128xi32, #tpu.memory_space<vmem>>) semaphore(%arg9 : memref<!tpu.dma_semaphore, #tpu.memory_space<semaphore_mem>>)
      %dma_wait3A_842 = arith.constant 11 : i32
      %dma_wait3A_843 = arith.constant 1 : i32
      %dma_wait3A_844 = arith.constant 0 : i32
      %dma_wait3A_845 = arith.constant 0 : i32
      %dma_wait3A_846 = tpu.memref_slice %arg7[%dma_wait3A_843, %dma_wait3A_844, %dma_wait3A_845] : memref<2x128x128xf32, #tpu.memory_space<vmem>> -> memref<1x128x128xf32, #tpu.memory_space<vmem>>
      %dma_wait3A_847 = tpu.memref_squeeze %dma_wait3A_846 : memref<1x128x128xf32, #tpu.memory_space<vmem>> -> memref<128x128xf32, #tpu.memory_space<vmem>>
      %dma_wait3A_848 = arith.constant 0 : i32
      %dma_wait3A_849 = arith.constant 0 : i32
      %dma_wait3A_850 = tpu.memref_slice %arg6[%scan3A, %dma_wait3A_848, %dma_wait3A_849] : memref<2x16x128xi32, #tpu.memory_space<vmem>> -> memref<1x16x128xi32, #tpu.memory_space<vmem>>
      %dma_wait3A_851 = tpu.memref_squeeze %dma_wait3A_850 : memref<1x16x128xi32, #tpu.memory_space<vmem>> -> memref<16x128xi32, #tpu.memory_space<vmem>>
      %dma_wait3A_852 = arith.constant 0 : i32
      %dma_wait3A_853 = tpu.memref_slice %dma_wait3A_851[%dma_wait3A_842, %dma_wait3A_852] : memref<16x128xi32, #tpu.memory_space<vmem>> -> memref<1x128xi32, #tpu.memory_space<vmem>>
      %dma_wait3A_854 = tpu.memref_squeeze %dma_wait3A_853 : memref<1x128xi32, #tpu.memory_space<vmem>> -> memref<128xi32, #tpu.memory_space<vmem>>
      %dma_wait3A_855 = arith.constant 0 : i32
      %dma_wait3A_856 = arith.constant 0 : i32
      %dma_wait3A_857 = tpu.memref_slice %arg2[%arg0, %dma_wait3A_855, %dma_wait3A_856] : memref<2x10000x128xf32, #tpu.memory_space<hbm>> -> memref<1x10000x128xf32, #tpu.memory_space<hbm>>
      %dma_wait3A_858 = tpu.memref_squeeze %dma_wait3A_857 : memref<1x10000x128xf32, #tpu.memory_space<hbm>> -> memref<10000x128xf32, #tpu.memory_space<hbm>>
      %dma_wait3A_859 = arith.constant 0 : i32
      %dma_wait3A_860 = arith.constant 0 : i32
      %dma_wait3A_861 = tpu.memref_slice %dma_wait3A_858[%dma_wait3A_859, %dma_wait3A_860] : memref<10000x128xf32, #tpu.memory_space<hbm>> -> memref<10000x128xf32, #tpu.memory_space<hbm>>
      tpu.wait_indirect_dma semaphore(%arg10 : memref<!tpu.dma_semaphore, #tpu.memory_space<semaphore_mem>>) src(%dma_wait3A_861 : memref<10000x128xf32, #tpu.memory_space<hbm>>) dst(%dma_wait3A_847 : memref<128x128xf32, #tpu.memory_space<vmem>>)
      %dma_start3A_862 = arith.constant 1 : i32
      %dma_start3A_863 = arith.constant 11 : i32
      %dma_start3A_864 = arith.constant 0 : i32
      %dma_start3A_865 = arith.constant 0 : i32
      %dma_start3A_866 = tpu.memref_slice %arg7[%dma_start3A_862, %dma_start3A_864, %dma_start3A_865] : memref<2x128x128xf32, #tpu.memory_space<vmem>> -> memref<1x128x128xf32, #tpu.memory_space<vmem>>
      %dma_start3A_867 = tpu.memref_squeeze %dma_start3A_866 : memref<1x128x128xf32, #tpu.memory_space<vmem>> -> memref<128x128xf32, #tpu.memory_space<vmem>>
      %dma_start3A_868 = arith.constant 0 : i32
      %dma_start3A_869 = arith.constant 0 : i32
      %dma_start3A_870 = tpu.memref_slice %arg6[%scan3A_1, %dma_start3A_868, %dma_start3A_869] : memref<2x16x128xi32, #tpu.memory_space<vmem>> -> memref<1x16x128xi32, #tpu.memory_space<vmem>>
      %dma_start3A_871 = tpu.memref_squeeze %dma_start3A_870 : memref<1x16x128xi32, #tpu.memory_space<vmem>> -> memref<16x128xi32, #tpu.memory_space<vmem>>
      %dma_start3A_872 = arith.constant 0 : i32
      %dma_start3A_873 = tpu.memref_slice %dma_start3A_871[%dma_start3A_863, %dma_start3A_872] : memref<16x128xi32, #tpu.memory_space<vmem>> -> memref<1x128xi32, #tpu.memory_space<vmem>>
      %dma_start3A_874 = tpu.memref_squeeze %dma_start3A_873 : memref<1x128xi32, #tpu.memory_space<vmem>> -> memref<128xi32, #tpu.memory_space<vmem>>
      %dma_start3A_875 = arith.constant 0 : i32
      %dma_start3A_876 = arith.constant 0 : i32
      %dma_start3A_877 = tpu.memref_slice %arg8[%dma_start3A_875, %dma_start3A_876] : memref<10112x128xf32, #tpu.memory_space<vmem_shared>> -> memref<10112x128xf32, #tpu.memory_space<vmem_shared>>
      tpu.enqueue_indirect_dma source(%dma_start3A_867 : memref<128x128xf32, #tpu.memory_space<vmem>>) target(%dma_start3A_877 : memref<10112x128xf32, #tpu.memory_space<vmem_shared>>) offsets(%dma_start3A_874 : memref<128xi32, #tpu.memory_space<vmem>>) semaphore(%arg12 : memref<!tpu.dma_semaphore, #tpu.memory_space<semaphore_mem>>) {add = true}
      %dma_wait3A_878 = arith.constant 1 : i32
      %dma_wait3A_879 = arith.constant 11 : i32
      %dma_wait3A_880 = arith.constant 0 : i32
      %dma_wait3A_881 = arith.constant 0 : i32
      %dma_wait3A_882 = tpu.memref_slice %arg7[%dma_wait3A_878, %dma_wait3A_880, %dma_wait3A_881] : memref<2x128x128xf32, #tpu.memory_space<vmem>> -> memref<1x128x128xf32, #tpu.memory_space<vmem>>
      %dma_wait3A_883 = tpu.memref_squeeze %dma_wait3A_882 : memref<1x128x128xf32, #tpu.memory_space<vmem>> -> memref<128x128xf32, #tpu.memory_space<vmem>>
      %dma_wait3A_884 = arith.constant 0 : i32
      %dma_wait3A_885 = arith.constant 0 : i32
      %dma_wait3A_886 = tpu.memref_slice %arg6[%scan3A_1, %dma_wait3A_884, %dma_wait3A_885] : memref<2x16x128xi32, #tpu.memory_space<vmem>> -> memref<1x16x128xi32, #tpu.memory_space<vmem>>
      %dma_wait3A_887 = tpu.memref_squeeze %dma_wait3A_886 : memref<1x16x128xi32, #tpu.memory_space<vmem>> -> memref<16x128xi32, #tpu.memory_space<vmem>>
      %dma_wait3A_888 = arith.constant 0 : i32
      %dma_wait3A_889 = tpu.memref_slice %dma_wait3A_887[%dma_wait3A_879, %dma_wait3A_888] : memref<16x128xi32, #tpu.memory_space<vmem>> -> memref<1x128xi32, #tpu.memory_space<vmem>>
      %dma_wait3A_890 = tpu.memref_squeeze %dma_wait3A_889 : memref<1x128xi32, #tpu.memory_space<vmem>> -> memref<128xi32, #tpu.memory_space<vmem>>
      %dma_wait3A_891 = arith.constant 0 : i32
      %dma_wait3A_892 = arith.constant 0 : i32
      %dma_wait3A_893 = tpu.memref_slice %arg8[%dma_wait3A_891, %dma_wait3A_892] : memref<10112x128xf32, #tpu.memory_space<vmem_shared>> -> memref<10112x128xf32, #tpu.memory_space<vmem_shared>>
      tpu.wait_indirect_dma semaphore(%arg12 : memref<!tpu.dma_semaphore, #tpu.memory_space<semaphore_mem>>) src(%dma_wait3A_883 : memref<128x128xf32, #tpu.memory_space<vmem>>) dst(%dma_wait3A_893 : memref<10112x128xf32, #tpu.memory_space<vmem_shared>>)
      %dma_start3A_894 = arith.constant 13 : i32
      %dma_start3A_895 = arith.constant 1 : i32
      %dma_start3A_896 = arith.constant 0 : i32
      %dma_start3A_897 = arith.constant 0 : i32
      %dma_start3A_898 = tpu.memref_slice %arg7[%dma_start3A_895, %dma_start3A_896, %dma_start3A_897] : memref<2x128x128xf32, #tpu.memory_space<vmem>> -> memref<1x128x128xf32, #tpu.memory_space<vmem>>
      %dma_start3A_899 = tpu.memref_squeeze %dma_start3A_898 : memref<1x128x128xf32, #tpu.memory_space<vmem>> -> memref<128x128xf32, #tpu.memory_space<vmem>>
      %dma_start3A_900 = arith.constant 0 : i32
      %dma_start3A_901 = arith.constant 0 : i32
      %dma_start3A_902 = tpu.memref_slice %arg6[%scan3A, %dma_start3A_900, %dma_start3A_901] : memref<2x16x128xi32, #tpu.memory_space<vmem>> -> memref<1x16x128xi32, #tpu.memory_space<vmem>>
      %dma_start3A_903 = tpu.memref_squeeze %dma_start3A_902 : memref<1x16x128xi32, #tpu.memory_space<vmem>> -> memref<16x128xi32, #tpu.memory_space<vmem>>
      %dma_start3A_904 = arith.constant 0 : i32
      %dma_start3A_905 = tpu.memref_slice %dma_start3A_903[%dma_start3A_894, %dma_start3A_904] : memref<16x128xi32, #tpu.memory_space<vmem>> -> memref<1x128xi32, #tpu.memory_space<vmem>>
      %dma_start3A_906 = tpu.memref_squeeze %dma_start3A_905 : memref<1x128xi32, #tpu.memory_space<vmem>> -> memref<128xi32, #tpu.memory_space<vmem>>
      %dma_start3A_907 = arith.constant 0 : i32
      %dma_start3A_908 = arith.constant 0 : i32
      %dma_start3A_909 = tpu.memref_slice %arg2[%arg0, %dma_start3A_907, %dma_start3A_908] : memref<2x10000x128xf32, #tpu.memory_space<hbm>> -> memref<1x10000x128xf32, #tpu.memory_space<hbm>>
      %dma_start3A_910 = tpu.memref_squeeze %dma_start3A_909 : memref<1x10000x128xf32, #tpu.memory_space<hbm>> -> memref<10000x128xf32, #tpu.memory_space<hbm>>
      %dma_start3A_911 = arith.constant 0 : i32
      %dma_start3A_912 = arith.constant 0 : i32
      %dma_start3A_913 = tpu.memref_slice %dma_start3A_910[%dma_start3A_911, %dma_start3A_912] : memref<10000x128xf32, #tpu.memory_space<hbm>> -> memref<10000x128xf32, #tpu.memory_space<hbm>>
      tpu.enqueue_indirect_dma source(%dma_start3A_913 : memref<10000x128xf32, #tpu.memory_space<hbm>>) target(%dma_start3A_899 : memref<128x128xf32, #tpu.memory_space<vmem>>) offsets(%dma_start3A_906 : memref<128xi32, #tpu.memory_space<vmem>>) semaphore(%arg10 : memref<!tpu.dma_semaphore, #tpu.memory_space<semaphore_mem>>)
      %dma_wait3A_914 = arith.constant 12 : i32
      %dma_wait3A_915 = arith.constant 0 : i32
      %dma_wait3A_916 = arith.constant 0 : i32
      %dma_wait3A_917 = arith.constant 0 : i32
      %dma_wait3A_918 = tpu.memref_slice %arg7[%dma_wait3A_915, %dma_wait3A_916, %dma_wait3A_917] : memref<2x128x128xf32, #tpu.memory_space<vmem>> -> memref<1x128x128xf32, #tpu.memory_space<vmem>>
      %dma_wait3A_919 = tpu.memref_squeeze %dma_wait3A_918 : memref<1x128x128xf32, #tpu.memory_space<vmem>> -> memref<128x128xf32, #tpu.memory_space<vmem>>
      %dma_wait3A_920 = arith.constant 0 : i32
      %dma_wait3A_921 = arith.constant 0 : i32
      %dma_wait3A_922 = tpu.memref_slice %arg6[%scan3A, %dma_wait3A_920, %dma_wait3A_921] : memref<2x16x128xi32, #tpu.memory_space<vmem>> -> memref<1x16x128xi32, #tpu.memory_space<vmem>>
      %dma_wait3A_923 = tpu.memref_squeeze %dma_wait3A_922 : memref<1x16x128xi32, #tpu.memory_space<vmem>> -> memref<16x128xi32, #tpu.memory_space<vmem>>
      %dma_wait3A_924 = arith.constant 0 : i32
      %dma_wait3A_925 = tpu.memref_slice %dma_wait3A_923[%dma_wait3A_914, %dma_wait3A_924] : memref<16x128xi32, #tpu.memory_space<vmem>> -> memref<1x128xi32, #tpu.memory_space<vmem>>
      %dma_wait3A_926 = tpu.memref_squeeze %dma_wait3A_925 : memref<1x128xi32, #tpu.memory_space<vmem>> -> memref<128xi32, #tpu.memory_space<vmem>>
      %dma_wait3A_927 = arith.constant 0 : i32
      %dma_wait3A_928 = arith.constant 0 : i32
      %dma_wait3A_929 = tpu.memref_slice %arg2[%arg0, %dma_wait3A_927, %dma_wait3A_928] : memref<2x10000x128xf32, #tpu.memory_space<hbm>> -> memref<1x10000x128xf32, #tpu.memory_space<hbm>>
      %dma_wait3A_930 = tpu.memref_squeeze %dma_wait3A_929 : memref<1x10000x128xf32, #tpu.memory_space<hbm>> -> memref<10000x128xf32, #tpu.memory_space<hbm>>
      %dma_wait3A_931 = arith.constant 0 : i32
      %dma_wait3A_932 = arith.constant 0 : i32
      %dma_wait3A_933 = tpu.memref_slice %dma_wait3A_930[%dma_wait3A_931, %dma_wait3A_932] : memref<10000x128xf32, #tpu.memory_space<hbm>> -> memref<10000x128xf32, #tpu.memory_space<hbm>>
      tpu.wait_indirect_dma semaphore(%arg9 : memref<!tpu.dma_semaphore, #tpu.memory_space<semaphore_mem>>) src(%dma_wait3A_933 : memref<10000x128xf32, #tpu.memory_space<hbm>>) dst(%dma_wait3A_919 : memref<128x128xf32, #tpu.memory_space<vmem>>)
      %dma_start3A_934 = arith.constant 0 : i32
      %dma_start3A_935 = arith.constant 12 : i32
      %dma_start3A_936 = arith.constant 0 : i32
      %dma_start3A_937 = arith.constant 0 : i32
      %dma_start3A_938 = tpu.memref_slice %arg7[%dma_start3A_934, %dma_start3A_936, %dma_start3A_937] : memref<2x128x128xf32, #tpu.memory_space<vmem>> -> memref<1x128x128xf32, #tpu.memory_space<vmem>>
      %dma_start3A_939 = tpu.memref_squeeze %dma_start3A_938 : memref<1x128x128xf32, #tpu.memory_space<vmem>> -> memref<128x128xf32, #tpu.memory_space<vmem>>
      %dma_start3A_940 = arith.constant 0 : i32
      %dma_start3A_941 = arith.constant 0 : i32
      %dma_start3A_942 = tpu.memref_slice %arg6[%scan3A_1, %dma_start3A_940, %dma_start3A_941] : memref<2x16x128xi32, #tpu.memory_space<vmem>> -> memref<1x16x128xi32, #tpu.memory_space<vmem>>
      %dma_start3A_943 = tpu.memref_squeeze %dma_start3A_942 : memref<1x16x128xi32, #tpu.memory_space<vmem>> -> memref<16x128xi32, #tpu.memory_space<vmem>>
      %dma_start3A_944 = arith.constant 0 : i32
      %dma_start3A_945 = tpu.memref_slice %dma_start3A_943[%dma_start3A_935, %dma_start3A_944] : memref<16x128xi32, #tpu.memory_space<vmem>> -> memref<1x128xi32, #tpu.memory_space<vmem>>
      %dma_start3A_946 = tpu.memref_squeeze %dma_start3A_945 : memref<1x128xi32, #tpu.memory_space<vmem>> -> memref<128xi32, #tpu.memory_space<vmem>>
      %dma_start3A_947 = arith.constant 0 : i32
      %dma_start3A_948 = arith.constant 0 : i32
      %dma_start3A_949 = tpu.memref_slice %arg8[%dma_start3A_947, %dma_start3A_948] : memref<10112x128xf32, #tpu.memory_space<vmem_shared>> -> memref<10112x128xf32, #tpu.memory_space<vmem_shared>>
      tpu.enqueue_indirect_dma source(%dma_start3A_939 : memref<128x128xf32, #tpu.memory_space<vmem>>) target(%dma_start3A_949 : memref<10112x128xf32, #tpu.memory_space<vmem_shared>>) offsets(%dma_start3A_946 : memref<128xi32, #tpu.memory_space<vmem>>) semaphore(%arg11 : memref<!tpu.dma_semaphore, #tpu.memory_space<semaphore_mem>>) {add = true}
      %dma_wait3A_950 = arith.constant 0 : i32
      %dma_wait3A_951 = arith.constant 12 : i32
      %dma_wait3A_952 = arith.constant 0 : i32
      %dma_wait3A_953 = arith.constant 0 : i32
      %dma_wait3A_954 = tpu.memref_slice %arg7[%dma_wait3A_950, %dma_wait3A_952, %dma_wait3A_953] : memref<2x128x128xf32, #tpu.memory_space<vmem>> -> memref<1x128x128xf32, #tpu.memory_space<vmem>>
      %dma_wait3A_955 = tpu.memref_squeeze %dma_wait3A_954 : memref<1x128x128xf32, #tpu.memory_space<vmem>> -> memref<128x128xf32, #tpu.memory_space<vmem>>
      %dma_wait3A_956 = arith.constant 0 : i32
      %dma_wait3A_957 = arith.constant 0 : i32
      %dma_wait3A_958 = tpu.memref_slice %arg6[%scan3A_1, %dma_wait3A_956, %dma_wait3A_957] : memref<2x16x128xi32, #tpu.memory_space<vmem>> -> memref<1x16x128xi32, #tpu.memory_space<vmem>>
      %dma_wait3A_959 = tpu.memref_squeeze %dma_wait3A_958 : memref<1x16x128xi32, #tpu.memory_space<vmem>> -> memref<16x128xi32, #tpu.memory_space<vmem>>
      %dma_wait3A_960 = arith.constant 0 : i32
      %dma_wait3A_961 = tpu.memref_slice %dma_wait3A_959[%dma_wait3A_951, %dma_wait3A_960] : memref<16x128xi32, #tpu.memory_space<vmem>> -> memref<1x128xi32, #tpu.memory_space<vmem>>
      %dma_wait3A_962 = tpu.memref_squeeze %dma_wait3A_961 : memref<1x128xi32, #tpu.memory_space<vmem>> -> memref<128xi32, #tpu.memory_space<vmem>>
      %dma_wait3A_963 = arith.constant 0 : i32
      %dma_wait3A_964 = arith.constant 0 : i32
      %dma_wait3A_965 = tpu.memref_slice %arg8[%dma_wait3A_963, %dma_wait3A_964] : memref<10112x128xf32, #tpu.memory_space<vmem_shared>> -> memref<10112x128xf32, #tpu.memory_space<vmem_shared>>
      tpu.wait_indirect_dma semaphore(%arg11 : memref<!tpu.dma_semaphore, #tpu.memory_space<semaphore_mem>>) src(%dma_wait3A_955 : memref<128x128xf32, #tpu.memory_space<vmem>>) dst(%dma_wait3A_965 : memref<10112x128xf32, #tpu.memory_space<vmem_shared>>)
      %dma_start3A_966 = arith.constant 14 : i32
      %dma_start3A_967 = arith.constant 0 : i32
      %dma_start3A_968 = arith.constant 0 : i32
      %dma_start3A_969 = arith.constant 0 : i32
      %dma_start3A_970 = tpu.memref_slice %arg7[%dma_start3A_967, %dma_start3A_968, %dma_start3A_969] : memref<2x128x128xf32, #tpu.memory_space<vmem>> -> memref<1x128x128xf32, #tpu.memory_space<vmem>>
      %dma_start3A_971 = tpu.memref_squeeze %dma_start3A_970 : memref<1x128x128xf32, #tpu.memory_space<vmem>> -> memref<128x128xf32, #tpu.memory_space<vmem>>
      %dma_start3A_972 = arith.constant 0 : i32
      %dma_start3A_973 = arith.constant 0 : i32
      %dma_start3A_974 = tpu.memref_slice %arg6[%scan3A, %dma_start3A_972, %dma_start3A_973] : memref<2x16x128xi32, #tpu.memory_space<vmem>> -> memref<1x16x128xi32, #tpu.memory_space<vmem>>
      %dma_start3A_975 = tpu.memref_squeeze %dma_start3A_974 : memref<1x16x128xi32, #tpu.memory_space<vmem>> -> memref<16x128xi32, #tpu.memory_space<vmem>>
      %dma_start3A_976 = arith.constant 0 : i32
      %dma_start3A_977 = tpu.memref_slice %dma_start3A_975[%dma_start3A_966, %dma_start3A_976] : memref<16x128xi32, #tpu.memory_space<vmem>> -> memref<1x128xi32, #tpu.memory_space<vmem>>
      %dma_start3A_978 = tpu.memref_squeeze %dma_start3A_977 : memref<1x128xi32, #tpu.memory_space<vmem>> -> memref<128xi32, #tpu.memory_space<vmem>>
      %dma_start3A_979 = arith.constant 0 : i32
      %dma_start3A_980 = arith.constant 0 : i32
      %dma_start3A_981 = tpu.memref_slice %arg2[%arg0, %dma_start3A_979, %dma_start3A_980] : memref<2x10000x128xf32, #tpu.memory_space<hbm>> -> memref<1x10000x128xf32, #tpu.memory_space<hbm>>
      %dma_start3A_982 = tpu.memref_squeeze %dma_start3A_981 : memref<1x10000x128xf32, #tpu.memory_space<hbm>> -> memref<10000x128xf32, #tpu.memory_space<hbm>>
      %dma_start3A_983 = arith.constant 0 : i32
      %dma_start3A_984 = arith.constant 0 : i32
      %dma_start3A_985 = tpu.memref_slice %dma_start3A_982[%dma_start3A_983, %dma_start3A_984] : memref<10000x128xf32, #tpu.memory_space<hbm>> -> memref<10000x128xf32, #tpu.memory_space<hbm>>
      tpu.enqueue_indirect_dma source(%dma_start3A_985 : memref<10000x128xf32, #tpu.memory_space<hbm>>) target(%dma_start3A_971 : memref<128x128xf32, #tpu.memory_space<vmem>>) offsets(%dma_start3A_978 : memref<128xi32, #tpu.memory_space<vmem>>) semaphore(%arg9 : memref<!tpu.dma_semaphore, #tpu.memory_space<semaphore_mem>>)
      %dma_wait3A_986 = arith.constant 13 : i32
      %dma_wait3A_987 = arith.constant 1 : i32
      %dma_wait3A_988 = arith.constant 0 : i32
      %dma_wait3A_989 = arith.constant 0 : i32
      %dma_wait3A_990 = tpu.memref_slice %arg7[%dma_wait3A_987, %dma_wait3A_988, %dma_wait3A_989] : memref<2x128x128xf32, #tpu.memory_space<vmem>> -> memref<1x128x128xf32, #tpu.memory_space<vmem>>
      %dma_wait3A_991 = tpu.memref_squeeze %dma_wait3A_990 : memref<1x128x128xf32, #tpu.memory_space<vmem>> -> memref<128x128xf32, #tpu.memory_space<vmem>>
      %dma_wait3A_992 = arith.constant 0 : i32
      %dma_wait3A_993 = arith.constant 0 : i32
      %dma_wait3A_994 = tpu.memref_slice %arg6[%scan3A, %dma_wait3A_992, %dma_wait3A_993] : memref<2x16x128xi32, #tpu.memory_space<vmem>> -> memref<1x16x128xi32, #tpu.memory_space<vmem>>
      %dma_wait3A_995 = tpu.memref_squeeze %dma_wait3A_994 : memref<1x16x128xi32, #tpu.memory_space<vmem>> -> memref<16x128xi32, #tpu.memory_space<vmem>>
      %dma_wait3A_996 = arith.constant 0 : i32
      %dma_wait3A_997 = tpu.memref_slice %dma_wait3A_995[%dma_wait3A_986, %dma_wait3A_996] : memref<16x128xi32, #tpu.memory_space<vmem>> -> memref<1x128xi32, #tpu.memory_space<vmem>>
      %dma_wait3A_998 = tpu.memref_squeeze %dma_wait3A_997 : memref<1x128xi32, #tpu.memory_space<vmem>> -> memref<128xi32, #tpu.memory_space<vmem>>
      %dma_wait3A_999 = arith.constant 0 : i32
      %dma_wait3A_1000 = arith.constant 0 : i32
      %dma_wait3A_1001 = tpu.memref_slice %arg2[%arg0, %dma_wait3A_999, %dma_wait3A_1000] : memref<2x10000x128xf32, #tpu.memory_space<hbm>> -> memref<1x10000x128xf32, #tpu.memory_space<hbm>>
      %dma_wait3A_1002 = tpu.memref_squeeze %dma_wait3A_1001 : memref<1x10000x128xf32, #tpu.memory_space<hbm>> -> memref<10000x128xf32, #tpu.memory_space<hbm>>
      %dma_wait3A_1003 = arith.constant 0 : i32
      %dma_wait3A_1004 = arith.constant 0 : i32
      %dma_wait3A_1005 = tpu.memref_slice %dma_wait3A_1002[%dma_wait3A_1003, %dma_wait3A_1004] : memref<10000x128xf32, #tpu.memory_space<hbm>> -> memref<10000x128xf32, #tpu.memory_space<hbm>>
      tpu.wait_indirect_dma semaphore(%arg10 : memref<!tpu.dma_semaphore, #tpu.memory_space<semaphore_mem>>) src(%dma_wait3A_1005 : memref<10000x128xf32, #tpu.memory_space<hbm>>) dst(%dma_wait3A_991 : memref<128x128xf32, #tpu.memory_space<vmem>>)
      %dma_start3A_1006 = arith.constant 1 : i32
      %dma_start3A_1007 = arith.constant 13 : i32
      %dma_start3A_1008 = arith.constant 0 : i32
      %dma_start3A_1009 = arith.constant 0 : i32
      %dma_start3A_1010 = tpu.memref_slice %arg7[%dma_start3A_1006, %dma_start3A_1008, %dma_start3A_1009] : memref<2x128x128xf32, #tpu.memory_space<vmem>> -> memref<1x128x128xf32, #tpu.memory_space<vmem>>
      %dma_start3A_1011 = tpu.memref_squeeze %dma_start3A_1010 : memref<1x128x128xf32, #tpu.memory_space<vmem>> -> memref<128x128xf32, #tpu.memory_space<vmem>>
      %dma_start3A_1012 = arith.constant 0 : i32
      %dma_start3A_1013 = arith.constant 0 : i32
      %dma_start3A_1014 = tpu.memref_slice %arg6[%scan3A_1, %dma_start3A_1012, %dma_start3A_1013] : memref<2x16x128xi32, #tpu.memory_space<vmem>> -> memref<1x16x128xi32, #tpu.memory_space<vmem>>
      %dma_start3A_1015 = tpu.memref_squeeze %dma_start3A_1014 : memref<1x16x128xi32, #tpu.memory_space<vmem>> -> memref<16x128xi32, #tpu.memory_space<vmem>>
      %dma_start3A_1016 = arith.constant 0 : i32
      %dma_start3A_1017 = tpu.memref_slice %dma_start3A_1015[%dma_start3A_1007, %dma_start3A_1016] : memref<16x128xi32, #tpu.memory_space<vmem>> -> memref<1x128xi32, #tpu.memory_space<vmem>>
      %dma_start3A_1018 = tpu.memref_squeeze %dma_start3A_1017 : memref<1x128xi32, #tpu.memory_space<vmem>> -> memref<128xi32, #tpu.memory_space<vmem>>
      %dma_start3A_1019 = arith.constant 0 : i32
      %dma_start3A_1020 = arith.constant 0 : i32
      %dma_start3A_1021 = tpu.memref_slice %arg8[%dma_start3A_1019, %dma_start3A_1020] : memref<10112x128xf32, #tpu.memory_space<vmem_shared>> -> memref<10112x128xf32, #tpu.memory_space<vmem_shared>>
      tpu.enqueue_indirect_dma source(%dma_start3A_1011 : memref<128x128xf32, #tpu.memory_space<vmem>>) target(%dma_start3A_1021 : memref<10112x128xf32, #tpu.memory_space<vmem_shared>>) offsets(%dma_start3A_1018 : memref<128xi32, #tpu.memory_space<vmem>>) semaphore(%arg12 : memref<!tpu.dma_semaphore, #tpu.memory_space<semaphore_mem>>) {add = true}
      %dma_wait3A_1022 = arith.constant 1 : i32
      %dma_wait3A_1023 = arith.constant 13 : i32
      %dma_wait3A_1024 = arith.constant 0 : i32
      %dma_wait3A_1025 = arith.constant 0 : i32
      %dma_wait3A_1026 = tpu.memref_slice %arg7[%dma_wait3A_1022, %dma_wait3A_1024, %dma_wait3A_1025] : memref<2x128x128xf32, #tpu.memory_space<vmem>> -> memref<1x128x128xf32, #tpu.memory_space<vmem>>
      %dma_wait3A_1027 = tpu.memref_squeeze %dma_wait3A_1026 : memref<1x128x128xf32, #tpu.memory_space<vmem>> -> memref<128x128xf32, #tpu.memory_space<vmem>>
      %dma_wait3A_1028 = arith.constant 0 : i32
      %dma_wait3A_1029 = arith.constant 0 : i32
      %dma_wait3A_1030 = tpu.memref_slice %arg6[%scan3A_1, %dma_wait3A_1028, %dma_wait3A_1029] : memref<2x16x128xi32, #tpu.memory_space<vmem>> -> memref<1x16x128xi32, #tpu.memory_space<vmem>>
      %dma_wait3A_1031 = tpu.memref_squeeze %dma_wait3A_1030 : memref<1x16x128xi32, #tpu.memory_space<vmem>> -> memref<16x128xi32, #tpu.memory_space<vmem>>
      %dma_wait3A_1032 = arith.constant 0 : i32
      %dma_wait3A_1033 = tpu.memref_slice %dma_wait3A_1031[%dma_wait3A_1023, %dma_wait3A_1032] : memref<16x128xi32, #tpu.memory_space<vmem>> -> memref<1x128xi32, #tpu.memory_space<vmem>>
      %dma_wait3A_1034 = tpu.memref_squeeze %dma_wait3A_1033 : memref<1x128xi32, #tpu.memory_space<vmem>> -> memref<128xi32, #tpu.memory_space<vmem>>
      %dma_wait3A_1035 = arith.constant 0 : i32
      %dma_wait3A_1036 = arith.constant 0 : i32
      %dma_wait3A_1037 = tpu.memref_slice %arg8[%dma_wait3A_1035, %dma_wait3A_1036] : memref<10112x128xf32, #tpu.memory_space<vmem_shared>> -> memref<10112x128xf32, #tpu.memory_space<vmem_shared>>
      tpu.wait_indirect_dma semaphore(%arg12 : memref<!tpu.dma_semaphore, #tpu.memory_space<semaphore_mem>>) src(%dma_wait3A_1027 : memref<128x128xf32, #tpu.memory_space<vmem>>) dst(%dma_wait3A_1037 : memref<10112x128xf32, #tpu.memory_space<vmem_shared>>)
      %dma_start3A_1038 = arith.constant 15 : i32
      %dma_start3A_1039 = arith.constant 1 : i32
      %dma_start3A_1040 = arith.constant 0 : i32
      %dma_start3A_1041 = arith.constant 0 : i32
      %dma_start3A_1042 = tpu.memref_slice %arg7[%dma_start3A_1039, %dma_start3A_1040, %dma_start3A_1041] : memref<2x128x128xf32, #tpu.memory_space<vmem>> -> memref<1x128x128xf32, #tpu.memory_space<vmem>>
      %dma_start3A_1043 = tpu.memref_squeeze %dma_start3A_1042 : memref<1x128x128xf32, #tpu.memory_space<vmem>> -> memref<128x128xf32, #tpu.memory_space<vmem>>
      %dma_start3A_1044 = arith.constant 0 : i32
      %dma_start3A_1045 = arith.constant 0 : i32
      %dma_start3A_1046 = tpu.memref_slice %arg6[%scan3A, %dma_start3A_1044, %dma_start3A_1045] : memref<2x16x128xi32, #tpu.memory_space<vmem>> -> memref<1x16x128xi32, #tpu.memory_space<vmem>>
      %dma_start3A_1047 = tpu.memref_squeeze %dma_start3A_1046 : memref<1x16x128xi32, #tpu.memory_space<vmem>> -> memref<16x128xi32, #tpu.memory_space<vmem>>
      %dma_start3A_1048 = arith.constant 0 : i32
      %dma_start3A_1049 = tpu.memref_slice %dma_start3A_1047[%dma_start3A_1038, %dma_start3A_1048] : memref<16x128xi32, #tpu.memory_space<vmem>> -> memref<1x128xi32, #tpu.memory_space<vmem>>
      %dma_start3A_1050 = tpu.memref_squeeze %dma_start3A_1049 : memref<1x128xi32, #tpu.memory_space<vmem>> -> memref<128xi32, #tpu.memory_space<vmem>>
      %dma_start3A_1051 = arith.constant 0 : i32
      %dma_start3A_1052 = arith.constant 0 : i32
      %dma_start3A_1053 = tpu.memref_slice %arg2[%arg0, %dma_start3A_1051, %dma_start3A_1052] : memref<2x10000x128xf32, #tpu.memory_space<hbm>> -> memref<1x10000x128xf32, #tpu.memory_space<hbm>>
      %dma_start3A_1054 = tpu.memref_squeeze %dma_start3A_1053 : memref<1x10000x128xf32, #tpu.memory_space<hbm>> -> memref<10000x128xf32, #tpu.memory_space<hbm>>
      %dma_start3A_1055 = arith.constant 0 : i32
      %dma_start3A_1056 = arith.constant 0 : i32
      %dma_start3A_1057 = tpu.memref_slice %dma_start3A_1054[%dma_start3A_1055, %dma_start3A_1056] : memref<10000x128xf32, #tpu.memory_space<hbm>> -> memref<10000x128xf32, #tpu.memory_space<hbm>>
      tpu.enqueue_indirect_dma source(%dma_start3A_1057 : memref<10000x128xf32, #tpu.memory_space<hbm>>) target(%dma_start3A_1043 : memref<128x128xf32, #tpu.memory_space<vmem>>) offsets(%dma_start3A_1050 : memref<128xi32, #tpu.memory_space<vmem>>) semaphore(%arg10 : memref<!tpu.dma_semaphore, #tpu.memory_space<semaphore_mem>>)
      %dma_wait3A_1058 = arith.constant 14 : i32
      %dma_wait3A_1059 = arith.constant 0 : i32
      %dma_wait3A_1060 = arith.constant 0 : i32
      %dma_wait3A_1061 = arith.constant 0 : i32
      %dma_wait3A_1062 = tpu.memref_slice %arg7[%dma_wait3A_1059, %dma_wait3A_1060, %dma_wait3A_1061] : memref<2x128x128xf32, #tpu.memory_space<vmem>> -> memref<1x128x128xf32, #tpu.memory_space<vmem>>
      %dma_wait3A_1063 = tpu.memref_squeeze %dma_wait3A_1062 : memref<1x128x128xf32, #tpu.memory_space<vmem>> -> memref<128x128xf32, #tpu.memory_space<vmem>>
      %dma_wait3A_1064 = arith.constant 0 : i32
      %dma_wait3A_1065 = arith.constant 0 : i32
      %dma_wait3A_1066 = tpu.memref_slice %arg6[%scan3A, %dma_wait3A_1064, %dma_wait3A_1065] : memref<2x16x128xi32, #tpu.memory_space<vmem>> -> memref<1x16x128xi32, #tpu.memory_space<vmem>>
      %dma_wait3A_1067 = tpu.memref_squeeze %dma_wait3A_1066 : memref<1x16x128xi32, #tpu.memory_space<vmem>> -> memref<16x128xi32, #tpu.memory_space<vmem>>
      %dma_wait3A_1068 = arith.constant 0 : i32
      %dma_wait3A_1069 = tpu.memref_slice %dma_wait3A_1067[%dma_wait3A_1058, %dma_wait3A_1068] : memref<16x128xi32, #tpu.memory_space<vmem>> -> memref<1x128xi32, #tpu.memory_space<vmem>>
      %dma_wait3A_1070 = tpu.memref_squeeze %dma_wait3A_1069 : memref<1x128xi32, #tpu.memory_space<vmem>> -> memref<128xi32, #tpu.memory_space<vmem>>
      %dma_wait3A_1071 = arith.constant 0 : i32
      %dma_wait3A_1072 = arith.constant 0 : i32
      %dma_wait3A_1073 = tpu.memref_slice %arg2[%arg0, %dma_wait3A_1071, %dma_wait3A_1072] : memref<2x10000x128xf32, #tpu.memory_space<hbm>> -> memref<1x10000x128xf32, #tpu.memory_space<hbm>>
      %dma_wait3A_1074 = tpu.memref_squeeze %dma_wait3A_1073 : memref<1x10000x128xf32, #tpu.memory_space<hbm>> -> memref<10000x128xf32, #tpu.memory_space<hbm>>
      %dma_wait3A_1075 = arith.constant 0 : i32
      %dma_wait3A_1076 = arith.constant 0 : i32
      %dma_wait3A_1077 = tpu.memref_slice %dma_wait3A_1074[%dma_wait3A_1075, %dma_wait3A_1076] : memref<10000x128xf32, #tpu.memory_space<hbm>> -> memref<10000x128xf32, #tpu.memory_space<hbm>>
      tpu.wait_indirect_dma semaphore(%arg9 : memref<!tpu.dma_semaphore, #tpu.memory_space<semaphore_mem>>) src(%dma_wait3A_1077 : memref<10000x128xf32, #tpu.memory_space<hbm>>) dst(%dma_wait3A_1063 : memref<128x128xf32, #tpu.memory_space<vmem>>)
      %dma_start3A_1078 = arith.constant 0 : i32
      %dma_start3A_1079 = arith.constant 14 : i32
      %dma_start3A_1080 = arith.constant 0 : i32
      %dma_start3A_1081 = arith.constant 0 : i32
      %dma_start3A_1082 = tpu.memref_slice %arg7[%dma_start3A_1078, %dma_start3A_1080, %dma_start3A_1081] : memref<2x128x128xf32, #tpu.memory_space<vmem>> -> memref<1x128x128xf32, #tpu.memory_space<vmem>>
      %dma_start3A_1083 = tpu.memref_squeeze %dma_start3A_1082 : memref<1x128x128xf32, #tpu.memory_space<vmem>> -> memref<128x128xf32, #tpu.memory_space<vmem>>
      %dma_start3A_1084 = arith.constant 0 : i32
      %dma_start3A_1085 = arith.constant 0 : i32
      %dma_start3A_1086 = tpu.memref_slice %arg6[%scan3A_1, %dma_start3A_1084, %dma_start3A_1085] : memref<2x16x128xi32, #tpu.memory_space<vmem>> -> memref<1x16x128xi32, #tpu.memory_space<vmem>>
      %dma_start3A_1087 = tpu.memref_squeeze %dma_start3A_1086 : memref<1x16x128xi32, #tpu.memory_space<vmem>> -> memref<16x128xi32, #tpu.memory_space<vmem>>
      %dma_start3A_1088 = arith.constant 0 : i32
      %dma_start3A_1089 = tpu.memref_slice %dma_start3A_1087[%dma_start3A_1079, %dma_start3A_1088] : memref<16x128xi32, #tpu.memory_space<vmem>> -> memref<1x128xi32, #tpu.memory_space<vmem>>
      %dma_start3A_1090 = tpu.memref_squeeze %dma_start3A_1089 : memref<1x128xi32, #tpu.memory_space<vmem>> -> memref<128xi32, #tpu.memory_space<vmem>>
      %dma_start3A_1091 = arith.constant 0 : i32
      %dma_start3A_1092 = arith.constant 0 : i32
      %dma_start3A_1093 = tpu.memref_slice %arg8[%dma_start3A_1091, %dma_start3A_1092] : memref<10112x128xf32, #tpu.memory_space<vmem_shared>> -> memref<10112x128xf32, #tpu.memory_space<vmem_shared>>
      tpu.enqueue_indirect_dma source(%dma_start3A_1083 : memref<128x128xf32, #tpu.memory_space<vmem>>) target(%dma_start3A_1093 : memref<10112x128xf32, #tpu.memory_space<vmem_shared>>) offsets(%dma_start3A_1090 : memref<128xi32, #tpu.memory_space<vmem>>) semaphore(%arg11 : memref<!tpu.dma_semaphore, #tpu.memory_space<semaphore_mem>>) {add = true}
      %dma_wait3A_1094 = arith.constant 15 : i32
      %dma_wait3A_1095 = arith.constant 1 : i32
      %dma_wait3A_1096 = arith.constant 0 : i32
      %dma_wait3A_1097 = arith.constant 0 : i32
      %dma_wait3A_1098 = tpu.memref_slice %arg7[%dma_wait3A_1095, %dma_wait3A_1096, %dma_wait3A_1097] : memref<2x128x128xf32, #tpu.memory_space<vmem>> -> memref<1x128x128xf32, #tpu.memory_space<vmem>>
      %dma_wait3A_1099 = tpu.memref_squeeze %dma_wait3A_1098 : memref<1x128x128xf32, #tpu.memory_space<vmem>> -> memref<128x128xf32, #tpu.memory_space<vmem>>
      %dma_wait3A_1100 = arith.constant 0 : i32
      %dma_wait3A_1101 = arith.constant 0 : i32
      %dma_wait3A_1102 = tpu.memref_slice %arg6[%scan3A, %dma_wait3A_1100, %dma_wait3A_1101] : memref<2x16x128xi32, #tpu.memory_space<vmem>> -> memref<1x16x128xi32, #tpu.memory_space<vmem>>
      %dma_wait3A_1103 = tpu.memref_squeeze %dma_wait3A_1102 : memref<1x16x128xi32, #tpu.memory_space<vmem>> -> memref<16x128xi32, #tpu.memory_space<vmem>>
      %dma_wait3A_1104 = arith.constant 0 : i32
      %dma_wait3A_1105 = tpu.memref_slice %dma_wait3A_1103[%dma_wait3A_1094, %dma_wait3A_1104] : memref<16x128xi32, #tpu.memory_space<vmem>> -> memref<1x128xi32, #tpu.memory_space<vmem>>
      %dma_wait3A_1106 = tpu.memref_squeeze %dma_wait3A_1105 : memref<1x128xi32, #tpu.memory_space<vmem>> -> memref<128xi32, #tpu.memory_space<vmem>>
      %dma_wait3A_1107 = arith.constant 0 : i32
      %dma_wait3A_1108 = arith.constant 0 : i32
      %dma_wait3A_1109 = tpu.memref_slice %arg2[%arg0, %dma_wait3A_1107, %dma_wait3A_1108] : memref<2x10000x128xf32, #tpu.memory_space<hbm>> -> memref<1x10000x128xf32, #tpu.memory_space<hbm>>
      %dma_wait3A_1110 = tpu.memref_squeeze %dma_wait3A_1109 : memref<1x10000x128xf32, #tpu.memory_space<hbm>> -> memref<10000x128xf32, #tpu.memory_space<hbm>>
      %dma_wait3A_1111 = arith.constant 0 : i32
      %dma_wait3A_1112 = arith.constant 0 : i32
      %dma_wait3A_1113 = tpu.memref_slice %dma_wait3A_1110[%dma_wait3A_1111, %dma_wait3A_1112] : memref<10000x128xf32, #tpu.memory_space<hbm>> -> memref<10000x128xf32, #tpu.memory_space<hbm>>
      tpu.wait_indirect_dma semaphore(%arg10 : memref<!tpu.dma_semaphore, #tpu.memory_space<semaphore_mem>>) src(%dma_wait3A_1113 : memref<10000x128xf32, #tpu.memory_space<hbm>>) dst(%dma_wait3A_1099 : memref<128x128xf32, #tpu.memory_space<vmem>>)
      %dma_start3A_1114 = arith.constant 1 : i32
      %dma_start3A_1115 = arith.constant 15 : i32
      %dma_start3A_1116 = arith.constant 0 : i32
      %dma_start3A_1117 = arith.constant 0 : i32
      %dma_start3A_1118 = tpu.memref_slice %arg7[%dma_start3A_1114, %dma_start3A_1116, %dma_start3A_1117] : memref<2x128x128xf32, #tpu.memory_space<vmem>> -> memref<1x128x128xf32, #tpu.memory_space<vmem>>
      %dma_start3A_1119 = tpu.memref_squeeze %dma_start3A_1118 : memref<1x128x128xf32, #tpu.memory_space<vmem>> -> memref<128x128xf32, #tpu.memory_space<vmem>>
      %dma_start3A_1120 = arith.constant 0 : i32
      %dma_start3A_1121 = arith.constant 0 : i32
      %dma_start3A_1122 = tpu.memref_slice %arg6[%scan3A_1, %dma_start3A_1120, %dma_start3A_1121] : memref<2x16x128xi32, #tpu.memory_space<vmem>> -> memref<1x16x128xi32, #tpu.memory_space<vmem>>
      %dma_start3A_1123 = tpu.memref_squeeze %dma_start3A_1122 : memref<1x16x128xi32, #tpu.memory_space<vmem>> -> memref<16x128xi32, #tpu.memory_space<vmem>>
      %dma_start3A_1124 = arith.constant 0 : i32
      %dma_start3A_1125 = tpu.memref_slice %dma_start3A_1123[%dma_start3A_1115, %dma_start3A_1124] : memref<16x128xi32, #tpu.memory_space<vmem>> -> memref<1x128xi32, #tpu.memory_space<vmem>>
      %dma_start3A_1126 = tpu.memref_squeeze %dma_start3A_1125 : memref<1x128xi32, #tpu.memory_space<vmem>> -> memref<128xi32, #tpu.memory_space<vmem>>
      %dma_start3A_1127 = arith.constant 0 : i32
      %dma_start3A_1128 = arith.constant 0 : i32
      %dma_start3A_1129 = tpu.memref_slice %arg8[%dma_start3A_1127, %dma_start3A_1128] : memref<10112x128xf32, #tpu.memory_space<vmem_shared>> -> memref<10112x128xf32, #tpu.memory_space<vmem_shared>>
      tpu.enqueue_indirect_dma source(%dma_start3A_1119 : memref<128x128xf32, #tpu.memory_space<vmem>>) target(%dma_start3A_1129 : memref<10112x128xf32, #tpu.memory_space<vmem_shared>>) offsets(%dma_start3A_1126 : memref<128xi32, #tpu.memory_space<vmem>>) semaphore(%arg12 : memref<!tpu.dma_semaphore, #tpu.memory_space<semaphore_mem>>) {add = true}
      %dma_wait3A_1130 = arith.constant 0 : i32
      %dma_wait3A_1131 = arith.constant 14 : i32
      %dma_wait3A_1132 = arith.constant 0 : i32
      %dma_wait3A_1133 = arith.constant 0 : i32
      %dma_wait3A_1134 = tpu.memref_slice %arg7[%dma_wait3A_1130, %dma_wait3A_1132, %dma_wait3A_1133] : memref<2x128x128xf32, #tpu.memory_space<vmem>> -> memref<1x128x128xf32, #tpu.memory_space<vmem>>
      %dma_wait3A_1135 = tpu.memref_squeeze %dma_wait3A_1134 : memref<1x128x128xf32, #tpu.memory_space<vmem>> -> memref<128x128xf32, #tpu.memory_space<vmem>>
      %dma_wait3A_1136 = arith.constant 0 : i32
      %dma_wait3A_1137 = arith.constant 0 : i32
      %dma_wait3A_1138 = tpu.memref_slice %arg6[%scan3A_1, %dma_wait3A_1136, %dma_wait3A_1137] : memref<2x16x128xi32, #tpu.memory_space<vmem>> -> memref<1x16x128xi32, #tpu.memory_space<vmem>>
      %dma_wait3A_1139 = tpu.memref_squeeze %dma_wait3A_1138 : memref<1x16x128xi32, #tpu.memory_space<vmem>> -> memref<16x128xi32, #tpu.memory_space<vmem>>
      %dma_wait3A_1140 = arith.constant 0 : i32
      %dma_wait3A_1141 = tpu.memref_slice %dma_wait3A_1139[%dma_wait3A_1131, %dma_wait3A_1140] : memref<16x128xi32, #tpu.memory_space<vmem>> -> memref<1x128xi32, #tpu.memory_space<vmem>>
      %dma_wait3A_1142 = tpu.memref_squeeze %dma_wait3A_1141 : memref<1x128xi32, #tpu.memory_space<vmem>> -> memref<128xi32, #tpu.memory_space<vmem>>
      %dma_wait3A_1143 = arith.constant 0 : i32
      %dma_wait3A_1144 = arith.constant 0 : i32
      %dma_wait3A_1145 = tpu.memref_slice %arg8[%dma_wait3A_1143, %dma_wait3A_1144] : memref<10112x128xf32, #tpu.memory_space<vmem_shared>> -> memref<10112x128xf32, #tpu.memory_space<vmem_shared>>
      tpu.wait_indirect_dma semaphore(%arg11 : memref<!tpu.dma_semaphore, #tpu.memory_space<semaphore_mem>>) src(%dma_wait3A_1135 : memref<128x128xf32, #tpu.memory_space<vmem>>) dst(%dma_wait3A_1145 : memref<10112x128xf32, #tpu.memory_space<vmem_shared>>)
      %dma_wait3A_1146 = arith.constant 1 : i32
      %dma_wait3A_1147 = arith.constant 15 : i32
      %dma_wait3A_1148 = arith.constant 0 : i32
      %dma_wait3A_1149 = arith.constant 0 : i32
      %dma_wait3A_1150 = tpu.memref_slice %arg7[%dma_wait3A_1146, %dma_wait3A_1148, %dma_wait3A_1149] : memref<2x128x128xf32, #tpu.memory_space<vmem>> -> memref<1x128x128xf32, #tpu.memory_space<vmem>>
      %dma_wait3A_1151 = tpu.memref_squeeze %dma_wait3A_1150 : memref<1x128x128xf32, #tpu.memory_space<vmem>> -> memref<128x128xf32, #tpu.memory_space<vmem>>
      %dma_wait3A_1152 = arith.constant 0 : i32
      %dma_wait3A_1153 = arith.constant 0 : i32
      %dma_wait3A_1154 = tpu.memref_slice %arg6[%scan3A_1, %dma_wait3A_1152, %dma_wait3A_1153] : memref<2x16x128xi32, #tpu.memory_space<vmem>> -> memref<1x16x128xi32, #tpu.memory_space<vmem>>
      %dma_wait3A_1155 = tpu.memref_squeeze %dma_wait3A_1154 : memref<1x16x128xi32, #tpu.memory_space<vmem>> -> memref<16x128xi32, #tpu.memory_space<vmem>>
      %dma_wait3A_1156 = arith.constant 0 : i32
      %dma_wait3A_1157 = tpu.memref_slice %dma_wait3A_1155[%dma_wait3A_1147, %dma_wait3A_1156] : memref<16x128xi32, #tpu.memory_space<vmem>> -> memref<1x128xi32, #tpu.memory_space<vmem>>
      %dma_wait3A_1158 = tpu.memref_squeeze %dma_wait3A_1157 : memref<1x128xi32, #tpu.memory_space<vmem>> -> memref<128xi32, #tpu.memory_space<vmem>>
      %dma_wait3A_1159 = arith.constant 0 : i32
      %dma_wait3A_1160 = arith.constant 0 : i32
      %dma_wait3A_1161 = tpu.memref_slice %arg8[%dma_wait3A_1159, %dma_wait3A_1160] : memref<10112x128xf32, #tpu.memory_space<vmem_shared>> -> memref<10112x128xf32, #tpu.memory_space<vmem_shared>>
      tpu.wait_indirect_dma semaphore(%arg12 : memref<!tpu.dma_semaphore, #tpu.memory_space<semaphore_mem>>) src(%dma_wait3A_1151 : memref<128x128xf32, #tpu.memory_space<vmem>>) dst(%dma_wait3A_1161 : memref<10112x128xf32, #tpu.memory_space<vmem_shared>>)
    }
    %scan3A_6 = arith.constant 5 : i32
    %barrier3A_7 = arith.constant 0 : index
    tpu.barrier barrier_id(%barrier3A_7)
    "tpu.region"() ({
      %run_scoped3A = tpu.sem_alloc : memref<!tpu.dma_semaphore, #tpu.memory_space<semaphore_mem>>
      %dma_start3A = arith.constant 0 : i32
      %dma_start3A_8 = arith.constant 0 : i32
      %dma_start3A_9 = tpu.memref_slice %arg5[%arg0, %dma_start3A, %dma_start3A_8] : memref<2x10112x128xf32, #tpu.memory_space<hbm>> -> memref<1x10112x128xf32, #tpu.memory_space<hbm>>
      %dma_start3A_10 = tpu.memref_squeeze %dma_start3A_9 : memref<1x10112x128xf32, #tpu.memory_space<hbm>> -> memref<10112x128xf32, #tpu.memory_space<hbm>>
      %dma_start3A_11 = arith.constant 0 : i32
      %dma_start3A_12 = tpu.memref_slice %dma_start3A_10[%mul3A_0, %dma_start3A_11] : memref<10112x128xf32, #tpu.memory_space<hbm>> -> memref<632x128xf32, #tpu.memory_space<hbm>>
      %dma_start3A_13 = arith.constant 0 : i32
      %dma_start3A_14 = tpu.memref_slice %arg8[%mul3A_0, %dma_start3A_13] : memref<10112x128xf32, #tpu.memory_space<vmem_shared>> -> memref<632x128xf32, #tpu.memory_space<vmem_shared>>
      tpu.enqueue_dma source(%dma_start3A_14 : memref<632x128xf32, #tpu.memory_space<vmem_shared>>) target(%dma_start3A_12 : memref<632x128xf32, #tpu.memory_space<hbm>>) target_semaphore(%run_scoped3A : memref<!tpu.dma_semaphore, #tpu.memory_space<semaphore_mem>>)
      %dma_wait3A = arith.constant 0 : i32
      %dma_wait3A_15 = arith.constant 0 : i32
      %dma_wait3A_16 = tpu.memref_slice %arg5[%arg0, %dma_wait3A, %dma_wait3A_15] : memref<2x10112x128xf32, #tpu.memory_space<hbm>> -> memref<1x10112x128xf32, #tpu.memory_space<hbm>>
      %dma_wait3A_17 = tpu.memref_squeeze %dma_wait3A_16 : memref<1x10112x128xf32, #tpu.memory_space<hbm>> -> memref<10112x128xf32, #tpu.memory_space<hbm>>
      %dma_wait3A_18 = arith.constant 0 : i32
      %dma_wait3A_19 = tpu.memref_slice %dma_wait3A_17[%mul3A_0, %dma_wait3A_18] : memref<10112x128xf32, #tpu.memory_space<hbm>> -> memref<632x128xf32, #tpu.memory_space<hbm>>
      %dma_wait3A_20 = arith.constant 0 : i32
      %dma_wait3A_21 = tpu.memref_slice %arg8[%mul3A_0, %dma_wait3A_20] : memref<10112x128xf32, #tpu.memory_space<vmem_shared>> -> memref<632x128xf32, #tpu.memory_space<vmem_shared>>
      tpu.wait_dma2 semaphore(%run_scoped3A : memref<!tpu.dma_semaphore, #tpu.memory_space<semaphore_mem>>) src(%dma_wait3A_21 : memref<632x128xf32, #tpu.memory_space<vmem_shared>>) dst(%dma_wait3A_19 : memref<632x128xf32, #tpu.memory_space<hbm>>)
      tpu.yield
    }) : () -> ()
    return
  }
}

#map = affine_map<(d0, d1) -> (0, 0, 0)>
#map1 = affine_map<(d0, d1) -> (0, 0, 0, 0, 0)>
#map2 = affine_map<(d0, d1) -> (0, 0)>
module attributes {stable_mosaic.version = 14 : i64} {
  func.func @agg_kernel(%arg0: i32, %arg1: i32, %arg2: memref<2x10000x128xf32, #tpu.memory_space<hbm>>, %arg3: memref<16x5x2x16x128xi32, #tpu.memory_space<hbm>>, %arg4: memref<10112x128xf32, #tpu.memory_space<hbm>>, %arg5: memref<2x10112x128xf32, #tpu.memory_space<hbm>>, %arg6: memref<2x16x128xi32, #tpu.memory_space<vmem>>, %arg7: memref<2x128x128xf32, #tpu.memory_space<vmem>>, %arg8: memref<10112x128xf32, #tpu.memory_space<vmem_shared>>, %arg9: memref<!tpu.dma_semaphore, #tpu.memory_space<semaphore_mem>>, %arg10: memref<!tpu.dma_semaphore, #tpu.memory_space<semaphore_mem>>, %arg11: memref<!tpu.dma_semaphore, #tpu.memory_space<semaphore_mem>>, %arg12: memref<!tpu.dma_semaphore, #tpu.memory_space<semaphore_mem>>) attributes {dimension_semantics = [#tpu.dimension_semantics<core_parallel>, #tpu.dimension_semantics<subcore_parallel>], iteration_bounds = array<i64: 2, 16>, scalar_prefetch = 0 : i64, scratch_operands = 7 : i64, tpu.core_type = #tpu.core_type<sc_vector_subcore>, window_params = [{transform_indices = #map}, {transform_indices = #map1}, {transform_indices = #map2}, {transform_indices = #map}]} {
    %mul3A = arith.constant 632 : i32
    %mul3A_0 = arith.muli %arg1, %mul3A : i32
    "tpu.region"() ({
      %run_scoped3A = tpu.sem_alloc : memref<!tpu.dma_semaphore, #tpu.memory_space<semaphore_mem>>
      %dma_start3A = arith.constant 0 : i32
      %dma_start3A_8 = tpu.memref_slice %arg8[%mul3A_0, %dma_start3A] : memref<10112x128xf32, #tpu.memory_space<vmem_shared>> -> memref<632x128xf32, #tpu.memory_space<vmem_shared>>
      %dma_start3A_9 = arith.constant 0 : i32
      %dma_start3A_10 = tpu.memref_slice %arg4[%mul3A_0, %dma_start3A_9] : memref<10112x128xf32, #tpu.memory_space<hbm>> -> memref<632x128xf32, #tpu.memory_space<hbm>>
      tpu.enqueue_dma source(%dma_start3A_10 : memref<632x128xf32, #tpu.memory_space<hbm>>) target(%dma_start3A_8 : memref<632x128xf32, #tpu.memory_space<vmem_shared>>) target_semaphore(%run_scoped3A : memref<!tpu.dma_semaphore, #tpu.memory_space<semaphore_mem>>)
      %dma_wait3A = arith.constant 0 : i32
      %dma_wait3A_11 = tpu.memref_slice %arg8[%mul3A_0, %dma_wait3A] : memref<10112x128xf32, #tpu.memory_space<vmem_shared>> -> memref<632x128xf32, #tpu.memory_space<vmem_shared>>
      %dma_wait3A_12 = arith.constant 0 : i32
      %dma_wait3A_13 = tpu.memref_slice %arg4[%mul3A_0, %dma_wait3A_12] : memref<10112x128xf32, #tpu.memory_space<hbm>> -> memref<632x128xf32, #tpu.memory_space<hbm>>
      tpu.wait_dma2 semaphore(%run_scoped3A : memref<!tpu.dma_semaphore, #tpu.memory_space<semaphore_mem>>) src(%dma_wait3A_13 : memref<632x128xf32, #tpu.memory_space<hbm>>) dst(%dma_wait3A_11 : memref<632x128xf32, #tpu.memory_space<vmem_shared>>)
      tpu.yield
    }) : () -> ()
    %barrier3A = arith.constant 0 : index
    tpu.barrier barrier_id(%barrier3A)
    %scan3A = arith.constant 0 : i32
    %scan3A_1 = arith.constant 1 : i32
    %scan3A_2 = arith.constant 0 : i32
    %scan3A_3 = arith.constant 5 : i32
    %scan3A_4 = arith.addi %scan3A_2, %scan3A_3 : i32
    %scan3A_5 = arith.constant 1 : i32
    scf.for %scan3A_8 = %scan3A_2 to %scan3A_4 step %scan3A_5  : i32 {
      %mul3A_9 = arith.constant 1 : i32
      %mul3A_10 = arith.muli %scan3A_8, %mul3A_9 : i32
      %add3A = arith.constant 0 : i32
      %add3A_11 = arith.addi %add3A, %mul3A_10 : i32
      "tpu.region"() ({
        %run_scoped3A = tpu.sem_alloc : memref<!tpu.dma_semaphore, #tpu.memory_space<semaphore_mem>>
        %dma_start3A_1162 = arith.constant 0 : i32
        %dma_start3A_1163 = arith.constant 0 : i32
        %dma_start3A_1164 = arith.constant 0 : i32
        %dma_start3A_1165 = tpu.memref_slice %arg3[%arg1, %add3A_11, %dma_start3A_1162, %dma_start3A_1163, %dma_start3A_1164] : memref<16x5x2x16x128xi32, #tpu.memory_space<hbm>> -> memref<1x1x2x16x128xi32, #tpu.memory_space<hbm>>
        %dma_start3A_1166 = tpu.memref_squeeze %dma_start3A_1165 : memref<1x1x2x16x128xi32, #tpu.memory_space<hbm>> -> memref<2x16x128xi32, #tpu.memory_space<hbm>>
        %dma_start3A_1167 = arith.constant 0 : i32
        %dma_start3A_1168 = arith.constant 0 : i32
        %dma_start3A_1169 = arith.constant 0 : i32
        %dma_start3A_1170 = tpu.memref_slice %arg3[%arg1, %add3A_11, %dma_start3A_1167, %dma_start3A_1168, %dma_start3A_1169] : memref<16x5x2x16x128xi32, #tpu.memory_space<hbm>> -> memref<1x1x2x16x128xi32, #tpu.memory_space<hbm>>
        %dma_start3A_1171 = tpu.memref_squeeze %dma_start3A_1170 : memref<1x1x2x16x128xi32, #tpu.memory_space<hbm>> -> memref<2x16x128xi32, #tpu.memory_space<hbm>>
        tpu.enqueue_dma source(%dma_start3A_1171 : memref<2x16x128xi32, #tpu.memory_space<hbm>>) target(%arg6 : memref<2x16x128xi32, #tpu.memory_space<vmem>>) target_semaphore(%run_scoped3A : memref<!tpu.dma_semaphore, #tpu.memory_space<semaphore_mem>>)
        %dma_wait3A_1172 = arith.constant 0 : i32
        %dma_wait3A_1173 = arith.constant 0 : i32
        %dma_wait3A_1174 = arith.constant 0 : i32
        %dma_wait3A_1175 = tpu.memref_slice %arg3[%arg1, %add3A_11, %dma_wait3A_1172, %dma_wait3A_1173, %dma_wait3A_1174] : memref<16x5x2x16x128xi32, #tpu.memory_space<hbm>> -> memref<1x1x2x16x128xi32, #tpu.memory_space<hbm>>
        %dma_wait3A_1176 = tpu.memref_squeeze %dma_wait3A_1175 : memref<1x1x2x16x128xi32, #tpu.memory_space<hbm>> -> memref<2x16x128xi32, #tpu.memory_space<hbm>>
        %dma_wait3A_1177 = arith.constant 0 : i32
        %dma_wait3A_1178 = arith.constant 0 : i32
        %dma_wait3A_1179 = arith.constant 0 : i32
        %dma_wait3A_1180 = tpu.memref_slice %arg3[%arg1, %add3A_11, %dma_wait3A_1177, %dma_wait3A_1178, %dma_wait3A_1179] : memref<16x5x2x16x128xi32, #tpu.memory_space<hbm>> -> memref<1x1x2x16x128xi32, #tpu.memory_space<hbm>>
        %dma_wait3A_1181 = tpu.memref_squeeze %dma_wait3A_1180 : memref<1x1x2x16x128xi32, #tpu.memory_space<hbm>> -> memref<2x16x128xi32, #tpu.memory_space<hbm>>
        tpu.wait_dma2 semaphore(%run_scoped3A : memref<!tpu.dma_semaphore, #tpu.memory_space<semaphore_mem>>) src(%dma_wait3A_1181 : memref<2x16x128xi32, #tpu.memory_space<hbm>>) dst(%arg6 : memref<2x16x128xi32, #tpu.memory_space<vmem>>)
        tpu.yield
      }) : () -> ()
      %dma_start3A = arith.constant 0 : i32
      %dma_start3A_12 = arith.constant 0 : i32
      %dma_start3A_13 = arith.constant 0 : i32
      %dma_start3A_14 = arith.constant 0 : i32
      %dma_start3A_15 = tpu.memref_slice %arg7[%dma_start3A_12, %dma_start3A_13, %dma_start3A_14] : memref<2x128x128xf32, #tpu.memory_space<vmem>> -> memref<1x128x128xf32, #tpu.memory_space<vmem>>
      %dma_start3A_16 = tpu.memref_squeeze %dma_start3A_15 : memref<1x128x128xf32, #tpu.memory_space<vmem>> -> memref<128x128xf32, #tpu.memory_space<vmem>>
      %dma_start3A_17 = arith.constant 0 : i32
      %dma_start3A_18 = arith.constant 0 : i32
      %dma_start3A_19 = tpu.memref_slice %arg6[%scan3A, %dma_start3A_17, %dma_start3A_18] : memref<2x16x128xi32, #tpu.memory_space<vmem>> -> memref<1x16x128xi32, #tpu.memory_space<vmem>>
      %dma_start3A_20 = tpu.memref_squeeze %dma_start3A_19 : memref<1x16x128xi32, #tpu.memory_space<vmem>> -> memref<16x128xi32, #tpu.memory_space<vmem>>
      %dma_start3A_21 = arith.constant 0 : i32
      %dma_start3A_22 = tpu.memref_slice %dma_start3A_20[%dma_start3A, %dma_start3A_21] : memref<16x128xi32, #tpu.memory_space<vmem>> -> memref<1x128xi32, #tpu.memory_space<vmem>>
      %dma_start3A_23 = tpu.memref_squeeze %dma_start3A_22 : memref<1x128xi32, #tpu.memory_space<vmem>> -> memref<128xi32, #tpu.memory_space<vmem>>
      %dma_start3A_24 = arith.constant 0 : i32
      %dma_start3A_25 = arith.constant 0 : i32
      %dma_start3A_26 = tpu.memref_slice %arg2[%arg0, %dma_start3A_24, %dma_start3A_25] : memref<2x10000x128xf32, #tpu.memory_space<hbm>> -> memref<1x10000x128xf32, #tpu.memory_space<hbm>>
      %dma_start3A_27 = tpu.memref_squeeze %dma_start3A_26 : memref<1x10000x128xf32, #tpu.memory_space<hbm>> -> memref<10000x128xf32, #tpu.memory_space<hbm>>
      %dma_start3A_28 = arith.constant 0 : i32
      %dma_start3A_29 = arith.constant 0 : i32
      %dma_start3A_30 = tpu.memref_slice %dma_start3A_27[%dma_start3A_28, %dma_start3A_29] : memref<10000x128xf32, #tpu.memory_space<hbm>> -> memref<10000x128xf32, #tpu.memory_space<hbm>>
      tpu.enqueue_indirect_dma source(%dma_start3A_30 : memref<10000x128xf32, #tpu.memory_space<hbm>>) target(%dma_start3A_16 : memref<128x128xf32, #tpu.memory_space<vmem>>) offsets(%dma_start3A_23 : memref<128xi32, #tpu.memory_space<vmem>>) semaphore(%arg9 : memref<!tpu.dma_semaphore, #tpu.memory_space<semaphore_mem>>)
      %dma_start3A_31 = arith.constant 1 : i32
      %dma_start3A_32 = arith.constant 1 : i32
      %dma_start3A_33 = arith.constant 0 : i32
      %dma_start3A_34 = arith.constant 0 : i32
      %dma_start3A_35 = tpu.memref_slice %arg7[%dma_start3A_32, %dma_start3A_33, %dma_start3A_34] : memref<2x128x128xf32, #tpu.memory_space<vmem>> -> memref<1x128x128xf32, #tpu.memory_space<vmem>>
      %dma_start3A_36 = tpu.memref_squeeze %dma_start3A_35 : memref<1x128x128xf32, #tpu.memory_space<vmem>> -> memref<128x128xf32, #tpu.memory_space<vmem>>
      %dma_start3A_37 = arith.constant 0 : i32
      %dma_start3A_38 = arith.constant 0 : i32
      %dma_start3A_39 = tpu.memref_slice %arg6[%scan3A, %dma_start3A_37, %dma_start3A_38] : memref<2x16x128xi32, #tpu.memory_space<vmem>> -> memref<1x16x128xi32, #tpu.memory_space<vmem>>
      %dma_start3A_40 = tpu.memref_squeeze %dma_start3A_39 : memref<1x16x128xi32, #tpu.memory_space<vmem>> -> memref<16x128xi32, #tpu.memory_space<vmem>>
      %dma_start3A_41 = arith.constant 0 : i32
      %dma_start3A_42 = tpu.memref_slice %dma_start3A_40[%dma_start3A_31, %dma_start3A_41] : memref<16x128xi32, #tpu.memory_space<vmem>> -> memref<1x128xi32, #tpu.memory_space<vmem>>
      %dma_start3A_43 = tpu.memref_squeeze %dma_start3A_42 : memref<1x128xi32, #tpu.memory_space<vmem>> -> memref<128xi32, #tpu.memory_space<vmem>>
      %dma_start3A_44 = arith.constant 0 : i32
      %dma_start3A_45 = arith.constant 0 : i32
      %dma_start3A_46 = tpu.memref_slice %arg2[%arg0, %dma_start3A_44, %dma_start3A_45] : memref<2x10000x128xf32, #tpu.memory_space<hbm>> -> memref<1x10000x128xf32, #tpu.memory_space<hbm>>
      %dma_start3A_47 = tpu.memref_squeeze %dma_start3A_46 : memref<1x10000x128xf32, #tpu.memory_space<hbm>> -> memref<10000x128xf32, #tpu.memory_space<hbm>>
      %dma_start3A_48 = arith.constant 0 : i32
      %dma_start3A_49 = arith.constant 0 : i32
      %dma_start3A_50 = tpu.memref_slice %dma_start3A_47[%dma_start3A_48, %dma_start3A_49] : memref<10000x128xf32, #tpu.memory_space<hbm>> -> memref<10000x128xf32, #tpu.memory_space<hbm>>
      tpu.enqueue_indirect_dma source(%dma_start3A_50 : memref<10000x128xf32, #tpu.memory_space<hbm>>) target(%dma_start3A_36 : memref<128x128xf32, #tpu.memory_space<vmem>>) offsets(%dma_start3A_43 : memref<128xi32, #tpu.memory_space<vmem>>) semaphore(%arg10 : memref<!tpu.dma_semaphore, #tpu.memory_space<semaphore_mem>>)
      %dma_wait3A = arith.constant 0 : i32
      %dma_wait3A_51 = arith.constant 0 : i32
      %dma_wait3A_52 = arith.constant 0 : i32
      %dma_wait3A_53 = arith.constant 0 : i32
      %dma_wait3A_54 = tpu.memref_slice %arg7[%dma_wait3A_51, %dma_wait3A_52, %dma_wait3A_53] : memref<2x128x128xf32, #tpu.memory_space<vmem>> -> memref<1x128x128xf32, #tpu.memory_space<vmem>>
      %dma_wait3A_55 = tpu.memref_squeeze %dma_wait3A_54 : memref<1x128x128xf32, #tpu.memory_space<vmem>> -> memref<128x128xf32, #tpu.memory_space<vmem>>
      %dma_wait3A_56 = arith.constant 0 : i32
      %dma_wait3A_57 = arith.constant 0 : i32
      %dma_wait3A_58 = tpu.memref_slice %arg6[%scan3A, %dma_wait3A_56, %dma_wait3A_57] : memref<2x16x128xi32, #tpu.memory_space<vmem>> -> memref<1x16x128xi32, #tpu.memory_space<vmem>>
      %dma_wait3A_59 = tpu.memref_squeeze %dma_wait3A_58 : memref<1x16x128xi32, #tpu.memory_space<vmem>> -> memref<16x128xi32, #tpu.memory_space<vmem>>
      %dma_wait3A_60 = arith.constant 0 : i32
      %dma_wait3A_61 = tpu.memref_slice %dma_wait3A_59[%dma_wait3A, %dma_wait3A_60] : memref<16x128xi32, #tpu.memory_space<vmem>> -> memref<1x128xi32, #tpu.memory_space<vmem>>
      %dma_wait3A_62 = tpu.memref_squeeze %dma_wait3A_61 : memref<1x128xi32, #tpu.memory_space<vmem>> -> memref<128xi32, #tpu.memory_space<vmem>>
      %dma_wait3A_63 = arith.constant 0 : i32
      %dma_wait3A_64 = arith.constant 0 : i32
      %dma_wait3A_65 = tpu.memref_slice %arg2[%arg0, %dma_wait3A_63, %dma_wait3A_64] : memref<2x10000x128xf32, #tpu.memory_space<hbm>> -> memref<1x10000x128xf32, #tpu.memory_space<hbm>>
      %dma_wait3A_66 = tpu.memref_squeeze %dma_wait3A_65 : memref<1x10000x128xf32, #tpu.memory_space<hbm>> -> memref<10000x128xf32, #tpu.memory_space<hbm>>
      %dma_wait3A_67 = arith.constant 0 : i32
      %dma_wait3A_68 = arith.constant 0 : i32
      %dma_wait3A_69 = tpu.memref_slice %dma_wait3A_66[%dma_wait3A_67, %dma_wait3A_68] : memref<10000x128xf32, #tpu.memory_space<hbm>> -> memref<10000x128xf32, #tpu.memory_space<hbm>>
      tpu.wait_indirect_dma semaphore(%arg9 : memref<!tpu.dma_semaphore, #tpu.memory_space<semaphore_mem>>) src(%dma_wait3A_69 : memref<10000x128xf32, #tpu.memory_space<hbm>>) dst(%dma_wait3A_55 : memref<128x128xf32, #tpu.memory_space<vmem>>)
      %dma_start3A_70 = arith.constant 0 : i32
      %dma_start3A_71 = arith.constant 0 : i32
      %dma_start3A_72 = arith.constant 0 : i32
      %dma_start3A_73 = arith.constant 0 : i32
      %dma_start3A_74 = tpu.memref_slice %arg7[%dma_start3A_70, %dma_start3A_72, %dma_start3A_73] : memref<2x128x128xf32, #tpu.memory_space<vmem>> -> memref<1x128x128xf32, #tpu.memory_space<vmem>>
      %dma_start3A_75 = tpu.memref_squeeze %dma_start3A_74 : memref<1x128x128xf32, #tpu.memory_space<vmem>> -> memref<128x128xf32, #tpu.memory_space<vmem>>
      %dma_start3A_76 = arith.constant 0 : i32
      %dma_start3A_77 = arith.constant 0 : i32
      %dma_start3A_78 = tpu.memref_slice %arg6[%scan3A_1, %dma_start3A_76, %dma_start3A_77] : memref<2x16x128xi32, #tpu.memory_space<vmem>> -> memref<1x16x128xi32, #tpu.memory_space<vmem>>
      %dma_start3A_79 = tpu.memref_squeeze %dma_start3A_78 : memref<1x16x128xi32, #tpu.memory_space<vmem>> -> memref<16x128xi32, #tpu.memory_space<vmem>>
      %dma_start3A_80 = arith.constant 0 : i32
      %dma_start3A_81 = tpu.memref_slice %dma_start3A_79[%dma_start3A_71, %dma_start3A_80] : memref<16x128xi32, #tpu.memory_space<vmem>> -> memref<1x128xi32, #tpu.memory_space<vmem>>
      %dma_start3A_82 = tpu.memref_squeeze %dma_start3A_81 : memref<1x128xi32, #tpu.memory_space<vmem>> -> memref<128xi32, #tpu.memory_space<vmem>>
      %dma_start3A_83 = arith.constant 0 : i32
      %dma_start3A_84 = arith.constant 0 : i32
      %dma_start3A_85 = tpu.memref_slice %arg8[%dma_start3A_83, %dma_start3A_84] : memref<10112x128xf32, #tpu.memory_space<vmem_shared>> -> memref<10112x128xf32, #tpu.memory_space<vmem_shared>>
      tpu.enqueue_indirect_dma source(%dma_start3A_75 : memref<128x128xf32, #tpu.memory_space<vmem>>) target(%dma_start3A_85 : memref<10112x128xf32, #tpu.memory_space<vmem_shared>>) offsets(%dma_start3A_82 : memref<128xi32, #tpu.memory_space<vmem>>) semaphore(%arg11 : memref<!tpu.dma_semaphore, #tpu.memory_space<semaphore_mem>>) {add = true}
      %dma_wait3A_86 = arith.constant 0 : i32
      %dma_wait3A_87 = arith.constant 0 : i32
      %dma_wait3A_88 = arith.constant 0 : i32
      %dma_wait3A_89 = arith.constant 0 : i32
      %dma_wait3A_90 = tpu.memref_slice %arg7[%dma_wait3A_86, %dma_wait3A_88, %dma_wait3A_89] : memref<2x128x128xf32, #tpu.memory_space<vmem>> -> memref<1x128x128xf32, #tpu.memory_space<vmem>>
      %dma_wait3A_91 = tpu.memref_squeeze %dma_wait3A_90 : memref<1x128x128xf32, #tpu.memory_space<vmem>> -> memref<128x128xf32, #tpu.memory_space<vmem>>
      %dma_wait3A_92 = arith.constant 0 : i32
      %dma_wait3A_93 = arith.constant 0 : i32
      %dma_wait3A_94 = tpu.memref_slice %arg6[%scan3A_1, %dma_wait3A_92, %dma_wait3A_93] : memref<2x16x128xi32, #tpu.memory_space<vmem>> -> memref<1x16x128xi32, #tpu.memory_space<vmem>>
      %dma_wait3A_95 = tpu.memref_squeeze %dma_wait3A_94 : memref<1x16x128xi32, #tpu.memory_space<vmem>> -> memref<16x128xi32, #tpu.memory_space<vmem>>
      %dma_wait3A_96 = arith.constant 0 : i32
      %dma_wait3A_97 = tpu.memref_slice %dma_wait3A_95[%dma_wait3A_87, %dma_wait3A_96] : memref<16x128xi32, #tpu.memory_space<vmem>> -> memref<1x128xi32, #tpu.memory_space<vmem>>
      %dma_wait3A_98 = tpu.memref_squeeze %dma_wait3A_97 : memref<1x128xi32, #tpu.memory_space<vmem>> -> memref<128xi32, #tpu.memory_space<vmem>>
      %dma_wait3A_99 = arith.constant 0 : i32
      %dma_wait3A_100 = arith.constant 0 : i32
      %dma_wait3A_101 = tpu.memref_slice %arg8[%dma_wait3A_99, %dma_wait3A_100] : memref<10112x128xf32, #tpu.memory_space<vmem_shared>> -> memref<10112x128xf32, #tpu.memory_space<vmem_shared>>
      tpu.wait_indirect_dma semaphore(%arg11 : memref<!tpu.dma_semaphore, #tpu.memory_space<semaphore_mem>>) src(%dma_wait3A_91 : memref<128x128xf32, #tpu.memory_space<vmem>>) dst(%dma_wait3A_101 : memref<10112x128xf32, #tpu.memory_space<vmem_shared>>)
      %dma_start3A_102 = arith.constant 2 : i32
      %dma_start3A_103 = arith.constant 0 : i32
      %dma_start3A_104 = arith.constant 0 : i32
      %dma_start3A_105 = arith.constant 0 : i32
      %dma_start3A_106 = tpu.memref_slice %arg7[%dma_start3A_103, %dma_start3A_104, %dma_start3A_105] : memref<2x128x128xf32, #tpu.memory_space<vmem>> -> memref<1x128x128xf32, #tpu.memory_space<vmem>>
      %dma_start3A_107 = tpu.memref_squeeze %dma_start3A_106 : memref<1x128x128xf32, #tpu.memory_space<vmem>> -> memref<128x128xf32, #tpu.memory_space<vmem>>
      %dma_start3A_108 = arith.constant 0 : i32
      %dma_start3A_109 = arith.constant 0 : i32
      %dma_start3A_110 = tpu.memref_slice %arg6[%scan3A, %dma_start3A_108, %dma_start3A_109] : memref<2x16x128xi32, #tpu.memory_space<vmem>> -> memref<1x16x128xi32, #tpu.memory_space<vmem>>
      %dma_start3A_111 = tpu.memref_squeeze %dma_start3A_110 : memref<1x16x128xi32, #tpu.memory_space<vmem>> -> memref<16x128xi32, #tpu.memory_space<vmem>>
      %dma_start3A_112 = arith.constant 0 : i32
      %dma_start3A_113 = tpu.memref_slice %dma_start3A_111[%dma_start3A_102, %dma_start3A_112] : memref<16x128xi32, #tpu.memory_space<vmem>> -> memref<1x128xi32, #tpu.memory_space<vmem>>
      %dma_start3A_114 = tpu.memref_squeeze %dma_start3A_113 : memref<1x128xi32, #tpu.memory_space<vmem>> -> memref<128xi32, #tpu.memory_space<vmem>>
      %dma_start3A_115 = arith.constant 0 : i32
      %dma_start3A_116 = arith.constant 0 : i32
      %dma_start3A_117 = tpu.memref_slice %arg2[%arg0, %dma_start3A_115, %dma_start3A_116] : memref<2x10000x128xf32, #tpu.memory_space<hbm>> -> memref<1x10000x128xf32, #tpu.memory_space<hbm>>
      %dma_start3A_118 = tpu.memref_squeeze %dma_start3A_117 : memref<1x10000x128xf32, #tpu.memory_space<hbm>> -> memref<10000x128xf32, #tpu.memory_space<hbm>>
      %dma_start3A_119 = arith.constant 0 : i32
      %dma_start3A_120 = arith.constant 0 : i32
      %dma_start3A_121 = tpu.memref_slice %dma_start3A_118[%dma_start3A_119, %dma_start3A_120] : memref<10000x128xf32, #tpu.memory_space<hbm>> -> memref<10000x128xf32, #tpu.memory_space<hbm>>
      tpu.enqueue_indirect_dma source(%dma_start3A_121 : memref<10000x128xf32, #tpu.memory_space<hbm>>) target(%dma_start3A_107 : memref<128x128xf32, #tpu.memory_space<vmem>>) offsets(%dma_start3A_114 : memref<128xi32, #tpu.memory_space<vmem>>) semaphore(%arg9 : memref<!tpu.dma_semaphore, #tpu.memory_space<semaphore_mem>>)
      %dma_wait3A_122 = arith.constant 1 : i32
      %dma_wait3A_123 = arith.constant 1 : i32
      %dma_wait3A_124 = arith.constant 0 : i32
      %dma_wait3A_125 = arith.constant 0 : i32
      %dma_wait3A_126 = tpu.memref_slice %arg7[%dma_wait3A_123, %dma_wait3A_124, %dma_wait3A_125] : memref<2x128x128xf32, #tpu.memory_space<vmem>> -> memref<1x128x128xf32, #tpu.memory_space<vmem>>
      %dma_wait3A_127 = tpu.memref_squeeze %dma_wait3A_126 : memref<1x128x128xf32, #tpu.memory_space<vmem>> -> memref<128x128xf32, #tpu.memory_space<vmem>>
      %dma_wait3A_128 = arith.constant 0 : i32
      %dma_wait3A_129 = arith.constant 0 : i32
      %dma_wait3A_130 = tpu.memref_slice %arg6[%scan3A, %dma_wait3A_128, %dma_wait3A_129] : memref<2x16x128xi32, #tpu.memory_space<vmem>> -> memref<1x16x128xi32, #tpu.memory_space<vmem>>
      %dma_wait3A_131 = tpu.memref_squeeze %dma_wait3A_130 : memref<1x16x128xi32, #tpu.memory_space<vmem>> -> memref<16x128xi32, #tpu.memory_space<vmem>>
      %dma_wait3A_132 = arith.constant 0 : i32
      %dma_wait3A_133 = tpu.memref_slice %dma_wait3A_131[%dma_wait3A_122, %dma_wait3A_132] : memref<16x128xi32, #tpu.memory_space<vmem>> -> memref<1x128xi32, #tpu.memory_space<vmem>>
      %dma_wait3A_134 = tpu.memref_squeeze %dma_wait3A_133 : memref<1x128xi32, #tpu.memory_space<vmem>> -> memref<128xi32, #tpu.memory_space<vmem>>
      %dma_wait3A_135 = arith.constant 0 : i32
      %dma_wait3A_136 = arith.constant 0 : i32
      %dma_wait3A_137 = tpu.memref_slice %arg2[%arg0, %dma_wait3A_135, %dma_wait3A_136] : memref<2x10000x128xf32, #tpu.memory_space<hbm>> -> memref<1x10000x128xf32, #tpu.memory_space<hbm>>
      %dma_wait3A_138 = tpu.memref_squeeze %dma_wait3A_137 : memref<1x10000x128xf32, #tpu.memory_space<hbm>> -> memref<10000x128xf32, #tpu.memory_space<hbm>>
      %dma_wait3A_139 = arith.constant 0 : i32
      %dma_wait3A_140 = arith.constant 0 : i32
      %dma_wait3A_141 = tpu.memref_slice %dma_wait3A_138[%dma_wait3A_139, %dma_wait3A_140] : memref<10000x128xf32, #tpu.memory_space<hbm>> -> memref<10000x128xf32, #tpu.memory_space<hbm>>
      tpu.wait_indirect_dma semaphore(%arg10 : memref<!tpu.dma_semaphore, #tpu.memory_space<semaphore_mem>>) src(%dma_wait3A_141 : memref<10000x128xf32, #tpu.memory_space<hbm>>) dst(%dma_wait3A_127 : memref<128x128xf32, #tpu.memory_space<vmem>>)
      %dma_start3A_142 = arith.constant 1 : i32
      %dma_start3A_143 = arith.constant 1 : i32
      %dma_start3A_144 = arith.constant 0 : i32
      %dma_start3A_145 = arith.constant 0 : i32
      %dma_start3A_146 = tpu.memref_slice %arg7[%dma_start3A_142, %dma_start3A_144, %dma_start3A_145] : memref<2x128x128xf32, #tpu.memory_space<vmem>> -> memref<1x128x128xf32, #tpu.memory_space<vmem>>
      %dma_start3A_147 = tpu.memref_squeeze %dma_start3A_146 : memref<1x128x128xf32, #tpu.memory_space<vmem>> -> memref<128x128xf32, #tpu.memory_space<vmem>>
      %dma_start3A_148 = arith.constant 0 : i32
      %dma_start3A_149 = arith.constant 0 : i32
      %dma_start3A_150 = tpu.memref_slice %arg6[%scan3A_1, %dma_start3A_148, %dma_start3A_149] : memref<2x16x128xi32, #tpu.memory_space<vmem>> -> memref<1x16x128xi32, #tpu.memory_space<vmem>>
      %dma_start3A_151 = tpu.memref_squeeze %dma_start3A_150 : memref<1x16x128xi32, #tpu.memory_space<vmem>> -> memref<16x128xi32, #tpu.memory_space<vmem>>
      %dma_start3A_152 = arith.constant 0 : i32
      %dma_start3A_153 = tpu.memref_slice %dma_start3A_151[%dma_start3A_143, %dma_start3A_152] : memref<16x128xi32, #tpu.memory_space<vmem>> -> memref<1x128xi32, #tpu.memory_space<vmem>>
      %dma_start3A_154 = tpu.memref_squeeze %dma_start3A_153 : memref<1x128xi32, #tpu.memory_space<vmem>> -> memref<128xi32, #tpu.memory_space<vmem>>
      %dma_start3A_155 = arith.constant 0 : i32
      %dma_start3A_156 = arith.constant 0 : i32
      %dma_start3A_157 = tpu.memref_slice %arg8[%dma_start3A_155, %dma_start3A_156] : memref<10112x128xf32, #tpu.memory_space<vmem_shared>> -> memref<10112x128xf32, #tpu.memory_space<vmem_shared>>
      tpu.enqueue_indirect_dma source(%dma_start3A_147 : memref<128x128xf32, #tpu.memory_space<vmem>>) target(%dma_start3A_157 : memref<10112x128xf32, #tpu.memory_space<vmem_shared>>) offsets(%dma_start3A_154 : memref<128xi32, #tpu.memory_space<vmem>>) semaphore(%arg12 : memref<!tpu.dma_semaphore, #tpu.memory_space<semaphore_mem>>) {add = true}
      %dma_wait3A_158 = arith.constant 1 : i32
      %dma_wait3A_159 = arith.constant 1 : i32
      %dma_wait3A_160 = arith.constant 0 : i32
      %dma_wait3A_161 = arith.constant 0 : i32
      %dma_wait3A_162 = tpu.memref_slice %arg7[%dma_wait3A_158, %dma_wait3A_160, %dma_wait3A_161] : memref<2x128x128xf32, #tpu.memory_space<vmem>> -> memref<1x128x128xf32, #tpu.memory_space<vmem>>
      %dma_wait3A_163 = tpu.memref_squeeze %dma_wait3A_162 : memref<1x128x128xf32, #tpu.memory_space<vmem>> -> memref<128x128xf32, #tpu.memory_space<vmem>>
      %dma_wait3A_164 = arith.constant 0 : i32
      %dma_wait3A_165 = arith.constant 0 : i32
      %dma_wait3A_166 = tpu.memref_slice %arg6[%scan3A_1, %dma_wait3A_164, %dma_wait3A_165] : memref<2x16x128xi32, #tpu.memory_space<vmem>> -> memref<1x16x128xi32, #tpu.memory_space<vmem>>
      %dma_wait3A_167 = tpu.memref_squeeze %dma_wait3A_166 : memref<1x16x128xi32, #tpu.memory_space<vmem>> -> memref<16x128xi32, #tpu.memory_space<vmem>>
      %dma_wait3A_168 = arith.constant 0 : i32
      %dma_wait3A_169 = tpu.memref_slice %dma_wait3A_167[%dma_wait3A_159, %dma_wait3A_168] : memref<16x128xi32, #tpu.memory_space<vmem>> -> memref<1x128xi32, #tpu.memory_space<vmem>>
      %dma_wait3A_170 = tpu.memref_squeeze %dma_wait3A_169 : memref<1x128xi32, #tpu.memory_space<vmem>> -> memref<128xi32, #tpu.memory_space<vmem>>
      %dma_wait3A_171 = arith.constant 0 : i32
      %dma_wait3A_172 = arith.constant 0 : i32
      %dma_wait3A_173 = tpu.memref_slice %arg8[%dma_wait3A_171, %dma_wait3A_172] : memref<10112x128xf32, #tpu.memory_space<vmem_shared>> -> memref<10112x128xf32, #tpu.memory_space<vmem_shared>>
      tpu.wait_indirect_dma semaphore(%arg12 : memref<!tpu.dma_semaphore, #tpu.memory_space<semaphore_mem>>) src(%dma_wait3A_163 : memref<128x128xf32, #tpu.memory_space<vmem>>) dst(%dma_wait3A_173 : memref<10112x128xf32, #tpu.memory_space<vmem_shared>>)
      %dma_start3A_174 = arith.constant 3 : i32
      %dma_start3A_175 = arith.constant 1 : i32
      %dma_start3A_176 = arith.constant 0 : i32
      %dma_start3A_177 = arith.constant 0 : i32
      %dma_start3A_178 = tpu.memref_slice %arg7[%dma_start3A_175, %dma_start3A_176, %dma_start3A_177] : memref<2x128x128xf32, #tpu.memory_space<vmem>> -> memref<1x128x128xf32, #tpu.memory_space<vmem>>
      %dma_start3A_179 = tpu.memref_squeeze %dma_start3A_178 : memref<1x128x128xf32, #tpu.memory_space<vmem>> -> memref<128x128xf32, #tpu.memory_space<vmem>>
      %dma_start3A_180 = arith.constant 0 : i32
      %dma_start3A_181 = arith.constant 0 : i32
      %dma_start3A_182 = tpu.memref_slice %arg6[%scan3A, %dma_start3A_180, %dma_start3A_181] : memref<2x16x128xi32, #tpu.memory_space<vmem>> -> memref<1x16x128xi32, #tpu.memory_space<vmem>>
      %dma_start3A_183 = tpu.memref_squeeze %dma_start3A_182 : memref<1x16x128xi32, #tpu.memory_space<vmem>> -> memref<16x128xi32, #tpu.memory_space<vmem>>
      %dma_start3A_184 = arith.constant 0 : i32
      %dma_start3A_185 = tpu.memref_slice %dma_start3A_183[%dma_start3A_174, %dma_start3A_184] : memref<16x128xi32, #tpu.memory_space<vmem>> -> memref<1x128xi32, #tpu.memory_space<vmem>>
      %dma_start3A_186 = tpu.memref_squeeze %dma_start3A_185 : memref<1x128xi32, #tpu.memory_space<vmem>> -> memref<128xi32, #tpu.memory_space<vmem>>
      %dma_start3A_187 = arith.constant 0 : i32
      %dma_start3A_188 = arith.constant 0 : i32
      %dma_start3A_189 = tpu.memref_slice %arg2[%arg0, %dma_start3A_187, %dma_start3A_188] : memref<2x10000x128xf32, #tpu.memory_space<hbm>> -> memref<1x10000x128xf32, #tpu.memory_space<hbm>>
      %dma_start3A_190 = tpu.memref_squeeze %dma_start3A_189 : memref<1x10000x128xf32, #tpu.memory_space<hbm>> -> memref<10000x128xf32, #tpu.memory_space<hbm>>
      %dma_start3A_191 = arith.constant 0 : i32
      %dma_start3A_192 = arith.constant 0 : i32
      %dma_start3A_193 = tpu.memref_slice %dma_start3A_190[%dma_start3A_191, %dma_start3A_192] : memref<10000x128xf32, #tpu.memory_space<hbm>> -> memref<10000x128xf32, #tpu.memory_space<hbm>>
      tpu.enqueue_indirect_dma source(%dma_start3A_193 : memref<10000x128xf32, #tpu.memory_space<hbm>>) target(%dma_start3A_179 : memref<128x128xf32, #tpu.memory_space<vmem>>) offsets(%dma_start3A_186 : memref<128xi32, #tpu.memory_space<vmem>>) semaphore(%arg10 : memref<!tpu.dma_semaphore, #tpu.memory_space<semaphore_mem>>)
      %dma_wait3A_194 = arith.constant 2 : i32
      %dma_wait3A_195 = arith.constant 0 : i32
      %dma_wait3A_196 = arith.constant 0 : i32
      %dma_wait3A_197 = arith.constant 0 : i32
      %dma_wait3A_198 = tpu.memref_slice %arg7[%dma_wait3A_195, %dma_wait3A_196, %dma_wait3A_197] : memref<2x128x128xf32, #tpu.memory_space<vmem>> -> memref<1x128x128xf32, #tpu.memory_space<vmem>>
      %dma_wait3A_199 = tpu.memref_squeeze %dma_wait3A_198 : memref<1x128x128xf32, #tpu.memory_space<vmem>> -> memref<128x128xf32, #tpu.memory_space<vmem>>
      %dma_wait3A_200 = arith.constant 0 : i32
      %dma_wait3A_201 = arith.constant 0 : i32
      %dma_wait3A_202 = tpu.memref_slice %arg6[%scan3A, %dma_wait3A_200, %dma_wait3A_201] : memref<2x16x128xi32, #tpu.memory_space<vmem>> -> memref<1x16x128xi32, #tpu.memory_space<vmem>>
      %dma_wait3A_203 = tpu.memref_squeeze %dma_wait3A_202 : memref<1x16x128xi32, #tpu.memory_space<vmem>> -> memref<16x128xi32, #tpu.memory_space<vmem>>
      %dma_wait3A_204 = arith.constant 0 : i32
      %dma_wait3A_205 = tpu.memref_slice %dma_wait3A_203[%dma_wait3A_194, %dma_wait3A_204] : memref<16x128xi32, #tpu.memory_space<vmem>> -> memref<1x128xi32, #tpu.memory_space<vmem>>
      %dma_wait3A_206 = tpu.memref_squeeze %dma_wait3A_205 : memref<1x128xi32, #tpu.memory_space<vmem>> -> memref<128xi32, #tpu.memory_space<vmem>>
      %dma_wait3A_207 = arith.constant 0 : i32
      %dma_wait3A_208 = arith.constant 0 : i32
      %dma_wait3A_209 = tpu.memref_slice %arg2[%arg0, %dma_wait3A_207, %dma_wait3A_208] : memref<2x10000x128xf32, #tpu.memory_space<hbm>> -> memref<1x10000x128xf32, #tpu.memory_space<hbm>>
      %dma_wait3A_210 = tpu.memref_squeeze %dma_wait3A_209 : memref<1x10000x128xf32, #tpu.memory_space<hbm>> -> memref<10000x128xf32, #tpu.memory_space<hbm>>
      %dma_wait3A_211 = arith.constant 0 : i32
      %dma_wait3A_212 = arith.constant 0 : i32
      %dma_wait3A_213 = tpu.memref_slice %dma_wait3A_210[%dma_wait3A_211, %dma_wait3A_212] : memref<10000x128xf32, #tpu.memory_space<hbm>> -> memref<10000x128xf32, #tpu.memory_space<hbm>>
      tpu.wait_indirect_dma semaphore(%arg9 : memref<!tpu.dma_semaphore, #tpu.memory_space<semaphore_mem>>) src(%dma_wait3A_213 : memref<10000x128xf32, #tpu.memory_space<hbm>>) dst(%dma_wait3A_199 : memref<128x128xf32, #tpu.memory_space<vmem>>)
      %dma_start3A_214 = arith.constant 0 : i32
      %dma_start3A_215 = arith.constant 2 : i32
      %dma_start3A_216 = arith.constant 0 : i32
      %dma_start3A_217 = arith.constant 0 : i32
      %dma_start3A_218 = tpu.memref_slice %arg7[%dma_start3A_214, %dma_start3A_216, %dma_start3A_217] : memref<2x128x128xf32, #tpu.memory_space<vmem>> -> memref<1x128x128xf32, #tpu.memory_space<vmem>>
      %dma_start3A_219 = tpu.memref_squeeze %dma_start3A_218 : memref<1x128x128xf32, #tpu.memory_space<vmem>> -> memref<128x128xf32, #tpu.memory_space<vmem>>
      %dma_start3A_220 = arith.constant 0 : i32
      %dma_start3A_221 = arith.constant 0 : i32
      %dma_start3A_222 = tpu.memref_slice %arg6[%scan3A_1, %dma_start3A_220, %dma_start3A_221] : memref<2x16x128xi32, #tpu.memory_space<vmem>> -> memref<1x16x128xi32, #tpu.memory_space<vmem>>
      %dma_start3A_223 = tpu.memref_squeeze %dma_start3A_222 : memref<1x16x128xi32, #tpu.memory_space<vmem>> -> memref<16x128xi32, #tpu.memory_space<vmem>>
      %dma_start3A_224 = arith.constant 0 : i32
      %dma_start3A_225 = tpu.memref_slice %dma_start3A_223[%dma_start3A_215, %dma_start3A_224] : memref<16x128xi32, #tpu.memory_space<vmem>> -> memref<1x128xi32, #tpu.memory_space<vmem>>
      %dma_start3A_226 = tpu.memref_squeeze %dma_start3A_225 : memref<1x128xi32, #tpu.memory_space<vmem>> -> memref<128xi32, #tpu.memory_space<vmem>>
      %dma_start3A_227 = arith.constant 0 : i32
      %dma_start3A_228 = arith.constant 0 : i32
      %dma_start3A_229 = tpu.memref_slice %arg8[%dma_start3A_227, %dma_start3A_228] : memref<10112x128xf32, #tpu.memory_space<vmem_shared>> -> memref<10112x128xf32, #tpu.memory_space<vmem_shared>>
      tpu.enqueue_indirect_dma source(%dma_start3A_219 : memref<128x128xf32, #tpu.memory_space<vmem>>) target(%dma_start3A_229 : memref<10112x128xf32, #tpu.memory_space<vmem_shared>>) offsets(%dma_start3A_226 : memref<128xi32, #tpu.memory_space<vmem>>) semaphore(%arg11 : memref<!tpu.dma_semaphore, #tpu.memory_space<semaphore_mem>>) {add = true}
      %dma_wait3A_230 = arith.constant 0 : i32
      %dma_wait3A_231 = arith.constant 2 : i32
      %dma_wait3A_232 = arith.constant 0 : i32
      %dma_wait3A_233 = arith.constant 0 : i32
      %dma_wait3A_234 = tpu.memref_slice %arg7[%dma_wait3A_230, %dma_wait3A_232, %dma_wait3A_233] : memref<2x128x128xf32, #tpu.memory_space<vmem>> -> memref<1x128x128xf32, #tpu.memory_space<vmem>>
      %dma_wait3A_235 = tpu.memref_squeeze %dma_wait3A_234 : memref<1x128x128xf32, #tpu.memory_space<vmem>> -> memref<128x128xf32, #tpu.memory_space<vmem>>
      %dma_wait3A_236 = arith.constant 0 : i32
      %dma_wait3A_237 = arith.constant 0 : i32
      %dma_wait3A_238 = tpu.memref_slice %arg6[%scan3A_1, %dma_wait3A_236, %dma_wait3A_237] : memref<2x16x128xi32, #tpu.memory_space<vmem>> -> memref<1x16x128xi32, #tpu.memory_space<vmem>>
      %dma_wait3A_239 = tpu.memref_squeeze %dma_wait3A_238 : memref<1x16x128xi32, #tpu.memory_space<vmem>> -> memref<16x128xi32, #tpu.memory_space<vmem>>
      %dma_wait3A_240 = arith.constant 0 : i32
      %dma_wait3A_241 = tpu.memref_slice %dma_wait3A_239[%dma_wait3A_231, %dma_wait3A_240] : memref<16x128xi32, #tpu.memory_space<vmem>> -> memref<1x128xi32, #tpu.memory_space<vmem>>
      %dma_wait3A_242 = tpu.memref_squeeze %dma_wait3A_241 : memref<1x128xi32, #tpu.memory_space<vmem>> -> memref<128xi32, #tpu.memory_space<vmem>>
      %dma_wait3A_243 = arith.constant 0 : i32
      %dma_wait3A_244 = arith.constant 0 : i32
      %dma_wait3A_245 = tpu.memref_slice %arg8[%dma_wait3A_243, %dma_wait3A_244] : memref<10112x128xf32, #tpu.memory_space<vmem_shared>> -> memref<10112x128xf32, #tpu.memory_space<vmem_shared>>
      tpu.wait_indirect_dma semaphore(%arg11 : memref<!tpu.dma_semaphore, #tpu.memory_space<semaphore_mem>>) src(%dma_wait3A_235 : memref<128x128xf32, #tpu.memory_space<vmem>>) dst(%dma_wait3A_245 : memref<10112x128xf32, #tpu.memory_space<vmem_shared>>)
      %dma_start3A_246 = arith.constant 4 : i32
      %dma_start3A_247 = arith.constant 0 : i32
      %dma_start3A_248 = arith.constant 0 : i32
      %dma_start3A_249 = arith.constant 0 : i32
      %dma_start3A_250 = tpu.memref_slice %arg7[%dma_start3A_247, %dma_start3A_248, %dma_start3A_249] : memref<2x128x128xf32, #tpu.memory_space<vmem>> -> memref<1x128x128xf32, #tpu.memory_space<vmem>>
      %dma_start3A_251 = tpu.memref_squeeze %dma_start3A_250 : memref<1x128x128xf32, #tpu.memory_space<vmem>> -> memref<128x128xf32, #tpu.memory_space<vmem>>
      %dma_start3A_252 = arith.constant 0 : i32
      %dma_start3A_253 = arith.constant 0 : i32
      %dma_start3A_254 = tpu.memref_slice %arg6[%scan3A, %dma_start3A_252, %dma_start3A_253] : memref<2x16x128xi32, #tpu.memory_space<vmem>> -> memref<1x16x128xi32, #tpu.memory_space<vmem>>
      %dma_start3A_255 = tpu.memref_squeeze %dma_start3A_254 : memref<1x16x128xi32, #tpu.memory_space<vmem>> -> memref<16x128xi32, #tpu.memory_space<vmem>>
      %dma_start3A_256 = arith.constant 0 : i32
      %dma_start3A_257 = tpu.memref_slice %dma_start3A_255[%dma_start3A_246, %dma_start3A_256] : memref<16x128xi32, #tpu.memory_space<vmem>> -> memref<1x128xi32, #tpu.memory_space<vmem>>
      %dma_start3A_258 = tpu.memref_squeeze %dma_start3A_257 : memref<1x128xi32, #tpu.memory_space<vmem>> -> memref<128xi32, #tpu.memory_space<vmem>>
      %dma_start3A_259 = arith.constant 0 : i32
      %dma_start3A_260 = arith.constant 0 : i32
      %dma_start3A_261 = tpu.memref_slice %arg2[%arg0, %dma_start3A_259, %dma_start3A_260] : memref<2x10000x128xf32, #tpu.memory_space<hbm>> -> memref<1x10000x128xf32, #tpu.memory_space<hbm>>
      %dma_start3A_262 = tpu.memref_squeeze %dma_start3A_261 : memref<1x10000x128xf32, #tpu.memory_space<hbm>> -> memref<10000x128xf32, #tpu.memory_space<hbm>>
      %dma_start3A_263 = arith.constant 0 : i32
      %dma_start3A_264 = arith.constant 0 : i32
      %dma_start3A_265 = tpu.memref_slice %dma_start3A_262[%dma_start3A_263, %dma_start3A_264] : memref<10000x128xf32, #tpu.memory_space<hbm>> -> memref<10000x128xf32, #tpu.memory_space<hbm>>
      tpu.enqueue_indirect_dma source(%dma_start3A_265 : memref<10000x128xf32, #tpu.memory_space<hbm>>) target(%dma_start3A_251 : memref<128x128xf32, #tpu.memory_space<vmem>>) offsets(%dma_start3A_258 : memref<128xi32, #tpu.memory_space<vmem>>) semaphore(%arg9 : memref<!tpu.dma_semaphore, #tpu.memory_space<semaphore_mem>>)
      %dma_wait3A_266 = arith.constant 3 : i32
      %dma_wait3A_267 = arith.constant 1 : i32
      %dma_wait3A_268 = arith.constant 0 : i32
      %dma_wait3A_269 = arith.constant 0 : i32
      %dma_wait3A_270 = tpu.memref_slice %arg7[%dma_wait3A_267, %dma_wait3A_268, %dma_wait3A_269] : memref<2x128x128xf32, #tpu.memory_space<vmem>> -> memref<1x128x128xf32, #tpu.memory_space<vmem>>
      %dma_wait3A_271 = tpu.memref_squeeze %dma_wait3A_270 : memref<1x128x128xf32, #tpu.memory_space<vmem>> -> memref<128x128xf32, #tpu.memory_space<vmem>>
      %dma_wait3A_272 = arith.constant 0 : i32
      %dma_wait3A_273 = arith.constant 0 : i32
      %dma_wait3A_274 = tpu.memref_slice %arg6[%scan3A, %dma_wait3A_272, %dma_wait3A_273] : memref<2x16x128xi32, #tpu.memory_space<vmem>> -> memref<1x16x128xi32, #tpu.memory_space<vmem>>
      %dma_wait3A_275 = tpu.memref_squeeze %dma_wait3A_274 : memref<1x16x128xi32, #tpu.memory_space<vmem>> -> memref<16x128xi32, #tpu.memory_space<vmem>>
      %dma_wait3A_276 = arith.constant 0 : i32
      %dma_wait3A_277 = tpu.memref_slice %dma_wait3A_275[%dma_wait3A_266, %dma_wait3A_276] : memref<16x128xi32, #tpu.memory_space<vmem>> -> memref<1x128xi32, #tpu.memory_space<vmem>>
      %dma_wait3A_278 = tpu.memref_squeeze %dma_wait3A_277 : memref<1x128xi32, #tpu.memory_space<vmem>> -> memref<128xi32, #tpu.memory_space<vmem>>
      %dma_wait3A_279 = arith.constant 0 : i32
      %dma_wait3A_280 = arith.constant 0 : i32
      %dma_wait3A_281 = tpu.memref_slice %arg2[%arg0, %dma_wait3A_279, %dma_wait3A_280] : memref<2x10000x128xf32, #tpu.memory_space<hbm>> -> memref<1x10000x128xf32, #tpu.memory_space<hbm>>
      %dma_wait3A_282 = tpu.memref_squeeze %dma_wait3A_281 : memref<1x10000x128xf32, #tpu.memory_space<hbm>> -> memref<10000x128xf32, #tpu.memory_space<hbm>>
      %dma_wait3A_283 = arith.constant 0 : i32
      %dma_wait3A_284 = arith.constant 0 : i32
      %dma_wait3A_285 = tpu.memref_slice %dma_wait3A_282[%dma_wait3A_283, %dma_wait3A_284] : memref<10000x128xf32, #tpu.memory_space<hbm>> -> memref<10000x128xf32, #tpu.memory_space<hbm>>
      tpu.wait_indirect_dma semaphore(%arg10 : memref<!tpu.dma_semaphore, #tpu.memory_space<semaphore_mem>>) src(%dma_wait3A_285 : memref<10000x128xf32, #tpu.memory_space<hbm>>) dst(%dma_wait3A_271 : memref<128x128xf32, #tpu.memory_space<vmem>>)
      %dma_start3A_286 = arith.constant 1 : i32
      %dma_start3A_287 = arith.constant 3 : i32
      %dma_start3A_288 = arith.constant 0 : i32
      %dma_start3A_289 = arith.constant 0 : i32
      %dma_start3A_290 = tpu.memref_slice %arg7[%dma_start3A_286, %dma_start3A_288, %dma_start3A_289] : memref<2x128x128xf32, #tpu.memory_space<vmem>> -> memref<1x128x128xf32, #tpu.memory_space<vmem>>
      %dma_start3A_291 = tpu.memref_squeeze %dma_start3A_290 : memref<1x128x128xf32, #tpu.memory_space<vmem>> -> memref<128x128xf32, #tpu.memory_space<vmem>>
      %dma_start3A_292 = arith.constant 0 : i32
      %dma_start3A_293 = arith.constant 0 : i32
      %dma_start3A_294 = tpu.memref_slice %arg6[%scan3A_1, %dma_start3A_292, %dma_start3A_293] : memref<2x16x128xi32, #tpu.memory_space<vmem>> -> memref<1x16x128xi32, #tpu.memory_space<vmem>>
      %dma_start3A_295 = tpu.memref_squeeze %dma_start3A_294 : memref<1x16x128xi32, #tpu.memory_space<vmem>> -> memref<16x128xi32, #tpu.memory_space<vmem>>
      %dma_start3A_296 = arith.constant 0 : i32
      %dma_start3A_297 = tpu.memref_slice %dma_start3A_295[%dma_start3A_287, %dma_start3A_296] : memref<16x128xi32, #tpu.memory_space<vmem>> -> memref<1x128xi32, #tpu.memory_space<vmem>>
      %dma_start3A_298 = tpu.memref_squeeze %dma_start3A_297 : memref<1x128xi32, #tpu.memory_space<vmem>> -> memref<128xi32, #tpu.memory_space<vmem>>
      %dma_start3A_299 = arith.constant 0 : i32
      %dma_start3A_300 = arith.constant 0 : i32
      %dma_start3A_301 = tpu.memref_slice %arg8[%dma_start3A_299, %dma_start3A_300] : memref<10112x128xf32, #tpu.memory_space<vmem_shared>> -> memref<10112x128xf32, #tpu.memory_space<vmem_shared>>
      tpu.enqueue_indirect_dma source(%dma_start3A_291 : memref<128x128xf32, #tpu.memory_space<vmem>>) target(%dma_start3A_301 : memref<10112x128xf32, #tpu.memory_space<vmem_shared>>) offsets(%dma_start3A_298 : memref<128xi32, #tpu.memory_space<vmem>>) semaphore(%arg12 : memref<!tpu.dma_semaphore, #tpu.memory_space<semaphore_mem>>) {add = true}
      %dma_wait3A_302 = arith.constant 1 : i32
      %dma_wait3A_303 = arith.constant 3 : i32
      %dma_wait3A_304 = arith.constant 0 : i32
      %dma_wait3A_305 = arith.constant 0 : i32
      %dma_wait3A_306 = tpu.memref_slice %arg7[%dma_wait3A_302, %dma_wait3A_304, %dma_wait3A_305] : memref<2x128x128xf32, #tpu.memory_space<vmem>> -> memref<1x128x128xf32, #tpu.memory_space<vmem>>
      %dma_wait3A_307 = tpu.memref_squeeze %dma_wait3A_306 : memref<1x128x128xf32, #tpu.memory_space<vmem>> -> memref<128x128xf32, #tpu.memory_space<vmem>>
      %dma_wait3A_308 = arith.constant 0 : i32
      %dma_wait3A_309 = arith.constant 0 : i32
      %dma_wait3A_310 = tpu.memref_slice %arg6[%scan3A_1, %dma_wait3A_308, %dma_wait3A_309] : memref<2x16x128xi32, #tpu.memory_space<vmem>> -> memref<1x16x128xi32, #tpu.memory_space<vmem>>
      %dma_wait3A_311 = tpu.memref_squeeze %dma_wait3A_310 : memref<1x16x128xi32, #tpu.memory_space<vmem>> -> memref<16x128xi32, #tpu.memory_space<vmem>>
      %dma_wait3A_312 = arith.constant 0 : i32
      %dma_wait3A_313 = tpu.memref_slice %dma_wait3A_311[%dma_wait3A_303, %dma_wait3A_312] : memref<16x128xi32, #tpu.memory_space<vmem>> -> memref<1x128xi32, #tpu.memory_space<vmem>>
      %dma_wait3A_314 = tpu.memref_squeeze %dma_wait3A_313 : memref<1x128xi32, #tpu.memory_space<vmem>> -> memref<128xi32, #tpu.memory_space<vmem>>
      %dma_wait3A_315 = arith.constant 0 : i32
      %dma_wait3A_316 = arith.constant 0 : i32
      %dma_wait3A_317 = tpu.memref_slice %arg8[%dma_wait3A_315, %dma_wait3A_316] : memref<10112x128xf32, #tpu.memory_space<vmem_shared>> -> memref<10112x128xf32, #tpu.memory_space<vmem_shared>>
      tpu.wait_indirect_dma semaphore(%arg12 : memref<!tpu.dma_semaphore, #tpu.memory_space<semaphore_mem>>) src(%dma_wait3A_307 : memref<128x128xf32, #tpu.memory_space<vmem>>) dst(%dma_wait3A_317 : memref<10112x128xf32, #tpu.memory_space<vmem_shared>>)
      %dma_start3A_318 = arith.constant 5 : i32
      %dma_start3A_319 = arith.constant 1 : i32
      %dma_start3A_320 = arith.constant 0 : i32
      %dma_start3A_321 = arith.constant 0 : i32
      %dma_start3A_322 = tpu.memref_slice %arg7[%dma_start3A_319, %dma_start3A_320, %dma_start3A_321] : memref<2x128x128xf32, #tpu.memory_space<vmem>> -> memref<1x128x128xf32, #tpu.memory_space<vmem>>
      %dma_start3A_323 = tpu.memref_squeeze %dma_start3A_322 : memref<1x128x128xf32, #tpu.memory_space<vmem>> -> memref<128x128xf32, #tpu.memory_space<vmem>>
      %dma_start3A_324 = arith.constant 0 : i32
      %dma_start3A_325 = arith.constant 0 : i32
      %dma_start3A_326 = tpu.memref_slice %arg6[%scan3A, %dma_start3A_324, %dma_start3A_325] : memref<2x16x128xi32, #tpu.memory_space<vmem>> -> memref<1x16x128xi32, #tpu.memory_space<vmem>>
      %dma_start3A_327 = tpu.memref_squeeze %dma_start3A_326 : memref<1x16x128xi32, #tpu.memory_space<vmem>> -> memref<16x128xi32, #tpu.memory_space<vmem>>
      %dma_start3A_328 = arith.constant 0 : i32
      %dma_start3A_329 = tpu.memref_slice %dma_start3A_327[%dma_start3A_318, %dma_start3A_328] : memref<16x128xi32, #tpu.memory_space<vmem>> -> memref<1x128xi32, #tpu.memory_space<vmem>>
      %dma_start3A_330 = tpu.memref_squeeze %dma_start3A_329 : memref<1x128xi32, #tpu.memory_space<vmem>> -> memref<128xi32, #tpu.memory_space<vmem>>
      %dma_start3A_331 = arith.constant 0 : i32
      %dma_start3A_332 = arith.constant 0 : i32
      %dma_start3A_333 = tpu.memref_slice %arg2[%arg0, %dma_start3A_331, %dma_start3A_332] : memref<2x10000x128xf32, #tpu.memory_space<hbm>> -> memref<1x10000x128xf32, #tpu.memory_space<hbm>>
      %dma_start3A_334 = tpu.memref_squeeze %dma_start3A_333 : memref<1x10000x128xf32, #tpu.memory_space<hbm>> -> memref<10000x128xf32, #tpu.memory_space<hbm>>
      %dma_start3A_335 = arith.constant 0 : i32
      %dma_start3A_336 = arith.constant 0 : i32
      %dma_start3A_337 = tpu.memref_slice %dma_start3A_334[%dma_start3A_335, %dma_start3A_336] : memref<10000x128xf32, #tpu.memory_space<hbm>> -> memref<10000x128xf32, #tpu.memory_space<hbm>>
      tpu.enqueue_indirect_dma source(%dma_start3A_337 : memref<10000x128xf32, #tpu.memory_space<hbm>>) target(%dma_start3A_323 : memref<128x128xf32, #tpu.memory_space<vmem>>) offsets(%dma_start3A_330 : memref<128xi32, #tpu.memory_space<vmem>>) semaphore(%arg10 : memref<!tpu.dma_semaphore, #tpu.memory_space<semaphore_mem>>)
      %dma_wait3A_338 = arith.constant 4 : i32
      %dma_wait3A_339 = arith.constant 0 : i32
      %dma_wait3A_340 = arith.constant 0 : i32
      %dma_wait3A_341 = arith.constant 0 : i32
      %dma_wait3A_342 = tpu.memref_slice %arg7[%dma_wait3A_339, %dma_wait3A_340, %dma_wait3A_341] : memref<2x128x128xf32, #tpu.memory_space<vmem>> -> memref<1x128x128xf32, #tpu.memory_space<vmem>>
      %dma_wait3A_343 = tpu.memref_squeeze %dma_wait3A_342 : memref<1x128x128xf32, #tpu.memory_space<vmem>> -> memref<128x128xf32, #tpu.memory_space<vmem>>
      %dma_wait3A_344 = arith.constant 0 : i32
      %dma_wait3A_345 = arith.constant 0 : i32
      %dma_wait3A_346 = tpu.memref_slice %arg6[%scan3A, %dma_wait3A_344, %dma_wait3A_345] : memref<2x16x128xi32, #tpu.memory_space<vmem>> -> memref<1x16x128xi32, #tpu.memory_space<vmem>>
      %dma_wait3A_347 = tpu.memref_squeeze %dma_wait3A_346 : memref<1x16x128xi32, #tpu.memory_space<vmem>> -> memref<16x128xi32, #tpu.memory_space<vmem>>
      %dma_wait3A_348 = arith.constant 0 : i32
      %dma_wait3A_349 = tpu.memref_slice %dma_wait3A_347[%dma_wait3A_338, %dma_wait3A_348] : memref<16x128xi32, #tpu.memory_space<vmem>> -> memref<1x128xi32, #tpu.memory_space<vmem>>
      %dma_wait3A_350 = tpu.memref_squeeze %dma_wait3A_349 : memref<1x128xi32, #tpu.memory_space<vmem>> -> memref<128xi32, #tpu.memory_space<vmem>>
      %dma_wait3A_351 = arith.constant 0 : i32
      %dma_wait3A_352 = arith.constant 0 : i32
      %dma_wait3A_353 = tpu.memref_slice %arg2[%arg0, %dma_wait3A_351, %dma_wait3A_352] : memref<2x10000x128xf32, #tpu.memory_space<hbm>> -> memref<1x10000x128xf32, #tpu.memory_space<hbm>>
      %dma_wait3A_354 = tpu.memref_squeeze %dma_wait3A_353 : memref<1x10000x128xf32, #tpu.memory_space<hbm>> -> memref<10000x128xf32, #tpu.memory_space<hbm>>
      %dma_wait3A_355 = arith.constant 0 : i32
      %dma_wait3A_356 = arith.constant 0 : i32
      %dma_wait3A_357 = tpu.memref_slice %dma_wait3A_354[%dma_wait3A_355, %dma_wait3A_356] : memref<10000x128xf32, #tpu.memory_space<hbm>> -> memref<10000x128xf32, #tpu.memory_space<hbm>>
      tpu.wait_indirect_dma semaphore(%arg9 : memref<!tpu.dma_semaphore, #tpu.memory_space<semaphore_mem>>) src(%dma_wait3A_357 : memref<10000x128xf32, #tpu.memory_space<hbm>>) dst(%dma_wait3A_343 : memref<128x128xf32, #tpu.memory_space<vmem>>)
      %dma_start3A_358 = arith.constant 0 : i32
      %dma_start3A_359 = arith.constant 4 : i32
      %dma_start3A_360 = arith.constant 0 : i32
      %dma_start3A_361 = arith.constant 0 : i32
      %dma_start3A_362 = tpu.memref_slice %arg7[%dma_start3A_358, %dma_start3A_360, %dma_start3A_361] : memref<2x128x128xf32, #tpu.memory_space<vmem>> -> memref<1x128x128xf32, #tpu.memory_space<vmem>>
      %dma_start3A_363 = tpu.memref_squeeze %dma_start3A_362 : memref<1x128x128xf32, #tpu.memory_space<vmem>> -> memref<128x128xf32, #tpu.memory_space<vmem>>
      %dma_start3A_364 = arith.constant 0 : i32
      %dma_start3A_365 = arith.constant 0 : i32
      %dma_start3A_366 = tpu.memref_slice %arg6[%scan3A_1, %dma_start3A_364, %dma_start3A_365] : memref<2x16x128xi32, #tpu.memory_space<vmem>> -> memref<1x16x128xi32, #tpu.memory_space<vmem>>
      %dma_start3A_367 = tpu.memref_squeeze %dma_start3A_366 : memref<1x16x128xi32, #tpu.memory_space<vmem>> -> memref<16x128xi32, #tpu.memory_space<vmem>>
      %dma_start3A_368 = arith.constant 0 : i32
      %dma_start3A_369 = tpu.memref_slice %dma_start3A_367[%dma_start3A_359, %dma_start3A_368] : memref<16x128xi32, #tpu.memory_space<vmem>> -> memref<1x128xi32, #tpu.memory_space<vmem>>
      %dma_start3A_370 = tpu.memref_squeeze %dma_start3A_369 : memref<1x128xi32, #tpu.memory_space<vmem>> -> memref<128xi32, #tpu.memory_space<vmem>>
      %dma_start3A_371 = arith.constant 0 : i32
      %dma_start3A_372 = arith.constant 0 : i32
      %dma_start3A_373 = tpu.memref_slice %arg8[%dma_start3A_371, %dma_start3A_372] : memref<10112x128xf32, #tpu.memory_space<vmem_shared>> -> memref<10112x128xf32, #tpu.memory_space<vmem_shared>>
      tpu.enqueue_indirect_dma source(%dma_start3A_363 : memref<128x128xf32, #tpu.memory_space<vmem>>) target(%dma_start3A_373 : memref<10112x128xf32, #tpu.memory_space<vmem_shared>>) offsets(%dma_start3A_370 : memref<128xi32, #tpu.memory_space<vmem>>) semaphore(%arg11 : memref<!tpu.dma_semaphore, #tpu.memory_space<semaphore_mem>>) {add = true}
      %dma_wait3A_374 = arith.constant 0 : i32
      %dma_wait3A_375 = arith.constant 4 : i32
      %dma_wait3A_376 = arith.constant 0 : i32
      %dma_wait3A_377 = arith.constant 0 : i32
      %dma_wait3A_378 = tpu.memref_slice %arg7[%dma_wait3A_374, %dma_wait3A_376, %dma_wait3A_377] : memref<2x128x128xf32, #tpu.memory_space<vmem>> -> memref<1x128x128xf32, #tpu.memory_space<vmem>>
      %dma_wait3A_379 = tpu.memref_squeeze %dma_wait3A_378 : memref<1x128x128xf32, #tpu.memory_space<vmem>> -> memref<128x128xf32, #tpu.memory_space<vmem>>
      %dma_wait3A_380 = arith.constant 0 : i32
      %dma_wait3A_381 = arith.constant 0 : i32
      %dma_wait3A_382 = tpu.memref_slice %arg6[%scan3A_1, %dma_wait3A_380, %dma_wait3A_381] : memref<2x16x128xi32, #tpu.memory_space<vmem>> -> memref<1x16x128xi32, #tpu.memory_space<vmem>>
      %dma_wait3A_383 = tpu.memref_squeeze %dma_wait3A_382 : memref<1x16x128xi32, #tpu.memory_space<vmem>> -> memref<16x128xi32, #tpu.memory_space<vmem>>
      %dma_wait3A_384 = arith.constant 0 : i32
      %dma_wait3A_385 = tpu.memref_slice %dma_wait3A_383[%dma_wait3A_375, %dma_wait3A_384] : memref<16x128xi32, #tpu.memory_space<vmem>> -> memref<1x128xi32, #tpu.memory_space<vmem>>
      %dma_wait3A_386 = tpu.memref_squeeze %dma_wait3A_385 : memref<1x128xi32, #tpu.memory_space<vmem>> -> memref<128xi32, #tpu.memory_space<vmem>>
      %dma_wait3A_387 = arith.constant 0 : i32
      %dma_wait3A_388 = arith.constant 0 : i32
      %dma_wait3A_389 = tpu.memref_slice %arg8[%dma_wait3A_387, %dma_wait3A_388] : memref<10112x128xf32, #tpu.memory_space<vmem_shared>> -> memref<10112x128xf32, #tpu.memory_space<vmem_shared>>
      tpu.wait_indirect_dma semaphore(%arg11 : memref<!tpu.dma_semaphore, #tpu.memory_space<semaphore_mem>>) src(%dma_wait3A_379 : memref<128x128xf32, #tpu.memory_space<vmem>>) dst(%dma_wait3A_389 : memref<10112x128xf32, #tpu.memory_space<vmem_shared>>)
      %dma_start3A_390 = arith.constant 6 : i32
      %dma_start3A_391 = arith.constant 0 : i32
      %dma_start3A_392 = arith.constant 0 : i32
      %dma_start3A_393 = arith.constant 0 : i32
      %dma_start3A_394 = tpu.memref_slice %arg7[%dma_start3A_391, %dma_start3A_392, %dma_start3A_393] : memref<2x128x128xf32, #tpu.memory_space<vmem>> -> memref<1x128x128xf32, #tpu.memory_space<vmem>>
      %dma_start3A_395 = tpu.memref_squeeze %dma_start3A_394 : memref<1x128x128xf32, #tpu.memory_space<vmem>> -> memref<128x128xf32, #tpu.memory_space<vmem>>
      %dma_start3A_396 = arith.constant 0 : i32
      %dma_start3A_397 = arith.constant 0 : i32
      %dma_start3A_398 = tpu.memref_slice %arg6[%scan3A, %dma_start3A_396, %dma_start3A_397] : memref<2x16x128xi32, #tpu.memory_space<vmem>> -> memref<1x16x128xi32, #tpu.memory_space<vmem>>
      %dma_start3A_399 = tpu.memref_squeeze %dma_start3A_398 : memref<1x16x128xi32, #tpu.memory_space<vmem>> -> memref<16x128xi32, #tpu.memory_space<vmem>>
      %dma_start3A_400 = arith.constant 0 : i32
      %dma_start3A_401 = tpu.memref_slice %dma_start3A_399[%dma_start3A_390, %dma_start3A_400] : memref<16x128xi32, #tpu.memory_space<vmem>> -> memref<1x128xi32, #tpu.memory_space<vmem>>
      %dma_start3A_402 = tpu.memref_squeeze %dma_start3A_401 : memref<1x128xi32, #tpu.memory_space<vmem>> -> memref<128xi32, #tpu.memory_space<vmem>>
      %dma_start3A_403 = arith.constant 0 : i32
      %dma_start3A_404 = arith.constant 0 : i32
      %dma_start3A_405 = tpu.memref_slice %arg2[%arg0, %dma_start3A_403, %dma_start3A_404] : memref<2x10000x128xf32, #tpu.memory_space<hbm>> -> memref<1x10000x128xf32, #tpu.memory_space<hbm>>
      %dma_start3A_406 = tpu.memref_squeeze %dma_start3A_405 : memref<1x10000x128xf32, #tpu.memory_space<hbm>> -> memref<10000x128xf32, #tpu.memory_space<hbm>>
      %dma_start3A_407 = arith.constant 0 : i32
      %dma_start3A_408 = arith.constant 0 : i32
      %dma_start3A_409 = tpu.memref_slice %dma_start3A_406[%dma_start3A_407, %dma_start3A_408] : memref<10000x128xf32, #tpu.memory_space<hbm>> -> memref<10000x128xf32, #tpu.memory_space<hbm>>
      tpu.enqueue_indirect_dma source(%dma_start3A_409 : memref<10000x128xf32, #tpu.memory_space<hbm>>) target(%dma_start3A_395 : memref<128x128xf32, #tpu.memory_space<vmem>>) offsets(%dma_start3A_402 : memref<128xi32, #tpu.memory_space<vmem>>) semaphore(%arg9 : memref<!tpu.dma_semaphore, #tpu.memory_space<semaphore_mem>>)
      %dma_wait3A_410 = arith.constant 5 : i32
      %dma_wait3A_411 = arith.constant 1 : i32
      %dma_wait3A_412 = arith.constant 0 : i32
      %dma_wait3A_413 = arith.constant 0 : i32
      %dma_wait3A_414 = tpu.memref_slice %arg7[%dma_wait3A_411, %dma_wait3A_412, %dma_wait3A_413] : memref<2x128x128xf32, #tpu.memory_space<vmem>> -> memref<1x128x128xf32, #tpu.memory_space<vmem>>
      %dma_wait3A_415 = tpu.memref_squeeze %dma_wait3A_414 : memref<1x128x128xf32, #tpu.memory_space<vmem>> -> memref<128x128xf32, #tpu.memory_space<vmem>>
      %dma_wait3A_416 = arith.constant 0 : i32
      %dma_wait3A_417 = arith.constant 0 : i32
      %dma_wait3A_418 = tpu.memref_slice %arg6[%scan3A, %dma_wait3A_416, %dma_wait3A_417] : memref<2x16x128xi32, #tpu.memory_space<vmem>> -> memref<1x16x128xi32, #tpu.memory_space<vmem>>
      %dma_wait3A_419 = tpu.memref_squeeze %dma_wait3A_418 : memref<1x16x128xi32, #tpu.memory_space<vmem>> -> memref<16x128xi32, #tpu.memory_space<vmem>>
      %dma_wait3A_420 = arith.constant 0 : i32
      %dma_wait3A_421 = tpu.memref_slice %dma_wait3A_419[%dma_wait3A_410, %dma_wait3A_420] : memref<16x128xi32, #tpu.memory_space<vmem>> -> memref<1x128xi32, #tpu.memory_space<vmem>>
      %dma_wait3A_422 = tpu.memref_squeeze %dma_wait3A_421 : memref<1x128xi32, #tpu.memory_space<vmem>> -> memref<128xi32, #tpu.memory_space<vmem>>
      %dma_wait3A_423 = arith.constant 0 : i32
      %dma_wait3A_424 = arith.constant 0 : i32
      %dma_wait3A_425 = tpu.memref_slice %arg2[%arg0, %dma_wait3A_423, %dma_wait3A_424] : memref<2x10000x128xf32, #tpu.memory_space<hbm>> -> memref<1x10000x128xf32, #tpu.memory_space<hbm>>
      %dma_wait3A_426 = tpu.memref_squeeze %dma_wait3A_425 : memref<1x10000x128xf32, #tpu.memory_space<hbm>> -> memref<10000x128xf32, #tpu.memory_space<hbm>>
      %dma_wait3A_427 = arith.constant 0 : i32
      %dma_wait3A_428 = arith.constant 0 : i32
      %dma_wait3A_429 = tpu.memref_slice %dma_wait3A_426[%dma_wait3A_427, %dma_wait3A_428] : memref<10000x128xf32, #tpu.memory_space<hbm>> -> memref<10000x128xf32, #tpu.memory_space<hbm>>
      tpu.wait_indirect_dma semaphore(%arg10 : memref<!tpu.dma_semaphore, #tpu.memory_space<semaphore_mem>>) src(%dma_wait3A_429 : memref<10000x128xf32, #tpu.memory_space<hbm>>) dst(%dma_wait3A_415 : memref<128x128xf32, #tpu.memory_space<vmem>>)
      %dma_start3A_430 = arith.constant 1 : i32
      %dma_start3A_431 = arith.constant 5 : i32
      %dma_start3A_432 = arith.constant 0 : i32
      %dma_start3A_433 = arith.constant 0 : i32
      %dma_start3A_434 = tpu.memref_slice %arg7[%dma_start3A_430, %dma_start3A_432, %dma_start3A_433] : memref<2x128x128xf32, #tpu.memory_space<vmem>> -> memref<1x128x128xf32, #tpu.memory_space<vmem>>
      %dma_start3A_435 = tpu.memref_squeeze %dma_start3A_434 : memref<1x128x128xf32, #tpu.memory_space<vmem>> -> memref<128x128xf32, #tpu.memory_space<vmem>>
      %dma_start3A_436 = arith.constant 0 : i32
      %dma_start3A_437 = arith.constant 0 : i32
      %dma_start3A_438 = tpu.memref_slice %arg6[%scan3A_1, %dma_start3A_436, %dma_start3A_437] : memref<2x16x128xi32, #tpu.memory_space<vmem>> -> memref<1x16x128xi32, #tpu.memory_space<vmem>>
      %dma_start3A_439 = tpu.memref_squeeze %dma_start3A_438 : memref<1x16x128xi32, #tpu.memory_space<vmem>> -> memref<16x128xi32, #tpu.memory_space<vmem>>
      %dma_start3A_440 = arith.constant 0 : i32
      %dma_start3A_441 = tpu.memref_slice %dma_start3A_439[%dma_start3A_431, %dma_start3A_440] : memref<16x128xi32, #tpu.memory_space<vmem>> -> memref<1x128xi32, #tpu.memory_space<vmem>>
      %dma_start3A_442 = tpu.memref_squeeze %dma_start3A_441 : memref<1x128xi32, #tpu.memory_space<vmem>> -> memref<128xi32, #tpu.memory_space<vmem>>
      %dma_start3A_443 = arith.constant 0 : i32
      %dma_start3A_444 = arith.constant 0 : i32
      %dma_start3A_445 = tpu.memref_slice %arg8[%dma_start3A_443, %dma_start3A_444] : memref<10112x128xf32, #tpu.memory_space<vmem_shared>> -> memref<10112x128xf32, #tpu.memory_space<vmem_shared>>
      tpu.enqueue_indirect_dma source(%dma_start3A_435 : memref<128x128xf32, #tpu.memory_space<vmem>>) target(%dma_start3A_445 : memref<10112x128xf32, #tpu.memory_space<vmem_shared>>) offsets(%dma_start3A_442 : memref<128xi32, #tpu.memory_space<vmem>>) semaphore(%arg12 : memref<!tpu.dma_semaphore, #tpu.memory_space<semaphore_mem>>) {add = true}
      %dma_wait3A_446 = arith.constant 1 : i32
      %dma_wait3A_447 = arith.constant 5 : i32
      %dma_wait3A_448 = arith.constant 0 : i32
      %dma_wait3A_449 = arith.constant 0 : i32
      %dma_wait3A_450 = tpu.memref_slice %arg7[%dma_wait3A_446, %dma_wait3A_448, %dma_wait3A_449] : memref<2x128x128xf32, #tpu.memory_space<vmem>> -> memref<1x128x128xf32, #tpu.memory_space<vmem>>
      %dma_wait3A_451 = tpu.memref_squeeze %dma_wait3A_450 : memref<1x128x128xf32, #tpu.memory_space<vmem>> -> memref<128x128xf32, #tpu.memory_space<vmem>>
      %dma_wait3A_452 = arith.constant 0 : i32
      %dma_wait3A_453 = arith.constant 0 : i32
      %dma_wait3A_454 = tpu.memref_slice %arg6[%scan3A_1, %dma_wait3A_452, %dma_wait3A_453] : memref<2x16x128xi32, #tpu.memory_space<vmem>> -> memref<1x16x128xi32, #tpu.memory_space<vmem>>
      %dma_wait3A_455 = tpu.memref_squeeze %dma_wait3A_454 : memref<1x16x128xi32, #tpu.memory_space<vmem>> -> memref<16x128xi32, #tpu.memory_space<vmem>>
      %dma_wait3A_456 = arith.constant 0 : i32
      %dma_wait3A_457 = tpu.memref_slice %dma_wait3A_455[%dma_wait3A_447, %dma_wait3A_456] : memref<16x128xi32, #tpu.memory_space<vmem>> -> memref<1x128xi32, #tpu.memory_space<vmem>>
      %dma_wait3A_458 = tpu.memref_squeeze %dma_wait3A_457 : memref<1x128xi32, #tpu.memory_space<vmem>> -> memref<128xi32, #tpu.memory_space<vmem>>
      %dma_wait3A_459 = arith.constant 0 : i32
      %dma_wait3A_460 = arith.constant 0 : i32
      %dma_wait3A_461 = tpu.memref_slice %arg8[%dma_wait3A_459, %dma_wait3A_460] : memref<10112x128xf32, #tpu.memory_space<vmem_shared>> -> memref<10112x128xf32, #tpu.memory_space<vmem_shared>>
      tpu.wait_indirect_dma semaphore(%arg12 : memref<!tpu.dma_semaphore, #tpu.memory_space<semaphore_mem>>) src(%dma_wait3A_451 : memref<128x128xf32, #tpu.memory_space<vmem>>) dst(%dma_wait3A_461 : memref<10112x128xf32, #tpu.memory_space<vmem_shared>>)
      %dma_start3A_462 = arith.constant 7 : i32
      %dma_start3A_463 = arith.constant 1 : i32
      %dma_start3A_464 = arith.constant 0 : i32
      %dma_start3A_465 = arith.constant 0 : i32
      %dma_start3A_466 = tpu.memref_slice %arg7[%dma_start3A_463, %dma_start3A_464, %dma_start3A_465] : memref<2x128x128xf32, #tpu.memory_space<vmem>> -> memref<1x128x128xf32, #tpu.memory_space<vmem>>
      %dma_start3A_467 = tpu.memref_squeeze %dma_start3A_466 : memref<1x128x128xf32, #tpu.memory_space<vmem>> -> memref<128x128xf32, #tpu.memory_space<vmem>>
      %dma_start3A_468 = arith.constant 0 : i32
      %dma_start3A_469 = arith.constant 0 : i32
      %dma_start3A_470 = tpu.memref_slice %arg6[%scan3A, %dma_start3A_468, %dma_start3A_469] : memref<2x16x128xi32, #tpu.memory_space<vmem>> -> memref<1x16x128xi32, #tpu.memory_space<vmem>>
      %dma_start3A_471 = tpu.memref_squeeze %dma_start3A_470 : memref<1x16x128xi32, #tpu.memory_space<vmem>> -> memref<16x128xi32, #tpu.memory_space<vmem>>
      %dma_start3A_472 = arith.constant 0 : i32
      %dma_start3A_473 = tpu.memref_slice %dma_start3A_471[%dma_start3A_462, %dma_start3A_472] : memref<16x128xi32, #tpu.memory_space<vmem>> -> memref<1x128xi32, #tpu.memory_space<vmem>>
      %dma_start3A_474 = tpu.memref_squeeze %dma_start3A_473 : memref<1x128xi32, #tpu.memory_space<vmem>> -> memref<128xi32, #tpu.memory_space<vmem>>
      %dma_start3A_475 = arith.constant 0 : i32
      %dma_start3A_476 = arith.constant 0 : i32
      %dma_start3A_477 = tpu.memref_slice %arg2[%arg0, %dma_start3A_475, %dma_start3A_476] : memref<2x10000x128xf32, #tpu.memory_space<hbm>> -> memref<1x10000x128xf32, #tpu.memory_space<hbm>>
      %dma_start3A_478 = tpu.memref_squeeze %dma_start3A_477 : memref<1x10000x128xf32, #tpu.memory_space<hbm>> -> memref<10000x128xf32, #tpu.memory_space<hbm>>
      %dma_start3A_479 = arith.constant 0 : i32
      %dma_start3A_480 = arith.constant 0 : i32
      %dma_start3A_481 = tpu.memref_slice %dma_start3A_478[%dma_start3A_479, %dma_start3A_480] : memref<10000x128xf32, #tpu.memory_space<hbm>> -> memref<10000x128xf32, #tpu.memory_space<hbm>>
      tpu.enqueue_indirect_dma source(%dma_start3A_481 : memref<10000x128xf32, #tpu.memory_space<hbm>>) target(%dma_start3A_467 : memref<128x128xf32, #tpu.memory_space<vmem>>) offsets(%dma_start3A_474 : memref<128xi32, #tpu.memory_space<vmem>>) semaphore(%arg10 : memref<!tpu.dma_semaphore, #tpu.memory_space<semaphore_mem>>)
      %dma_wait3A_482 = arith.constant 6 : i32
      %dma_wait3A_483 = arith.constant 0 : i32
      %dma_wait3A_484 = arith.constant 0 : i32
      %dma_wait3A_485 = arith.constant 0 : i32
      %dma_wait3A_486 = tpu.memref_slice %arg7[%dma_wait3A_483, %dma_wait3A_484, %dma_wait3A_485] : memref<2x128x128xf32, #tpu.memory_space<vmem>> -> memref<1x128x128xf32, #tpu.memory_space<vmem>>
      %dma_wait3A_487 = tpu.memref_squeeze %dma_wait3A_486 : memref<1x128x128xf32, #tpu.memory_space<vmem>> -> memref<128x128xf32, #tpu.memory_space<vmem>>
      %dma_wait3A_488 = arith.constant 0 : i32
      %dma_wait3A_489 = arith.constant 0 : i32
      %dma_wait3A_490 = tpu.memref_slice %arg6[%scan3A, %dma_wait3A_488, %dma_wait3A_489] : memref<2x16x128xi32, #tpu.memory_space<vmem>> -> memref<1x16x128xi32, #tpu.memory_space<vmem>>
      %dma_wait3A_491 = tpu.memref_squeeze %dma_wait3A_490 : memref<1x16x128xi32, #tpu.memory_space<vmem>> -> memref<16x128xi32, #tpu.memory_space<vmem>>
      %dma_wait3A_492 = arith.constant 0 : i32
      %dma_wait3A_493 = tpu.memref_slice %dma_wait3A_491[%dma_wait3A_482, %dma_wait3A_492] : memref<16x128xi32, #tpu.memory_space<vmem>> -> memref<1x128xi32, #tpu.memory_space<vmem>>
      %dma_wait3A_494 = tpu.memref_squeeze %dma_wait3A_493 : memref<1x128xi32, #tpu.memory_space<vmem>> -> memref<128xi32, #tpu.memory_space<vmem>>
      %dma_wait3A_495 = arith.constant 0 : i32
      %dma_wait3A_496 = arith.constant 0 : i32
      %dma_wait3A_497 = tpu.memref_slice %arg2[%arg0, %dma_wait3A_495, %dma_wait3A_496] : memref<2x10000x128xf32, #tpu.memory_space<hbm>> -> memref<1x10000x128xf32, #tpu.memory_space<hbm>>
      %dma_wait3A_498 = tpu.memref_squeeze %dma_wait3A_497 : memref<1x10000x128xf32, #tpu.memory_space<hbm>> -> memref<10000x128xf32, #tpu.memory_space<hbm>>
      %dma_wait3A_499 = arith.constant 0 : i32
      %dma_wait3A_500 = arith.constant 0 : i32
      %dma_wait3A_501 = tpu.memref_slice %dma_wait3A_498[%dma_wait3A_499, %dma_wait3A_500] : memref<10000x128xf32, #tpu.memory_space<hbm>> -> memref<10000x128xf32, #tpu.memory_space<hbm>>
      tpu.wait_indirect_dma semaphore(%arg9 : memref<!tpu.dma_semaphore, #tpu.memory_space<semaphore_mem>>) src(%dma_wait3A_501 : memref<10000x128xf32, #tpu.memory_space<hbm>>) dst(%dma_wait3A_487 : memref<128x128xf32, #tpu.memory_space<vmem>>)
      %dma_start3A_502 = arith.constant 0 : i32
      %dma_start3A_503 = arith.constant 6 : i32
      %dma_start3A_504 = arith.constant 0 : i32
      %dma_start3A_505 = arith.constant 0 : i32
      %dma_start3A_506 = tpu.memref_slice %arg7[%dma_start3A_502, %dma_start3A_504, %dma_start3A_505] : memref<2x128x128xf32, #tpu.memory_space<vmem>> -> memref<1x128x128xf32, #tpu.memory_space<vmem>>
      %dma_start3A_507 = tpu.memref_squeeze %dma_start3A_506 : memref<1x128x128xf32, #tpu.memory_space<vmem>> -> memref<128x128xf32, #tpu.memory_space<vmem>>
      %dma_start3A_508 = arith.constant 0 : i32
      %dma_start3A_509 = arith.constant 0 : i32
      %dma_start3A_510 = tpu.memref_slice %arg6[%scan3A_1, %dma_start3A_508, %dma_start3A_509] : memref<2x16x128xi32, #tpu.memory_space<vmem>> -> memref<1x16x128xi32, #tpu.memory_space<vmem>>
      %dma_start3A_511 = tpu.memref_squeeze %dma_start3A_510 : memref<1x16x128xi32, #tpu.memory_space<vmem>> -> memref<16x128xi32, #tpu.memory_space<vmem>>
      %dma_start3A_512 = arith.constant 0 : i32
      %dma_start3A_513 = tpu.memref_slice %dma_start3A_511[%dma_start3A_503, %dma_start3A_512] : memref<16x128xi32, #tpu.memory_space<vmem>> -> memref<1x128xi32, #tpu.memory_space<vmem>>
      %dma_start3A_514 = tpu.memref_squeeze %dma_start3A_513 : memref<1x128xi32, #tpu.memory_space<vmem>> -> memref<128xi32, #tpu.memory_space<vmem>>
      %dma_start3A_515 = arith.constant 0 : i32
      %dma_start3A_516 = arith.constant 0 : i32
      %dma_start3A_517 = tpu.memref_slice %arg8[%dma_start3A_515, %dma_start3A_516] : memref<10112x128xf32, #tpu.memory_space<vmem_shared>> -> memref<10112x128xf32, #tpu.memory_space<vmem_shared>>
      tpu.enqueue_indirect_dma source(%dma_start3A_507 : memref<128x128xf32, #tpu.memory_space<vmem>>) target(%dma_start3A_517 : memref<10112x128xf32, #tpu.memory_space<vmem_shared>>) offsets(%dma_start3A_514 : memref<128xi32, #tpu.memory_space<vmem>>) semaphore(%arg11 : memref<!tpu.dma_semaphore, #tpu.memory_space<semaphore_mem>>) {add = true}
      %dma_wait3A_518 = arith.constant 0 : i32
      %dma_wait3A_519 = arith.constant 6 : i32
      %dma_wait3A_520 = arith.constant 0 : i32
      %dma_wait3A_521 = arith.constant 0 : i32
      %dma_wait3A_522 = tpu.memref_slice %arg7[%dma_wait3A_518, %dma_wait3A_520, %dma_wait3A_521] : memref<2x128x128xf32, #tpu.memory_space<vmem>> -> memref<1x128x128xf32, #tpu.memory_space<vmem>>
      %dma_wait3A_523 = tpu.memref_squeeze %dma_wait3A_522 : memref<1x128x128xf32, #tpu.memory_space<vmem>> -> memref<128x128xf32, #tpu.memory_space<vmem>>
      %dma_wait3A_524 = arith.constant 0 : i32
      %dma_wait3A_525 = arith.constant 0 : i32
      %dma_wait3A_526 = tpu.memref_slice %arg6[%scan3A_1, %dma_wait3A_524, %dma_wait3A_525] : memref<2x16x128xi32, #tpu.memory_space<vmem>> -> memref<1x16x128xi32, #tpu.memory_space<vmem>>
      %dma_wait3A_527 = tpu.memref_squeeze %dma_wait3A_526 : memref<1x16x128xi32, #tpu.memory_space<vmem>> -> memref<16x128xi32, #tpu.memory_space<vmem>>
      %dma_wait3A_528 = arith.constant 0 : i32
      %dma_wait3A_529 = tpu.memref_slice %dma_wait3A_527[%dma_wait3A_519, %dma_wait3A_528] : memref<16x128xi32, #tpu.memory_space<vmem>> -> memref<1x128xi32, #tpu.memory_space<vmem>>
      %dma_wait3A_530 = tpu.memref_squeeze %dma_wait3A_529 : memref<1x128xi32, #tpu.memory_space<vmem>> -> memref<128xi32, #tpu.memory_space<vmem>>
      %dma_wait3A_531 = arith.constant 0 : i32
      %dma_wait3A_532 = arith.constant 0 : i32
      %dma_wait3A_533 = tpu.memref_slice %arg8[%dma_wait3A_531, %dma_wait3A_532] : memref<10112x128xf32, #tpu.memory_space<vmem_shared>> -> memref<10112x128xf32, #tpu.memory_space<vmem_shared>>
      tpu.wait_indirect_dma semaphore(%arg11 : memref<!tpu.dma_semaphore, #tpu.memory_space<semaphore_mem>>) src(%dma_wait3A_523 : memref<128x128xf32, #tpu.memory_space<vmem>>) dst(%dma_wait3A_533 : memref<10112x128xf32, #tpu.memory_space<vmem_shared>>)
      %dma_start3A_534 = arith.constant 8 : i32
      %dma_start3A_535 = arith.constant 0 : i32
      %dma_start3A_536 = arith.constant 0 : i32
      %dma_start3A_537 = arith.constant 0 : i32
      %dma_start3A_538 = tpu.memref_slice %arg7[%dma_start3A_535, %dma_start3A_536, %dma_start3A_537] : memref<2x128x128xf32, #tpu.memory_space<vmem>> -> memref<1x128x128xf32, #tpu.memory_space<vmem>>
      %dma_start3A_539 = tpu.memref_squeeze %dma_start3A_538 : memref<1x128x128xf32, #tpu.memory_space<vmem>> -> memref<128x128xf32, #tpu.memory_space<vmem>>
      %dma_start3A_540 = arith.constant 0 : i32
      %dma_start3A_541 = arith.constant 0 : i32
      %dma_start3A_542 = tpu.memref_slice %arg6[%scan3A, %dma_start3A_540, %dma_start3A_541] : memref<2x16x128xi32, #tpu.memory_space<vmem>> -> memref<1x16x128xi32, #tpu.memory_space<vmem>>
      %dma_start3A_543 = tpu.memref_squeeze %dma_start3A_542 : memref<1x16x128xi32, #tpu.memory_space<vmem>> -> memref<16x128xi32, #tpu.memory_space<vmem>>
      %dma_start3A_544 = arith.constant 0 : i32
      %dma_start3A_545 = tpu.memref_slice %dma_start3A_543[%dma_start3A_534, %dma_start3A_544] : memref<16x128xi32, #tpu.memory_space<vmem>> -> memref<1x128xi32, #tpu.memory_space<vmem>>
      %dma_start3A_546 = tpu.memref_squeeze %dma_start3A_545 : memref<1x128xi32, #tpu.memory_space<vmem>> -> memref<128xi32, #tpu.memory_space<vmem>>
      %dma_start3A_547 = arith.constant 0 : i32
      %dma_start3A_548 = arith.constant 0 : i32
      %dma_start3A_549 = tpu.memref_slice %arg2[%arg0, %dma_start3A_547, %dma_start3A_548] : memref<2x10000x128xf32, #tpu.memory_space<hbm>> -> memref<1x10000x128xf32, #tpu.memory_space<hbm>>
      %dma_start3A_550 = tpu.memref_squeeze %dma_start3A_549 : memref<1x10000x128xf32, #tpu.memory_space<hbm>> -> memref<10000x128xf32, #tpu.memory_space<hbm>>
      %dma_start3A_551 = arith.constant 0 : i32
      %dma_start3A_552 = arith.constant 0 : i32
      %dma_start3A_553 = tpu.memref_slice %dma_start3A_550[%dma_start3A_551, %dma_start3A_552] : memref<10000x128xf32, #tpu.memory_space<hbm>> -> memref<10000x128xf32, #tpu.memory_space<hbm>>
      tpu.enqueue_indirect_dma source(%dma_start3A_553 : memref<10000x128xf32, #tpu.memory_space<hbm>>) target(%dma_start3A_539 : memref<128x128xf32, #tpu.memory_space<vmem>>) offsets(%dma_start3A_546 : memref<128xi32, #tpu.memory_space<vmem>>) semaphore(%arg9 : memref<!tpu.dma_semaphore, #tpu.memory_space<semaphore_mem>>)
      %dma_wait3A_554 = arith.constant 7 : i32
      %dma_wait3A_555 = arith.constant 1 : i32
      %dma_wait3A_556 = arith.constant 0 : i32
      %dma_wait3A_557 = arith.constant 0 : i32
      %dma_wait3A_558 = tpu.memref_slice %arg7[%dma_wait3A_555, %dma_wait3A_556, %dma_wait3A_557] : memref<2x128x128xf32, #tpu.memory_space<vmem>> -> memref<1x128x128xf32, #tpu.memory_space<vmem>>
      %dma_wait3A_559 = tpu.memref_squeeze %dma_wait3A_558 : memref<1x128x128xf32, #tpu.memory_space<vmem>> -> memref<128x128xf32, #tpu.memory_space<vmem>>
      %dma_wait3A_560 = arith.constant 0 : i32
      %dma_wait3A_561 = arith.constant 0 : i32
      %dma_wait3A_562 = tpu.memref_slice %arg6[%scan3A, %dma_wait3A_560, %dma_wait3A_561] : memref<2x16x128xi32, #tpu.memory_space<vmem>> -> memref<1x16x128xi32, #tpu.memory_space<vmem>>
      %dma_wait3A_563 = tpu.memref_squeeze %dma_wait3A_562 : memref<1x16x128xi32, #tpu.memory_space<vmem>> -> memref<16x128xi32, #tpu.memory_space<vmem>>
      %dma_wait3A_564 = arith.constant 0 : i32
      %dma_wait3A_565 = tpu.memref_slice %dma_wait3A_563[%dma_wait3A_554, %dma_wait3A_564] : memref<16x128xi32, #tpu.memory_space<vmem>> -> memref<1x128xi32, #tpu.memory_space<vmem>>
      %dma_wait3A_566 = tpu.memref_squeeze %dma_wait3A_565 : memref<1x128xi32, #tpu.memory_space<vmem>> -> memref<128xi32, #tpu.memory_space<vmem>>
      %dma_wait3A_567 = arith.constant 0 : i32
      %dma_wait3A_568 = arith.constant 0 : i32
      %dma_wait3A_569 = tpu.memref_slice %arg2[%arg0, %dma_wait3A_567, %dma_wait3A_568] : memref<2x10000x128xf32, #tpu.memory_space<hbm>> -> memref<1x10000x128xf32, #tpu.memory_space<hbm>>
      %dma_wait3A_570 = tpu.memref_squeeze %dma_wait3A_569 : memref<1x10000x128xf32, #tpu.memory_space<hbm>> -> memref<10000x128xf32, #tpu.memory_space<hbm>>
      %dma_wait3A_571 = arith.constant 0 : i32
      %dma_wait3A_572 = arith.constant 0 : i32
      %dma_wait3A_573 = tpu.memref_slice %dma_wait3A_570[%dma_wait3A_571, %dma_wait3A_572] : memref<10000x128xf32, #tpu.memory_space<hbm>> -> memref<10000x128xf32, #tpu.memory_space<hbm>>
      tpu.wait_indirect_dma semaphore(%arg10 : memref<!tpu.dma_semaphore, #tpu.memory_space<semaphore_mem>>) src(%dma_wait3A_573 : memref<10000x128xf32, #tpu.memory_space<hbm>>) dst(%dma_wait3A_559 : memref<128x128xf32, #tpu.memory_space<vmem>>)
      %dma_start3A_574 = arith.constant 1 : i32
      %dma_start3A_575 = arith.constant 7 : i32
      %dma_start3A_576 = arith.constant 0 : i32
      %dma_start3A_577 = arith.constant 0 : i32
      %dma_start3A_578 = tpu.memref_slice %arg7[%dma_start3A_574, %dma_start3A_576, %dma_start3A_577] : memref<2x128x128xf32, #tpu.memory_space<vmem>> -> memref<1x128x128xf32, #tpu.memory_space<vmem>>
      %dma_start3A_579 = tpu.memref_squeeze %dma_start3A_578 : memref<1x128x128xf32, #tpu.memory_space<vmem>> -> memref<128x128xf32, #tpu.memory_space<vmem>>
      %dma_start3A_580 = arith.constant 0 : i32
      %dma_start3A_581 = arith.constant 0 : i32
      %dma_start3A_582 = tpu.memref_slice %arg6[%scan3A_1, %dma_start3A_580, %dma_start3A_581] : memref<2x16x128xi32, #tpu.memory_space<vmem>> -> memref<1x16x128xi32, #tpu.memory_space<vmem>>
      %dma_start3A_583 = tpu.memref_squeeze %dma_start3A_582 : memref<1x16x128xi32, #tpu.memory_space<vmem>> -> memref<16x128xi32, #tpu.memory_space<vmem>>
      %dma_start3A_584 = arith.constant 0 : i32
      %dma_start3A_585 = tpu.memref_slice %dma_start3A_583[%dma_start3A_575, %dma_start3A_584] : memref<16x128xi32, #tpu.memory_space<vmem>> -> memref<1x128xi32, #tpu.memory_space<vmem>>
      %dma_start3A_586 = tpu.memref_squeeze %dma_start3A_585 : memref<1x128xi32, #tpu.memory_space<vmem>> -> memref<128xi32, #tpu.memory_space<vmem>>
      %dma_start3A_587 = arith.constant 0 : i32
      %dma_start3A_588 = arith.constant 0 : i32
      %dma_start3A_589 = tpu.memref_slice %arg8[%dma_start3A_587, %dma_start3A_588] : memref<10112x128xf32, #tpu.memory_space<vmem_shared>> -> memref<10112x128xf32, #tpu.memory_space<vmem_shared>>
      tpu.enqueue_indirect_dma source(%dma_start3A_579 : memref<128x128xf32, #tpu.memory_space<vmem>>) target(%dma_start3A_589 : memref<10112x128xf32, #tpu.memory_space<vmem_shared>>) offsets(%dma_start3A_586 : memref<128xi32, #tpu.memory_space<vmem>>) semaphore(%arg12 : memref<!tpu.dma_semaphore, #tpu.memory_space<semaphore_mem>>) {add = true}
      %dma_wait3A_590 = arith.constant 1 : i32
      %dma_wait3A_591 = arith.constant 7 : i32
      %dma_wait3A_592 = arith.constant 0 : i32
      %dma_wait3A_593 = arith.constant 0 : i32
      %dma_wait3A_594 = tpu.memref_slice %arg7[%dma_wait3A_590, %dma_wait3A_592, %dma_wait3A_593] : memref<2x128x128xf32, #tpu.memory_space<vmem>> -> memref<1x128x128xf32, #tpu.memory_space<vmem>>
      %dma_wait3A_595 = tpu.memref_squeeze %dma_wait3A_594 : memref<1x128x128xf32, #tpu.memory_space<vmem>> -> memref<128x128xf32, #tpu.memory_space<vmem>>
      %dma_wait3A_596 = arith.constant 0 : i32
      %dma_wait3A_597 = arith.constant 0 : i32
      %dma_wait3A_598 = tpu.memref_slice %arg6[%scan3A_1, %dma_wait3A_596, %dma_wait3A_597] : memref<2x16x128xi32, #tpu.memory_space<vmem>> -> memref<1x16x128xi32, #tpu.memory_space<vmem>>
      %dma_wait3A_599 = tpu.memref_squeeze %dma_wait3A_598 : memref<1x16x128xi32, #tpu.memory_space<vmem>> -> memref<16x128xi32, #tpu.memory_space<vmem>>
      %dma_wait3A_600 = arith.constant 0 : i32
      %dma_wait3A_601 = tpu.memref_slice %dma_wait3A_599[%dma_wait3A_591, %dma_wait3A_600] : memref<16x128xi32, #tpu.memory_space<vmem>> -> memref<1x128xi32, #tpu.memory_space<vmem>>
      %dma_wait3A_602 = tpu.memref_squeeze %dma_wait3A_601 : memref<1x128xi32, #tpu.memory_space<vmem>> -> memref<128xi32, #tpu.memory_space<vmem>>
      %dma_wait3A_603 = arith.constant 0 : i32
      %dma_wait3A_604 = arith.constant 0 : i32
      %dma_wait3A_605 = tpu.memref_slice %arg8[%dma_wait3A_603, %dma_wait3A_604] : memref<10112x128xf32, #tpu.memory_space<vmem_shared>> -> memref<10112x128xf32, #tpu.memory_space<vmem_shared>>
      tpu.wait_indirect_dma semaphore(%arg12 : memref<!tpu.dma_semaphore, #tpu.memory_space<semaphore_mem>>) src(%dma_wait3A_595 : memref<128x128xf32, #tpu.memory_space<vmem>>) dst(%dma_wait3A_605 : memref<10112x128xf32, #tpu.memory_space<vmem_shared>>)
      %dma_start3A_606 = arith.constant 9 : i32
      %dma_start3A_607 = arith.constant 1 : i32
      %dma_start3A_608 = arith.constant 0 : i32
      %dma_start3A_609 = arith.constant 0 : i32
      %dma_start3A_610 = tpu.memref_slice %arg7[%dma_start3A_607, %dma_start3A_608, %dma_start3A_609] : memref<2x128x128xf32, #tpu.memory_space<vmem>> -> memref<1x128x128xf32, #tpu.memory_space<vmem>>
      %dma_start3A_611 = tpu.memref_squeeze %dma_start3A_610 : memref<1x128x128xf32, #tpu.memory_space<vmem>> -> memref<128x128xf32, #tpu.memory_space<vmem>>
      %dma_start3A_612 = arith.constant 0 : i32
      %dma_start3A_613 = arith.constant 0 : i32
      %dma_start3A_614 = tpu.memref_slice %arg6[%scan3A, %dma_start3A_612, %dma_start3A_613] : memref<2x16x128xi32, #tpu.memory_space<vmem>> -> memref<1x16x128xi32, #tpu.memory_space<vmem>>
      %dma_start3A_615 = tpu.memref_squeeze %dma_start3A_614 : memref<1x16x128xi32, #tpu.memory_space<vmem>> -> memref<16x128xi32, #tpu.memory_space<vmem>>
      %dma_start3A_616 = arith.constant 0 : i32
      %dma_start3A_617 = tpu.memref_slice %dma_start3A_615[%dma_start3A_606, %dma_start3A_616] : memref<16x128xi32, #tpu.memory_space<vmem>> -> memref<1x128xi32, #tpu.memory_space<vmem>>
      %dma_start3A_618 = tpu.memref_squeeze %dma_start3A_617 : memref<1x128xi32, #tpu.memory_space<vmem>> -> memref<128xi32, #tpu.memory_space<vmem>>
      %dma_start3A_619 = arith.constant 0 : i32
      %dma_start3A_620 = arith.constant 0 : i32
      %dma_start3A_621 = tpu.memref_slice %arg2[%arg0, %dma_start3A_619, %dma_start3A_620] : memref<2x10000x128xf32, #tpu.memory_space<hbm>> -> memref<1x10000x128xf32, #tpu.memory_space<hbm>>
      %dma_start3A_622 = tpu.memref_squeeze %dma_start3A_621 : memref<1x10000x128xf32, #tpu.memory_space<hbm>> -> memref<10000x128xf32, #tpu.memory_space<hbm>>
      %dma_start3A_623 = arith.constant 0 : i32
      %dma_start3A_624 = arith.constant 0 : i32
      %dma_start3A_625 = tpu.memref_slice %dma_start3A_622[%dma_start3A_623, %dma_start3A_624] : memref<10000x128xf32, #tpu.memory_space<hbm>> -> memref<10000x128xf32, #tpu.memory_space<hbm>>
      tpu.enqueue_indirect_dma source(%dma_start3A_625 : memref<10000x128xf32, #tpu.memory_space<hbm>>) target(%dma_start3A_611 : memref<128x128xf32, #tpu.memory_space<vmem>>) offsets(%dma_start3A_618 : memref<128xi32, #tpu.memory_space<vmem>>) semaphore(%arg10 : memref<!tpu.dma_semaphore, #tpu.memory_space<semaphore_mem>>)
      %dma_wait3A_626 = arith.constant 8 : i32
      %dma_wait3A_627 = arith.constant 0 : i32
      %dma_wait3A_628 = arith.constant 0 : i32
      %dma_wait3A_629 = arith.constant 0 : i32
      %dma_wait3A_630 = tpu.memref_slice %arg7[%dma_wait3A_627, %dma_wait3A_628, %dma_wait3A_629] : memref<2x128x128xf32, #tpu.memory_space<vmem>> -> memref<1x128x128xf32, #tpu.memory_space<vmem>>
      %dma_wait3A_631 = tpu.memref_squeeze %dma_wait3A_630 : memref<1x128x128xf32, #tpu.memory_space<vmem>> -> memref<128x128xf32, #tpu.memory_space<vmem>>
      %dma_wait3A_632 = arith.constant 0 : i32
      %dma_wait3A_633 = arith.constant 0 : i32
      %dma_wait3A_634 = tpu.memref_slice %arg6[%scan3A, %dma_wait3A_632, %dma_wait3A_633] : memref<2x16x128xi32, #tpu.memory_space<vmem>> -> memref<1x16x128xi32, #tpu.memory_space<vmem>>
      %dma_wait3A_635 = tpu.memref_squeeze %dma_wait3A_634 : memref<1x16x128xi32, #tpu.memory_space<vmem>> -> memref<16x128xi32, #tpu.memory_space<vmem>>
      %dma_wait3A_636 = arith.constant 0 : i32
      %dma_wait3A_637 = tpu.memref_slice %dma_wait3A_635[%dma_wait3A_626, %dma_wait3A_636] : memref<16x128xi32, #tpu.memory_space<vmem>> -> memref<1x128xi32, #tpu.memory_space<vmem>>
      %dma_wait3A_638 = tpu.memref_squeeze %dma_wait3A_637 : memref<1x128xi32, #tpu.memory_space<vmem>> -> memref<128xi32, #tpu.memory_space<vmem>>
      %dma_wait3A_639 = arith.constant 0 : i32
      %dma_wait3A_640 = arith.constant 0 : i32
      %dma_wait3A_641 = tpu.memref_slice %arg2[%arg0, %dma_wait3A_639, %dma_wait3A_640] : memref<2x10000x128xf32, #tpu.memory_space<hbm>> -> memref<1x10000x128xf32, #tpu.memory_space<hbm>>
      %dma_wait3A_642 = tpu.memref_squeeze %dma_wait3A_641 : memref<1x10000x128xf32, #tpu.memory_space<hbm>> -> memref<10000x128xf32, #tpu.memory_space<hbm>>
      %dma_wait3A_643 = arith.constant 0 : i32
      %dma_wait3A_644 = arith.constant 0 : i32
      %dma_wait3A_645 = tpu.memref_slice %dma_wait3A_642[%dma_wait3A_643, %dma_wait3A_644] : memref<10000x128xf32, #tpu.memory_space<hbm>> -> memref<10000x128xf32, #tpu.memory_space<hbm>>
      tpu.wait_indirect_dma semaphore(%arg9 : memref<!tpu.dma_semaphore, #tpu.memory_space<semaphore_mem>>) src(%dma_wait3A_645 : memref<10000x128xf32, #tpu.memory_space<hbm>>) dst(%dma_wait3A_631 : memref<128x128xf32, #tpu.memory_space<vmem>>)
      %dma_start3A_646 = arith.constant 0 : i32
      %dma_start3A_647 = arith.constant 8 : i32
      %dma_start3A_648 = arith.constant 0 : i32
      %dma_start3A_649 = arith.constant 0 : i32
      %dma_start3A_650 = tpu.memref_slice %arg7[%dma_start3A_646, %dma_start3A_648, %dma_start3A_649] : memref<2x128x128xf32, #tpu.memory_space<vmem>> -> memref<1x128x128xf32, #tpu.memory_space<vmem>>
      %dma_start3A_651 = tpu.memref_squeeze %dma_start3A_650 : memref<1x128x128xf32, #tpu.memory_space<vmem>> -> memref<128x128xf32, #tpu.memory_space<vmem>>
      %dma_start3A_652 = arith.constant 0 : i32
      %dma_start3A_653 = arith.constant 0 : i32
      %dma_start3A_654 = tpu.memref_slice %arg6[%scan3A_1, %dma_start3A_652, %dma_start3A_653] : memref<2x16x128xi32, #tpu.memory_space<vmem>> -> memref<1x16x128xi32, #tpu.memory_space<vmem>>
      %dma_start3A_655 = tpu.memref_squeeze %dma_start3A_654 : memref<1x16x128xi32, #tpu.memory_space<vmem>> -> memref<16x128xi32, #tpu.memory_space<vmem>>
      %dma_start3A_656 = arith.constant 0 : i32
      %dma_start3A_657 = tpu.memref_slice %dma_start3A_655[%dma_start3A_647, %dma_start3A_656] : memref<16x128xi32, #tpu.memory_space<vmem>> -> memref<1x128xi32, #tpu.memory_space<vmem>>
      %dma_start3A_658 = tpu.memref_squeeze %dma_start3A_657 : memref<1x128xi32, #tpu.memory_space<vmem>> -> memref<128xi32, #tpu.memory_space<vmem>>
      %dma_start3A_659 = arith.constant 0 : i32
      %dma_start3A_660 = arith.constant 0 : i32
      %dma_start3A_661 = tpu.memref_slice %arg8[%dma_start3A_659, %dma_start3A_660] : memref<10112x128xf32, #tpu.memory_space<vmem_shared>> -> memref<10112x128xf32, #tpu.memory_space<vmem_shared>>
      tpu.enqueue_indirect_dma source(%dma_start3A_651 : memref<128x128xf32, #tpu.memory_space<vmem>>) target(%dma_start3A_661 : memref<10112x128xf32, #tpu.memory_space<vmem_shared>>) offsets(%dma_start3A_658 : memref<128xi32, #tpu.memory_space<vmem>>) semaphore(%arg11 : memref<!tpu.dma_semaphore, #tpu.memory_space<semaphore_mem>>) {add = true}
      %dma_wait3A_662 = arith.constant 0 : i32
      %dma_wait3A_663 = arith.constant 8 : i32
      %dma_wait3A_664 = arith.constant 0 : i32
      %dma_wait3A_665 = arith.constant 0 : i32
      %dma_wait3A_666 = tpu.memref_slice %arg7[%dma_wait3A_662, %dma_wait3A_664, %dma_wait3A_665] : memref<2x128x128xf32, #tpu.memory_space<vmem>> -> memref<1x128x128xf32, #tpu.memory_space<vmem>>
      %dma_wait3A_667 = tpu.memref_squeeze %dma_wait3A_666 : memref<1x128x128xf32, #tpu.memory_space<vmem>> -> memref<128x128xf32, #tpu.memory_space<vmem>>
      %dma_wait3A_668 = arith.constant 0 : i32
      %dma_wait3A_669 = arith.constant 0 : i32
      %dma_wait3A_670 = tpu.memref_slice %arg6[%scan3A_1, %dma_wait3A_668, %dma_wait3A_669] : memref<2x16x128xi32, #tpu.memory_space<vmem>> -> memref<1x16x128xi32, #tpu.memory_space<vmem>>
      %dma_wait3A_671 = tpu.memref_squeeze %dma_wait3A_670 : memref<1x16x128xi32, #tpu.memory_space<vmem>> -> memref<16x128xi32, #tpu.memory_space<vmem>>
      %dma_wait3A_672 = arith.constant 0 : i32
      %dma_wait3A_673 = tpu.memref_slice %dma_wait3A_671[%dma_wait3A_663, %dma_wait3A_672] : memref<16x128xi32, #tpu.memory_space<vmem>> -> memref<1x128xi32, #tpu.memory_space<vmem>>
      %dma_wait3A_674 = tpu.memref_squeeze %dma_wait3A_673 : memref<1x128xi32, #tpu.memory_space<vmem>> -> memref<128xi32, #tpu.memory_space<vmem>>
      %dma_wait3A_675 = arith.constant 0 : i32
      %dma_wait3A_676 = arith.constant 0 : i32
      %dma_wait3A_677 = tpu.memref_slice %arg8[%dma_wait3A_675, %dma_wait3A_676] : memref<10112x128xf32, #tpu.memory_space<vmem_shared>> -> memref<10112x128xf32, #tpu.memory_space<vmem_shared>>
      tpu.wait_indirect_dma semaphore(%arg11 : memref<!tpu.dma_semaphore, #tpu.memory_space<semaphore_mem>>) src(%dma_wait3A_667 : memref<128x128xf32, #tpu.memory_space<vmem>>) dst(%dma_wait3A_677 : memref<10112x128xf32, #tpu.memory_space<vmem_shared>>)
      %dma_start3A_678 = arith.constant 10 : i32
      %dma_start3A_679 = arith.constant 0 : i32
      %dma_start3A_680 = arith.constant 0 : i32
      %dma_start3A_681 = arith.constant 0 : i32
      %dma_start3A_682 = tpu.memref_slice %arg7[%dma_start3A_679, %dma_start3A_680, %dma_start3A_681] : memref<2x128x128xf32, #tpu.memory_space<vmem>> -> memref<1x128x128xf32, #tpu.memory_space<vmem>>
      %dma_start3A_683 = tpu.memref_squeeze %dma_start3A_682 : memref<1x128x128xf32, #tpu.memory_space<vmem>> -> memref<128x128xf32, #tpu.memory_space<vmem>>
      %dma_start3A_684 = arith.constant 0 : i32
      %dma_start3A_685 = arith.constant 0 : i32
      %dma_start3A_686 = tpu.memref_slice %arg6[%scan3A, %dma_start3A_684, %dma_start3A_685] : memref<2x16x128xi32, #tpu.memory_space<vmem>> -> memref<1x16x128xi32, #tpu.memory_space<vmem>>
      %dma_start3A_687 = tpu.memref_squeeze %dma_start3A_686 : memref<1x16x128xi32, #tpu.memory_space<vmem>> -> memref<16x128xi32, #tpu.memory_space<vmem>>
      %dma_start3A_688 = arith.constant 0 : i32
      %dma_start3A_689 = tpu.memref_slice %dma_start3A_687[%dma_start3A_678, %dma_start3A_688] : memref<16x128xi32, #tpu.memory_space<vmem>> -> memref<1x128xi32, #tpu.memory_space<vmem>>
      %dma_start3A_690 = tpu.memref_squeeze %dma_start3A_689 : memref<1x128xi32, #tpu.memory_space<vmem>> -> memref<128xi32, #tpu.memory_space<vmem>>
      %dma_start3A_691 = arith.constant 0 : i32
      %dma_start3A_692 = arith.constant 0 : i32
      %dma_start3A_693 = tpu.memref_slice %arg2[%arg0, %dma_start3A_691, %dma_start3A_692] : memref<2x10000x128xf32, #tpu.memory_space<hbm>> -> memref<1x10000x128xf32, #tpu.memory_space<hbm>>
      %dma_start3A_694 = tpu.memref_squeeze %dma_start3A_693 : memref<1x10000x128xf32, #tpu.memory_space<hbm>> -> memref<10000x128xf32, #tpu.memory_space<hbm>>
      %dma_start3A_695 = arith.constant 0 : i32
      %dma_start3A_696 = arith.constant 0 : i32
      %dma_start3A_697 = tpu.memref_slice %dma_start3A_694[%dma_start3A_695, %dma_start3A_696] : memref<10000x128xf32, #tpu.memory_space<hbm>> -> memref<10000x128xf32, #tpu.memory_space<hbm>>
      tpu.enqueue_indirect_dma source(%dma_start3A_697 : memref<10000x128xf32, #tpu.memory_space<hbm>>) target(%dma_start3A_683 : memref<128x128xf32, #tpu.memory_space<vmem>>) offsets(%dma_start3A_690 : memref<128xi32, #tpu.memory_space<vmem>>) semaphore(%arg9 : memref<!tpu.dma_semaphore, #tpu.memory_space<semaphore_mem>>)
      %dma_wait3A_698 = arith.constant 9 : i32
      %dma_wait3A_699 = arith.constant 1 : i32
      %dma_wait3A_700 = arith.constant 0 : i32
      %dma_wait3A_701 = arith.constant 0 : i32
      %dma_wait3A_702 = tpu.memref_slice %arg7[%dma_wait3A_699, %dma_wait3A_700, %dma_wait3A_701] : memref<2x128x128xf32, #tpu.memory_space<vmem>> -> memref<1x128x128xf32, #tpu.memory_space<vmem>>
      %dma_wait3A_703 = tpu.memref_squeeze %dma_wait3A_702 : memref<1x128x128xf32, #tpu.memory_space<vmem>> -> memref<128x128xf32, #tpu.memory_space<vmem>>
      %dma_wait3A_704 = arith.constant 0 : i32
      %dma_wait3A_705 = arith.constant 0 : i32
      %dma_wait3A_706 = tpu.memref_slice %arg6[%scan3A, %dma_wait3A_704, %dma_wait3A_705] : memref<2x16x128xi32, #tpu.memory_space<vmem>> -> memref<1x16x128xi32, #tpu.memory_space<vmem>>
      %dma_wait3A_707 = tpu.memref_squeeze %dma_wait3A_706 : memref<1x16x128xi32, #tpu.memory_space<vmem>> -> memref<16x128xi32, #tpu.memory_space<vmem>>
      %dma_wait3A_708 = arith.constant 0 : i32
      %dma_wait3A_709 = tpu.memref_slice %dma_wait3A_707[%dma_wait3A_698, %dma_wait3A_708] : memref<16x128xi32, #tpu.memory_space<vmem>> -> memref<1x128xi32, #tpu.memory_space<vmem>>
      %dma_wait3A_710 = tpu.memref_squeeze %dma_wait3A_709 : memref<1x128xi32, #tpu.memory_space<vmem>> -> memref<128xi32, #tpu.memory_space<vmem>>
      %dma_wait3A_711 = arith.constant 0 : i32
      %dma_wait3A_712 = arith.constant 0 : i32
      %dma_wait3A_713 = tpu.memref_slice %arg2[%arg0, %dma_wait3A_711, %dma_wait3A_712] : memref<2x10000x128xf32, #tpu.memory_space<hbm>> -> memref<1x10000x128xf32, #tpu.memory_space<hbm>>
      %dma_wait3A_714 = tpu.memref_squeeze %dma_wait3A_713 : memref<1x10000x128xf32, #tpu.memory_space<hbm>> -> memref<10000x128xf32, #tpu.memory_space<hbm>>
      %dma_wait3A_715 = arith.constant 0 : i32
      %dma_wait3A_716 = arith.constant 0 : i32
      %dma_wait3A_717 = tpu.memref_slice %dma_wait3A_714[%dma_wait3A_715, %dma_wait3A_716] : memref<10000x128xf32, #tpu.memory_space<hbm>> -> memref<10000x128xf32, #tpu.memory_space<hbm>>
      tpu.wait_indirect_dma semaphore(%arg10 : memref<!tpu.dma_semaphore, #tpu.memory_space<semaphore_mem>>) src(%dma_wait3A_717 : memref<10000x128xf32, #tpu.memory_space<hbm>>) dst(%dma_wait3A_703 : memref<128x128xf32, #tpu.memory_space<vmem>>)
      %dma_start3A_718 = arith.constant 1 : i32
      %dma_start3A_719 = arith.constant 9 : i32
      %dma_start3A_720 = arith.constant 0 : i32
      %dma_start3A_721 = arith.constant 0 : i32
      %dma_start3A_722 = tpu.memref_slice %arg7[%dma_start3A_718, %dma_start3A_720, %dma_start3A_721] : memref<2x128x128xf32, #tpu.memory_space<vmem>> -> memref<1x128x128xf32, #tpu.memory_space<vmem>>
      %dma_start3A_723 = tpu.memref_squeeze %dma_start3A_722 : memref<1x128x128xf32, #tpu.memory_space<vmem>> -> memref<128x128xf32, #tpu.memory_space<vmem>>
      %dma_start3A_724 = arith.constant 0 : i32
      %dma_start3A_725 = arith.constant 0 : i32
      %dma_start3A_726 = tpu.memref_slice %arg6[%scan3A_1, %dma_start3A_724, %dma_start3A_725] : memref<2x16x128xi32, #tpu.memory_space<vmem>> -> memref<1x16x128xi32, #tpu.memory_space<vmem>>
      %dma_start3A_727 = tpu.memref_squeeze %dma_start3A_726 : memref<1x16x128xi32, #tpu.memory_space<vmem>> -> memref<16x128xi32, #tpu.memory_space<vmem>>
      %dma_start3A_728 = arith.constant 0 : i32
      %dma_start3A_729 = tpu.memref_slice %dma_start3A_727[%dma_start3A_719, %dma_start3A_728] : memref<16x128xi32, #tpu.memory_space<vmem>> -> memref<1x128xi32, #tpu.memory_space<vmem>>
      %dma_start3A_730 = tpu.memref_squeeze %dma_start3A_729 : memref<1x128xi32, #tpu.memory_space<vmem>> -> memref<128xi32, #tpu.memory_space<vmem>>
      %dma_start3A_731 = arith.constant 0 : i32
      %dma_start3A_732 = arith.constant 0 : i32
      %dma_start3A_733 = tpu.memref_slice %arg8[%dma_start3A_731, %dma_start3A_732] : memref<10112x128xf32, #tpu.memory_space<vmem_shared>> -> memref<10112x128xf32, #tpu.memory_space<vmem_shared>>
      tpu.enqueue_indirect_dma source(%dma_start3A_723 : memref<128x128xf32, #tpu.memory_space<vmem>>) target(%dma_start3A_733 : memref<10112x128xf32, #tpu.memory_space<vmem_shared>>) offsets(%dma_start3A_730 : memref<128xi32, #tpu.memory_space<vmem>>) semaphore(%arg12 : memref<!tpu.dma_semaphore, #tpu.memory_space<semaphore_mem>>) {add = true}
      %dma_wait3A_734 = arith.constant 1 : i32
      %dma_wait3A_735 = arith.constant 9 : i32
      %dma_wait3A_736 = arith.constant 0 : i32
      %dma_wait3A_737 = arith.constant 0 : i32
      %dma_wait3A_738 = tpu.memref_slice %arg7[%dma_wait3A_734, %dma_wait3A_736, %dma_wait3A_737] : memref<2x128x128xf32, #tpu.memory_space<vmem>> -> memref<1x128x128xf32, #tpu.memory_space<vmem>>
      %dma_wait3A_739 = tpu.memref_squeeze %dma_wait3A_738 : memref<1x128x128xf32, #tpu.memory_space<vmem>> -> memref<128x128xf32, #tpu.memory_space<vmem>>
      %dma_wait3A_740 = arith.constant 0 : i32
      %dma_wait3A_741 = arith.constant 0 : i32
      %dma_wait3A_742 = tpu.memref_slice %arg6[%scan3A_1, %dma_wait3A_740, %dma_wait3A_741] : memref<2x16x128xi32, #tpu.memory_space<vmem>> -> memref<1x16x128xi32, #tpu.memory_space<vmem>>
      %dma_wait3A_743 = tpu.memref_squeeze %dma_wait3A_742 : memref<1x16x128xi32, #tpu.memory_space<vmem>> -> memref<16x128xi32, #tpu.memory_space<vmem>>
      %dma_wait3A_744 = arith.constant 0 : i32
      %dma_wait3A_745 = tpu.memref_slice %dma_wait3A_743[%dma_wait3A_735, %dma_wait3A_744] : memref<16x128xi32, #tpu.memory_space<vmem>> -> memref<1x128xi32, #tpu.memory_space<vmem>>
      %dma_wait3A_746 = tpu.memref_squeeze %dma_wait3A_745 : memref<1x128xi32, #tpu.memory_space<vmem>> -> memref<128xi32, #tpu.memory_space<vmem>>
      %dma_wait3A_747 = arith.constant 0 : i32
      %dma_wait3A_748 = arith.constant 0 : i32
      %dma_wait3A_749 = tpu.memref_slice %arg8[%dma_wait3A_747, %dma_wait3A_748] : memref<10112x128xf32, #tpu.memory_space<vmem_shared>> -> memref<10112x128xf32, #tpu.memory_space<vmem_shared>>
      tpu.wait_indirect_dma semaphore(%arg12 : memref<!tpu.dma_semaphore, #tpu.memory_space<semaphore_mem>>) src(%dma_wait3A_739 : memref<128x128xf32, #tpu.memory_space<vmem>>) dst(%dma_wait3A_749 : memref<10112x128xf32, #tpu.memory_space<vmem_shared>>)
      %dma_start3A_750 = arith.constant 11 : i32
      %dma_start3A_751 = arith.constant 1 : i32
      %dma_start3A_752 = arith.constant 0 : i32
      %dma_start3A_753 = arith.constant 0 : i32
      %dma_start3A_754 = tpu.memref_slice %arg7[%dma_start3A_751, %dma_start3A_752, %dma_start3A_753] : memref<2x128x128xf32, #tpu.memory_space<vmem>> -> memref<1x128x128xf32, #tpu.memory_space<vmem>>
      %dma_start3A_755 = tpu.memref_squeeze %dma_start3A_754 : memref<1x128x128xf32, #tpu.memory_space<vmem>> -> memref<128x128xf32, #tpu.memory_space<vmem>>
      %dma_start3A_756 = arith.constant 0 : i32
      %dma_start3A_757 = arith.constant 0 : i32
      %dma_start3A_758 = tpu.memref_slice %arg6[%scan3A, %dma_start3A_756, %dma_start3A_757] : memref<2x16x128xi32, #tpu.memory_space<vmem>> -> memref<1x16x128xi32, #tpu.memory_space<vmem>>
      %dma_start3A_759 = tpu.memref_squeeze %dma_start3A_758 : memref<1x16x128xi32, #tpu.memory_space<vmem>> -> memref<16x128xi32, #tpu.memory_space<vmem>>
      %dma_start3A_760 = arith.constant 0 : i32
      %dma_start3A_761 = tpu.memref_slice %dma_start3A_759[%dma_start3A_750, %dma_start3A_760] : memref<16x128xi32, #tpu.memory_space<vmem>> -> memref<1x128xi32, #tpu.memory_space<vmem>>
      %dma_start3A_762 = tpu.memref_squeeze %dma_start3A_761 : memref<1x128xi32, #tpu.memory_space<vmem>> -> memref<128xi32, #tpu.memory_space<vmem>>
      %dma_start3A_763 = arith.constant 0 : i32
      %dma_start3A_764 = arith.constant 0 : i32
      %dma_start3A_765 = tpu.memref_slice %arg2[%arg0, %dma_start3A_763, %dma_start3A_764] : memref<2x10000x128xf32, #tpu.memory_space<hbm>> -> memref<1x10000x128xf32, #tpu.memory_space<hbm>>
      %dma_start3A_766 = tpu.memref_squeeze %dma_start3A_765 : memref<1x10000x128xf32, #tpu.memory_space<hbm>> -> memref<10000x128xf32, #tpu.memory_space<hbm>>
      %dma_start3A_767 = arith.constant 0 : i32
      %dma_start3A_768 = arith.constant 0 : i32
      %dma_start3A_769 = tpu.memref_slice %dma_start3A_766[%dma_start3A_767, %dma_start3A_768] : memref<10000x128xf32, #tpu.memory_space<hbm>> -> memref<10000x128xf32, #tpu.memory_space<hbm>>
      tpu.enqueue_indirect_dma source(%dma_start3A_769 : memref<10000x128xf32, #tpu.memory_space<hbm>>) target(%dma_start3A_755 : memref<128x128xf32, #tpu.memory_space<vmem>>) offsets(%dma_start3A_762 : memref<128xi32, #tpu.memory_space<vmem>>) semaphore(%arg10 : memref<!tpu.dma_semaphore, #tpu.memory_space<semaphore_mem>>)
      %dma_wait3A_770 = arith.constant 10 : i32
      %dma_wait3A_771 = arith.constant 0 : i32
      %dma_wait3A_772 = arith.constant 0 : i32
      %dma_wait3A_773 = arith.constant 0 : i32
      %dma_wait3A_774 = tpu.memref_slice %arg7[%dma_wait3A_771, %dma_wait3A_772, %dma_wait3A_773] : memref<2x128x128xf32, #tpu.memory_space<vmem>> -> memref<1x128x128xf32, #tpu.memory_space<vmem>>
      %dma_wait3A_775 = tpu.memref_squeeze %dma_wait3A_774 : memref<1x128x128xf32, #tpu.memory_space<vmem>> -> memref<128x128xf32, #tpu.memory_space<vmem>>
      %dma_wait3A_776 = arith.constant 0 : i32
      %dma_wait3A_777 = arith.constant 0 : i32
      %dma_wait3A_778 = tpu.memref_slice %arg6[%scan3A, %dma_wait3A_776, %dma_wait3A_777] : memref<2x16x128xi32, #tpu.memory_space<vmem>> -> memref<1x16x128xi32, #tpu.memory_space<vmem>>
      %dma_wait3A_779 = tpu.memref_squeeze %dma_wait3A_778 : memref<1x16x128xi32, #tpu.memory_space<vmem>> -> memref<16x128xi32, #tpu.memory_space<vmem>>
      %dma_wait3A_780 = arith.constant 0 : i32
      %dma_wait3A_781 = tpu.memref_slice %dma_wait3A_779[%dma_wait3A_770, %dma_wait3A_780] : memref<16x128xi32, #tpu.memory_space<vmem>> -> memref<1x128xi32, #tpu.memory_space<vmem>>
      %dma_wait3A_782 = tpu.memref_squeeze %dma_wait3A_781 : memref<1x128xi32, #tpu.memory_space<vmem>> -> memref<128xi32, #tpu.memory_space<vmem>>
      %dma_wait3A_783 = arith.constant 0 : i32
      %dma_wait3A_784 = arith.constant 0 : i32
      %dma_wait3A_785 = tpu.memref_slice %arg2[%arg0, %dma_wait3A_783, %dma_wait3A_784] : memref<2x10000x128xf32, #tpu.memory_space<hbm>> -> memref<1x10000x128xf32, #tpu.memory_space<hbm>>
      %dma_wait3A_786 = tpu.memref_squeeze %dma_wait3A_785 : memref<1x10000x128xf32, #tpu.memory_space<hbm>> -> memref<10000x128xf32, #tpu.memory_space<hbm>>
      %dma_wait3A_787 = arith.constant 0 : i32
      %dma_wait3A_788 = arith.constant 0 : i32
      %dma_wait3A_789 = tpu.memref_slice %dma_wait3A_786[%dma_wait3A_787, %dma_wait3A_788] : memref<10000x128xf32, #tpu.memory_space<hbm>> -> memref<10000x128xf32, #tpu.memory_space<hbm>>
      tpu.wait_indirect_dma semaphore(%arg9 : memref<!tpu.dma_semaphore, #tpu.memory_space<semaphore_mem>>) src(%dma_wait3A_789 : memref<10000x128xf32, #tpu.memory_space<hbm>>) dst(%dma_wait3A_775 : memref<128x128xf32, #tpu.memory_space<vmem>>)
      %dma_start3A_790 = arith.constant 0 : i32
      %dma_start3A_791 = arith.constant 10 : i32
      %dma_start3A_792 = arith.constant 0 : i32
      %dma_start3A_793 = arith.constant 0 : i32
      %dma_start3A_794 = tpu.memref_slice %arg7[%dma_start3A_790, %dma_start3A_792, %dma_start3A_793] : memref<2x128x128xf32, #tpu.memory_space<vmem>> -> memref<1x128x128xf32, #tpu.memory_space<vmem>>
      %dma_start3A_795 = tpu.memref_squeeze %dma_start3A_794 : memref<1x128x128xf32, #tpu.memory_space<vmem>> -> memref<128x128xf32, #tpu.memory_space<vmem>>
      %dma_start3A_796 = arith.constant 0 : i32
      %dma_start3A_797 = arith.constant 0 : i32
      %dma_start3A_798 = tpu.memref_slice %arg6[%scan3A_1, %dma_start3A_796, %dma_start3A_797] : memref<2x16x128xi32, #tpu.memory_space<vmem>> -> memref<1x16x128xi32, #tpu.memory_space<vmem>>
      %dma_start3A_799 = tpu.memref_squeeze %dma_start3A_798 : memref<1x16x128xi32, #tpu.memory_space<vmem>> -> memref<16x128xi32, #tpu.memory_space<vmem>>
      %dma_start3A_800 = arith.constant 0 : i32
      %dma_start3A_801 = tpu.memref_slice %dma_start3A_799[%dma_start3A_791, %dma_start3A_800] : memref<16x128xi32, #tpu.memory_space<vmem>> -> memref<1x128xi32, #tpu.memory_space<vmem>>
      %dma_start3A_802 = tpu.memref_squeeze %dma_start3A_801 : memref<1x128xi32, #tpu.memory_space<vmem>> -> memref<128xi32, #tpu.memory_space<vmem>>
      %dma_start3A_803 = arith.constant 0 : i32
      %dma_start3A_804 = arith.constant 0 : i32
      %dma_start3A_805 = tpu.memref_slice %arg8[%dma_start3A_803, %dma_start3A_804] : memref<10112x128xf32, #tpu.memory_space<vmem_shared>> -> memref<10112x128xf32, #tpu.memory_space<vmem_shared>>
      tpu.enqueue_indirect_dma source(%dma_start3A_795 : memref<128x128xf32, #tpu.memory_space<vmem>>) target(%dma_start3A_805 : memref<10112x128xf32, #tpu.memory_space<vmem_shared>>) offsets(%dma_start3A_802 : memref<128xi32, #tpu.memory_space<vmem>>) semaphore(%arg11 : memref<!tpu.dma_semaphore, #tpu.memory_space<semaphore_mem>>) {add = true}
      %dma_wait3A_806 = arith.constant 0 : i32
      %dma_wait3A_807 = arith.constant 10 : i32
      %dma_wait3A_808 = arith.constant 0 : i32
      %dma_wait3A_809 = arith.constant 0 : i32
      %dma_wait3A_810 = tpu.memref_slice %arg7[%dma_wait3A_806, %dma_wait3A_808, %dma_wait3A_809] : memref<2x128x128xf32, #tpu.memory_space<vmem>> -> memref<1x128x128xf32, #tpu.memory_space<vmem>>
      %dma_wait3A_811 = tpu.memref_squeeze %dma_wait3A_810 : memref<1x128x128xf32, #tpu.memory_space<vmem>> -> memref<128x128xf32, #tpu.memory_space<vmem>>
      %dma_wait3A_812 = arith.constant 0 : i32
      %dma_wait3A_813 = arith.constant 0 : i32
      %dma_wait3A_814 = tpu.memref_slice %arg6[%scan3A_1, %dma_wait3A_812, %dma_wait3A_813] : memref<2x16x128xi32, #tpu.memory_space<vmem>> -> memref<1x16x128xi32, #tpu.memory_space<vmem>>
      %dma_wait3A_815 = tpu.memref_squeeze %dma_wait3A_814 : memref<1x16x128xi32, #tpu.memory_space<vmem>> -> memref<16x128xi32, #tpu.memory_space<vmem>>
      %dma_wait3A_816 = arith.constant 0 : i32
      %dma_wait3A_817 = tpu.memref_slice %dma_wait3A_815[%dma_wait3A_807, %dma_wait3A_816] : memref<16x128xi32, #tpu.memory_space<vmem>> -> memref<1x128xi32, #tpu.memory_space<vmem>>
      %dma_wait3A_818 = tpu.memref_squeeze %dma_wait3A_817 : memref<1x128xi32, #tpu.memory_space<vmem>> -> memref<128xi32, #tpu.memory_space<vmem>>
      %dma_wait3A_819 = arith.constant 0 : i32
      %dma_wait3A_820 = arith.constant 0 : i32
      %dma_wait3A_821 = tpu.memref_slice %arg8[%dma_wait3A_819, %dma_wait3A_820] : memref<10112x128xf32, #tpu.memory_space<vmem_shared>> -> memref<10112x128xf32, #tpu.memory_space<vmem_shared>>
      tpu.wait_indirect_dma semaphore(%arg11 : memref<!tpu.dma_semaphore, #tpu.memory_space<semaphore_mem>>) src(%dma_wait3A_811 : memref<128x128xf32, #tpu.memory_space<vmem>>) dst(%dma_wait3A_821 : memref<10112x128xf32, #tpu.memory_space<vmem_shared>>)
      %dma_start3A_822 = arith.constant 12 : i32
      %dma_start3A_823 = arith.constant 0 : i32
      %dma_start3A_824 = arith.constant 0 : i32
      %dma_start3A_825 = arith.constant 0 : i32
      %dma_start3A_826 = tpu.memref_slice %arg7[%dma_start3A_823, %dma_start3A_824, %dma_start3A_825] : memref<2x128x128xf32, #tpu.memory_space<vmem>> -> memref<1x128x128xf32, #tpu.memory_space<vmem>>
      %dma_start3A_827 = tpu.memref_squeeze %dma_start3A_826 : memref<1x128x128xf32, #tpu.memory_space<vmem>> -> memref<128x128xf32, #tpu.memory_space<vmem>>
      %dma_start3A_828 = arith.constant 0 : i32
      %dma_start3A_829 = arith.constant 0 : i32
      %dma_start3A_830 = tpu.memref_slice %arg6[%scan3A, %dma_start3A_828, %dma_start3A_829] : memref<2x16x128xi32, #tpu.memory_space<vmem>> -> memref<1x16x128xi32, #tpu.memory_space<vmem>>
      %dma_start3A_831 = tpu.memref_squeeze %dma_start3A_830 : memref<1x16x128xi32, #tpu.memory_space<vmem>> -> memref<16x128xi32, #tpu.memory_space<vmem>>
      %dma_start3A_832 = arith.constant 0 : i32
      %dma_start3A_833 = tpu.memref_slice %dma_start3A_831[%dma_start3A_822, %dma_start3A_832] : memref<16x128xi32, #tpu.memory_space<vmem>> -> memref<1x128xi32, #tpu.memory_space<vmem>>
      %dma_start3A_834 = tpu.memref_squeeze %dma_start3A_833 : memref<1x128xi32, #tpu.memory_space<vmem>> -> memref<128xi32, #tpu.memory_space<vmem>>
      %dma_start3A_835 = arith.constant 0 : i32
      %dma_start3A_836 = arith.constant 0 : i32
      %dma_start3A_837 = tpu.memref_slice %arg2[%arg0, %dma_start3A_835, %dma_start3A_836] : memref<2x10000x128xf32, #tpu.memory_space<hbm>> -> memref<1x10000x128xf32, #tpu.memory_space<hbm>>
      %dma_start3A_838 = tpu.memref_squeeze %dma_start3A_837 : memref<1x10000x128xf32, #tpu.memory_space<hbm>> -> memref<10000x128xf32, #tpu.memory_space<hbm>>
      %dma_start3A_839 = arith.constant 0 : i32
      %dma_start3A_840 = arith.constant 0 : i32
      %dma_start3A_841 = tpu.memref_slice %dma_start3A_838[%dma_start3A_839, %dma_start3A_840] : memref<10000x128xf32, #tpu.memory_space<hbm>> -> memref<10000x128xf32, #tpu.memory_space<hbm>>
      tpu.enqueue_indirect_dma source(%dma_start3A_841 : memref<10000x128xf32, #tpu.memory_space<hbm>>) target(%dma_start3A_827 : memref<128x128xf32, #tpu.memory_space<vmem>>) offsets(%dma_start3A_834 : memref<128xi32, #tpu.memory_space<vmem>>) semaphore(%arg9 : memref<!tpu.dma_semaphore, #tpu.memory_space<semaphore_mem>>)
      %dma_wait3A_842 = arith.constant 11 : i32
      %dma_wait3A_843 = arith.constant 1 : i32
      %dma_wait3A_844 = arith.constant 0 : i32
      %dma_wait3A_845 = arith.constant 0 : i32
      %dma_wait3A_846 = tpu.memref_slice %arg7[%dma_wait3A_843, %dma_wait3A_844, %dma_wait3A_845] : memref<2x128x128xf32, #tpu.memory_space<vmem>> -> memref<1x128x128xf32, #tpu.memory_space<vmem>>
      %dma_wait3A_847 = tpu.memref_squeeze %dma_wait3A_846 : memref<1x128x128xf32, #tpu.memory_space<vmem>> -> memref<128x128xf32, #tpu.memory_space<vmem>>
      %dma_wait3A_848 = arith.constant 0 : i32
      %dma_wait3A_849 = arith.constant 0 : i32
      %dma_wait3A_850 = tpu.memref_slice %arg6[%scan3A, %dma_wait3A_848, %dma_wait3A_849] : memref<2x16x128xi32, #tpu.memory_space<vmem>> -> memref<1x16x128xi32, #tpu.memory_space<vmem>>
      %dma_wait3A_851 = tpu.memref_squeeze %dma_wait3A_850 : memref<1x16x128xi32, #tpu.memory_space<vmem>> -> memref<16x128xi32, #tpu.memory_space<vmem>>
      %dma_wait3A_852 = arith.constant 0 : i32
      %dma_wait3A_853 = tpu.memref_slice %dma_wait3A_851[%dma_wait3A_842, %dma_wait3A_852] : memref<16x128xi32, #tpu.memory_space<vmem>> -> memref<1x128xi32, #tpu.memory_space<vmem>>
      %dma_wait3A_854 = tpu.memref_squeeze %dma_wait3A_853 : memref<1x128xi32, #tpu.memory_space<vmem>> -> memref<128xi32, #tpu.memory_space<vmem>>
      %dma_wait3A_855 = arith.constant 0 : i32
      %dma_wait3A_856 = arith.constant 0 : i32
      %dma_wait3A_857 = tpu.memref_slice %arg2[%arg0, %dma_wait3A_855, %dma_wait3A_856] : memref<2x10000x128xf32, #tpu.memory_space<hbm>> -> memref<1x10000x128xf32, #tpu.memory_space<hbm>>
      %dma_wait3A_858 = tpu.memref_squeeze %dma_wait3A_857 : memref<1x10000x128xf32, #tpu.memory_space<hbm>> -> memref<10000x128xf32, #tpu.memory_space<hbm>>
      %dma_wait3A_859 = arith.constant 0 : i32
      %dma_wait3A_860 = arith.constant 0 : i32
      %dma_wait3A_861 = tpu.memref_slice %dma_wait3A_858[%dma_wait3A_859, %dma_wait3A_860] : memref<10000x128xf32, #tpu.memory_space<hbm>> -> memref<10000x128xf32, #tpu.memory_space<hbm>>
      tpu.wait_indirect_dma semaphore(%arg10 : memref<!tpu.dma_semaphore, #tpu.memory_space<semaphore_mem>>) src(%dma_wait3A_861 : memref<10000x128xf32, #tpu.memory_space<hbm>>) dst(%dma_wait3A_847 : memref<128x128xf32, #tpu.memory_space<vmem>>)
      %dma_start3A_862 = arith.constant 1 : i32
      %dma_start3A_863 = arith.constant 11 : i32
      %dma_start3A_864 = arith.constant 0 : i32
      %dma_start3A_865 = arith.constant 0 : i32
      %dma_start3A_866 = tpu.memref_slice %arg7[%dma_start3A_862, %dma_start3A_864, %dma_start3A_865] : memref<2x128x128xf32, #tpu.memory_space<vmem>> -> memref<1x128x128xf32, #tpu.memory_space<vmem>>
      %dma_start3A_867 = tpu.memref_squeeze %dma_start3A_866 : memref<1x128x128xf32, #tpu.memory_space<vmem>> -> memref<128x128xf32, #tpu.memory_space<vmem>>
      %dma_start3A_868 = arith.constant 0 : i32
      %dma_start3A_869 = arith.constant 0 : i32
      %dma_start3A_870 = tpu.memref_slice %arg6[%scan3A_1, %dma_start3A_868, %dma_start3A_869] : memref<2x16x128xi32, #tpu.memory_space<vmem>> -> memref<1x16x128xi32, #tpu.memory_space<vmem>>
      %dma_start3A_871 = tpu.memref_squeeze %dma_start3A_870 : memref<1x16x128xi32, #tpu.memory_space<vmem>> -> memref<16x128xi32, #tpu.memory_space<vmem>>
      %dma_start3A_872 = arith.constant 0 : i32
      %dma_start3A_873 = tpu.memref_slice %dma_start3A_871[%dma_start3A_863, %dma_start3A_872] : memref<16x128xi32, #tpu.memory_space<vmem>> -> memref<1x128xi32, #tpu.memory_space<vmem>>
      %dma_start3A_874 = tpu.memref_squeeze %dma_start3A_873 : memref<1x128xi32, #tpu.memory_space<vmem>> -> memref<128xi32, #tpu.memory_space<vmem>>
      %dma_start3A_875 = arith.constant 0 : i32
      %dma_start3A_876 = arith.constant 0 : i32
      %dma_start3A_877 = tpu.memref_slice %arg8[%dma_start3A_875, %dma_start3A_876] : memref<10112x128xf32, #tpu.memory_space<vmem_shared>> -> memref<10112x128xf32, #tpu.memory_space<vmem_shared>>
      tpu.enqueue_indirect_dma source(%dma_start3A_867 : memref<128x128xf32, #tpu.memory_space<vmem>>) target(%dma_start3A_877 : memref<10112x128xf32, #tpu.memory_space<vmem_shared>>) offsets(%dma_start3A_874 : memref<128xi32, #tpu.memory_space<vmem>>) semaphore(%arg12 : memref<!tpu.dma_semaphore, #tpu.memory_space<semaphore_mem>>) {add = true}
      %dma_wait3A_878 = arith.constant 1 : i32
      %dma_wait3A_879 = arith.constant 11 : i32
      %dma_wait3A_880 = arith.constant 0 : i32
      %dma_wait3A_881 = arith.constant 0 : i32
      %dma_wait3A_882 = tpu.memref_slice %arg7[%dma_wait3A_878, %dma_wait3A_880, %dma_wait3A_881] : memref<2x128x128xf32, #tpu.memory_space<vmem>> -> memref<1x128x128xf32, #tpu.memory_space<vmem>>
      %dma_wait3A_883 = tpu.memref_squeeze %dma_wait3A_882 : memref<1x128x128xf32, #tpu.memory_space<vmem>> -> memref<128x128xf32, #tpu.memory_space<vmem>>
      %dma_wait3A_884 = arith.constant 0 : i32
      %dma_wait3A_885 = arith.constant 0 : i32
      %dma_wait3A_886 = tpu.memref_slice %arg6[%scan3A_1, %dma_wait3A_884, %dma_wait3A_885] : memref<2x16x128xi32, #tpu.memory_space<vmem>> -> memref<1x16x128xi32, #tpu.memory_space<vmem>>
      %dma_wait3A_887 = tpu.memref_squeeze %dma_wait3A_886 : memref<1x16x128xi32, #tpu.memory_space<vmem>> -> memref<16x128xi32, #tpu.memory_space<vmem>>
      %dma_wait3A_888 = arith.constant 0 : i32
      %dma_wait3A_889 = tpu.memref_slice %dma_wait3A_887[%dma_wait3A_879, %dma_wait3A_888] : memref<16x128xi32, #tpu.memory_space<vmem>> -> memref<1x128xi32, #tpu.memory_space<vmem>>
      %dma_wait3A_890 = tpu.memref_squeeze %dma_wait3A_889 : memref<1x128xi32, #tpu.memory_space<vmem>> -> memref<128xi32, #tpu.memory_space<vmem>>
      %dma_wait3A_891 = arith.constant 0 : i32
      %dma_wait3A_892 = arith.constant 0 : i32
      %dma_wait3A_893 = tpu.memref_slice %arg8[%dma_wait3A_891, %dma_wait3A_892] : memref<10112x128xf32, #tpu.memory_space<vmem_shared>> -> memref<10112x128xf32, #tpu.memory_space<vmem_shared>>
      tpu.wait_indirect_dma semaphore(%arg12 : memref<!tpu.dma_semaphore, #tpu.memory_space<semaphore_mem>>) src(%dma_wait3A_883 : memref<128x128xf32, #tpu.memory_space<vmem>>) dst(%dma_wait3A_893 : memref<10112x128xf32, #tpu.memory_space<vmem_shared>>)
      %dma_start3A_894 = arith.constant 13 : i32
      %dma_start3A_895 = arith.constant 1 : i32
      %dma_start3A_896 = arith.constant 0 : i32
      %dma_start3A_897 = arith.constant 0 : i32
      %dma_start3A_898 = tpu.memref_slice %arg7[%dma_start3A_895, %dma_start3A_896, %dma_start3A_897] : memref<2x128x128xf32, #tpu.memory_space<vmem>> -> memref<1x128x128xf32, #tpu.memory_space<vmem>>
      %dma_start3A_899 = tpu.memref_squeeze %dma_start3A_898 : memref<1x128x128xf32, #tpu.memory_space<vmem>> -> memref<128x128xf32, #tpu.memory_space<vmem>>
      %dma_start3A_900 = arith.constant 0 : i32
      %dma_start3A_901 = arith.constant 0 : i32
      %dma_start3A_902 = tpu.memref_slice %arg6[%scan3A, %dma_start3A_900, %dma_start3A_901] : memref<2x16x128xi32, #tpu.memory_space<vmem>> -> memref<1x16x128xi32, #tpu.memory_space<vmem>>
      %dma_start3A_903 = tpu.memref_squeeze %dma_start3A_902 : memref<1x16x128xi32, #tpu.memory_space<vmem>> -> memref<16x128xi32, #tpu.memory_space<vmem>>
      %dma_start3A_904 = arith.constant 0 : i32
      %dma_start3A_905 = tpu.memref_slice %dma_start3A_903[%dma_start3A_894, %dma_start3A_904] : memref<16x128xi32, #tpu.memory_space<vmem>> -> memref<1x128xi32, #tpu.memory_space<vmem>>
      %dma_start3A_906 = tpu.memref_squeeze %dma_start3A_905 : memref<1x128xi32, #tpu.memory_space<vmem>> -> memref<128xi32, #tpu.memory_space<vmem>>
      %dma_start3A_907 = arith.constant 0 : i32
      %dma_start3A_908 = arith.constant 0 : i32
      %dma_start3A_909 = tpu.memref_slice %arg2[%arg0, %dma_start3A_907, %dma_start3A_908] : memref<2x10000x128xf32, #tpu.memory_space<hbm>> -> memref<1x10000x128xf32, #tpu.memory_space<hbm>>
      %dma_start3A_910 = tpu.memref_squeeze %dma_start3A_909 : memref<1x10000x128xf32, #tpu.memory_space<hbm>> -> memref<10000x128xf32, #tpu.memory_space<hbm>>
      %dma_start3A_911 = arith.constant 0 : i32
      %dma_start3A_912 = arith.constant 0 : i32
      %dma_start3A_913 = tpu.memref_slice %dma_start3A_910[%dma_start3A_911, %dma_start3A_912] : memref<10000x128xf32, #tpu.memory_space<hbm>> -> memref<10000x128xf32, #tpu.memory_space<hbm>>
      tpu.enqueue_indirect_dma source(%dma_start3A_913 : memref<10000x128xf32, #tpu.memory_space<hbm>>) target(%dma_start3A_899 : memref<128x128xf32, #tpu.memory_space<vmem>>) offsets(%dma_start3A_906 : memref<128xi32, #tpu.memory_space<vmem>>) semaphore(%arg10 : memref<!tpu.dma_semaphore, #tpu.memory_space<semaphore_mem>>)
      %dma_wait3A_914 = arith.constant 12 : i32
      %dma_wait3A_915 = arith.constant 0 : i32
      %dma_wait3A_916 = arith.constant 0 : i32
      %dma_wait3A_917 = arith.constant 0 : i32
      %dma_wait3A_918 = tpu.memref_slice %arg7[%dma_wait3A_915, %dma_wait3A_916, %dma_wait3A_917] : memref<2x128x128xf32, #tpu.memory_space<vmem>> -> memref<1x128x128xf32, #tpu.memory_space<vmem>>
      %dma_wait3A_919 = tpu.memref_squeeze %dma_wait3A_918 : memref<1x128x128xf32, #tpu.memory_space<vmem>> -> memref<128x128xf32, #tpu.memory_space<vmem>>
      %dma_wait3A_920 = arith.constant 0 : i32
      %dma_wait3A_921 = arith.constant 0 : i32
      %dma_wait3A_922 = tpu.memref_slice %arg6[%scan3A, %dma_wait3A_920, %dma_wait3A_921] : memref<2x16x128xi32, #tpu.memory_space<vmem>> -> memref<1x16x128xi32, #tpu.memory_space<vmem>>
      %dma_wait3A_923 = tpu.memref_squeeze %dma_wait3A_922 : memref<1x16x128xi32, #tpu.memory_space<vmem>> -> memref<16x128xi32, #tpu.memory_space<vmem>>
      %dma_wait3A_924 = arith.constant 0 : i32
      %dma_wait3A_925 = tpu.memref_slice %dma_wait3A_923[%dma_wait3A_914, %dma_wait3A_924] : memref<16x128xi32, #tpu.memory_space<vmem>> -> memref<1x128xi32, #tpu.memory_space<vmem>>
      %dma_wait3A_926 = tpu.memref_squeeze %dma_wait3A_925 : memref<1x128xi32, #tpu.memory_space<vmem>> -> memref<128xi32, #tpu.memory_space<vmem>>
      %dma_wait3A_927 = arith.constant 0 : i32
      %dma_wait3A_928 = arith.constant 0 : i32
      %dma_wait3A_929 = tpu.memref_slice %arg2[%arg0, %dma_wait3A_927, %dma_wait3A_928] : memref<2x10000x128xf32, #tpu.memory_space<hbm>> -> memref<1x10000x128xf32, #tpu.memory_space<hbm>>
      %dma_wait3A_930 = tpu.memref_squeeze %dma_wait3A_929 : memref<1x10000x128xf32, #tpu.memory_space<hbm>> -> memref<10000x128xf32, #tpu.memory_space<hbm>>
      %dma_wait3A_931 = arith.constant 0 : i32
      %dma_wait3A_932 = arith.constant 0 : i32
      %dma_wait3A_933 = tpu.memref_slice %dma_wait3A_930[%dma_wait3A_931, %dma_wait3A_932] : memref<10000x128xf32, #tpu.memory_space<hbm>> -> memref<10000x128xf32, #tpu.memory_space<hbm>>
      tpu.wait_indirect_dma semaphore(%arg9 : memref<!tpu.dma_semaphore, #tpu.memory_space<semaphore_mem>>) src(%dma_wait3A_933 : memref<10000x128xf32, #tpu.memory_space<hbm>>) dst(%dma_wait3A_919 : memref<128x128xf32, #tpu.memory_space<vmem>>)
      %dma_start3A_934 = arith.constant 0 : i32
      %dma_start3A_935 = arith.constant 12 : i32
      %dma_start3A_936 = arith.constant 0 : i32
      %dma_start3A_937 = arith.constant 0 : i32
      %dma_start3A_938 = tpu.memref_slice %arg7[%dma_start3A_934, %dma_start3A_936, %dma_start3A_937] : memref<2x128x128xf32, #tpu.memory_space<vmem>> -> memref<1x128x128xf32, #tpu.memory_space<vmem>>
      %dma_start3A_939 = tpu.memref_squeeze %dma_start3A_938 : memref<1x128x128xf32, #tpu.memory_space<vmem>> -> memref<128x128xf32, #tpu.memory_space<vmem>>
      %dma_start3A_940 = arith.constant 0 : i32
      %dma_start3A_941 = arith.constant 0 : i32
      %dma_start3A_942 = tpu.memref_slice %arg6[%scan3A_1, %dma_start3A_940, %dma_start3A_941] : memref<2x16x128xi32, #tpu.memory_space<vmem>> -> memref<1x16x128xi32, #tpu.memory_space<vmem>>
      %dma_start3A_943 = tpu.memref_squeeze %dma_start3A_942 : memref<1x16x128xi32, #tpu.memory_space<vmem>> -> memref<16x128xi32, #tpu.memory_space<vmem>>
      %dma_start3A_944 = arith.constant 0 : i32
      %dma_start3A_945 = tpu.memref_slice %dma_start3A_943[%dma_start3A_935, %dma_start3A_944] : memref<16x128xi32, #tpu.memory_space<vmem>> -> memref<1x128xi32, #tpu.memory_space<vmem>>
      %dma_start3A_946 = tpu.memref_squeeze %dma_start3A_945 : memref<1x128xi32, #tpu.memory_space<vmem>> -> memref<128xi32, #tpu.memory_space<vmem>>
      %dma_start3A_947 = arith.constant 0 : i32
      %dma_start3A_948 = arith.constant 0 : i32
      %dma_start3A_949 = tpu.memref_slice %arg8[%dma_start3A_947, %dma_start3A_948] : memref<10112x128xf32, #tpu.memory_space<vmem_shared>> -> memref<10112x128xf32, #tpu.memory_space<vmem_shared>>
      tpu.enqueue_indirect_dma source(%dma_start3A_939 : memref<128x128xf32, #tpu.memory_space<vmem>>) target(%dma_start3A_949 : memref<10112x128xf32, #tpu.memory_space<vmem_shared>>) offsets(%dma_start3A_946 : memref<128xi32, #tpu.memory_space<vmem>>) semaphore(%arg11 : memref<!tpu.dma_semaphore, #tpu.memory_space<semaphore_mem>>) {add = true}
      %dma_wait3A_950 = arith.constant 0 : i32
      %dma_wait3A_951 = arith.constant 12 : i32
      %dma_wait3A_952 = arith.constant 0 : i32
      %dma_wait3A_953 = arith.constant 0 : i32
      %dma_wait3A_954 = tpu.memref_slice %arg7[%dma_wait3A_950, %dma_wait3A_952, %dma_wait3A_953] : memref<2x128x128xf32, #tpu.memory_space<vmem>> -> memref<1x128x128xf32, #tpu.memory_space<vmem>>
      %dma_wait3A_955 = tpu.memref_squeeze %dma_wait3A_954 : memref<1x128x128xf32, #tpu.memory_space<vmem>> -> memref<128x128xf32, #tpu.memory_space<vmem>>
      %dma_wait3A_956 = arith.constant 0 : i32
      %dma_wait3A_957 = arith.constant 0 : i32
      %dma_wait3A_958 = tpu.memref_slice %arg6[%scan3A_1, %dma_wait3A_956, %dma_wait3A_957] : memref<2x16x128xi32, #tpu.memory_space<vmem>> -> memref<1x16x128xi32, #tpu.memory_space<vmem>>
      %dma_wait3A_959 = tpu.memref_squeeze %dma_wait3A_958 : memref<1x16x128xi32, #tpu.memory_space<vmem>> -> memref<16x128xi32, #tpu.memory_space<vmem>>
      %dma_wait3A_960 = arith.constant 0 : i32
      %dma_wait3A_961 = tpu.memref_slice %dma_wait3A_959[%dma_wait3A_951, %dma_wait3A_960] : memref<16x128xi32, #tpu.memory_space<vmem>> -> memref<1x128xi32, #tpu.memory_space<vmem>>
      %dma_wait3A_962 = tpu.memref_squeeze %dma_wait3A_961 : memref<1x128xi32, #tpu.memory_space<vmem>> -> memref<128xi32, #tpu.memory_space<vmem>>
      %dma_wait3A_963 = arith.constant 0 : i32
      %dma_wait3A_964 = arith.constant 0 : i32
      %dma_wait3A_965 = tpu.memref_slice %arg8[%dma_wait3A_963, %dma_wait3A_964] : memref<10112x128xf32, #tpu.memory_space<vmem_shared>> -> memref<10112x128xf32, #tpu.memory_space<vmem_shared>>
      tpu.wait_indirect_dma semaphore(%arg11 : memref<!tpu.dma_semaphore, #tpu.memory_space<semaphore_mem>>) src(%dma_wait3A_955 : memref<128x128xf32, #tpu.memory_space<vmem>>) dst(%dma_wait3A_965 : memref<10112x128xf32, #tpu.memory_space<vmem_shared>>)
      %dma_start3A_966 = arith.constant 14 : i32
      %dma_start3A_967 = arith.constant 0 : i32
      %dma_start3A_968 = arith.constant 0 : i32
      %dma_start3A_969 = arith.constant 0 : i32
      %dma_start3A_970 = tpu.memref_slice %arg7[%dma_start3A_967, %dma_start3A_968, %dma_start3A_969] : memref<2x128x128xf32, #tpu.memory_space<vmem>> -> memref<1x128x128xf32, #tpu.memory_space<vmem>>
      %dma_start3A_971 = tpu.memref_squeeze %dma_start3A_970 : memref<1x128x128xf32, #tpu.memory_space<vmem>> -> memref<128x128xf32, #tpu.memory_space<vmem>>
      %dma_start3A_972 = arith.constant 0 : i32
      %dma_start3A_973 = arith.constant 0 : i32
      %dma_start3A_974 = tpu.memref_slice %arg6[%scan3A, %dma_start3A_972, %dma_start3A_973] : memref<2x16x128xi32, #tpu.memory_space<vmem>> -> memref<1x16x128xi32, #tpu.memory_space<vmem>>
      %dma_start3A_975 = tpu.memref_squeeze %dma_start3A_974 : memref<1x16x128xi32, #tpu.memory_space<vmem>> -> memref<16x128xi32, #tpu.memory_space<vmem>>
      %dma_start3A_976 = arith.constant 0 : i32
      %dma_start3A_977 = tpu.memref_slice %dma_start3A_975[%dma_start3A_966, %dma_start3A_976] : memref<16x128xi32, #tpu.memory_space<vmem>> -> memref<1x128xi32, #tpu.memory_space<vmem>>
      %dma_start3A_978 = tpu.memref_squeeze %dma_start3A_977 : memref<1x128xi32, #tpu.memory_space<vmem>> -> memref<128xi32, #tpu.memory_space<vmem>>
      %dma_start3A_979 = arith.constant 0 : i32
      %dma_start3A_980 = arith.constant 0 : i32
      %dma_start3A_981 = tpu.memref_slice %arg2[%arg0, %dma_start3A_979, %dma_start3A_980] : memref<2x10000x128xf32, #tpu.memory_space<hbm>> -> memref<1x10000x128xf32, #tpu.memory_space<hbm>>
      %dma_start3A_982 = tpu.memref_squeeze %dma_start3A_981 : memref<1x10000x128xf32, #tpu.memory_space<hbm>> -> memref<10000x128xf32, #tpu.memory_space<hbm>>
      %dma_start3A_983 = arith.constant 0 : i32
      %dma_start3A_984 = arith.constant 0 : i32
      %dma_start3A_985 = tpu.memref_slice %dma_start3A_982[%dma_start3A_983, %dma_start3A_984] : memref<10000x128xf32, #tpu.memory_space<hbm>> -> memref<10000x128xf32, #tpu.memory_space<hbm>>
      tpu.enqueue_indirect_dma source(%dma_start3A_985 : memref<10000x128xf32, #tpu.memory_space<hbm>>) target(%dma_start3A_971 : memref<128x128xf32, #tpu.memory_space<vmem>>) offsets(%dma_start3A_978 : memref<128xi32, #tpu.memory_space<vmem>>) semaphore(%arg9 : memref<!tpu.dma_semaphore, #tpu.memory_space<semaphore_mem>>)
      %dma_wait3A_986 = arith.constant 13 : i32
      %dma_wait3A_987 = arith.constant 1 : i32
      %dma_wait3A_988 = arith.constant 0 : i32
      %dma_wait3A_989 = arith.constant 0 : i32
      %dma_wait3A_990 = tpu.memref_slice %arg7[%dma_wait3A_987, %dma_wait3A_988, %dma_wait3A_989] : memref<2x128x128xf32, #tpu.memory_space<vmem>> -> memref<1x128x128xf32, #tpu.memory_space<vmem>>
      %dma_wait3A_991 = tpu.memref_squeeze %dma_wait3A_990 : memref<1x128x128xf32, #tpu.memory_space<vmem>> -> memref<128x128xf32, #tpu.memory_space<vmem>>
      %dma_wait3A_992 = arith.constant 0 : i32
      %dma_wait3A_993 = arith.constant 0 : i32
      %dma_wait3A_994 = tpu.memref_slice %arg6[%scan3A, %dma_wait3A_992, %dma_wait3A_993] : memref<2x16x128xi32, #tpu.memory_space<vmem>> -> memref<1x16x128xi32, #tpu.memory_space<vmem>>
      %dma_wait3A_995 = tpu.memref_squeeze %dma_wait3A_994 : memref<1x16x128xi32, #tpu.memory_space<vmem>> -> memref<16x128xi32, #tpu.memory_space<vmem>>
      %dma_wait3A_996 = arith.constant 0 : i32
      %dma_wait3A_997 = tpu.memref_slice %dma_wait3A_995[%dma_wait3A_986, %dma_wait3A_996] : memref<16x128xi32, #tpu.memory_space<vmem>> -> memref<1x128xi32, #tpu.memory_space<vmem>>
      %dma_wait3A_998 = tpu.memref_squeeze %dma_wait3A_997 : memref<1x128xi32, #tpu.memory_space<vmem>> -> memref<128xi32, #tpu.memory_space<vmem>>
      %dma_wait3A_999 = arith.constant 0 : i32
      %dma_wait3A_1000 = arith.constant 0 : i32
      %dma_wait3A_1001 = tpu.memref_slice %arg2[%arg0, %dma_wait3A_999, %dma_wait3A_1000] : memref<2x10000x128xf32, #tpu.memory_space<hbm>> -> memref<1x10000x128xf32, #tpu.memory_space<hbm>>
      %dma_wait3A_1002 = tpu.memref_squeeze %dma_wait3A_1001 : memref<1x10000x128xf32, #tpu.memory_space<hbm>> -> memref<10000x128xf32, #tpu.memory_space<hbm>>
      %dma_wait3A_1003 = arith.constant 0 : i32
      %dma_wait3A_1004 = arith.constant 0 : i32
      %dma_wait3A_1005 = tpu.memref_slice %dma_wait3A_1002[%dma_wait3A_1003, %dma_wait3A_1004] : memref<10000x128xf32, #tpu.memory_space<hbm>> -> memref<10000x128xf32, #tpu.memory_space<hbm>>
      tpu.wait_indirect_dma semaphore(%arg10 : memref<!tpu.dma_semaphore, #tpu.memory_space<semaphore_mem>>) src(%dma_wait3A_1005 : memref<10000x128xf32, #tpu.memory_space<hbm>>) dst(%dma_wait3A_991 : memref<128x128xf32, #tpu.memory_space<vmem>>)
      %dma_start3A_1006 = arith.constant 1 : i32
      %dma_start3A_1007 = arith.constant 13 : i32
      %dma_start3A_1008 = arith.constant 0 : i32
      %dma_start3A_1009 = arith.constant 0 : i32
      %dma_start3A_1010 = tpu.memref_slice %arg7[%dma_start3A_1006, %dma_start3A_1008, %dma_start3A_1009] : memref<2x128x128xf32, #tpu.memory_space<vmem>> -> memref<1x128x128xf32, #tpu.memory_space<vmem>>
      %dma_start3A_1011 = tpu.memref_squeeze %dma_start3A_1010 : memref<1x128x128xf32, #tpu.memory_space<vmem>> -> memref<128x128xf32, #tpu.memory_space<vmem>>
      %dma_start3A_1012 = arith.constant 0 : i32
      %dma_start3A_1013 = arith.constant 0 : i32
      %dma_start3A_1014 = tpu.memref_slice %arg6[%scan3A_1, %dma_start3A_1012, %dma_start3A_1013] : memref<2x16x128xi32, #tpu.memory_space<vmem>> -> memref<1x16x128xi32, #tpu.memory_space<vmem>>
      %dma_start3A_1015 = tpu.memref_squeeze %dma_start3A_1014 : memref<1x16x128xi32, #tpu.memory_space<vmem>> -> memref<16x128xi32, #tpu.memory_space<vmem>>
      %dma_start3A_1016 = arith.constant 0 : i32
      %dma_start3A_1017 = tpu.memref_slice %dma_start3A_1015[%dma_start3A_1007, %dma_start3A_1016] : memref<16x128xi32, #tpu.memory_space<vmem>> -> memref<1x128xi32, #tpu.memory_space<vmem>>
      %dma_start3A_1018 = tpu.memref_squeeze %dma_start3A_1017 : memref<1x128xi32, #tpu.memory_space<vmem>> -> memref<128xi32, #tpu.memory_space<vmem>>
      %dma_start3A_1019 = arith.constant 0 : i32
      %dma_start3A_1020 = arith.constant 0 : i32
      %dma_start3A_1021 = tpu.memref_slice %arg8[%dma_start3A_1019, %dma_start3A_1020] : memref<10112x128xf32, #tpu.memory_space<vmem_shared>> -> memref<10112x128xf32, #tpu.memory_space<vmem_shared>>
      tpu.enqueue_indirect_dma source(%dma_start3A_1011 : memref<128x128xf32, #tpu.memory_space<vmem>>) target(%dma_start3A_1021 : memref<10112x128xf32, #tpu.memory_space<vmem_shared>>) offsets(%dma_start3A_1018 : memref<128xi32, #tpu.memory_space<vmem>>) semaphore(%arg12 : memref<!tpu.dma_semaphore, #tpu.memory_space<semaphore_mem>>) {add = true}
      %dma_wait3A_1022 = arith.constant 1 : i32
      %dma_wait3A_1023 = arith.constant 13 : i32
      %dma_wait3A_1024 = arith.constant 0 : i32
      %dma_wait3A_1025 = arith.constant 0 : i32
      %dma_wait3A_1026 = tpu.memref_slice %arg7[%dma_wait3A_1022, %dma_wait3A_1024, %dma_wait3A_1025] : memref<2x128x128xf32, #tpu.memory_space<vmem>> -> memref<1x128x128xf32, #tpu.memory_space<vmem>>
      %dma_wait3A_1027 = tpu.memref_squeeze %dma_wait3A_1026 : memref<1x128x128xf32, #tpu.memory_space<vmem>> -> memref<128x128xf32, #tpu.memory_space<vmem>>
      %dma_wait3A_1028 = arith.constant 0 : i32
      %dma_wait3A_1029 = arith.constant 0 : i32
      %dma_wait3A_1030 = tpu.memref_slice %arg6[%scan3A_1, %dma_wait3A_1028, %dma_wait3A_1029] : memref<2x16x128xi32, #tpu.memory_space<vmem>> -> memref<1x16x128xi32, #tpu.memory_space<vmem>>
      %dma_wait3A_1031 = tpu.memref_squeeze %dma_wait3A_1030 : memref<1x16x128xi32, #tpu.memory_space<vmem>> -> memref<16x128xi32, #tpu.memory_space<vmem>>
      %dma_wait3A_1032 = arith.constant 0 : i32
      %dma_wait3A_1033 = tpu.memref_slice %dma_wait3A_1031[%dma_wait3A_1023, %dma_wait3A_1032] : memref<16x128xi32, #tpu.memory_space<vmem>> -> memref<1x128xi32, #tpu.memory_space<vmem>>
      %dma_wait3A_1034 = tpu.memref_squeeze %dma_wait3A_1033 : memref<1x128xi32, #tpu.memory_space<vmem>> -> memref<128xi32, #tpu.memory_space<vmem>>
      %dma_wait3A_1035 = arith.constant 0 : i32
      %dma_wait3A_1036 = arith.constant 0 : i32
      %dma_wait3A_1037 = tpu.memref_slice %arg8[%dma_wait3A_1035, %dma_wait3A_1036] : memref<10112x128xf32, #tpu.memory_space<vmem_shared>> -> memref<10112x128xf32, #tpu.memory_space<vmem_shared>>
      tpu.wait_indirect_dma semaphore(%arg12 : memref<!tpu.dma_semaphore, #tpu.memory_space<semaphore_mem>>) src(%dma_wait3A_1027 : memref<128x128xf32, #tpu.memory_space<vmem>>) dst(%dma_wait3A_1037 : memref<10112x128xf32, #tpu.memory_space<vmem_shared>>)
      %dma_start3A_1038 = arith.constant 15 : i32
      %dma_start3A_1039 = arith.constant 1 : i32
      %dma_start3A_1040 = arith.constant 0 : i32
      %dma_start3A_1041 = arith.constant 0 : i32
      %dma_start3A_1042 = tpu.memref_slice %arg7[%dma_start3A_1039, %dma_start3A_1040, %dma_start3A_1041] : memref<2x128x128xf32, #tpu.memory_space<vmem>> -> memref<1x128x128xf32, #tpu.memory_space<vmem>>
      %dma_start3A_1043 = tpu.memref_squeeze %dma_start3A_1042 : memref<1x128x128xf32, #tpu.memory_space<vmem>> -> memref<128x128xf32, #tpu.memory_space<vmem>>
      %dma_start3A_1044 = arith.constant 0 : i32
      %dma_start3A_1045 = arith.constant 0 : i32
      %dma_start3A_1046 = tpu.memref_slice %arg6[%scan3A, %dma_start3A_1044, %dma_start3A_1045] : memref<2x16x128xi32, #tpu.memory_space<vmem>> -> memref<1x16x128xi32, #tpu.memory_space<vmem>>
      %dma_start3A_1047 = tpu.memref_squeeze %dma_start3A_1046 : memref<1x16x128xi32, #tpu.memory_space<vmem>> -> memref<16x128xi32, #tpu.memory_space<vmem>>
      %dma_start3A_1048 = arith.constant 0 : i32
      %dma_start3A_1049 = tpu.memref_slice %dma_start3A_1047[%dma_start3A_1038, %dma_start3A_1048] : memref<16x128xi32, #tpu.memory_space<vmem>> -> memref<1x128xi32, #tpu.memory_space<vmem>>
      %dma_start3A_1050 = tpu.memref_squeeze %dma_start3A_1049 : memref<1x128xi32, #tpu.memory_space<vmem>> -> memref<128xi32, #tpu.memory_space<vmem>>
      %dma_start3A_1051 = arith.constant 0 : i32
      %dma_start3A_1052 = arith.constant 0 : i32
      %dma_start3A_1053 = tpu.memref_slice %arg2[%arg0, %dma_start3A_1051, %dma_start3A_1052] : memref<2x10000x128xf32, #tpu.memory_space<hbm>> -> memref<1x10000x128xf32, #tpu.memory_space<hbm>>
      %dma_start3A_1054 = tpu.memref_squeeze %dma_start3A_1053 : memref<1x10000x128xf32, #tpu.memory_space<hbm>> -> memref<10000x128xf32, #tpu.memory_space<hbm>>
      %dma_start3A_1055 = arith.constant 0 : i32
      %dma_start3A_1056 = arith.constant 0 : i32
      %dma_start3A_1057 = tpu.memref_slice %dma_start3A_1054[%dma_start3A_1055, %dma_start3A_1056] : memref<10000x128xf32, #tpu.memory_space<hbm>> -> memref<10000x128xf32, #tpu.memory_space<hbm>>
      tpu.enqueue_indirect_dma source(%dma_start3A_1057 : memref<10000x128xf32, #tpu.memory_space<hbm>>) target(%dma_start3A_1043 : memref<128x128xf32, #tpu.memory_space<vmem>>) offsets(%dma_start3A_1050 : memref<128xi32, #tpu.memory_space<vmem>>) semaphore(%arg10 : memref<!tpu.dma_semaphore, #tpu.memory_space<semaphore_mem>>)
      %dma_wait3A_1058 = arith.constant 14 : i32
      %dma_wait3A_1059 = arith.constant 0 : i32
      %dma_wait3A_1060 = arith.constant 0 : i32
      %dma_wait3A_1061 = arith.constant 0 : i32
      %dma_wait3A_1062 = tpu.memref_slice %arg7[%dma_wait3A_1059, %dma_wait3A_1060, %dma_wait3A_1061] : memref<2x128x128xf32, #tpu.memory_space<vmem>> -> memref<1x128x128xf32, #tpu.memory_space<vmem>>
      %dma_wait3A_1063 = tpu.memref_squeeze %dma_wait3A_1062 : memref<1x128x128xf32, #tpu.memory_space<vmem>> -> memref<128x128xf32, #tpu.memory_space<vmem>>
      %dma_wait3A_1064 = arith.constant 0 : i32
      %dma_wait3A_1065 = arith.constant 0 : i32
      %dma_wait3A_1066 = tpu.memref_slice %arg6[%scan3A, %dma_wait3A_1064, %dma_wait3A_1065] : memref<2x16x128xi32, #tpu.memory_space<vmem>> -> memref<1x16x128xi32, #tpu.memory_space<vmem>>
      %dma_wait3A_1067 = tpu.memref_squeeze %dma_wait3A_1066 : memref<1x16x128xi32, #tpu.memory_space<vmem>> -> memref<16x128xi32, #tpu.memory_space<vmem>>
      %dma_wait3A_1068 = arith.constant 0 : i32
      %dma_wait3A_1069 = tpu.memref_slice %dma_wait3A_1067[%dma_wait3A_1058, %dma_wait3A_1068] : memref<16x128xi32, #tpu.memory_space<vmem>> -> memref<1x128xi32, #tpu.memory_space<vmem>>
      %dma_wait3A_1070 = tpu.memref_squeeze %dma_wait3A_1069 : memref<1x128xi32, #tpu.memory_space<vmem>> -> memref<128xi32, #tpu.memory_space<vmem>>
      %dma_wait3A_1071 = arith.constant 0 : i32
      %dma_wait3A_1072 = arith.constant 0 : i32
      %dma_wait3A_1073 = tpu.memref_slice %arg2[%arg0, %dma_wait3A_1071, %dma_wait3A_1072] : memref<2x10000x128xf32, #tpu.memory_space<hbm>> -> memref<1x10000x128xf32, #tpu.memory_space<hbm>>
      %dma_wait3A_1074 = tpu.memref_squeeze %dma_wait3A_1073 : memref<1x10000x128xf32, #tpu.memory_space<hbm>> -> memref<10000x128xf32, #tpu.memory_space<hbm>>
      %dma_wait3A_1075 = arith.constant 0 : i32
      %dma_wait3A_1076 = arith.constant 0 : i32
      %dma_wait3A_1077 = tpu.memref_slice %dma_wait3A_1074[%dma_wait3A_1075, %dma_wait3A_1076] : memref<10000x128xf32, #tpu.memory_space<hbm>> -> memref<10000x128xf32, #tpu.memory_space<hbm>>
      tpu.wait_indirect_dma semaphore(%arg9 : memref<!tpu.dma_semaphore, #tpu.memory_space<semaphore_mem>>) src(%dma_wait3A_1077 : memref<10000x128xf32, #tpu.memory_space<hbm>>) dst(%dma_wait3A_1063 : memref<128x128xf32, #tpu.memory_space<vmem>>)
      %dma_start3A_1078 = arith.constant 0 : i32
      %dma_start3A_1079 = arith.constant 14 : i32
      %dma_start3A_1080 = arith.constant 0 : i32
      %dma_start3A_1081 = arith.constant 0 : i32
      %dma_start3A_1082 = tpu.memref_slice %arg7[%dma_start3A_1078, %dma_start3A_1080, %dma_start3A_1081] : memref<2x128x128xf32, #tpu.memory_space<vmem>> -> memref<1x128x128xf32, #tpu.memory_space<vmem>>
      %dma_start3A_1083 = tpu.memref_squeeze %dma_start3A_1082 : memref<1x128x128xf32, #tpu.memory_space<vmem>> -> memref<128x128xf32, #tpu.memory_space<vmem>>
      %dma_start3A_1084 = arith.constant 0 : i32
      %dma_start3A_1085 = arith.constant 0 : i32
      %dma_start3A_1086 = tpu.memref_slice %arg6[%scan3A_1, %dma_start3A_1084, %dma_start3A_1085] : memref<2x16x128xi32, #tpu.memory_space<vmem>> -> memref<1x16x128xi32, #tpu.memory_space<vmem>>
      %dma_start3A_1087 = tpu.memref_squeeze %dma_start3A_1086 : memref<1x16x128xi32, #tpu.memory_space<vmem>> -> memref<16x128xi32, #tpu.memory_space<vmem>>
      %dma_start3A_1088 = arith.constant 0 : i32
      %dma_start3A_1089 = tpu.memref_slice %dma_start3A_1087[%dma_start3A_1079, %dma_start3A_1088] : memref<16x128xi32, #tpu.memory_space<vmem>> -> memref<1x128xi32, #tpu.memory_space<vmem>>
      %dma_start3A_1090 = tpu.memref_squeeze %dma_start3A_1089 : memref<1x128xi32, #tpu.memory_space<vmem>> -> memref<128xi32, #tpu.memory_space<vmem>>
      %dma_start3A_1091 = arith.constant 0 : i32
      %dma_start3A_1092 = arith.constant 0 : i32
      %dma_start3A_1093 = tpu.memref_slice %arg8[%dma_start3A_1091, %dma_start3A_1092] : memref<10112x128xf32, #tpu.memory_space<vmem_shared>> -> memref<10112x128xf32, #tpu.memory_space<vmem_shared>>
      tpu.enqueue_indirect_dma source(%dma_start3A_1083 : memref<128x128xf32, #tpu.memory_space<vmem>>) target(%dma_start3A_1093 : memref<10112x128xf32, #tpu.memory_space<vmem_shared>>) offsets(%dma_start3A_1090 : memref<128xi32, #tpu.memory_space<vmem>>) semaphore(%arg11 : memref<!tpu.dma_semaphore, #tpu.memory_space<semaphore_mem>>) {add = true}
      %dma_wait3A_1094 = arith.constant 15 : i32
      %dma_wait3A_1095 = arith.constant 1 : i32
      %dma_wait3A_1096 = arith.constant 0 : i32
      %dma_wait3A_1097 = arith.constant 0 : i32
      %dma_wait3A_1098 = tpu.memref_slice %arg7[%dma_wait3A_1095, %dma_wait3A_1096, %dma_wait3A_1097] : memref<2x128x128xf32, #tpu.memory_space<vmem>> -> memref<1x128x128xf32, #tpu.memory_space<vmem>>
      %dma_wait3A_1099 = tpu.memref_squeeze %dma_wait3A_1098 : memref<1x128x128xf32, #tpu.memory_space<vmem>> -> memref<128x128xf32, #tpu.memory_space<vmem>>
      %dma_wait3A_1100 = arith.constant 0 : i32
      %dma_wait3A_1101 = arith.constant 0 : i32
      %dma_wait3A_1102 = tpu.memref_slice %arg6[%scan3A, %dma_wait3A_1100, %dma_wait3A_1101] : memref<2x16x128xi32, #tpu.memory_space<vmem>> -> memref<1x16x128xi32, #tpu.memory_space<vmem>>
      %dma_wait3A_1103 = tpu.memref_squeeze %dma_wait3A_1102 : memref<1x16x128xi32, #tpu.memory_space<vmem>> -> memref<16x128xi32, #tpu.memory_space<vmem>>
      %dma_wait3A_1104 = arith.constant 0 : i32
      %dma_wait3A_1105 = tpu.memref_slice %dma_wait3A_1103[%dma_wait3A_1094, %dma_wait3A_1104] : memref<16x128xi32, #tpu.memory_space<vmem>> -> memref<1x128xi32, #tpu.memory_space<vmem>>
      %dma_wait3A_1106 = tpu.memref_squeeze %dma_wait3A_1105 : memref<1x128xi32, #tpu.memory_space<vmem>> -> memref<128xi32, #tpu.memory_space<vmem>>
      %dma_wait3A_1107 = arith.constant 0 : i32
      %dma_wait3A_1108 = arith.constant 0 : i32
      %dma_wait3A_1109 = tpu.memref_slice %arg2[%arg0, %dma_wait3A_1107, %dma_wait3A_1108] : memref<2x10000x128xf32, #tpu.memory_space<hbm>> -> memref<1x10000x128xf32, #tpu.memory_space<hbm>>
      %dma_wait3A_1110 = tpu.memref_squeeze %dma_wait3A_1109 : memref<1x10000x128xf32, #tpu.memory_space<hbm>> -> memref<10000x128xf32, #tpu.memory_space<hbm>>
      %dma_wait3A_1111 = arith.constant 0 : i32
      %dma_wait3A_1112 = arith.constant 0 : i32
      %dma_wait3A_1113 = tpu.memref_slice %dma_wait3A_1110[%dma_wait3A_1111, %dma_wait3A_1112] : memref<10000x128xf32, #tpu.memory_space<hbm>> -> memref<10000x128xf32, #tpu.memory_space<hbm>>
      tpu.wait_indirect_dma semaphore(%arg10 : memref<!tpu.dma_semaphore, #tpu.memory_space<semaphore_mem>>) src(%dma_wait3A_1113 : memref<10000x128xf32, #tpu.memory_space<hbm>>) dst(%dma_wait3A_1099 : memref<128x128xf32, #tpu.memory_space<vmem>>)
      %dma_start3A_1114 = arith.constant 1 : i32
      %dma_start3A_1115 = arith.constant 15 : i32
      %dma_start3A_1116 = arith.constant 0 : i32
      %dma_start3A_1117 = arith.constant 0 : i32
      %dma_start3A_1118 = tpu.memref_slice %arg7[%dma_start3A_1114, %dma_start3A_1116, %dma_start3A_1117] : memref<2x128x128xf32, #tpu.memory_space<vmem>> -> memref<1x128x128xf32, #tpu.memory_space<vmem>>
      %dma_start3A_1119 = tpu.memref_squeeze %dma_start3A_1118 : memref<1x128x128xf32, #tpu.memory_space<vmem>> -> memref<128x128xf32, #tpu.memory_space<vmem>>
      %dma_start3A_1120 = arith.constant 0 : i32
      %dma_start3A_1121 = arith.constant 0 : i32
      %dma_start3A_1122 = tpu.memref_slice %arg6[%scan3A_1, %dma_start3A_1120, %dma_start3A_1121] : memref<2x16x128xi32, #tpu.memory_space<vmem>> -> memref<1x16x128xi32, #tpu.memory_space<vmem>>
      %dma_start3A_1123 = tpu.memref_squeeze %dma_start3A_1122 : memref<1x16x128xi32, #tpu.memory_space<vmem>> -> memref<16x128xi32, #tpu.memory_space<vmem>>
      %dma_start3A_1124 = arith.constant 0 : i32
      %dma_start3A_1125 = tpu.memref_slice %dma_start3A_1123[%dma_start3A_1115, %dma_start3A_1124] : memref<16x128xi32, #tpu.memory_space<vmem>> -> memref<1x128xi32, #tpu.memory_space<vmem>>
      %dma_start3A_1126 = tpu.memref_squeeze %dma_start3A_1125 : memref<1x128xi32, #tpu.memory_space<vmem>> -> memref<128xi32, #tpu.memory_space<vmem>>
      %dma_start3A_1127 = arith.constant 0 : i32
      %dma_start3A_1128 = arith.constant 0 : i32
      %dma_start3A_1129 = tpu.memref_slice %arg8[%dma_start3A_1127, %dma_start3A_1128] : memref<10112x128xf32, #tpu.memory_space<vmem_shared>> -> memref<10112x128xf32, #tpu.memory_space<vmem_shared>>
      tpu.enqueue_indirect_dma source(%dma_start3A_1119 : memref<128x128xf32, #tpu.memory_space<vmem>>) target(%dma_start3A_1129 : memref<10112x128xf32, #tpu.memory_space<vmem_shared>>) offsets(%dma_start3A_1126 : memref<128xi32, #tpu.memory_space<vmem>>) semaphore(%arg12 : memref<!tpu.dma_semaphore, #tpu.memory_space<semaphore_mem>>) {add = true}
      %dma_wait3A_1130 = arith.constant 0 : i32
      %dma_wait3A_1131 = arith.constant 14 : i32
      %dma_wait3A_1132 = arith.constant 0 : i32
      %dma_wait3A_1133 = arith.constant 0 : i32
      %dma_wait3A_1134 = tpu.memref_slice %arg7[%dma_wait3A_1130, %dma_wait3A_1132, %dma_wait3A_1133] : memref<2x128x128xf32, #tpu.memory_space<vmem>> -> memref<1x128x128xf32, #tpu.memory_space<vmem>>
      %dma_wait3A_1135 = tpu.memref_squeeze %dma_wait3A_1134 : memref<1x128x128xf32, #tpu.memory_space<vmem>> -> memref<128x128xf32, #tpu.memory_space<vmem>>
      %dma_wait3A_1136 = arith.constant 0 : i32
      %dma_wait3A_1137 = arith.constant 0 : i32
      %dma_wait3A_1138 = tpu.memref_slice %arg6[%scan3A_1, %dma_wait3A_1136, %dma_wait3A_1137] : memref<2x16x128xi32, #tpu.memory_space<vmem>> -> memref<1x16x128xi32, #tpu.memory_space<vmem>>
      %dma_wait3A_1139 = tpu.memref_squeeze %dma_wait3A_1138 : memref<1x16x128xi32, #tpu.memory_space<vmem>> -> memref<16x128xi32, #tpu.memory_space<vmem>>
      %dma_wait3A_1140 = arith.constant 0 : i32
      %dma_wait3A_1141 = tpu.memref_slice %dma_wait3A_1139[%dma_wait3A_1131, %dma_wait3A_1140] : memref<16x128xi32, #tpu.memory_space<vmem>> -> memref<1x128xi32, #tpu.memory_space<vmem>>
      %dma_wait3A_1142 = tpu.memref_squeeze %dma_wait3A_1141 : memref<1x128xi32, #tpu.memory_space<vmem>> -> memref<128xi32, #tpu.memory_space<vmem>>
      %dma_wait3A_1143 = arith.constant 0 : i32
      %dma_wait3A_1144 = arith.constant 0 : i32
      %dma_wait3A_1145 = tpu.memref_slice %arg8[%dma_wait3A_1143, %dma_wait3A_1144] : memref<10112x128xf32, #tpu.memory_space<vmem_shared>> -> memref<10112x128xf32, #tpu.memory_space<vmem_shared>>
      tpu.wait_indirect_dma semaphore(%arg11 : memref<!tpu.dma_semaphore, #tpu.memory_space<semaphore_mem>>) src(%dma_wait3A_1135 : memref<128x128xf32, #tpu.memory_space<vmem>>) dst(%dma_wait3A_1145 : memref<10112x128xf32, #tpu.memory_space<vmem_shared>>)
      %dma_wait3A_1146 = arith.constant 1 : i32
      %dma_wait3A_1147 = arith.constant 15 : i32
      %dma_wait3A_1148 = arith.constant 0 : i32
      %dma_wait3A_1149 = arith.constant 0 : i32
      %dma_wait3A_1150 = tpu.memref_slice %arg7[%dma_wait3A_1146, %dma_wait3A_1148, %dma_wait3A_1149] : memref<2x128x128xf32, #tpu.memory_space<vmem>> -> memref<1x128x128xf32, #tpu.memory_space<vmem>>
      %dma_wait3A_1151 = tpu.memref_squeeze %dma_wait3A_1150 : memref<1x128x128xf32, #tpu.memory_space<vmem>> -> memref<128x128xf32, #tpu.memory_space<vmem>>
      %dma_wait3A_1152 = arith.constant 0 : i32
      %dma_wait3A_1153 = arith.constant 0 : i32
      %dma_wait3A_1154 = tpu.memref_slice %arg6[%scan3A_1, %dma_wait3A_1152, %dma_wait3A_1153] : memref<2x16x128xi32, #tpu.memory_space<vmem>> -> memref<1x16x128xi32, #tpu.memory_space<vmem>>
      %dma_wait3A_1155 = tpu.memref_squeeze %dma_wait3A_1154 : memref<1x16x128xi32, #tpu.memory_space<vmem>> -> memref<16x128xi32, #tpu.memory_space<vmem>>
      %dma_wait3A_1156 = arith.constant 0 : i32
      %dma_wait3A_1157 = tpu.memref_slice %dma_wait3A_1155[%dma_wait3A_1147, %dma_wait3A_1156] : memref<16x128xi32, #tpu.memory_space<vmem>> -> memref<1x128xi32, #tpu.memory_space<vmem>>
      %dma_wait3A_1158 = tpu.memref_squeeze %dma_wait3A_1157 : memref<1x128xi32, #tpu.memory_space<vmem>> -> memref<128xi32, #tpu.memory_space<vmem>>
      %dma_wait3A_1159 = arith.constant 0 : i32
      %dma_wait3A_1160 = arith.constant 0 : i32
      %dma_wait3A_1161 = tpu.memref_slice %arg8[%dma_wait3A_1159, %dma_wait3A_1160] : memref<10112x128xf32, #tpu.memory_space<vmem_shared>> -> memref<10112x128xf32, #tpu.memory_space<vmem_shared>>
      tpu.wait_indirect_dma semaphore(%arg12 : memref<!tpu.dma_semaphore, #tpu.memory_space<semaphore_mem>>) src(%dma_wait3A_1151 : memref<128x128xf32, #tpu.memory_space<vmem>>) dst(%dma_wait3A_1161 : memref<10112x128xf32, #tpu.memory_space<vmem_shared>>)
    }
    %scan3A_6 = arith.constant 5 : i32
    %barrier3A_7 = arith.constant 0 : index
    tpu.barrier barrier_id(%barrier3A_7)
    "tpu.region"() ({
      %run_scoped3A = tpu.sem_alloc : memref<!tpu.dma_semaphore, #tpu.memory_space<semaphore_mem>>
      %dma_start3A = arith.constant 0 : i32
      %dma_start3A_8 = arith.constant 0 : i32
      %dma_start3A_9 = tpu.memref_slice %arg5[%arg0, %dma_start3A, %dma_start3A_8] : memref<2x10112x128xf32, #tpu.memory_space<hbm>> -> memref<1x10112x128xf32, #tpu.memory_space<hbm>>
      %dma_start3A_10 = tpu.memref_squeeze %dma_start3A_9 : memref<1x10112x128xf32, #tpu.memory_space<hbm>> -> memref<10112x128xf32, #tpu.memory_space<hbm>>
      %dma_start3A_11 = arith.constant 0 : i32
      %dma_start3A_12 = tpu.memref_slice %dma_start3A_10[%mul3A_0, %dma_start3A_11] : memref<10112x128xf32, #tpu.memory_space<hbm>> -> memref<632x128xf32, #tpu.memory_space<hbm>>
      %dma_start3A_13 = arith.constant 0 : i32
      %dma_start3A_14 = tpu.memref_slice %arg8[%mul3A_0, %dma_start3A_13] : memref<10112x128xf32, #tpu.memory_space<vmem_shared>> -> memref<632x128xf32, #tpu.memory_space<vmem_shared>>
      tpu.enqueue_dma source(%dma_start3A_14 : memref<632x128xf32, #tpu.memory_space<vmem_shared>>) target(%dma_start3A_12 : memref<632x128xf32, #tpu.memory_space<hbm>>) target_semaphore(%run_scoped3A : memref<!tpu.dma_semaphore, #tpu.memory_space<semaphore_mem>>)
      %dma_wait3A = arith.constant 0 : i32
      %dma_wait3A_15 = arith.constant 0 : i32
      %dma_wait3A_16 = tpu.memref_slice %arg5[%arg0, %dma_wait3A, %dma_wait3A_15] : memref<2x10112x128xf32, #tpu.memory_space<hbm>> -> memref<1x10112x128xf32, #tpu.memory_space<hbm>>
      %dma_wait3A_17 = tpu.memref_squeeze %dma_wait3A_16 : memref<1x10112x128xf32, #tpu.memory_space<hbm>> -> memref<10112x128xf32, #tpu.memory_space<hbm>>
      %dma_wait3A_18 = arith.constant 0 : i32
      %dma_wait3A_19 = tpu.memref_slice %dma_wait3A_17[%mul3A_0, %dma_wait3A_18] : memref<10112x128xf32, #tpu.memory_space<hbm>> -> memref<632x128xf32, #tpu.memory_space<hbm>>
      %dma_wait3A_20 = arith.constant 0 : i32
      %dma_wait3A_21 = tpu.memref_slice %arg8[%mul3A_0, %dma_wait3A_20] : memref<10112x128xf32, #tpu.memory_space<vmem_shared>> -> memref<632x128xf32, #tpu.memory_space<vmem_shared>>
      tpu.wait_dma2 semaphore(%run_scoped3A : memref<!tpu.dma_semaphore, #tpu.memory_space<semaphore_mem>>) src(%dma_wait3A_21 : memref<632x128xf32, #tpu.memory_space<vmem_shared>>) dst(%dma_wait3A_19 : memref<632x128xf32, #tpu.memory_space<hbm>>)
      tpu.yield
    }) : () -> ()
    return
  }
}

#map = affine_map<(d0, d1) -> (0, 0, 0)>
#map1 = affine_map<(d0, d1) -> (0)>
module attributes {stable_mosaic.version = 14 : i64} {
  func.func @deg_kernel(%arg0: i32, %arg1: i32, %arg2: memref<16x80x128xi32, #tpu.memory_space<hbm>>, %arg3: memref<10112xf32, #tpu.memory_space<hbm>>, %arg4: memref<2x16x10112xf32, #tpu.memory_space<hbm>>, %arg5: memref<40x128xi32, #tpu.memory_space<vmem>>, %arg6: memref<10112xf32, #tpu.memory_space<vmem>>) attributes {dimension_semantics = [#tpu.dimension_semantics<core_parallel>, #tpu.dimension_semantics<subcore_parallel>], iteration_bounds = array<i64: 2, 16>, scalar_prefetch = 0 : i64, scratch_operands = 2 : i64, tpu.core_type = #tpu.core_type<sc_vector_subcore>, window_params = [{transform_indices = #map}, {transform_indices = #map1}, {transform_indices = #map}]} {
    "tpu.region"() ({
      %run_scoped3A = tpu.sem_alloc : memref<!tpu.dma_semaphore, #tpu.memory_space<semaphore_mem>>
      tpu.enqueue_dma source(%arg3 : memref<10112xf32, #tpu.memory_space<hbm>>) target(%arg6 : memref<10112xf32, #tpu.memory_space<vmem>>) target_semaphore(%run_scoped3A : memref<!tpu.dma_semaphore, #tpu.memory_space<semaphore_mem>>)
      tpu.wait_dma2 semaphore(%run_scoped3A : memref<!tpu.dma_semaphore, #tpu.memory_space<semaphore_mem>>) src(%arg3 : memref<10112xf32, #tpu.memory_space<hbm>>) dst(%arg6 : memref<10112xf32, #tpu.memory_space<vmem>>)
      tpu.yield
    }) : () -> ()
    %mul3A = arith.constant 40 : i32
    %mul3A_0 = arith.muli %arg0, %mul3A : i32
    "tpu.region"() ({
      %run_scoped3A = tpu.sem_alloc : memref<!tpu.dma_semaphore, #tpu.memory_space<semaphore_mem>>
      %dma_start3A = arith.constant 0 : i32
      %dma_start3A_5 = tpu.memref_slice %arg2[%arg1, %mul3A_0, %dma_start3A] : memref<16x80x128xi32, #tpu.memory_space<hbm>> -> memref<1x40x128xi32, #tpu.memory_space<hbm>>
      %dma_start3A_6 = tpu.memref_squeeze %dma_start3A_5 : memref<1x40x128xi32, #tpu.memory_space<hbm>> -> memref<40x128xi32, #tpu.memory_space<hbm>>
      %dma_start3A_7 = arith.constant 0 : i32
      %dma_start3A_8 = tpu.memref_slice %arg2[%arg1, %mul3A_0, %dma_start3A_7] : memref<16x80x128xi32, #tpu.memory_space<hbm>> -> memref<1x40x128xi32, #tpu.memory_space<hbm>>
      %dma_start3A_9 = tpu.memref_squeeze %dma_start3A_8 : memref<1x40x128xi32, #tpu.memory_space<hbm>> -> memref<40x128xi32, #tpu.memory_space<hbm>>
      tpu.enqueue_dma source(%dma_start3A_9 : memref<40x128xi32, #tpu.memory_space<hbm>>) target(%arg5 : memref<40x128xi32, #tpu.memory_space<vmem>>) target_semaphore(%run_scoped3A : memref<!tpu.dma_semaphore, #tpu.memory_space<semaphore_mem>>)
      %dma_wait3A = arith.constant 0 : i32
      %dma_wait3A_10 = tpu.memref_slice %arg2[%arg1, %mul3A_0, %dma_wait3A] : memref<16x80x128xi32, #tpu.memory_space<hbm>> -> memref<1x40x128xi32, #tpu.memory_space<hbm>>
      %dma_wait3A_11 = tpu.memref_squeeze %dma_wait3A_10 : memref<1x40x128xi32, #tpu.memory_space<hbm>> -> memref<40x128xi32, #tpu.memory_space<hbm>>
      %dma_wait3A_12 = arith.constant 0 : i32
      %dma_wait3A_13 = tpu.memref_slice %arg2[%arg1, %mul3A_0, %dma_wait3A_12] : memref<16x80x128xi32, #tpu.memory_space<hbm>> -> memref<1x40x128xi32, #tpu.memory_space<hbm>>
      %dma_wait3A_14 = tpu.memref_squeeze %dma_wait3A_13 : memref<1x40x128xi32, #tpu.memory_space<hbm>> -> memref<40x128xi32, #tpu.memory_space<hbm>>
      tpu.wait_dma2 semaphore(%run_scoped3A : memref<!tpu.dma_semaphore, #tpu.memory_space<semaphore_mem>>) src(%dma_wait3A_14 : memref<40x128xi32, #tpu.memory_space<hbm>>) dst(%arg5 : memref<40x128xi32, #tpu.memory_space<vmem>>)
      tpu.yield
    }) : () -> ()
    %scan3A = arith.constant 0 : i32
    %scan3A_1 = arith.constant 40 : i32
    %scan3A_2 = arith.addi %scan3A, %scan3A_1 : i32
    %scan3A_3 = arith.constant 1 : i32
    scf.for %scan3A_5 = %scan3A to %scan3A_2 step %scan3A_3  : i32 {
      %mul3A_6 = arith.constant 1 : i32
      %mul3A_7 = arith.muli %scan3A_5, %mul3A_6 : i32
      %add3A = arith.constant 0 : i32
      %add3A_8 = arith.addi %add3A, %mul3A_7 : i32
      %scan3A_9 = arith.constant 0 : i32
      %scan3A_10 = arith.constant 8 : i32
      %scan3A_11 = arith.addi %scan3A_9, %scan3A_10 : i32
      %scan3A_12 = arith.constant 1 : i32
      scf.for %scan3A_14 = %scan3A_9 to %scan3A_11 step %scan3A_12  : i32 {
        %mul3A_15 = arith.constant 1 : i32
        %mul3A_16 = arith.muli %scan3A_14, %mul3A_15 : i32
        %add3A_17 = arith.constant 0 : i32
        %add3A_18 = arith.addi %add3A_17, %mul3A_16 : i32
        %mul3A_19 = arith.constant 16 : i32
        %mul3A_20 = arith.muli %add3A_18, %mul3A_19 : i32
        %get3A = arith.index_cast %add3A_8 : i32 to index
        %get3A_21 = arith.index_cast %mul3A_20 : i32 to index
        %get3A_22 = tpu.vector_load %arg5[%get3A, %get3A_21] {strides = array<i32>} : memref<40x128xi32, #tpu.memory_space<vmem>>, vector<16xi32>,
        %broadcast_in_dim3A = arith.constant 1.000000e+00 : f32
        %broadcast_in_dim3A_23 = vector.broadcast %broadcast_in_dim3A : f32 to vector<16xf32>
        tpu.vector_store_idx %arg6[%get3A_22], %broadcast_in_dim3A_23 {add = true} : memref<10112xf32, #tpu.memory_space<vmem>>[vector<16xi32>], vector<16xf32>,
      }
      %scan3A_13 = arith.constant 8 : i32
    }
    %scan3A_4 = arith.constant 40 : i32
    "tpu.region"() ({
      %run_scoped3A = tpu.sem_alloc : memref<!tpu.dma_semaphore, #tpu.memory_space<semaphore_mem>>
      %dma_start3A = arith.constant 0 : i32
      %dma_start3A_5 = arith.constant 0 : i32
      %dma_start3A_6 = tpu.memref_slice %arg4[%arg0, %dma_start3A, %dma_start3A_5] : memref<2x16x10112xf32, #tpu.memory_space<hbm>> -> memref<1x16x10112xf32, #tpu.memory_space<hbm>>
      %dma_start3A_7 = tpu.memref_squeeze %dma_start3A_6 : memref<1x16x10112xf32, #tpu.memory_space<hbm>> -> memref<16x10112xf32, #tpu.memory_space<hbm>>
      %dma_start3A_8 = arith.constant 0 : i32
      %dma_start3A_9 = tpu.memref_slice %dma_start3A_7[%arg1, %dma_start3A_8] : memref<16x10112xf32, #tpu.memory_space<hbm>> -> memref<1x10112xf32, #tpu.memory_space<hbm>>
      %dma_start3A_10 = tpu.memref_squeeze %dma_start3A_9 : memref<1x10112xf32, #tpu.memory_space<hbm>> -> memref<10112xf32, #tpu.memory_space<hbm>>
      %dma_start3A_11 = arith.constant 0 : i32
      %dma_start3A_12 = arith.constant 0 : i32
      %dma_start3A_13 = tpu.memref_slice %arg4[%arg0, %dma_start3A_11, %dma_start3A_12] : memref<2x16x10112xf32, #tpu.memory_space<hbm>> -> memref<1x16x10112xf32, #tpu.memory_space<hbm>>
      %dma_start3A_14 = tpu.memref_squeeze %dma_start3A_13 : memref<1x16x10112xf32, #tpu.memory_space<hbm>> -> memref<16x10112xf32, #tpu.memory_space<hbm>>
      %dma_start3A_15 = arith.constant 0 : i32
      %dma_start3A_16 = tpu.memref_slice %dma_start3A_14[%arg1, %dma_start3A_15] : memref<16x10112xf32, #tpu.memory_space<hbm>> -> memref<1x10112xf32, #tpu.memory_space<hbm>>
      %dma_start3A_17 = tpu.memref_squeeze %dma_start3A_16 : memref<1x10112xf32, #tpu.memory_space<hbm>> -> memref<10112xf32, #tpu.memory_space<hbm>>
      tpu.enqueue_dma source(%arg6 : memref<10112xf32, #tpu.memory_space<vmem>>) target(%dma_start3A_17 : memref<10112xf32, #tpu.memory_space<hbm>>) target_semaphore(%run_scoped3A : memref<!tpu.dma_semaphore, #tpu.memory_space<semaphore_mem>>)
      %dma_wait3A = arith.constant 0 : i32
      %dma_wait3A_18 = arith.constant 0 : i32
      %dma_wait3A_19 = tpu.memref_slice %arg4[%arg0, %dma_wait3A, %dma_wait3A_18] : memref<2x16x10112xf32, #tpu.memory_space<hbm>> -> memref<1x16x10112xf32, #tpu.memory_space<hbm>>
      %dma_wait3A_20 = tpu.memref_squeeze %dma_wait3A_19 : memref<1x16x10112xf32, #tpu.memory_space<hbm>> -> memref<16x10112xf32, #tpu.memory_space<hbm>>
      %dma_wait3A_21 = arith.constant 0 : i32
      %dma_wait3A_22 = tpu.memref_slice %dma_wait3A_20[%arg1, %dma_wait3A_21] : memref<16x10112xf32, #tpu.memory_space<hbm>> -> memref<1x10112xf32, #tpu.memory_space<hbm>>
      %dma_wait3A_23 = tpu.memref_squeeze %dma_wait3A_22 : memref<1x10112xf32, #tpu.memory_space<hbm>> -> memref<10112xf32, #tpu.memory_space<hbm>>
      %dma_wait3A_24 = arith.constant 0 : i32
      %dma_wait3A_25 = arith.constant 0 : i32
      %dma_wait3A_26 = tpu.memref_slice %arg4[%arg0, %dma_wait3A_24, %dma_wait3A_25] : memref<2x16x10112xf32, #tpu.memory_space<hbm>> -> memref<1x16x10112xf32, #tpu.memory_space<hbm>>
      %dma_wait3A_27 = tpu.memref_squeeze %dma_wait3A_26 : memref<1x16x10112xf32, #tpu.memory_space<hbm>> -> memref<16x10112xf32, #tpu.memory_space<hbm>>
      %dma_wait3A_28 = arith.constant 0 : i32
      %dma_wait3A_29 = tpu.memref_slice %dma_wait3A_27[%arg1, %dma_wait3A_28] : memref<16x10112xf32, #tpu.memory_space<hbm>> -> memref<1x10112xf32, #tpu.memory_space<hbm>>
      %dma_wait3A_30 = tpu.memref_squeeze %dma_wait3A_29 : memref<1x10112xf32, #tpu.memory_space<hbm>> -> memref<10112xf32, #tpu.memory_space<hbm>>
      tpu.wait_dma2 semaphore(%run_scoped3A : memref<!tpu.dma_semaphore, #tpu.memory_space<semaphore_mem>>) src(%arg6 : memref<10112xf32, #tpu.memory_space<vmem>>) dst(%dma_wait3A_30 : memref<10112xf32, #tpu.memory_space<hbm>>)
      tpu.yield
    }) : () -> ()
    return
  }
}

module attributes {stable_mosaic.version = 14 : i64} {
  func.func @_layer1_body(%arg0: i32, %arg1: memref<2x400x128xf32, #tpu.memory_space<vmem>>, %arg2: memref<400x32xf32, #tpu.memory_space<vmem>>, %arg3: memref<400x256xf32, #tpu.memory_space<vmem>>, %arg4: memref<256x256xf32, #tpu.memory_space<vmem>>, %arg5: memref<256x256xf32, #tpu.memory_space<vmem>>, %arg6: memref<1x256xf32, #tpu.memory_space<vmem>>, %arg7: memref<400x256xf32, #tpu.memory_space<vmem>>, %arg8: memref<2x400x128xf32, #tpu.memory_space<vmem>>) attributes {dimension_semantics = [#tpu.dimension_semantics<arbitrary>], iteration_bounds = array<i64: 25>, scalar_prefetch = 0 : i64, scratch_operands = 0 : i64, tpu.core_type = #tpu.core_type<tc>, window_params = [{transform_indices = @transform_0, window_bounds = array<i64: 2, 400, 128>}, {transform_indices = @transform_1, window_bounds = array<i64: 400, 32>}, {transform_indices = @transform_2, window_bounds = array<i64: 400, 256>}, {pipeline_mode = #tpu.pipeline_mode<synchronous>, transform_indices = @transform_3, window_bounds = array<i64: 256, 256>}, {pipeline_mode = #tpu.pipeline_mode<synchronous>, transform_indices = @transform_4, window_bounds = array<i64: 256, 256>}, {pipeline_mode = #tpu.pipeline_mode<synchronous>, transform_indices = @transform_5, window_bounds = array<i64: 1, 256>}, {transform_indices = @transform_6, window_bounds = array<i64: 400, 256>}, {transform_indices = @transform_7, window_bounds = array<i64: 2, 400, 128>}]} {
    %get3A = arith.constant 0 : index
    %get3A_0 = arith.constant 0 : index
    %get3A_1 = vector.load %arg2[%get3A, %get3A_0] : memref<400x32xf32, #tpu.memory_space<vmem>>, vector<400x32xf32>
    %reduce_sum3A = arith.constant dense<0.000000e+00> : vector<400xf32>
    %reduce_sum3A_2 = vector.multi_reduction <add>, %get3A_1, %reduce_sum3A [1] : vector<400x32xf32> to vector<400xf32>
    %broadcast_in_dim3A = vector.shape_cast %reduce_sum3A_2 : vector<400xf32> to vector<400x1xf32>
    %max3A = arith.constant 1.000000e+00 : f32
    %max3A_3 = vector.broadcast %max3A : f32 to vector<400x1xf32>
    %max3A_4 = arith.maximumf %broadcast_in_dim3A, %max3A_3 : vector<400x1xf32>
    %div3A = arith.constant 1.000000e+00 : f32
    %div3A_5 = vector.broadcast %div3A : f32 to vector<400x1xf32>
    %div3A_6 = arith.divf %div3A_5, %max3A_4 : vector<400x1xf32>
    %get3A_7 = arith.constant 0 : index
    %get3A_8 = arith.constant 0 : index
    %get3A_9 = arith.constant 0 : index
    %get3A_10 = vector.load %arg1[%get3A_7, %get3A_8, %get3A_9] : memref<2x400x128xf32, #tpu.memory_space<vmem>>, vector<1x400x128xf32>
    %get3A_11 = vector.shape_cast %get3A_10 : vector<1x400x128xf32> to vector<400x128xf32>
    %mul3A = vector.broadcast %div3A_6 : vector<400x1xf32> to vector<400x128xf32>
    %mul3A_12 = arith.mulf %get3A_11, %mul3A : vector<400x128xf32>
    %get3A_13 = arith.constant 0 : index
    %get3A_14 = arith.constant 0 : index
    %get3A_15 = vector.load %arg4[%get3A_13, %get3A_14] : memref<256x256xf32, #tpu.memory_space<vmem>>, vector<128x256xf32>
    %dot_general3A = arith.constant dense<0.000000e+00> : vector<400x256xf32>
    %dot_general3A_16 = tpu.matmul %mul3A_12, %get3A_15, %dot_general3A {dimension_numbers = #tpu.dot_dimension_numbers<[1], [0], [0], [1], [0, 0, 1, 1], [], []>, precision = #tpu.contract_precision<fp32>, transpose_lhs_hint = false} : vector<400x128xf32>, vector<128x256xf32>, vector<400x256xf32> -> vector<400x256xf32>
    %get3A_17 = arith.constant 1 : index
    %get3A_18 = arith.constant 0 : index
    %get3A_19 = arith.constant 0 : index
    %get3A_20 = vector.load %arg1[%get3A_17, %get3A_18, %get3A_19] : memref<2x400x128xf32, #tpu.memory_space<vmem>>, vector<1x400x128xf32>
    %get3A_21 = vector.shape_cast %get3A_20 : vector<1x400x128xf32> to vector<400x128xf32>
    %mul3A_22 = vector.broadcast %div3A_6 : vector<400x1xf32> to vector<400x128xf32>
    %mul3A_23 = arith.mulf %get3A_21, %mul3A_22 : vector<400x128xf32>
    %get3A_24 = arith.constant 128 : index
    %get3A_25 = arith.constant 0 : index
    %get3A_26 = vector.load %arg4[%get3A_24, %get3A_25] : memref<256x256xf32, #tpu.memory_space<vmem>>, vector<128x256xf32>
    %dot_general3A_27 = arith.constant dense<0.000000e+00> : vector<400x256xf32>
    %dot_general3A_28 = tpu.matmul %mul3A_23, %get3A_26, %dot_general3A_27 {dimension_numbers = #tpu.dot_dimension_numbers<[1], [0], [0], [1], [0, 0, 1, 1], [], []>, precision = #tpu.contract_precision<fp32>, transpose_lhs_hint = false} : vector<400x128xf32>, vector<128x256xf32>, vector<400x256xf32> -> vector<400x256xf32>
    %add3A = arith.addf %dot_general3A_16, %dot_general3A_28 : vector<400x256xf32>
    %get3A_29 = arith.constant 0 : index
    %get3A_30 = arith.constant 0 : index
    %get3A_31 = vector.load %arg3[%get3A_29, %get3A_30] : memref<400x256xf32, #tpu.memory_space<vmem>>, vector<400x256xf32>
    %get3A_32 = arith.constant 0 : index
    %get3A_33 = arith.constant 0 : index
    %get3A_34 = vector.load %arg5[%get3A_32, %get3A_33] : memref<256x256xf32, #tpu.memory_space<vmem>>, vector<256x256xf32>
    %dot_general3A_35 = arith.constant dense<0.000000e+00> : vector<400x256xf32>
    %dot_general3A_36 = tpu.matmul %get3A_31, %get3A_34, %dot_general3A_35 {dimension_numbers = #tpu.dot_dimension_numbers<[1], [0], [0], [1], [0, 0, 1, 1], [], []>, precision = #tpu.contract_precision<fp32>, transpose_lhs_hint = false} : vector<400x256xf32>, vector<256x256xf32>, vector<400x256xf32> -> vector<400x256xf32>
    %add3A_37 = arith.addf %add3A, %dot_general3A_36 : vector<400x256xf32>
    %get3A_38 = arith.constant 0 : index
    %get3A_39 = arith.constant 0 : index
    %get3A_40 = vector.load %arg6[%get3A_38, %get3A_39] : memref<1x256xf32, #tpu.memory_space<vmem>>, vector<1x256xf32>
    %add3A_41 = vector.broadcast %get3A_40 : vector<1x256xf32> to vector<400x256xf32>
    %add3A_42 = arith.addf %add3A_37, %add3A_41 : vector<400x256xf32>
    %max3A_43 = arith.constant 0.000000e+00 : f32
    %max3A_44 = vector.broadcast %max3A_43 : f32 to vector<400x256xf32>
    %max3A_45 = arith.maximumf %add3A_42, %max3A_44 : vector<400x256xf32>
    %get3A_46 = arith.constant 0 : index
    %get3A_47 = arith.constant 0 : index
    %get3A_48 = vector.load %arg7[%get3A_46, %get3A_47] : memref<400x256xf32, #tpu.memory_space<vmem>>, vector<400x256xf32>
    %mul3A_49 = arith.mulf %max3A_45, %get3A_48 : vector<400x256xf32>
    %slice3A = vector.extract_strided_slice %mul3A_49 {offsets = [0, 0], sizes = [400, 128], strides = [1, 1]} : vector<400x256xf32> to vector<400x128xf32>
    %swap3A = arith.constant 0 : index
    %swap3A_50 = arith.constant 0 : index
    %swap3A_51 = arith.constant 0 : index
    %swap3A_52 = vector.load %arg8[%swap3A, %swap3A_50, %swap3A_51] : memref<2x400x128xf32, #tpu.memory_space<vmem>>, vector<1x400x128xf32>
    %swap3A_53 = vector.shape_cast %swap3A_52 : vector<1x400x128xf32> to vector<400x128xf32>
    %swap3A_54 = vector.shape_cast %slice3A : vector<400x128xf32> to vector<1x400x128xf32>
    tpu.vector_store %arg8[%swap3A, %swap3A_50, %swap3A_51], %swap3A_54 {strides = array<i32>} : memref<2x400x128xf32, #tpu.memory_space<vmem>>, vector<1x400x128xf32>,
    %slice3A_55 = vector.extract_strided_slice %mul3A_49 {offsets = [0, 128], sizes = [400, 128], strides = [1, 1]} : vector<400x256xf32> to vector<400x128xf32>
    %swap3A_56 = arith.constant 1 : index
    %swap3A_57 = arith.constant 0 : index
    %swap3A_58 = arith.constant 0 : index
    %swap3A_59 = vector.load %arg8[%swap3A_56, %swap3A_57, %swap3A_58] : memref<2x400x128xf32, #tpu.memory_space<vmem>>, vector<1x400x128xf32>
    %swap3A_60 = vector.shape_cast %swap3A_59 : vector<1x400x128xf32> to vector<400x128xf32>
    %swap3A_61 = vector.shape_cast %slice3A_55 : vector<400x128xf32> to vector<1x400x128xf32>
    tpu.vector_store %arg8[%swap3A_56, %swap3A_57, %swap3A_58], %swap3A_61 {strides = array<i32>} : memref<2x400x128xf32, #tpu.memory_space<vmem>>, vector<1x400x128xf32>,
    return
  }
  func.func @transform_0(%arg0: i32) -> (i32, i32, i32) {
    %c0_i32 = arith.constant 0 : i32
    %c0_i32_0 = arith.constant 0 : i32
    %c0_i32_1 = arith.constant 0 : i32
    return %c0_i32, %arg0, %c0_i32_0 : i32, i32, i32
  }
  func.func @transform_1(%arg0: i32) -> (i32, i32) {
    %c0_i32 = arith.constant 0 : i32
    %c0_i32_0 = arith.constant 0 : i32
    return %arg0, %c0_i32 : i32, i32
  }
  func.func @transform_2(%arg0: i32) -> (i32, i32) {
    %c0_i32 = arith.constant 0 : i32
    %c0_i32_0 = arith.constant 0 : i32
    return %arg0, %c0_i32 : i32, i32
  }
  func.func @transform_3(%arg0: i32) -> (i32, i32) {
    %c0_i32 = arith.constant 0 : i32
    %c0_i32_0 = arith.constant 0 : i32
    %c0_i32_1 = arith.constant 0 : i32
    return %c0_i32, %c0_i32_0 : i32, i32
  }
  func.func @transform_4(%arg0: i32) -> (i32, i32) {
    %c0_i32 = arith.constant 0 : i32
    %c0_i32_0 = arith.constant 0 : i32
    %c0_i32_1 = arith.constant 0 : i32
    return %c0_i32, %c0_i32_0 : i32, i32
  }
  func.func @transform_5(%arg0: i32) -> (i32, i32) {
    %c0_i32 = arith.constant 0 : i32
    %c0_i32_0 = arith.constant 0 : i32
    %c0_i32_1 = arith.constant 0 : i32
    return %c0_i32, %c0_i32_0 : i32, i32
  }
  func.func @transform_6(%arg0: i32) -> (i32, i32) {
    %c0_i32 = arith.constant 0 : i32
    %c0_i32_0 = arith.constant 0 : i32
    return %arg0, %c0_i32 : i32, i32
  }
  func.func @transform_7(%arg0: i32) -> (i32, i32, i32) {
    %c0_i32 = arith.constant 0 : i32
    %c0_i32_0 = arith.constant 0 : i32
    %c0_i32_1 = arith.constant 0 : i32
    return %c0_i32, %arg0, %c0_i32_0 : i32, i32, i32
  }
}

module attributes {stable_mosaic.version = 14 : i64} {
  func.func @_layer2_body(%arg0: i32, %arg1: memref<2x400x128xf32, #tpu.memory_space<vmem>>, %arg2: memref<400x32xf32, #tpu.memory_space<vmem>>, %arg3: memref<2x400x128xf32, #tpu.memory_space<vmem>>, %arg4: memref<256x256xf32, #tpu.memory_space<vmem>>, %arg5: memref<256x256xf32, #tpu.memory_space<vmem>>, %arg6: memref<1x256xf32, #tpu.memory_space<vmem>>, %arg7: memref<400x256xf32, #tpu.memory_space<vmem>>) attributes {dimension_semantics = [#tpu.dimension_semantics<arbitrary>], iteration_bounds = array<i64: 25>, scalar_prefetch = 0 : i64, scratch_operands = 0 : i64, tpu.core_type = #tpu.core_type<tc>, window_params = [{transform_indices = @transform_0, window_bounds = array<i64: 2, 400, 128>}, {transform_indices = @transform_1, window_bounds = array<i64: 400, 32>}, {transform_indices = @transform_2, window_bounds = array<i64: 2, 400, 128>}, {pipeline_mode = #tpu.pipeline_mode<synchronous>, transform_indices = @transform_3, window_bounds = array<i64: 256, 256>}, {pipeline_mode = #tpu.pipeline_mode<synchronous>, transform_indices = @transform_4, window_bounds = array<i64: 256, 256>}, {pipeline_mode = #tpu.pipeline_mode<synchronous>, transform_indices = @transform_5, window_bounds = array<i64: 1, 256>}, {transform_indices = @transform_6, window_bounds = array<i64: 400, 256>}]} {
    %get3A = arith.constant 0 : index
    %get3A_0 = arith.constant 0 : index
    %get3A_1 = vector.load %arg2[%get3A, %get3A_0] : memref<400x32xf32, #tpu.memory_space<vmem>>, vector<400x32xf32>
    %reduce_sum3A = arith.constant dense<0.000000e+00> : vector<400xf32>
    %reduce_sum3A_2 = vector.multi_reduction <add>, %get3A_1, %reduce_sum3A [1] : vector<400x32xf32> to vector<400xf32>
    %broadcast_in_dim3A = vector.shape_cast %reduce_sum3A_2 : vector<400xf32> to vector<400x1xf32>
    %max3A = arith.constant 1.000000e+00 : f32
    %max3A_3 = vector.broadcast %max3A : f32 to vector<400x1xf32>
    %max3A_4 = arith.maximumf %broadcast_in_dim3A, %max3A_3 : vector<400x1xf32>
    %div3A = arith.constant 1.000000e+00 : f32
    %div3A_5 = vector.broadcast %div3A : f32 to vector<400x1xf32>
    %div3A_6 = arith.divf %div3A_5, %max3A_4 : vector<400x1xf32>
    %get3A_7 = arith.constant 0 : index
    %get3A_8 = arith.constant 0 : index
    %get3A_9 = arith.constant 0 : index
    %get3A_10 = vector.load %arg1[%get3A_7, %get3A_8, %get3A_9] : memref<2x400x128xf32, #tpu.memory_space<vmem>>, vector<1x400x128xf32>
    %get3A_11 = vector.shape_cast %get3A_10 : vector<1x400x128xf32> to vector<400x128xf32>
    %mul3A = vector.broadcast %div3A_6 : vector<400x1xf32> to vector<400x128xf32>
    %mul3A_12 = arith.mulf %get3A_11, %mul3A : vector<400x128xf32>
    %get3A_13 = arith.constant 0 : index
    %get3A_14 = arith.constant 0 : index
    %get3A_15 = vector.load %arg4[%get3A_13, %get3A_14] : memref<256x256xf32, #tpu.memory_space<vmem>>, vector<128x256xf32>
    %dot_general3A = arith.constant dense<0.000000e+00> : vector<400x256xf32>
    %dot_general3A_16 = tpu.matmul %mul3A_12, %get3A_15, %dot_general3A {dimension_numbers = #tpu.dot_dimension_numbers<[1], [0], [0], [1], [0, 0, 1, 1], [], []>, precision = #tpu.contract_precision<fp32>, transpose_lhs_hint = false} : vector<400x128xf32>, vector<128x256xf32>, vector<400x256xf32> -> vector<400x256xf32>
    %get3A_17 = arith.constant 1 : index
    %get3A_18 = arith.constant 0 : index
    %get3A_19 = arith.constant 0 : index
    %get3A_20 = vector.load %arg1[%get3A_17, %get3A_18, %get3A_19] : memref<2x400x128xf32, #tpu.memory_space<vmem>>, vector<1x400x128xf32>
    %get3A_21 = vector.shape_cast %get3A_20 : vector<1x400x128xf32> to vector<400x128xf32>
    %mul3A_22 = vector.broadcast %div3A_6 : vector<400x1xf32> to vector<400x128xf32>
    %mul3A_23 = arith.mulf %get3A_21, %mul3A_22 : vector<400x128xf32>
    %get3A_24 = arith.constant 128 : index
    %get3A_25 = arith.constant 0 : index
    %get3A_26 = vector.load %arg4[%get3A_24, %get3A_25] : memref<256x256xf32, #tpu.memory_space<vmem>>, vector<128x256xf32>
    %dot_general3A_27 = arith.constant dense<0.000000e+00> : vector<400x256xf32>
    %dot_general3A_28 = tpu.matmul %mul3A_23, %get3A_26, %dot_general3A_27 {dimension_numbers = #tpu.dot_dimension_numbers<[1], [0], [0], [1], [0, 0, 1, 1], [], []>, precision = #tpu.contract_precision<fp32>, transpose_lhs_hint = false} : vector<400x128xf32>, vector<128x256xf32>, vector<400x256xf32> -> vector<400x256xf32>
    %add3A = arith.addf %dot_general3A_16, %dot_general3A_28 : vector<400x256xf32>
    %get3A_29 = arith.constant 0 : index
    %get3A_30 = arith.constant 0 : index
    %get3A_31 = arith.constant 0 : index
    %get3A_32 = vector.load %arg3[%get3A_29, %get3A_30, %get3A_31] : memref<2x400x128xf32, #tpu.memory_space<vmem>>, vector<1x400x128xf32>
    %get3A_33 = vector.shape_cast %get3A_32 : vector<1x400x128xf32> to vector<400x128xf32>
    %get3A_34 = arith.constant 0 : index
    %get3A_35 = arith.constant 0 : index
    %get3A_36 = vector.load %arg5[%get3A_34, %get3A_35] : memref<256x256xf32, #tpu.memory_space<vmem>>, vector<128x256xf32>
    %dot_general3A_37 = arith.constant dense<0.000000e+00> : vector<400x256xf32>
    %dot_general3A_38 = tpu.matmul %get3A_33, %get3A_36, %dot_general3A_37 {dimension_numbers = #tpu.dot_dimension_numbers<[1], [0], [0], [1], [0, 0, 1, 1], [], []>, precision = #tpu.contract_precision<fp32>, transpose_lhs_hint = false} : vector<400x128xf32>, vector<128x256xf32>, vector<400x256xf32> -> vector<400x256xf32>
    %add3A_39 = arith.addf %add3A, %dot_general3A_38 : vector<400x256xf32>
    %get3A_40 = arith.constant 1 : index
    %get3A_41 = arith.constant 0 : index
    %get3A_42 = arith.constant 0 : index
    %get3A_43 = vector.load %arg3[%get3A_40, %get3A_41, %get3A_42] : memref<2x400x128xf32, #tpu.memory_space<vmem>>, vector<1x400x128xf32>
    %get3A_44 = vector.shape_cast %get3A_43 : vector<1x400x128xf32> to vector<400x128xf32>
    %get3A_45 = arith.constant 128 : index
    %get3A_46 = arith.constant 0 : index
    %get3A_47 = vector.load %arg5[%get3A_45, %get3A_46] : memref<256x256xf32, #tpu.memory_space<vmem>>, vector<128x256xf32>
    %dot_general3A_48 = arith.constant dense<0.000000e+00> : vector<400x256xf32>
    %dot_general3A_49 = tpu.matmul %get3A_44, %get3A_47, %dot_general3A_48 {dimension_numbers = #tpu.dot_dimension_numbers<[1], [0], [0], [1], [0, 0, 1, 1], [], []>, precision = #tpu.contract_precision<fp32>, transpose_lhs_hint = false} : vector<400x128xf32>, vector<128x256xf32>, vector<400x256xf32> -> vector<400x256xf32>
    %add3A_50 = arith.addf %add3A_39, %dot_general3A_49 : vector<400x256xf32>
    %get3A_51 = arith.constant 0 : index
    %get3A_52 = arith.constant 0 : index
    %get3A_53 = vector.load %arg6[%get3A_51, %get3A_52] : memref<1x256xf32, #tpu.memory_space<vmem>>, vector<1x256xf32>
    %add3A_54 = vector.broadcast %get3A_53 : vector<1x256xf32> to vector<400x256xf32>
    %add3A_55 = arith.addf %add3A_50, %add3A_54 : vector<400x256xf32>
    %reduce_max3A = arith.constant dense<0xFF800000> : vector<400xf32>
    %reduce_max3A_56 = vector.multi_reduction <maximumf>, %add3A_55, %reduce_max3A [1] : vector<400x256xf32> to vector<400xf32>
    %broadcast_in_dim3A_57 = vector.shape_cast %reduce_max3A_56 : vector<400xf32> to vector<400x1xf32>
    %sub3A = vector.broadcast %broadcast_in_dim3A_57 : vector<400x1xf32> to vector<400x256xf32>
    %sub3A_58 = arith.subf %add3A_55, %sub3A : vector<400x256xf32>
    %exp3A = math.exp %sub3A_58 : vector<400x256xf32>
    %reduce_sum3A_59 = arith.constant dense<0.000000e+00> : vector<400xf32>
    %reduce_sum3A_60 = vector.multi_reduction <add>, %exp3A, %reduce_sum3A_59 [1] : vector<400x256xf32> to vector<400xf32>
    %broadcast_in_dim3A_61 = vector.shape_cast %reduce_sum3A_60 : vector<400xf32> to vector<400x1xf32>
    %div3A_62 = vector.broadcast %broadcast_in_dim3A_61 : vector<400x1xf32> to vector<400x256xf32>
    %div3A_63 = arith.divf %exp3A, %div3A_62 : vector<400x256xf32>
    %swap3A = arith.constant 0 : index
    %swap3A_64 = arith.constant 0 : index
    %swap3A_65 = vector.load %arg7[%swap3A, %swap3A_64] : memref<400x256xf32, #tpu.memory_space<vmem>>, vector<400x256xf32>
    tpu.vector_store %arg7[%swap3A, %swap3A_64], %div3A_63 {strides = array<i32>} : memref<400x256xf32, #tpu.memory_space<vmem>>, vector<400x256xf32>,
    return
  }
  func.func @transform_0(%arg0: i32) -> (i32, i32, i32) {
    %c0_i32 = arith.constant 0 : i32
    %c0_i32_0 = arith.constant 0 : i32
    %c0_i32_1 = arith.constant 0 : i32
    return %c0_i32, %arg0, %c0_i32_0 : i32, i32, i32
  }
  func.func @transform_1(%arg0: i32) -> (i32, i32) {
    %c0_i32 = arith.constant 0 : i32
    %c0_i32_0 = arith.constant 0 : i32
    return %arg0, %c0_i32 : i32, i32
  }
  func.func @transform_2(%arg0: i32) -> (i32, i32, i32) {
    %c0_i32 = arith.constant 0 : i32
    %c0_i32_0 = arith.constant 0 : i32
    %c0_i32_1 = arith.constant 0 : i32
    return %c0_i32, %arg0, %c0_i32_0 : i32, i32, i32
  }
  func.func @transform_3(%arg0: i32) -> (i32, i32) {
    %c0_i32 = arith.constant 0 : i32
    %c0_i32_0 = arith.constant 0 : i32
    %c0_i32_1 = arith.constant 0 : i32
    return %c0_i32, %c0_i32_0 : i32, i32
  }
  func.func @transform_4(%arg0: i32) -> (i32, i32) {
    %c0_i32 = arith.constant 0 : i32
    %c0_i32_0 = arith.constant 0 : i32
    %c0_i32_1 = arith.constant 0 : i32
    return %c0_i32, %c0_i32_0 : i32, i32
  }
  func.func @transform_5(%arg0: i32) -> (i32, i32) {
    %c0_i32 = arith.constant 0 : i32
    %c0_i32_0 = arith.constant 0 : i32
    %c0_i32_1 = arith.constant 0 : i32
    return %c0_i32, %c0_i32_0 : i32, i32
  }
  func.func @transform_6(%arg0: i32) -> (i32, i32) {
    %c0_i32 = arith.constant 0 : i32
    %c0_i32_0 = arith.constant 0 : i32
    return %arg0, %c0_i32 : i32, i32
  }
}

</mosaic_0001>

<sc_bundles>
// kernel: kernel.10.cloned.1.call-start
scs
__scs_entry_jumppad:
0x0: {  	(pc) =	sbr.rel $0x88, $3  }
0x1: {  	(tag) =	ssettag $0x0;
	lr =	simm.s32 $0x1  }
0x2: {  	[smem:$0x3F99] =	sst lr;
	_ =	strace $0xD0000000  }
0x3: {  	_ = 	snop  }
0x4: {  	_ = 	snop  }
0x5: {  	_ = 	snop  }
0x6: {  	_ = 	snop  }
0x7: {  	_ = 	snop  }
__scs_overlays_trampoline_lowered:
0x8: {  	[smem:$0x3FA8] =	sst s0  }
0x9: {  	[smem:$0x3FA9] =	sst s1  }
0xa: {  	[smem:$0x3FAA] =	sst s2  }
0xb: {  	[smem:$0x3FAB] =	sst s3  }
0xc: {  	[smem:$0x3FAC] =	sst s4  }
0xd: {  	[smem:$0x3FAD] =	sst s5  }
0xe: {  	[smem:$0x3FAE] =	sst s6  }
0xf: {  	[smem:$0x3FAF] =	sst s7  }
0x10: {  	[smem:$0x3FB0] =	sst s8  }
0x11: {  	[smem:$0x3FB1] =	sst s9;
	s0 =	simm.s32 @!p0 $0x0  }
0x12: {  	s1 =	sld [smem:$0x3F97];
	s0 =	simm.s32 @p0 $0x1  }
0x13: {  	[smem:$0x3FB2] =	sst s0;
	s0 =	simm.s32 @!p1 $0x0  }
0x14: {  	s2 =	sld [smem:$0x3F96];
	s0 =	simm.s32 @p1 $0x1  }
0x15: {  	[smem:$0x3FB3] =	sst s0;
	s0 =	simm.s32 @!p2 $0x0  }
0x16: {  	s3 =	sld [smem:$0x3FDB];
	s0 =	simm.s32 @p2 $0x1  }
0x17: {  	s4 =	simm.s32 $0x1BF5;
	[smem:$0x3FB5] =	sst s0  }
0x18: {  	s0 =	sld [smem:$0x3F98];
	_ =	swait.ge [sflag:s4], $0x0  }
0x19: {  	s7 =	sld [smem:$0x3F99]  }
0x1a: {  	s8 =	sadd.s32 $0xFFFFE003, lr  }
0x1b: {  	s9 =	sadd.s32 $0xFFFFFEF7, lr;
	s5 =	simm.s32 $0xFFFFFFFF;
	p2 =	slt.u32 s8, $0xFFFFF086  }
0x1c: {  	p1 =	slt.u32 s9, $0xF7A;
	s5 =	simm.s32 @!p2 $0x0  }
0x1d: {  	s5 =	simm.s32 @p1 $0x1;
	p0 =	seq.s32 s7, s2  }
0x1e: {  	s7 =	smul.u32 @!p0 $0xF7A, s2;
	p2 =	seq.s32 @!p0 s5, $0x0  }
0x1f: {  	s9 =	smul.u32 $0xF7A, s1;
	s8 =	simm.s32 @!p0 $0x1BF5;
	p2 =	por !p2, p0  }
0x20: {  	[sflag:s8] =	ssyncset.s32 @!p0 $0xFFFFF086;
	s6 =	sadd.s32 @!p0 s3, s7;
	s7 =	simm.s32 @!p0 $0x108  }
0x21: {  	s3 =	sadd.s32 s3, s9;
	s6 =	sadd.s32 @!p0 $0x88, s6;
	s7 =	simm.s32 @p2 $0x1082  }
0x22: {  	[simem:s7], [sflag:s8] =	dma.local @!p0 [hbm:s6], $0xF7A  }
0x23: {  	s9 =	sor.u32 $0xD0000000, s2;
	s6 =	simm.s32 $0x108;
	_ =	swait.ge @!p0 [sflag:s8], $0x0  }
0x24: {  	s3 =	sadd.s32 $0x88, s3;
	s6 =	simm.s32 @!p1 $0x1082;
	[sflag:s4] =	ssyncset.s32 $0xFFFFF086  }
0x25: {  	[simem:s6], [sflag:s4] =	dma.local [hbm:s3], $0xF7A  }
0x26: {  	[smem:$0x3F99] =	sst s1;
	(tag) =	ssettag s2;
	_ =	strace s9  }
0x27: {  	s1 =	sld [smem:$0x3FA9]  }
0x28: {  	s2 =	sld [smem:$0x3FAA]  }
0x29: {  	s4 =	sld [smem:$0x3FAC]  }
0x2a: {  	p0 =	seq.s32 s5, $0x0;
	s5 =	sld [smem:$0x3FAD]  }
0x2b: {  	s6 =	sld [smem:$0x3FAE]  }
0x2c: {  	s7 =	sld [smem:$0x3FAF]  }
0x2d: {  	s3 =	simm.s32 $0x108;
	s8 =	sld [smem:$0x3FB0]  }
0x2e: {  	s3 =	simm.s32 @!p0 $0x1082;
	s9 =	sld [smem:$0x3FB1]  }
0x2f: {  	lr =	sadd.s32 s0, s3;
	s0 =	sld [smem:$0x3FA8]  }
0x30: {  	s3 =	sld [smem:$0x3FAB]  }
0x31: {  	[smem:$0x3FB4] =	sst s10  }
0x32: {  	s10 =	sld [smem:$0x3FB2];
	_ =	sdelay $0x3  }
0x33: {  	p0 =	seq.s32 s10, $0x1;
	s10 =	sld [smem:$0x3FB4];
	_ =	sdelay $0x3  }
0x34: {  	[smem:$0x3FB4] =	sst s10  }
0x35: {  	s10 =	sld [smem:$0x3FB3];
	_ =	sdelay $0x3  }
0x36: {  	p1 =	seq.s32 s10, $0x1;
	s10 =	sld [smem:$0x3FB4];
	_ =	sdelay $0x3  }
0x37: {  	[smem:$0x3FB4] =	sst s10  }
0x38: {  	s10 =	sld [smem:$0x3FB5]  }
0x39: {  	_ = 	snop;
	(pc) =	sbr.ind lr, $3  }
0x3a: {  	_ = 	snop  }
0x3b: {  	_ = 	snop  }
0x3c: {  	p2 =	seq.s32 s10, $0x1;
	s10 =	sld [smem:$0x3FB4]  }
0x3d: {  	_ =	shalt  }
0x3e: {  	_ =	shalt  }
0x3f: {  	_ =	shalt  }
0x40: {  	_ =	shalt  }
0x41: {  	_ =	shalt  }
0x42: {  	_ =	shalt  }
0x43: {  	_ =	shalt  }
0x44: {  	_ =	shalt  }
0x45: {  	_ =	shalt  }
0x46: {  	_ =	shalt  }
0x47: {  	_ =	shalt  }
0x48: {  	_ =	shalt  }
0x49: {  	_ =	shalt  }
0x4a: {  	_ =	shalt  }
0x4b: {  	_ =	shalt  }
0x4c: {  	_ =	shalt  }
0x4d: {  	_ =	shalt  }
0x4e: {  	_ =	shalt  }
0x4f: {  	_ =	shalt  }
0x50: {  	_ =	shalt  }
0x51: {  	_ =	shalt  }
0x52: {  	_ =	shalt  }
0x53: {  	_ =	shalt  }
0x54: {  	_ =	shalt  }
0x55: {  	_ =	shalt  }
0x56: {  	_ =	shalt  }
0x57: {  	_ =	shalt  }
0x58: {  	_ =	shalt  }
0x59: {  	_ =	shalt  }
0x5a: {  	_ =	shalt  }
0x5b: {  	_ =	shalt  }
0x5c: {  	_ =	shalt  }
0x5d: {  	_ =	shalt  }
0x5e: {  	_ =	shalt  }
0x5f: {  	_ =	shalt  }
0x60: {  	_ =	shalt  }
0x61: {  	_ =	shalt  }
0x62: {  	_ =	shalt  }
0x63: {  	_ =	shalt  }
0x64: {  	_ =	shalt  }
0x65: {  	_ =	shalt  }
0x66: {  	_ =	shalt  }
0x67: {  	_ =	shalt  }
0x68: {  	_ =	shalt  }
0x69: {  	_ =	shalt  }
0x6a: {  	_ =	shalt  }
0x6b: {  	_ =	shalt  }
0x6c: {  	_ =	shalt  }
0x6d: {  	_ =	shalt  }
0x6e: {  	_ =	shalt  }
0x6f: {  	_ =	shalt  }
0x70: {  	_ =	shalt  }
0x71: {  	_ =	shalt  }
0x72: {  	_ =	shalt  }
0x73: {  	_ =	shalt  }
0x74: {  	_ =	shalt  }
0x75: {  	_ =	shalt  }
0x76: {  	_ =	shalt  }
0x77: {  	_ =	shalt  }
0x78: {  	_ =	shalt  }
0x79: {  	_ =	shalt  }
0x7a: {  	_ =	shalt  }
0x7b: {  	_ =	shalt  }
0x7c: {  	_ =	shalt  }
0x7d: {  	_ =	shalt  }
0x7e: {  	_ =	shalt  }
0x7f: {  	_ =	shalt  }
0x80: {  	_ =	shalt  }
0x81: {  	_ =	shalt  }
0x82: {  	_ =	shalt  }
0x83: {  	_ =	shalt  }
0x84: {  	_ =	shalt  }
0x85: {  	_ =	shalt  }
0x86: {  	_ =	shalt  }
0x87: {  	_ =	shalt  }
.Lfunc_end0:
.L_simem_size_0:
called_computation.1_lowered:
.L_overlay_start_0:
0x88: {  	s2 =	sld [smem:$0x3FD9]  }
0x89: {  	s3 =	sld [smem:$0x3FFE];
	_ =	sdelay $0x1  }
0x8a: {  	s1 =	srdreg.scid  }
0x8b: {  	s0 =	sand.u32 $0x1, s1  }
0x8c: {  	s16 =	sshll.u32 s0, $0xA;
	s2 =	sadd.s32 s3, s2  }
0x8d: {  	s2 =	sadd.s32 s2, s16  }
0x8e: {  	[smem:$0x3FC0] =	sst s2  }
0x8f: {  	_ = 	snop  }
0x90: {  	(tm) =	ssettm $0x1  }
0x91: {  	s17 =	sld [smem:$0x3FFB];
	_ =	sdelay $0x3  }
0x92: {  	_ =	strace s17  }
0x93: {  	s2 =	sld [smem:$0x3FFC];
	_ =	sdelay $0x3  }
0x94: {  	_ =	strace s2  }
0x95: {  	s2 =	sld [smem:$0x3FFD];
	_ =	sdelay $0x3  }
0x96: {  	_ =	strace s2  }
0x97: {  	_ =	strace $0x8FFFFFFF  }
0x98: {  	s18 =	sld [smem:$0x3FDB];
	_ =	sdelay $0x1  }
0x99: {  	s19 =	simm.s32 $_scs_section_size  }
0x9a: {  	s4 =	simm.s32 $_size__tile_overlayer_lowered;
	s5 =	simm.s32 $_tile_overlayer_lowered  }
0x9b: {  	s22 =	simm.s32 $0x1BFF;
	s21 =	sshll.u32 s5, $0x1;
	s2 =	sadd.s32 s19, s18  }
0x9c: {  	s6 =	simm.s32 $0x0;
	s20 =	sshll.u32 s4, $0x1;
	s4 =	sadd.s32 s21, s2  }
0x9d: {  	[timem:s6], [sflag:s22] =	dma.local [hbm:s4], s20  }
0x9e: {  	_ =	swait.ge [sflag:s22], s20  }
0x9f: {  	s3 =	ssub.s32 $0x0, s20;
	[sflag:s22] =	ssyncset.done $0x0  }
0xa0: {  	[sflag:s22] =	ssyncadd.s32 s3;
	_ =	sdelay $0x1  }
0xa1: {  	s23 =	simm.s32 $0x1B8B  }
0xa2: {  	_ =	swait.ge [sflag:s23], $0x1  }
0xa3: {  	[sflag:s23] =	ssyncset.done $0x0  }
0xa4: {  	s25 =	simm.s32 $0x1B8E;
	s24 =	sld [smem:$0x3FFE];
	[sflag:s23] =	ssyncadd.s32 $0xFFFFFFFF  }
0xa5: {  	s26 =	simm.s32 $execute0_lowered;
	[smem:$0x3FD2] =	sst s25  }
0xa6: {  	s4 =	sshll.u32 s26, $0x1;
	_ =	strace $0x80000046;
	[dreg:$0x1] =	wrdreg $0xFFFFFFFF  }
0xa7: {  	s28 =	simm.s32 $_size_execute0_lowered;
	s2 =	sadd.s32 s2, s4;
	[dreg:$0x0] =	wrdreg $0x0  }
0xa8: {  	s4 =	sshll.u32 s28, $0x1;
	[dreg:$0x2] =	wrdreg s2  }
0xa9: {  	[dreg:$0x3] =	wrdreg s4  }
0xaa: {  	[dreg:$0x4] =	wrdreg $0xC0  }
0xab: {  	_ =	task [dreg:s6], $0x5FFFF  }
0xac: {  	[dreg:$0x1] =	wrdreg $0xFFFFFFFF  }
0xad: {  	[dreg:$0x0] =	wrdreg $0x60  }
0xae: {  	[dreg:$0x2] =	wrdreg s24  }
0xaf: {  	[dreg:$0x3] =	wrdreg $0xA  }
0xb0: {  	_ =	task.clear_ibuf [dreg:s6], $0x4FFFF;
	_ =	strace $0x90000046  }
0xb1: {  	s29 =	simm.s32 $0xA;
	_ =	strace $0x80000048  }
0xb2: {  	_ =	swait.ge [sflag:s29], $0x1  }
0xb3: {  	[sflag:s29] =	ssyncadd.s32 $0xFFFFFFFF  }
0xb4: {  	_ =	strace $0x90000048  }
0xb5: {  	_ =	sfence  }
0xb6: {  	s30 =	sld [smem:$0x0];
	_ =	sdelay $0x2  }
0xb7: {  	s31 =	sshll.u32 s1, $0xD;
	s1 =	sshrl.u32 s1, $0x2  }
0xb8: {  	s3 =	sand.u32 $0x4000, s31;
	s1 =	sadd.s32 s1, s30  }
0xb9: {  	s0 =	sor.u32 s3, s0;
	s1 =	sshll.u32 s1, $0x11  }
0xba: {  	s0 =	sor.u32 s1, s0  }
0xbb: {  	s0 =	sadd.s32 $0x8F2B, s0  }
0xbc: {  	[sflag:s0] =	ssyncadd.remote.s32 $0x1  }
0xbd: {  	_ =	sfence.sel $0xFFFF  }
0xbe: {  	[dreg:$0x0] =	wrdreg $0xFFFFFFFF;
	(pc) =	sbr.abs _section_cstart, $3  }
0xbf: {  	[dreg:$0x1] =	wrdreg $0xFFFFFFFF  }
0xc0: {  	_ =	task.clear_ibuf [dreg:s6], $0x2FFFF;
	_ =	strace $0x9FFFFFFF  }
0xc1: {  	(tm) =	ssettm $0x7FFFFFFF  }
tec
execute0_lowered:
.L_overlay_start_1:
0x0: {  	(tag) =	ssettag $0x1  }
0x1: {  	s1 =	srdreg.scid  }
0x2: {  	s0 =	stileid.u32;
	s6 =	rddreg [dreg:$0x0];
	s2 =	simm.s32 $0x0  }
0x3: {  	s10 =	simm.s32 $0x400;
	s4 =	sand.u32 $0x1, s1;
	s3 =	smul.u32 $0x2800, s0  }
0x4: {  	s11 =	simm.s32 $0x0;
	s1 =	rddreg [dreg:$0x1];
	s5 =	smul.u32 $0x1400, s4  }
0x5: {  	[smem:$0x7FF] =	sst s2;
	s8 =	sshrl.u32 s0, $0x3;
	s7 =	smul.u32 $0x4F00, s4  }
0x6: {  	s9 =	sshll.u32 s0, $0x7;
	_ =	strace $0x80000047;
	s8 =	smul.u32 $0x13C00, s8  }
0x7: {  	s4 =	ssub.s32 $0x2, s4;
	s9 =	sand.u32 $0x380, s9;
	s3 =	sadd.s32 s5, s3  }
0x8: {  	s29 =	sshrl.u32 s4, $0x1;
	s30 =	sor.u32 s9, s8;
	s3 =	sshrl.u32 s3, $0x3  }
0x9: {  	s9 =	sshrl.u32 s30, $0x3;
	s28 =	sadd.s32 s3, s6;
	s3 =	sadd.s32 $0x6A00, s6  }
0xa: {  	s6 =	sadd.s32 s7, s6;
	s7 =	ssub.s32 s4, s29;
	s4 =	sadd.s32 $0x1A00, s28  }
0xb: {  	s31 =	sadd.s32 $0x7000, s6;
	s5 =	smax.u32 s7, $0x1;
	s6 =	simm.s32 $0x1400  }
0xc: {  	v0 =	vimm.f32 $1.000000000e+00;
	s7 =	simm.s32 $0x1;
	s8 =	sadd.s32 s9, s31;
	s9 =	simm.s32 $0x80  }
.LBB2_1:
0xd: {  	[tilespmem:s6], [sflag:$0x1] =	stream.linear.gather [hbm4b:s3+s2], $0x2780, $0x38;
	[tilespmem:$0x3B80] =	vst v63  }
0xe: {  	_ =	swait.ge [sflag:s7], $0x2780  }
0xf: {  	[sflag:s7] =	ssyncset.done $0x0  }
0x10: {  	[sflag:s7] =	ssyncadd.s32 $0xFFFFD880  }
0x11: {  	[tilespmem:s2], [sflag:$0x1] =	stream.linear.gather [hbm4b:s4+s2], $0x1400, $0x38;
	[tilespmem:$0x3B80] =	vst v63  }
0x12: {  	_ =	swait.ge [sflag:s7], $0x1400  }
0x13: {  	[sflag:s7] =	ssyncset.done $0x0  }
0x14: {  	s12 =	simm.s32 $0x1C0;
	[sflag:s7] =	ssyncadd.s32 $0xFFFFEC00  }
.LBB2_2:
0x15: {  	s13 =	sshra.s32 s12, $0x2  }
0x16: {  	v1 =	vld [tilespmem:s13+$0xFFFFFF90];
	_ =	sdelay $0x7  }
0x17: {  	[tilespmem:v1+s6+$0x0] =	vst.idx.add.f32.msk $0xffff, v0  }
0x18: {  	v1 =	vld [tilespmem:s13+$0xFFFFFFA0];
	_ =	sdelay $0x7  }
0x19: {  	[tilespmem:v1+s6+$0x0] =	vst.idx.add.f32.msk $0xffff, v0  }
0x1a: {  	v1 =	vld [tilespmem:s13+$0xFFFFFFB0];
	_ =	sdelay $0x7  }
0x1b: {  	[tilespmem:v1+s6+$0x0] =	vst.idx.add.f32.msk $0xffff, v0  }
0x1c: {  	v1 =	vld [tilespmem:s13+$0xFFFFFFC0];
	_ =	sdelay $0x7  }
0x1d: {  	[tilespmem:v1+s6+$0x0] =	vst.idx.add.f32.msk $0xffff, v0  }
0x1e: {  	v1 =	vld [tilespmem:s13+$0xFFFFFFD0];
	_ =	sdelay $0x7  }
0x1f: {  	[tilespmem:v1+s6+$0x0] =	vst.idx.add.f32.msk $0xffff, v0  }
0x20: {  	v1 =	vld [tilespmem:s13+$0xFFFFFFE0];
	_ =	sdelay $0x7  }
0x21: {  	[tilespmem:v1+s6+$0x0] =	vst.idx.add.f32.msk $0xffff, v0  }
0x22: {  	v1 =	vld [tilespmem:s13+$0xFFFFFFF0];
	_ =	sdelay $0x7  }
0x23: {  	[tilespmem:v1+s6+$0x0] =	vst.idx.add.f32.msk $0xffff, v0  }
0x24: {  	v1 =	vld [tilespmem:s13+$0x0];
	_ =	sdelay $0x2  }
0x25: {  	p0 =	sne.s32 s12, $0x4FC0  }
.Ltmp0:
0x26: {  	_ = 	snop;
	(pc) =	sbr.rel @p0 .LBB2_2-.Ltmp0, $2  }
0x27: {  	_ =	sdelay $0x2  }
0x28: {  	s12 =	sadd.s32 $0x200, s12;
	[tilespmem:v1+s6+$0x0] =	vst.idx.add.f32.msk $0xffff, v0  }
0x29: {  	s11 =	sadd.s32 $0x1, s11  }
0x2a: {  	p0 =	sne.s32 s11, s5  }
.Ltmp1:
0x2b: {  	_ = 	snop;
	(pc) =	sbr.rel @p0 .LBB2_1-.Ltmp1, $4  }
0x2c: {  	[hbm4b:s8+s9] =	stream.strided.scatter [tilespmem:s6], [sflag:$0x1], $0x2780, s10, s9, $0x38;
	[tilespmem:$0x3B80] =	vst v63  }
0x2d: {  	_ =	swait.ge [sflag:s7], $0x2780  }
0x2e: {  	[sflag:s7] =	ssyncset.done $0x0  }
0x2f: {  	[sflag:s7] =	ssyncadd.s32 $0xFFFFD880  }
0x30: {  	_ =	sfence.sel $0x180000  }
0x31: {  	[bflag:$0x0] =	sbarrier.arrive $0xFFFF  }
0x32: {  	p0 =	sne.s32 s0, $0x0;
	_ =	strace $0x90000047  }
0x33: {  	s0 =	sadd.s32 @!p0 $0x100000, s1;
	[bflag:$0x2] =	sbarrier.arrive $0xFFFF  }
0x34: {  	[sflag:s0] =	ssyncadd.tile.s32 @!p0 $0x1;
	_ =	shalt  }
.Lfunc_end2:
_tile_overlayer_lowered:
.L_overlay_start_2:
0x35: {  	(tag) =	ssettag $0x2  }
0x36: {  	s0 =	rddreg [dreg:$0x0];
	s2 =	stileid.u32  }
0x37: {  	s1 =	rddreg [dreg:$0x1];
	p0 =	sne.s32 s2, $0x0  }
0x38: {  	s3 =	rddreg [dreg:$0x2];
	[bflag:$0x3] =	sbarrier.arrive $0xFFFF;
	s2 =	simm.s32 @!p0 $0x1C01  }
0x39: {  	[timem:s3], [sflag:s2] =	dma.local @!p0 [hbm:s0], s1  }
0x3a: {  	s0 =	simm.s32 @!p0 $0x1  }
0x3b: {  	_ =	swait.ge @!p0 [sflag:s0], s1  }
0x3c: {  	s1 =	ssub.s32 @!p0 $0x0, s1;
	[sflag:s0] =	ssyncset.done @!p0 $0x0  }
0x3d: {  	[sflag:s0] =	ssyncadd.s32 @!p0 s1  }
0x3e: {  	[bflag:$0x3] =	sbarrier.arrive $0xFFFF  }
0x3f: {  	_ =	shalt  }

// kernel: kernel.13.cloned.1.call-start
scs
__scs_entry_jumppad:
0x0: {  	(pc) =	sbr.rel $0x88, $3  }
0x1: {  	(tag) =	ssettag $0x0;
	lr =	simm.s32 $0x1  }
0x2: {  	[smem:$0x3F99] =	sst lr;
	_ =	strace $0xD0000000  }
0x3: {  	_ = 	snop  }
0x4: {  	_ = 	snop  }
0x5: {  	_ = 	snop  }
0x6: {  	_ = 	snop  }
0x7: {  	_ = 	snop  }
__scs_overlays_trampoline_lowered:
0x8: {  	[smem:$0x3FA8] =	sst s0  }
0x9: {  	[smem:$0x3FA9] =	sst s1  }
0xa: {  	[smem:$0x3FAA] =	sst s2  }
0xb: {  	[smem:$0x3FAB] =	sst s3  }
0xc: {  	[smem:$0x3FAC] =	sst s4  }
0xd: {  	[smem:$0x3FAD] =	sst s5  }
0xe: {  	[smem:$0x3FAE] =	sst s6  }
0xf: {  	[smem:$0x3FAF] =	sst s7  }
0x10: {  	[smem:$0x3FB0] =	sst s8  }
0x11: {  	[smem:$0x3FB1] =	sst s9;
	s0 =	simm.s32 @!p0 $0x0  }
0x12: {  	s1 =	sld [smem:$0x3F97];
	s0 =	simm.s32 @p0 $0x1  }
0x13: {  	[smem:$0x3FB2] =	sst s0;
	s0 =	simm.s32 @!p1 $0x0  }
0x14: {  	s2 =	sld [smem:$0x3F96];
	s0 =	simm.s32 @p1 $0x1  }
0x15: {  	[smem:$0x3FB3] =	sst s0;
	s0 =	simm.s32 @!p2 $0x0  }
0x16: {  	s3 =	sld [smem:$0x3FDB];
	s0 =	simm.s32 @p2 $0x1  }
0x17: {  	s4 =	simm.s32 $0x1BF5;
	[smem:$0x3FB5] =	sst s0  }
0x18: {  	s0 =	sld [smem:$0x3F98];
	_ =	swait.ge [sflag:s4], $0x0  }
0x19: {  	s7 =	sld [smem:$0x3F99]  }
0x1a: {  	s8 =	sadd.s32 $0xFFFFE003, lr  }
0x1b: {  	s9 =	sadd.s32 $0xFFFFFEF7, lr;
	s5 =	simm.s32 $0xFFFFFFFF;
	p2 =	slt.u32 s8, $0xFFFFF086  }
0x1c: {  	p1 =	slt.u32 s9, $0xF7A;
	s5 =	simm.s32 @!p2 $0x0  }
0x1d: {  	s5 =	simm.s32 @p1 $0x1;
	p0 =	seq.s32 s7, s2  }
0x1e: {  	s7 =	smul.u32 @!p0 $0xF7A, s2;
	p2 =	seq.s32 @!p0 s5, $0x0  }
0x1f: {  	s9 =	smul.u32 $0xF7A, s1;
	s8 =	simm.s32 @!p0 $0x1BF5;
	p2 =	por !p2, p0  }
0x20: {  	[sflag:s8] =	ssyncset.s32 @!p0 $0xFFFFF086;
	s6 =	sadd.s32 @!p0 s3, s7;
	s7 =	simm.s32 @!p0 $0x108  }
0x21: {  	s3 =	sadd.s32 s3, s9;
	s6 =	sadd.s32 @!p0 $0x88, s6;
	s7 =	simm.s32 @p2 $0x1082  }
0x22: {  	[simem:s7], [sflag:s8] =	dma.local @!p0 [hbm:s6], $0xF7A  }
0x23: {  	s9 =	sor.u32 $0xD0000000, s2;
	s6 =	simm.s32 $0x108;
	_ =	swait.ge @!p0 [sflag:s8], $0x0  }
0x24: {  	s3 =	sadd.s32 $0x88, s3;
	s6 =	simm.s32 @!p1 $0x1082;
	[sflag:s4] =	ssyncset.s32 $0xFFFFF086  }
0x25: {  	[simem:s6], [sflag:s4] =	dma.local [hbm:s3], $0xF7A  }
0x26: {  	[smem:$0x3F99] =	sst s1;
	(tag) =	ssettag s2;
	_ =	strace s9  }
0x27: {  	s1 =	sld [smem:$0x3FA9]  }
0x28: {  	s2 =	sld [smem:$0x3FAA]  }
0x29: {  	s4 =	sld [smem:$0x3FAC]  }
0x2a: {  	p0 =	seq.s32 s5, $0x0;
	s5 =	sld [smem:$0x3FAD]  }
0x2b: {  	s6 =	sld [smem:$0x3FAE]  }
0x2c: {  	s7 =	sld [smem:$0x3FAF]  }
0x2d: {  	s3 =	simm.s32 $0x108;
	s8 =	sld [smem:$0x3FB0]  }
0x2e: {  	s3 =	simm.s32 @!p0 $0x1082;
	s9 =	sld [smem:$0x3FB1]  }
0x2f: {  	lr =	sadd.s32 s0, s3;
	s0 =	sld [smem:$0x3FA8]  }
0x30: {  	s3 =	sld [smem:$0x3FAB]  }
0x31: {  	[smem:$0x3FB4] =	sst s10  }
0x32: {  	s10 =	sld [smem:$0x3FB2];
	_ =	sdelay $0x3  }
0x33: {  	p0 =	seq.s32 s10, $0x1;
	s10 =	sld [smem:$0x3FB4];
	_ =	sdelay $0x3  }
0x34: {  	[smem:$0x3FB4] =	sst s10  }
0x35: {  	s10 =	sld [smem:$0x3FB3];
	_ =	sdelay $0x3  }
0x36: {  	p1 =	seq.s32 s10, $0x1;
	s10 =	sld [smem:$0x3FB4];
	_ =	sdelay $0x3  }
0x37: {  	[smem:$0x3FB4] =	sst s10  }
0x38: {  	s10 =	sld [smem:$0x3FB5]  }
0x39: {  	_ = 	snop;
	(pc) =	sbr.ind lr, $3  }
0x3a: {  	_ = 	snop  }
0x3b: {  	_ = 	snop  }
0x3c: {  	p2 =	seq.s32 s10, $0x1;
	s10 =	sld [smem:$0x3FB4]  }
0x3d: {  	_ =	shalt  }
0x3e: {  	_ =	shalt  }
0x3f: {  	_ =	shalt  }
0x40: {  	_ =	shalt  }
0x41: {  	_ =	shalt  }
0x42: {  	_ =	shalt  }
0x43: {  	_ =	shalt  }
0x44: {  	_ =	shalt  }
0x45: {  	_ =	shalt  }
0x46: {  	_ =	shalt  }
0x47: {  	_ =	shalt  }
0x48: {  	_ =	shalt  }
0x49: {  	_ =	shalt  }
0x4a: {  	_ =	shalt  }
0x4b: {  	_ =	shalt  }
0x4c: {  	_ =	shalt  }
0x4d: {  	_ =	shalt  }
0x4e: {  	_ =	shalt  }
0x4f: {  	_ =	shalt  }
0x50: {  	_ =	shalt  }
0x51: {  	_ =	shalt  }
0x52: {  	_ =	shalt  }
0x53: {  	_ =	shalt  }
0x54: {  	_ =	shalt  }
0x55: {  	_ =	shalt  }
0x56: {  	_ =	shalt  }
0x57: {  	_ =	shalt  }
0x58: {  	_ =	shalt  }
0x59: {  	_ =	shalt  }
0x5a: {  	_ =	shalt  }
0x5b: {  	_ =	shalt  }
0x5c: {  	_ =	shalt  }
0x5d: {  	_ =	shalt  }
0x5e: {  	_ =	shalt  }
0x5f: {  	_ =	shalt  }
0x60: {  	_ =	shalt  }
0x61: {  	_ =	shalt  }
0x62: {  	_ =	shalt  }
0x63: {  	_ =	shalt  }
0x64: {  	_ =	shalt  }
0x65: {  	_ =	shalt  }
0x66: {  	_ =	shalt  }
0x67: {  	_ =	shalt  }
0x68: {  	_ =	shalt  }
0x69: {  	_ =	shalt  }
0x6a: {  	_ =	shalt  }
0x6b: {  	_ =	shalt  }
0x6c: {  	_ =	shalt  }
0x6d: {  	_ =	shalt  }
0x6e: {  	_ =	shalt  }
0x6f: {  	_ =	shalt  }
0x70: {  	_ =	shalt  }
0x71: {  	_ =	shalt  }
0x72: {  	_ =	shalt  }
0x73: {  	_ =	shalt  }
0x74: {  	_ =	shalt  }
0x75: {  	_ =	shalt  }
0x76: {  	_ =	shalt  }
0x77: {  	_ =	shalt  }
0x78: {  	_ =	shalt  }
0x79: {  	_ =	shalt  }
0x7a: {  	_ =	shalt  }
0x7b: {  	_ =	shalt  }
0x7c: {  	_ =	shalt  }
0x7d: {  	_ =	shalt  }
0x7e: {  	_ =	shalt  }
0x7f: {  	_ =	shalt  }
0x80: {  	_ =	shalt  }
0x81: {  	_ =	shalt  }
0x82: {  	_ =	shalt  }
0x83: {  	_ =	shalt  }
0x84: {  	_ =	shalt  }
0x85: {  	_ =	shalt  }
0x86: {  	_ =	shalt  }
0x87: {  	_ =	shalt  }
.Lfunc_end0:
.L_simem_size_0:
called_computation.2_lowered:
.L_overlay_start_0:
0x88: {  	s2 =	sld [smem:$0x3FD9]  }
0x89: {  	s3 =	sld [smem:$0x3FFE];
	_ =	sdelay $0x1  }
0x8a: {  	s1 =	srdreg.scid  }
0x8b: {  	s0 =	sand.u32 $0x1, s1  }
0x8c: {  	s17 =	sshll.u32 s0, $0xA;
	s2 =	sadd.s32 s3, s2  }
0x8d: {  	s2 =	sadd.s32 s2, s17  }
0x8e: {  	[smem:$0x3FC0] =	sst s2  }
0x8f: {  	_ = 	snop  }
0x90: {  	s2 =	sld [smem:$0x3FD0];
	(tm) =	ssettm $0x1  }
0x91: {  	s18 =	sld [smem:$0x3FFB];
	_ =	sdelay $0x3  }
0x92: {  	_ =	strace s18  }
0x93: {  	s3 =	sld [smem:$0x3FFC];
	_ =	sdelay $0x3  }
0x94: {  	_ =	strace s3  }
0x95: {  	s3 =	sld [smem:$0x3FFD];
	_ =	sdelay $0x3  }
0x96: {  	_ =	strace s3  }
0x97: {  	_ =	strace $0x8FFFFFFF  }
0x98: {  	s19 =	sld [smem:$0x3FDB];
	_ =	sdelay $0x1  }
0x99: {  	s4 =	simm.s32 $_scs_section_size  }
0x9a: {  	s5 =	simm.s32 $_size__tile_overlayer_lowered;
	s6 =	simm.s32 $_tile_overlayer_lowered  }
0x9b: {  	s22 =	simm.s32 $0x1BFF;
	s21 =	sshll.u32 s6, $0x1;
	s3 =	sadd.s32 s4, s19  }
0x9c: {  	s7 =	simm.s32 $0x0;
	s20 =	sshll.u32 s5, $0x1;
	s5 =	sadd.s32 s21, s3  }
0x9d: {  	[timem:s7], [sflag:s22] =	dma.local [hbm:s5], s20  }
0x9e: {  	_ =	swait.ge [sflag:s22], s20  }
0x9f: {  	s4 =	ssub.s32 $0x0, s20;
	[sflag:s22] =	ssyncset.done $0x0  }
0xa0: {  	[sflag:s22] =	ssyncadd.s32 s4;
	_ =	sdelay $0x1  }
0xa1: {  	s23 =	simm.s32 $0x1B8B  }
0xa2: {  	_ =	swait.ge [sflag:s23], $0x1  }
0xa3: {  	[sflag:s23] =	ssyncset.done $0x0  }
0xa4: {  	s25 =	simm.s32 $0x1B8E;
	s24 =	sld [smem:$0x3FFE];
	[sflag:s23] =	ssyncadd.s32 $0xFFFFFFFF  }
0xa5: {  	s26 =	simm.s32 $execute0_lowered;
	[smem:$0x3FD2] =	sst s25  }
0xa6: {  	s5 =	sshll.u32 s26, $0x1;
	_ =	strace $0x8000004C;
	[dreg:$0x1] =	wrdreg $0xFFFFFFFF  }
0xa7: {  	s28 =	simm.s32 $_size_execute0_lowered;
	s3 =	sadd.s32 s3, s5;
	[dreg:$0x0] =	wrdreg $0x0  }
0xa8: {  	s5 =	sshll.u32 s28, $0x1;
	[dreg:$0x2] =	wrdreg s3  }
0xa9: {  	[dreg:$0x3] =	wrdreg s5  }
0xaa: {  	[dreg:$0x4] =	wrdreg $0xC0  }
0xab: {  	_ =	task [dreg:s7], $0x5FFFF  }
0xac: {  	[dreg:$0x1] =	wrdreg $0xFFFFFFFF  }
0xad: {  	[dreg:$0x0] =	wrdreg $0x60  }
0xae: {  	[dreg:$0x2] =	wrdreg s2  }
0xaf: {  	[dreg:$0x3] =	wrdreg s24  }
0xb0: {  	[dreg:$0x4] =	wrdreg $0x90000  }
0xb1: {  	[dreg:$0x5] =	wrdreg $0x9  }
0xb2: {  	_ =	task.clear_ibuf [dreg:s7], $0x6FFFF;
	_ =	strace $0x9000004C  }
0xb3: {  	s29 =	simm.s32 $0x9;
	_ =	strace $0x8000004E  }
0xb4: {  	_ =	swait.ge [sflag:s29], $0x1  }
0xb5: {  	[sflag:s29] =	ssyncadd.s32 $0xFFFFFFFF  }
0xb6: {  	_ =	strace $0x9000004E  }
0xb7: {  	_ =	sfence  }
0xb8: {  	s30 =	sld [smem:$0x0];
	_ =	sdelay $0x2  }
0xb9: {  	s31 =	sshll.u32 s1, $0xD;
	s1 =	sshrl.u32 s1, $0x2  }
0xba: {  	s3 =	sand.u32 $0x4000, s31;
	s1 =	sadd.s32 s1, s30  }
0xbb: {  	s0 =	sor.u32 s3, s0;
	s1 =	sshll.u32 s1, $0x11  }
0xbc: {  	s0 =	sor.u32 s1, s0  }
0xbd: {  	s0 =	sadd.s32 $0x8F2B, s0  }
0xbe: {  	[sflag:s0] =	ssyncadd.remote.s32 $0x1  }
0xbf: {  	_ =	sfence.sel $0xFFFF  }
0xc0: {  	[dreg:$0x0] =	wrdreg $0xFFFFFFFF;
	(pc) =	sbr.abs _section_cstart, $3  }
0xc1: {  	[dreg:$0x1] =	wrdreg $0xFFFFFFFF  }
0xc2: {  	_ =	task.clear_ibuf [dreg:s7], $0x2FFFF;
	_ =	strace $0x9FFFFFFF  }
0xc3: {  	(tm) =	ssettm $0x7FFFFFFF  }
tec
execute0_lowered:
.L_overlay_start_1:
0x0: {  	(tag) =	ssettag $0x1  }
0x1: {  	s1 =	rddreg [dreg:$0x0]  }
0x2: {  	s4 =	rddreg [dreg:$0x1]  }
0x3: {  	s2 =	rddreg [dreg:$0x2];
	s3 =	simm.s32 $0x0  }
0x4: {  	s12 =	stileid.u32;
	s6 =	srdreg.scid;
	s13 =	simm.s32 $0x100  }
0x5: {  	s14 =	simm.s32 $0x880;
	s15 =	simm.s32 $0x180;
	s18 =	simm.s32 $0x900  }
0x6: {  	s19 =	simm.s32 $0x200;
	s20 =	simm.s32 $0x980;
	[smem:$0x7FF] =	sst s3  }
0x7: {  	s21 =	simm.s32 $0x280;
	_ =	strace $0x8000004D;
	[dreg:$0x6] =	wrdreg s13  }
0x8: {  	s22 =	simm.s32 $0xA00;
	s23 =	simm.s32 $0x300;
	[dreg:$0x7] =	wrdreg s14  }
0x9: {  	s24 =	simm.s32 $0xA80;
	s25 =	simm.s32 $0x380;
	[dreg:$0x8] =	wrdreg s15  }
0xa: {  	s28 =	simm.s32 $0xD80;
	s29 =	simm.s32 $0x680;
	[dreg:$0x9] =	wrdreg s18  }
0xb: {  	s30 =	simm.s32 $0xE00;
	s5 =	smul.u32 $0xA00, s12;
	[dreg:$0xa] =	wrdreg s19  }
0xc: {  	s31 =	simm.s32 $0x700;
	s0 =	smul.u32 $0x2780, s12;
	[dreg:$0xb] =	wrdreg s20  }
0xd: {  	s6 =	sand.u32 $0x1, s6;
	s7 =	smul.u32 $0x4F000, s12;
	[dreg:$0xc] =	wrdreg s21  }
0xe: {  	s8 =	smul.u32 $0x27800, s6;
	s9 =	ssub.s32 $0x2, s6;
	[dreg:$0xd] =	wrdreg s22  }
0xf: {  	s6 =	smul.u32 $0x27100, s6;
	s13 =	simm.s32 $0x1;
	[dreg:$0xe] =	wrdreg s23  }
0x10: {  	s14 =	simm.s32 $0x3;
	[dreg:$0xf] =	wrdreg s24;
	s15 =	simm.s32 $0x2  }
0x11: {  	[dreg:$0x10] =	wrdreg s25;
	s18 =	simm.s32 $0xB80;
	s19 =	simm.s32 $0x480  }
0x12: {  	s20 =	simm.s32 $0xC00;
	s21 =	simm.s32 $0x500;
	s22 =	simm.s32 $0xC80  }
0x13: {  	s23 =	simm.s32 $0x580;
	s25 =	simm.s32 $0xD00;
	s24 =	simm.s32 $0x0  }
0x14: {  	s5 =	sadd.s32 s5, s4;
	s10 =	sadd.s32 s0, s4;
	s11 =	sshrl.u32 s9, $0x1  }
0x15: {  	s7 =	sshrl.u32 s7, $0x2;
	s4 =	sadd.s32 s8, s4;
	s26 =	ssub.s32 s9, s11  }
0x16: {  	s7 =	sadd.s32 s7, s2;
	s10 =	sadd.s32 $0x1AE00, s10;
	s11 =	sshll.u32 s12, $0x6  }
0x17: {  	s5 =	sadd.s32 $0x10E00, s5;
	s12 =	simm.s32 $0x800;
	[dreg:$0x12] =	wrdreg s10  }
0x18: {  	s6 =	sadd.s32 s1, s6;
	s9 =	simm.s32 $0x5;
	[dreg:$0x4] =	wrdreg s5  }
0x19: {  	s1 =	simm.s32 $0x780;
	s17 =	sor.u32 $0x1C05, s11;
	[dreg:$0x5] =	wrdreg s12  }
0x1a: {  	s4 =	sadd.s32 $0x42600, s4;
	s16 =	smax.u32 s26, $0x1;
	s8 =	sshrl.u32 s7, $0x3  }
0x1b: {  	s10 =	simm.s32 $0x80;
	s26 =	simm.s32 $0xB00;
	[dreg:$0x14] =	wrdreg s16  }
0x1c: {  	s11 =	simm.s32 $0x1000;
	s12 =	simm.s32 $0x5000;
	[dreg:$0x11] =	wrdreg s26  }
0x1d: {  	s7 =	simm.s32 $0xF80;
	s16 =	simm.s32 $0x4;
	[dreg:$0x13] =	wrdreg s17  }
0x1e: {  	s0 =	sadd.s32 s0, s4;
	s26 =	simm.s32 $0x600;
	[dreg:$0x15] =	wrdreg s8  }
0x1f: {  	s4 =	simm.s32 $0xF00;
	[dreg:$0x16] =	wrdreg s0;
	s0 =	simm.s32 $0xE80  }
.LBB2_1:
0x20: {  	[dreg:$0x17] =	wrdreg s24  }
0x21: {  	s5 =	rddreg [dreg:$0x12]  }
0x22: {  	[spmem:s8], [sflag:s17] =	dma.local [hbm:s5], $0x2780  }
0x23: {  	_ =	swait.ge [sflag:s9], $0x2780  }
0x24: {  	[sflag:s9] =	ssyncset.done $0x0  }
0x25: {  	[sflag:s9] =	ssyncadd.s32 $0xFFFFD880  }
0x26: {  	[bflag:$0x0] =	sbarrier.arrive $0xFFFF  }
0x27: {  	s8 =	rddreg [dreg:$0x4]  }
0x28: {  	s5 =	sadd.s32 $0x0, s8  }
0x29: {  	[tilespmem:s3], [sflag:$0x5] =	stream.linear.gather [hbm4b:s5+s3], $0x1000, $0x38;
	[tilespmem:$0x1CC00] =	vst v63  }
0x2a: {  	_ =	swait.ge [sflag:s9], $0x1000  }
0x2b: {  	[sflag:s9] =	ssyncset.done $0x0  }
0x2c: {  	[sflag:s9] =	ssyncadd.s32 $0xFFFFF000  }
0x2d: {  	[tilespmem:s11], [sflag:$0x1] =	stream.indirect.gather [hbm4b:s6+s10], $0x80, s3, s10, $0xb8;
	[tilespmem:$0x1CC00] =	vst v63  }
0x2e: {  	_ = 	snop  }
0x2f: {  	[tilespmem:s12], [sflag:$0x2] =	stream.indirect.gather [hbm4b:s6+s10], $0x80, s10, s10, $0xb8;
	[tilespmem:$0x1CC00] =	vst v63  }
0x30: {  	_ =	swait.ge [sflag:s13], $0x4000  }
0x31: {  	[sflag:s13] =	ssyncset.done $0x0  }
0x32: {  	s17 =	rddreg [dreg:$0x5];
	[sflag:s13] =	ssyncadd.s32 $0xFFFFC000  }
0x33: {  	[spmem:s2] =	stream.indirect.scatter.add.f32 [tilespmem:s11], [sflag:$0x3], $0x80, s17, s10, $0xb8;
	[tilespmem:$0x1CC00] =	vst v63  }
0x34: {  	_ =	swait.ge [sflag:s14], $0x4000  }
0x35: {  	[sflag:s14] =	ssyncset.done $0x0  }
0x36: {  	s24 =	rddreg [dreg:$0x6];
	[sflag:s14] =	ssyncadd.s32 $0xFFFFC000  }
0x37: {  	[tilespmem:s11], [sflag:$0x1] =	stream.indirect.gather [hbm4b:s6+s10], $0x80, s24, s10, $0xb8;
	[tilespmem:$0x1CC00] =	vst v63  }
0x38: {  	_ =	swait.ge [sflag:s15], $0x4000  }
0x39: {  	[sflag:s15] =	ssyncset.done $0x0  }
0x3a: {  	s8 =	rddreg [dreg:$0x7];
	[sflag:s15] =	ssyncadd.s32 $0xFFFFC000  }
0x3b: {  	[spmem:s2] =	stream.indirect.scatter.add.f32 [tilespmem:s12], [sflag:$0x4], $0x80, s8, s10, $0xb8;
	[tilespmem:$0x1CC00] =	vst v63  }
0x3c: {  	_ =	swait.ge [sflag:s16], $0x4000  }
0x3d: {  	[sflag:s16] =	ssyncset.done $0x0  }
0x3e: {  	s17 =	rddreg [dreg:$0x8];
	[sflag:s16] =	ssyncadd.s32 $0xFFFFC000  }
0x3f: {  	[tilespmem:s12], [sflag:$0x2] =	stream.indirect.gather [hbm4b:s6+s10], $0x80, s17, s10, $0xb8;
	[tilespmem:$0x1CC00] =	vst v63  }
0x40: {  	_ =	swait.ge [sflag:s13], $0x4000  }
0x41: {  	[sflag:s13] =	ssyncset.done $0x0  }
0x42: {  	s24 =	rddreg [dreg:$0x9];
	[sflag:s13] =	ssyncadd.s32 $0xFFFFC000  }
0x43: {  	[spmem:s2] =	stream.indirect.scatter.add.f32 [tilespmem:s11], [sflag:$0x3], $0x80, s24, s10, $0xb8;
	[tilespmem:$0x1CC00] =	vst v63  }
0x44: {  	_ =	swait.ge [sflag:s14], $0x4000  }
0x45: {  	[sflag:s14] =	ssyncset.done $0x0  }
0x46: {  	s8 =	rddreg [dreg:$0xa];
	[sflag:s14] =	ssyncadd.s32 $0xFFFFC000  }
0x47: {  	[tilespmem:s11], [sflag:$0x1] =	stream.indirect.gather [hbm4b:s6+s10], $0x80, s8, s10, $0xb8;
	[tilespmem:$0x1CC00] =	vst v63  }
0x48: {  	_ =	swait.ge [sflag:s15], $0x4000  }
0x49: {  	[sflag:s15] =	ssyncset.done $0x0  }
0x4a: {  	s17 =	rddreg [dreg:$0xb];
	[sflag:s15] =	ssyncadd.s32 $0xFFFFC000  }
0x4b: {  	[spmem:s2] =	stream.indirect.scatter.add.f32 [tilespmem:s12], [sflag:$0x4], $0x80, s17, s10, $0xb8;
	[tilespmem:$0x1CC00] =	vst v63  }
0x4c: {  	_ =	swait.ge [sflag:s16], $0x4000  }
0x4d: {  	[sflag:s16] =	ssyncset.done $0x0  }
0x4e: {  	s24 =	rddreg [dreg:$0xc];
	[sflag:s16] =	ssyncadd.s32 $0xFFFFC000  }
0x4f: {  	[tilespmem:s12], [sflag:$0x2] =	stream.indirect.gather [hbm4b:s6+s10], $0x80, s24, s10, $0xb8;
	[tilespmem:$0x1CC00] =	vst v63  }
0x50: {  	_ =	swait.ge [sflag:s13], $0x4000  }
0x51: {  	[sflag:s13] =	ssyncset.done $0x0  }
0x52: {  	s8 =	rddreg [dreg:$0xd];
	[sflag:s13] =	ssyncadd.s32 $0xFFFFC000  }
0x53: {  	[spmem:s2] =	stream.indirect.scatter.add.f32 [tilespmem:s11], [sflag:$0x3], $0x80, s8, s10, $0xb8;
	[tilespmem:$0x1CC00] =	vst v63  }
0x54: {  	_ =	swait.ge [sflag:s14], $0x4000  }
0x55: {  	[sflag:s14] =	ssyncset.done $0x0  }
0x56: {  	s17 =	rddreg [dreg:$0xe];
	[sflag:s14] =	ssyncadd.s32 $0xFFFFC000  }
0x57: {  	[tilespmem:s11], [sflag:$0x1] =	stream.indirect.gather [hbm4b:s6+s10], $0x80, s17, s10, $0xb8;
	[tilespmem:$0x1CC00] =	vst v63  }
0x58: {  	_ =	swait.ge [sflag:s15], $0x4000  }
0x59: {  	[sflag:s15] =	ssyncset.done $0x0  }
0x5a: {  	s24 =	rddreg [dreg:$0xf];
	[sflag:s15] =	ssyncadd.s32 $0xFFFFC000  }
0x5b: {  	[spmem:s2] =	stream.indirect.scatter.add.f32 [tilespmem:s12], [sflag:$0x4], $0x80, s24, s10, $0xb8;
	[tilespmem:$0x1CC00] =	vst v63  }
0x5c: {  	_ =	swait.ge [sflag:s16], $0x4000  }
0x5d: {  	[sflag:s16] =	ssyncset.done $0x0  }
0x5e: {  	s8 =	rddreg [dreg:$0x10];
	[sflag:s16] =	ssyncadd.s32 $0xFFFFC000  }
0x5f: {  	[tilespmem:s12], [sflag:$0x2] =	stream.indirect.gather [hbm4b:s6+s10], $0x80, s8, s10, $0xb8;
	[tilespmem:$0x1CC00] =	vst v63  }
0x60: {  	_ =	swait.ge [sflag:s13], $0x4000  }
0x61: {  	[sflag:s13] =	ssyncset.done $0x0  }
0x62: {  	s17 =	rddreg [dreg:$0x11];
	[sflag:s13] =	ssyncadd.s32 $0xFFFFC000  }
0x63: {  	[spmem:s2] =	stream.indirect.scatter.add.f32 [tilespmem:s11], [sflag:$0x3], $0x80, s17, s10, $0xb8;
	[tilespmem:$0x1CC00] =	vst v63  }
0x64: {  	_ =	swait.ge [sflag:s14], $0x4000  }
0x65: {  	[sflag:s14] =	ssyncset.done $0x0  }
0x66: {  	s24 =	simm.s32 $0x400;
	[sflag:s14] =	ssyncadd.s32 $0xFFFFC000  }
0x67: {  	[tilespmem:s11], [sflag:$0x1] =	stream.indirect.gather [hbm4b:s6+s10], $0x80, s24, s10, $0xb8;
	[tilespmem:$0x1CC00] =	vst v63  }
0x68: {  	_ =	swait.ge [sflag:s15], $0x4000  }
0x69: {  	[sflag:s15] =	ssyncset.done $0x0  }
0x6a: {  	[sflag:s15] =	ssyncadd.s32 $0xFFFFC000  }
0x6b: {  	[spmem:s2] =	stream.indirect.scatter.add.f32 [tilespmem:s12], [sflag:$0x4], $0x80, s18, s10, $0xb8;
	[tilespmem:$0x1CC00] =	vst v63  }
0x6c: {  	_ =	swait.ge [sflag:s16], $0x4000  }
0x6d: {  	[sflag:s16] =	ssyncset.done $0x0  }
0x6e: {  	[sflag:s16] =	ssyncadd.s32 $0xFFFFC000  }
0x6f: {  	[tilespmem:s12], [sflag:$0x2] =	stream.indirect.gather [hbm4b:s6+s10], $0x80, s19, s10, $0xb8;
	[tilespmem:$0x1CC00] =	vst v63  }
0x70: {  	_ =	swait.ge [sflag:s13], $0x4000  }
0x71: {  	[sflag:s13] =	ssyncset.done $0x0  }
0x72: {  	[sflag:s13] =	ssyncadd.s32 $0xFFFFC000  }
0x73: {  	[spmem:s2] =	stream.indirect.scatter.add.f32 [tilespmem:s11], [sflag:$0x3], $0x80, s20, s10, $0xb8;
	[tilespmem:$0x1CC00] =	vst v63  }
0x74: {  	_ =	swait.ge [sflag:s14], $0x4000  }
0x75: {  	[sflag:s14] =	ssyncset.done $0x0  }
0x76: {  	[sflag:s14] =	ssyncadd.s32 $0xFFFFC000  }
0x77: {  	[tilespmem:s11], [sflag:$0x1] =	stream.indirect.gather [hbm4b:s6+s10], $0x80, s21, s10, $0xb8;
	[tilespmem:$0x1CC00] =	vst v63  }
0x78: {  	_ =	swait.ge [sflag:s15], $0x4000  }
0x79: {  	[sflag:s15] =	ssyncset.done $0x0  }
0x7a: {  	[sflag:s15] =	ssyncadd.s32 $0xFFFFC000  }
0x7b: {  	[spmem:s2] =	stream.indirect.scatter.add.f32 [tilespmem:s12], [sflag:$0x4], $0x80, s22, s10, $0xb8;
	[tilespmem:$0x1CC00] =	vst v63  }
0x7c: {  	_ =	swait.ge [sflag:s16], $0x4000  }
0x7d: {  	[sflag:s16] =	ssyncset.done $0x0  }
0x7e: {  	[sflag:s16] =	ssyncadd.s32 $0xFFFFC000  }
0x7f: {  	[tilespmem:s12], [sflag:$0x2] =	stream.indirect.gather [hbm4b:s6+s10], $0x80, s23, s10, $0xb8;
	[tilespmem:$0x1CC00] =	vst v63  }
0x80: {  	_ =	swait.ge [sflag:s13], $0x4000  }
0x81: {  	[sflag:s13] =	ssyncset.done $0x0  }
0x82: {  	[sflag:s13] =	ssyncadd.s32 $0xFFFFC000  }
0x83: {  	[spmem:s2] =	stream.indirect.scatter.add.f32 [tilespmem:s11], [sflag:$0x3], $0x80, s25, s10, $0xb8;
	[tilespmem:$0x1CC00] =	vst v63  }
0x84: {  	_ =	swait.ge [sflag:s14], $0x4000  }
0x85: {  	[sflag:s14] =	ssyncset.done $0x0  }
0x86: {  	[sflag:s14] =	ssyncadd.s32 $0xFFFFC000  }
0x87: {  	[tilespmem:s11], [sflag:$0x1] =	stream.indirect.gather [hbm4b:s6+s10], $0x80, s26, s10, $0xb8;
	[tilespmem:$0x1CC00] =	vst v63  }
0x88: {  	_ =	swait.ge [sflag:s15], $0x4000  }
0x89: {  	[sflag:s15] =	ssyncset.done $0x0  }
0x8a: {  	[sflag:s15] =	ssyncadd.s32 $0xFFFFC000  }
0x8b: {  	[spmem:s2] =	stream.indirect.scatter.add.f32 [tilespmem:s12], [sflag:$0x4], $0x80, s28, s10, $0xb8;
	[tilespmem:$0x1CC00] =	vst v63  }
0x8c: {  	_ =	swait.ge [sflag:s16], $0x4000  }
0x8d: {  	[sflag:s16] =	ssyncset.done $0x0  }
0x8e: {  	[sflag:s16] =	ssyncadd.s32 $0xFFFFC000  }
0x8f: {  	[tilespmem:s12], [sflag:$0x2] =	stream.indirect.gather [hbm4b:s6+s10], $0x80, s29, s10, $0xb8;
	[tilespmem:$0x1CC00] =	vst v63  }
0x90: {  	_ =	swait.ge [sflag:s13], $0x4000  }
0x91: {  	[sflag:s13] =	ssyncset.done $0x0  }
0x92: {  	[sflag:s13] =	ssyncadd.s32 $0xFFFFC000  }
0x93: {  	[spmem:s2] =	stream.indirect.scatter.add.f32 [tilespmem:s11], [sflag:$0x3], $0x80, s30, s10, $0xb8;
	[tilespmem:$0x1CC00] =	vst v63  }
0x94: {  	_ =	swait.ge [sflag:s14], $0x4000  }
0x95: {  	[sflag:s14] =	ssyncset.done $0x0  }
0x96: {  	[sflag:s14] =	ssyncadd.s32 $0xFFFFC000  }
0x97: {  	[tilespmem:s11], [sflag:$0x1] =	stream.indirect.gather [hbm4b:s6+s10], $0x80, s31, s10, $0xb8;
	[tilespmem:$0x1CC00] =	vst v63  }
0x98: {  	_ =	swait.ge [sflag:s15], $0x4000  }
0x99: {  	[sflag:s15] =	ssyncset.done $0x0  }
0x9a: {  	[sflag:s15] =	ssyncadd.s32 $0xFFFFC000  }
0x9b: {  	[spmem:s2] =	stream.indirect.scatter.add.f32 [tilespmem:s12], [sflag:$0x4], $0x80, s0, s10, $0xb8;
	[tilespmem:$0x1CC00] =	vst v63  }
0x9c: {  	_ =	swait.ge [sflag:s16], $0x4000  }
0x9d: {  	[sflag:s16] =	ssyncset.done $0x0  }
0x9e: {  	[sflag:s16] =	ssyncadd.s32 $0xFFFFC000  }
0x9f: {  	[tilespmem:s12], [sflag:$0x2] =	stream.indirect.gather [hbm4b:s6+s10], $0x80, s1, s10, $0xb8;
	[tilespmem:$0x1CC00] =	vst v63  }
0xa0: {  	_ =	swait.ge [sflag:s13], $0x4000  }
0xa1: {  	[sflag:s13] =	ssyncset.done $0x0  }
0xa2: {  	[sflag:s13] =	ssyncadd.s32 $0xFFFFC000  }
0xa3: {  	[spmem:s2] =	stream.indirect.scatter.add.f32 [tilespmem:s11], [sflag:$0x3], $0x80, s4, s10, $0xb8;
	[tilespmem:$0x1CC00] =	vst v63  }
0xa4: {  	_ =	swait.ge [sflag:s15], $0x4000  }
0xa5: {  	[sflag:s15] =	ssyncset.done $0x0  }
0xa6: {  	[sflag:s15] =	ssyncadd.s32 $0xFFFFC000  }
0xa7: {  	[spmem:s2] =	stream.indirect.scatter.add.f32 [tilespmem:s12], [sflag:$0x4], $0x80, s7, s10, $0xb8;
	[tilespmem:$0x1CC00] =	vst v63  }
0xa8: {  	_ =	swait.ge [sflag:s14], $0x4000  }
0xa9: {  	[sflag:s14] =	ssyncset.done $0x0  }
0xaa: {  	[sflag:s14] =	ssyncadd.s32 $0xFFFFC000  }
0xab: {  	s5 =	simm.s32 $0x200;
	_ =	swait.ge [sflag:s16], $0x4000  }
0xac: {  	s8 =	simm.s32 $0x400;
	s24 =	rddreg [dreg:$0x4];
	[sflag:s16] =	ssyncset.done $0x0  }
.LBB2_2:
0xad: {  	[sflag:s16] =	ssyncadd.s32 $0xFFFFC000;
	s24 =	sadd.s32 s5, s24  }
0xae: {  	[tilespmem:s3], [sflag:$0x5] =	stream.linear.gather [hbm4b:s24+s3], $0x1000, $0x38;
	[tilespmem:$0x1CC00] =	vst v63  }
0xaf: {  	_ =	swait.ge [sflag:s9], $0x1000  }
0xb0: {  	[sflag:s9] =	ssyncset.done $0x0  }
0xb1: {  	[sflag:s9] =	ssyncadd.s32 $0xFFFFF000  }
0xb2: {  	[tilespmem:s11], [sflag:$0x1] =	stream.indirect.gather [hbm4b:s6+s10], $0x80, s3, s10, $0xb8;
	[tilespmem:$0x1CC00] =	vst v63  }
0xb3: {  	_ = 	snop  }
0xb4: {  	[tilespmem:s12], [sflag:$0x2] =	stream.indirect.gather [hbm4b:s6+s10], $0x80, s10, s10, $0xb8;
	[tilespmem:$0x1CC00] =	vst v63  }
0xb5: {  	_ =	swait.ge [sflag:s13], $0x4000  }
0xb6: {  	[sflag:s13] =	ssyncset.done $0x0  }
0xb7: {  	s24 =	rddreg [dreg:$0x5];
	[sflag:s13] =	ssyncadd.s32 $0xFFFFC000  }
0xb8: {  	[spmem:s2] =	stream.indirect.scatter.add.f32 [tilespmem:s11], [sflag:$0x3], $0x80, s24, s10, $0xb8;
	[tilespmem:$0x1CC00] =	vst v63  }
0xb9: {  	_ =	swait.ge [sflag:s14], $0x4000  }
0xba: {  	[sflag:s14] =	ssyncset.done $0x0  }
0xbb: {  	s24 =	rddreg [dreg:$0x6];
	[sflag:s14] =	ssyncadd.s32 $0xFFFFC000  }
0xbc: {  	[tilespmem:s11], [sflag:$0x1] =	stream.indirect.gather [hbm4b:s6+s10], $0x80, s24, s10, $0xb8;
	[tilespmem:$0x1CC00] =	vst v63  }
0xbd: {  	_ =	swait.ge [sflag:s15], $0x4000  }
0xbe: {  	[sflag:s15] =	ssyncset.done $0x0  }
0xbf: {  	s24 =	rddreg [dreg:$0x7];
	[sflag:s15] =	ssyncadd.s32 $0xFFFFC000  }
0xc0: {  	[spmem:s2] =	stream.indirect.scatter.add.f32 [tilespmem:s12], [sflag:$0x4], $0x80, s24, s10, $0xb8;
	[tilespmem:$0x1CC00] =	vst v63  }
0xc1: {  	_ =	swait.ge [sflag:s16], $0x4000  }
0xc2: {  	[sflag:s16] =	ssyncset.done $0x0  }
0xc3: {  	s24 =	rddreg [dreg:$0x8];
	[sflag:s16] =	ssyncadd.s32 $0xFFFFC000  }
0xc4: {  	[tilespmem:s12], [sflag:$0x2] =	stream.indirect.gather [hbm4b:s6+s10], $0x80, s24, s10, $0xb8;
	[tilespmem:$0x1CC00] =	vst v63  }
0xc5: {  	_ =	swait.ge [sflag:s13], $0x4000  }
0xc6: {  	[sflag:s13] =	ssyncset.done $0x0  }
0xc7: {  	s24 =	rddreg [dreg:$0x9];
	[sflag:s13] =	ssyncadd.s32 $0xFFFFC000  }
0xc8: {  	[spmem:s2] =	stream.indirect.scatter.add.f32 [tilespmem:s11], [sflag:$0x3], $0x80, s24, s10, $0xb8;
	[tilespmem:$0x1CC00] =	vst v63  }
0xc9: {  	_ =	swait.ge [sflag:s14], $0x4000  }
0xca: {  	[sflag:s14] =	ssyncset.done $0x0  }
0xcb: {  	s24 =	rddreg [dreg:$0xa];
	[sflag:s14] =	ssyncadd.s32 $0xFFFFC000  }
0xcc: {  	[tilespmem:s11], [sflag:$0x1] =	stream.indirect.gather [hbm4b:s6+s10], $0x80, s24, s10, $0xb8;
	[tilespmem:$0x1CC00] =	vst v63  }
0xcd: {  	_ =	swait.ge [sflag:s15], $0x4000  }
0xce: {  	[sflag:s15] =	ssyncset.done $0x0  }
0xcf: {  	s24 =	rddreg [dreg:$0xb];
	[sflag:s15] =	ssyncadd.s32 $0xFFFFC000  }
0xd0: {  	[spmem:s2] =	stream.indirect.scatter.add.f32 [tilespmem:s12], [sflag:$0x4], $0x80, s24, s10, $0xb8;
	[tilespmem:$0x1CC00] =	vst v63  }
0xd1: {  	_ =	swait.ge [sflag:s16], $0x4000  }
0xd2: {  	[sflag:s16] =	ssyncset.done $0x0  }
0xd3: {  	s24 =	rddreg [dreg:$0xc];
	[sflag:s16] =	ssyncadd.s32 $0xFFFFC000  }
0xd4: {  	[tilespmem:s12], [sflag:$0x2] =	stream.indirect.gather [hbm4b:s6+s10], $0x80, s24, s10, $0xb8;
	[tilespmem:$0x1CC00] =	vst v63  }
0xd5: {  	_ =	swait.ge [sflag:s13], $0x4000  }
0xd6: {  	[sflag:s13] =	ssyncset.done $0x0  }
0xd7: {  	s24 =	rddreg [dreg:$0xd];
	[sflag:s13] =	ssyncadd.s32 $0xFFFFC000  }
0xd8: {  	[spmem:s2] =	stream.indirect.scatter.add.f32 [tilespmem:s11], [sflag:$0x3], $0x80, s24, s10, $0xb8;
	[tilespmem:$0x1CC00] =	vst v63  }
0xd9: {  	_ =	swait.ge [sflag:s14], $0x4000  }
0xda: {  	[sflag:s14] =	ssyncset.done $0x0  }
0xdb: {  	s24 =	rddreg [dreg:$0xe];
	[sflag:s14] =	ssyncadd.s32 $0xFFFFC000  }
0xdc: {  	[tilespmem:s11], [sflag:$0x1] =	stream.indirect.gather [hbm4b:s6+s10], $0x80, s24, s10, $0xb8;
	[tilespmem:$0x1CC00] =	vst v63  }
0xdd: {  	_ =	swait.ge [sflag:s15], $0x4000  }
0xde: {  	[sflag:s15] =	ssyncset.done $0x0  }
0xdf: {  	s24 =	rddreg [dreg:$0xf];
	[sflag:s15] =	ssyncadd.s32 $0xFFFFC000  }
0xe0: {  	[spmem:s2] =	stream.indirect.scatter.add.f32 [tilespmem:s12], [sflag:$0x4], $0x80, s24, s10, $0xb8;
	[tilespmem:$0x1CC00] =	vst v63  }
0xe1: {  	_ =	swait.ge [sflag:s16], $0x4000  }
0xe2: {  	[sflag:s16] =	ssyncset.done $0x0  }
0xe3: {  	s24 =	rddreg [dreg:$0x10];
	[sflag:s16] =	ssyncadd.s32 $0xFFFFC000  }
0xe4: {  	[tilespmem:s12], [sflag:$0x2] =	stream.indirect.gather [hbm4b:s6+s10], $0x80, s24, s10, $0xb8;
	[tilespmem:$0x1CC00] =	vst v63  }
0xe5: {  	_ =	swait.ge [sflag:s13], $0x4000  }
0xe6: {  	[sflag:s13] =	ssyncset.done $0x0  }
0xe7: {  	s24 =	rddreg [dreg:$0x11];
	[sflag:s13] =	ssyncadd.s32 $0xFFFFC000  }
0xe8: {  	[spmem:s2] =	stream.indirect.scatter.add.f32 [tilespmem:s11], [sflag:$0x3], $0x80, s24, s10, $0xb8;
	[tilespmem:$0x1CC00] =	vst v63  }
0xe9: {  	_ =	swait.ge [sflag:s14], $0x4000  }
0xea: {  	[sflag:s14] =	ssyncset.done $0x0  }
0xeb: {  	s24 =	simm.s32 $0x400;
	[sflag:s14] =	ssyncadd.s32 $0xFFFFC000  }
0xec: {  	[tilespmem:s11], [sflag:$0x1] =	stream.indirect.gather [hbm4b:s6+s10], $0x80, s24, s10, $0xb8;
	[tilespmem:$0x1CC00] =	vst v63  }
0xed: {  	_ =	swait.ge [sflag:s15], $0x4000  }
0xee: {  	[sflag:s15] =	ssyncset.done $0x0  }
0xef: {  	[sflag:s15] =	ssyncadd.s32 $0xFFFFC000  }
0xf0: {  	[spmem:s2] =	stream.indirect.scatter.add.f32 [tilespmem:s12], [sflag:$0x4], $0x80, s18, s10, $0xb8;
	[tilespmem:$0x1CC00] =	vst v63  }
0xf1: {  	_ =	swait.ge [sflag:s16], $0x4000  }
0xf2: {  	[sflag:s16] =	ssyncset.done $0x0  }
0xf3: {  	[sflag:s16] =	ssyncadd.s32 $0xFFFFC000  }
0xf4: {  	[tilespmem:s12], [sflag:$0x2] =	stream.indirect.gather [hbm4b:s6+s10], $0x80, s19, s10, $0xb8;
	[tilespmem:$0x1CC00] =	vst v63  }
0xf5: {  	_ =	swait.ge [sflag:s13], $0x4000  }
0xf6: {  	[sflag:s13] =	ssyncset.done $0x0  }
0xf7: {  	[sflag:s13] =	ssyncadd.s32 $0xFFFFC000  }
0xf8: {  	[spmem:s2] =	stream.indirect.scatter.add.f32 [tilespmem:s11], [sflag:$0x3], $0x80, s20, s10, $0xb8;
	[tilespmem:$0x1CC00] =	vst v63  }
0xf9: {  	_ =	swait.ge [sflag:s14], $0x4000  }
0xfa: {  	[sflag:s14] =	ssyncset.done $0x0  }
0xfb: {  	[sflag:s14] =	ssyncadd.s32 $0xFFFFC000  }
0xfc: {  	[tilespmem:s11], [sflag:$0x1] =	stream.indirect.gather [hbm4b:s6+s10], $0x80, s21, s10, $0xb8;
	[tilespmem:$0x1CC00] =	vst v63  }
0xfd: {  	_ =	swait.ge [sflag:s15], $0x4000  }
0xfe: {  	[sflag:s15] =	ssyncset.done $0x0  }
0xff: {  	[sflag:s15] =	ssyncadd.s32 $0xFFFFC000  }
0x100: {  	[spmem:s2] =	stream.indirect.scatter.add.f32 [tilespmem:s12], [sflag:$0x4], $0x80, s22, s10, $0xb8;
	[tilespmem:$0x1CC00] =	vst v63  }
0x101: {  	_ =	swait.ge [sflag:s16], $0x4000  }
0x102: {  	[sflag:s16] =	ssyncset.done $0x0  }
0x103: {  	[sflag:s16] =	ssyncadd.s32 $0xFFFFC000  }
0x104: {  	[tilespmem:s12], [sflag:$0x2] =	stream.indirect.gather [hbm4b:s6+s10], $0x80, s23, s10, $0xb8;
	[tilespmem:$0x1CC00] =	vst v63  }
0x105: {  	_ =	swait.ge [sflag:s13], $0x4000  }
0x106: {  	[sflag:s13] =	ssyncset.done $0x0  }
0x107: {  	[sflag:s13] =	ssyncadd.s32 $0xFFFFC000  }
0x108: {  	[spmem:s2] =	stream.indirect.scatter.add.f32 [tilespmem:s11], [sflag:$0x3], $0x80, s25, s10, $0xb8;
	[tilespmem:$0x1CC00] =	vst v63  }
0x109: {  	_ =	swait.ge [sflag:s14], $0x4000  }
0x10a: {  	[sflag:s14] =	ssyncset.done $0x0  }
0x10b: {  	[sflag:s14] =	ssyncadd.s32 $0xFFFFC000  }
0x10c: {  	[tilespmem:s11], [sflag:$0x1] =	stream.indirect.gather [hbm4b:s6+s10], $0x80, s26, s10, $0xb8;
	[tilespmem:$0x1CC00] =	vst v63  }
0x10d: {  	_ =	swait.ge [sflag:s15], $0x4000  }
0x10e: {  	[sflag:s15] =	ssyncset.done $0x0  }
0x10f: {  	[sflag:s15] =	ssyncadd.s32 $0xFFFFC000  }
0x110: {  	[spmem:s2] =	stream.indirect.scatter.add.f32 [tilespmem:s12], [sflag:$0x4], $0x80, s28, s10, $0xb8;
	[tilespmem:$0x1CC00] =	vst v63  }
0x111: {  	_ =	swait.ge [sflag:s16], $0x4000  }
0x112: {  	[sflag:s16] =	ssyncset.done $0x0  }
0x113: {  	[sflag:s16] =	ssyncadd.s32 $0xFFFFC000  }
0x114: {  	[tilespmem:s12], [sflag:$0x2] =	stream.indirect.gather [hbm4b:s6+s10], $0x80, s29, s10, $0xb8;
	[tilespmem:$0x1CC00] =	vst v63  }
0x115: {  	_ =	swait.ge [sflag:s13], $0x4000  }
0x116: {  	[sflag:s13] =	ssyncset.done $0x0  }
0x117: {  	[sflag:s13] =	ssyncadd.s32 $0xFFFFC000  }
0x118: {  	[spmem:s2] =	stream.indirect.scatter.add.f32 [tilespmem:s11], [sflag:$0x3], $0x80, s30, s10, $0xb8;
	[tilespmem:$0x1CC00] =	vst v63  }
0x119: {  	_ =	swait.ge [sflag:s14], $0x4000  }
0x11a: {  	[sflag:s14] =	ssyncset.done $0x0  }
0x11b: {  	[sflag:s14] =	ssyncadd.s32 $0xFFFFC000  }
0x11c: {  	[tilespmem:s11], [sflag:$0x1] =	stream.indirect.gather [hbm4b:s6+s10], $0x80, s31, s10, $0xb8;
	[tilespmem:$0x1CC00] =	vst v63  }
0x11d: {  	_ =	swait.ge [sflag:s15], $0x4000  }
0x11e: {  	[sflag:s15] =	ssyncset.done $0x0  }
0x11f: {  	[sflag:s15] =	ssyncadd.s32 $0xFFFFC000  }
0x120: {  	[spmem:s2] =	stream.indirect.scatter.add.f32 [tilespmem:s12], [sflag:$0x4], $0x80, s0, s10, $0xb8;
	[tilespmem:$0x1CC00] =	vst v63  }
0x121: {  	_ =	swait.ge [sflag:s16], $0x4000  }
0x122: {  	[sflag:s16] =	ssyncset.done $0x0  }
0x123: {  	[sflag:s16] =	ssyncadd.s32 $0xFFFFC000  }
0x124: {  	[tilespmem:s12], [sflag:$0x2] =	stream.indirect.gather [hbm4b:s6+s10], $0x80, s1, s10, $0xb8;
	[tilespmem:$0x1CC00] =	vst v63  }
0x125: {  	_ =	swait.ge [sflag:s13], $0x4000  }
0x126: {  	[sflag:s13] =	ssyncset.done $0x0  }
0x127: {  	[sflag:s13] =	ssyncadd.s32 $0xFFFFC000  }
0x128: {  	[spmem:s2] =	stream.indirect.scatter.add.f32 [tilespmem:s11], [sflag:$0x3], $0x80, s4, s10, $0xb8;
	[tilespmem:$0x1CC00] =	vst v63  }
0x129: {  	_ =	swait.ge [sflag:s15], $0x4000  }
0x12a: {  	[sflag:s15] =	ssyncset.done $0x0  }
0x12b: {  	p0 =	sne.s32 s8, $0x800;
	[sflag:s15] =	ssyncadd.s32 $0xFFFFC000  }
0x12c: {  	[spmem:s2] =	stream.indirect.scatter.add.f32 [tilespmem:s12], [sflag:$0x4], $0x80, s7, s10, $0xb8;
	[tilespmem:$0x1CC00] =	vst v63  }
.Ltmp0:
0x12d: {  	_ =	swait.ge [sflag:s14], $0x4000;
	(pc) =	sbr.rel @p0 .LBB2_2-.Ltmp0, $4  }
0x12e: {  	[sflag:s14] =	ssyncset.done $0x0  }
0x12f: {  	[sflag:s14] =	ssyncadd.s32 $0xFFFFC000  }
0x130: {  	s17 =	smov.u32 s8;
	s8 =	sadd.s32 $0x200, s8;
	_ =	swait.ge [sflag:s16], $0x4000  }
0x131: {  	s5 =	smov.u32 s17;
	s24 =	rddreg [dreg:$0x4];
	[sflag:s16] =	ssyncset.done $0x0  }
0x132: {  	s5 =	sadd.s32 s5, s24;
	[sflag:s16] =	ssyncadd.s32 $0xFFFFC000  }
0x133: {  	[tilespmem:s3], [sflag:$0x5] =	stream.linear.gather [hbm4b:s5+s3], $0x1000, $0x38;
	[tilespmem:$0x1CC00] =	vst v63  }
0x134: {  	_ =	swait.ge [sflag:s9], $0x1000  }
0x135: {  	[sflag:s9] =	ssyncset.done $0x0  }
0x136: {  	[sflag:s9] =	ssyncadd.s32 $0xFFFFF000  }
0x137: {  	[tilespmem:s11], [sflag:$0x1] =	stream.indirect.gather [hbm4b:s6+s10], $0x80, s3, s10, $0xb8;
	[tilespmem:$0x1CC00] =	vst v63  }
0x138: {  	_ = 	snop  }
0x139: {  	[tilespmem:s12], [sflag:$0x2] =	stream.indirect.gather [hbm4b:s6+s10], $0x80, s10, s10, $0xb8;
	[tilespmem:$0x1CC00] =	vst v63  }
0x13a: {  	_ =	swait.ge [sflag:s13], $0x4000  }
0x13b: {  	[sflag:s13] =	ssyncset.done $0x0  }
0x13c: {  	s8 =	rddreg [dreg:$0x5];
	[sflag:s13] =	ssyncadd.s32 $0xFFFFC000  }
0x13d: {  	[spmem:s2] =	stream.indirect.scatter.add.f32 [tilespmem:s11], [sflag:$0x3], $0x80, s8, s10, $0xb8;
	[tilespmem:$0x1CC00] =	vst v63  }
0x13e: {  	_ =	swait.ge [sflag:s14], $0x4000  }
0x13f: {  	[sflag:s14] =	ssyncset.done $0x0  }
0x140: {  	s17 =	rddreg [dreg:$0x6];
	[sflag:s14] =	ssyncadd.s32 $0xFFFFC000  }
0x141: {  	[tilespmem:s11], [sflag:$0x1] =	stream.indirect.gather [hbm4b:s6+s10], $0x80, s17, s10, $0xb8;
	[tilespmem:$0x1CC00] =	vst v63  }
0x142: {  	_ =	swait.ge [sflag:s15], $0x4000  }
0x143: {  	[sflag:s15] =	ssyncset.done $0x0  }
0x144: {  	s24 =	rddreg [dreg:$0x7];
	[sflag:s15] =	ssyncadd.s32 $0xFFFFC000  }
0x145: {  	[spmem:s2] =	stream.indirect.scatter.add.f32 [tilespmem:s12], [sflag:$0x4], $0x80, s24, s10, $0xb8;
	[tilespmem:$0x1CC00] =	vst v63  }
0x146: {  	_ =	swait.ge [sflag:s16], $0x4000  }
0x147: {  	[sflag:s16] =	ssyncset.done $0x0  }
0x148: {  	s8 =	rddreg [dreg:$0x8];
	[sflag:s16] =	ssyncadd.s32 $0xFFFFC000  }
0x149: {  	[tilespmem:s12], [sflag:$0x2] =	stream.indirect.gather [hbm4b:s6+s10], $0x80, s8, s10, $0xb8;
	[tilespmem:$0x1CC00] =	vst v63  }
0x14a: {  	_ =	swait.ge [sflag:s13], $0x4000  }
0x14b: {  	[sflag:s13] =	ssyncset.done $0x0  }
0x14c: {  	s17 =	rddreg [dreg:$0x9];
	[sflag:s13] =	ssyncadd.s32 $0xFFFFC000  }
0x14d: {  	[spmem:s2] =	stream.indirect.scatter.add.f32 [tilespmem:s11], [sflag:$0x3], $0x80, s17, s10, $0xb8;
	[tilespmem:$0x1CC00] =	vst v63  }
0x14e: {  	_ =	swait.ge [sflag:s14], $0x4000  }
0x14f: {  	[sflag:s14] =	ssyncset.done $0x0  }
0x150: {  	s24 =	rddreg [dreg:$0xa];
	[sflag:s14] =	ssyncadd.s32 $0xFFFFC000  }
0x151: {  	[tilespmem:s11], [sflag:$0x1] =	stream.indirect.gather [hbm4b:s6+s10], $0x80, s24, s10, $0xb8;
	[tilespmem:$0x1CC00] =	vst v63  }
0x152: {  	_ =	swait.ge [sflag:s15], $0x4000  }
0x153: {  	[sflag:s15] =	ssyncset.done $0x0  }
0x154: {  	s8 =	rddreg [dreg:$0xb];
	[sflag:s15] =	ssyncadd.s32 $0xFFFFC000  }
0x155: {  	[spmem:s2] =	stream.indirect.scatter.add.f32 [tilespmem:s12], [sflag:$0x4], $0x80, s8, s10, $0xb8;
	[tilespmem:$0x1CC00] =	vst v63  }
0x156: {  	_ =	swait.ge [sflag:s16], $0x4000  }
0x157: {  	[sflag:s16] =	ssyncset.done $0x0  }
0x158: {  	s17 =	rddreg [dreg:$0xc];
	[sflag:s16] =	ssyncadd.s32 $0xFFFFC000  }
0x159: {  	[tilespmem:s12], [sflag:$0x2] =	stream.indirect.gather [hbm4b:s6+s10], $0x80, s17, s10, $0xb8;
	[tilespmem:$0x1CC00] =	vst v63  }
0x15a: {  	_ =	swait.ge [sflag:s13], $0x4000  }
0x15b: {  	[sflag:s13] =	ssyncset.done $0x0  }
0x15c: {  	s24 =	rddreg [dreg:$0xd];
	[sflag:s13] =	ssyncadd.s32 $0xFFFFC000  }
0x15d: {  	[spmem:s2] =	stream.indirect.scatter.add.f32 [tilespmem:s11], [sflag:$0x3], $0x80, s24, s10, $0xb8;
	[tilespmem:$0x1CC00] =	vst v63  }
0x15e: {  	_ =	swait.ge [sflag:s14], $0x4000  }
0x15f: {  	[sflag:s14] =	ssyncset.done $0x0  }
0x160: {  	s8 =	rddreg [dreg:$0xe];
	[sflag:s14] =	ssyncadd.s32 $0xFFFFC000  }
0x161: {  	[tilespmem:s11], [sflag:$0x1] =	stream.indirect.gather [hbm4b:s6+s10], $0x80, s8, s10, $0xb8;
	[tilespmem:$0x1CC00] =	vst v63  }
0x162: {  	_ =	swait.ge [sflag:s15], $0x4000  }
0x163: {  	[sflag:s15] =	ssyncset.done $0x0  }
0x164: {  	s17 =	rddreg [dreg:$0xf];
	[sflag:s15] =	ssyncadd.s32 $0xFFFFC000  }
0x165: {  	[spmem:s2] =	stream.indirect.scatter.add.f32 [tilespmem:s12], [sflag:$0x4], $0x80, s17, s10, $0xb8;
	[tilespmem:$0x1CC00] =	vst v63  }
0x166: {  	_ =	swait.ge [sflag:s16], $0x4000  }
0x167: {  	[sflag:s16] =	ssyncset.done $0x0  }
0x168: {  	s24 =	rddreg [dreg:$0x10];
	[sflag:s16] =	ssyncadd.s32 $0xFFFFC000  }
0x169: {  	[tilespmem:s12], [sflag:$0x2] =	stream.indirect.gather [hbm4b:s6+s10], $0x80, s24, s10, $0xb8;
	[tilespmem:$0x1CC00] =	vst v63  }
0x16a: {  	_ =	swait.ge [sflag:s13], $0x4000  }
0x16b: {  	[sflag:s13] =	ssyncset.done $0x0  }
0x16c: {  	s8 =	rddreg [dreg:$0x11];
	[sflag:s13] =	ssyncadd.s32 $0xFFFFC000  }
0x16d: {  	[spmem:s2] =	stream.indirect.scatter.add.f32 [tilespmem:s11], [sflag:$0x3], $0x80, s8, s10, $0xb8;
	[tilespmem:$0x1CC00] =	vst v63  }
0x16e: {  	_ =	swait.ge [sflag:s14], $0x4000  }
0x16f: {  	[sflag:s14] =	ssyncset.done $0x0  }
0x170: {  	s17 =	simm.s32 $0x400;
	[sflag:s14] =	ssyncadd.s32 $0xFFFFC000  }
0x171: {  	[tilespmem:s11], [sflag:$0x1] =	stream.indirect.gather [hbm4b:s6+s10], $0x80, s17, s10, $0xb8;
	[tilespmem:$0x1CC00] =	vst v63  }
0x172: {  	_ =	swait.ge [sflag:s15], $0x4000  }
0x173: {  	[sflag:s15] =	ssyncset.done $0x0  }
0x174: {  	[sflag:s15] =	ssyncadd.s32 $0xFFFFC000  }
0x175: {  	[spmem:s2] =	stream.indirect.scatter.add.f32 [tilespmem:s12], [sflag:$0x4], $0x80, s18, s10, $0xb8;
	[tilespmem:$0x1CC00] =	vst v63  }
0x176: {  	_ =	swait.ge [sflag:s16], $0x4000  }
0x177: {  	[sflag:s16] =	ssyncset.done $0x0  }
0x178: {  	[sflag:s16] =	ssyncadd.s32 $0xFFFFC000  }
0x179: {  	[tilespmem:s12], [sflag:$0x2] =	stream.indirect.gather [hbm4b:s6+s10], $0x80, s19, s10, $0xb8;
	[tilespmem:$0x1CC00] =	vst v63  }
0x17a: {  	_ =	swait.ge [sflag:s13], $0x4000  }
0x17b: {  	[sflag:s13] =	ssyncset.done $0x0  }
0x17c: {  	[sflag:s13] =	ssyncadd.s32 $0xFFFFC000  }
0x17d: {  	[spmem:s2] =	stream.indirect.scatter.add.f32 [tilespmem:s11], [sflag:$0x3], $0x80, s20, s10, $0xb8;
	[tilespmem:$0x1CC00] =	vst v63  }
0x17e: {  	_ =	swait.ge [sflag:s14], $0x4000  }
0x17f: {  	[sflag:s14] =	ssyncset.done $0x0  }
0x180: {  	[sflag:s14] =	ssyncadd.s32 $0xFFFFC000  }
0x181: {  	[tilespmem:s11], [sflag:$0x1] =	stream.indirect.gather [hbm4b:s6+s10], $0x80, s21, s10, $0xb8;
	[tilespmem:$0x1CC00] =	vst v63  }
0x182: {  	_ =	swait.ge [sflag:s15], $0x4000  }
0x183: {  	[sflag:s15] =	ssyncset.done $0x0  }
0x184: {  	[sflag:s15] =	ssyncadd.s32 $0xFFFFC000  }
0x185: {  	[spmem:s2] =	stream.indirect.scatter.add.f32 [tilespmem:s12], [sflag:$0x4], $0x80, s22, s10, $0xb8;
	[tilespmem:$0x1CC00] =	vst v63  }
0x186: {  	_ =	swait.ge [sflag:s16], $0x4000  }
0x187: {  	[sflag:s16] =	ssyncset.done $0x0  }
0x188: {  	[sflag:s16] =	ssyncadd.s32 $0xFFFFC000  }
0x189: {  	[tilespmem:s12], [sflag:$0x2] =	stream.indirect.gather [hbm4b:s6+s10], $0x80, s23, s10, $0xb8;
	[tilespmem:$0x1CC00] =	vst v63  }
0x18a: {  	_ =	swait.ge [sflag:s13], $0x4000  }
0x18b: {  	[sflag:s13] =	ssyncset.done $0x0  }
0x18c: {  	[sflag:s13] =	ssyncadd.s32 $0xFFFFC000  }
0x18d: {  	[spmem:s2] =	stream.indirect.scatter.add.f32 [tilespmem:s11], [sflag:$0x3], $0x80, s25, s10, $0xb8;
	[tilespmem:$0x1CC00] =	vst v63  }
0x18e: {  	_ =	swait.ge [sflag:s14], $0x4000  }
0x18f: {  	[sflag:s14] =	ssyncset.done $0x0  }
0x190: {  	[sflag:s14] =	ssyncadd.s32 $0xFFFFC000  }
0x191: {  	[tilespmem:s11], [sflag:$0x1] =	stream.indirect.gather [hbm4b:s6+s10], $0x80, s26, s10, $0xb8;
	[tilespmem:$0x1CC00] =	vst v63  }
0x192: {  	_ =	swait.ge [sflag:s15], $0x4000  }
0x193: {  	[sflag:s15] =	ssyncset.done $0x0  }
0x194: {  	[sflag:s15] =	ssyncadd.s32 $0xFFFFC000  }
0x195: {  	[spmem:s2] =	stream.indirect.scatter.add.f32 [tilespmem:s12], [sflag:$0x4], $0x80, s28, s10, $0xb8;
	[tilespmem:$0x1CC00] =	vst v63  }
0x196: {  	_ =	swait.ge [sflag:s16], $0x4000  }
0x197: {  	[sflag:s16] =	ssyncset.done $0x0  }
0x198: {  	[sflag:s16] =	ssyncadd.s32 $0xFFFFC000  }
0x199: {  	[tilespmem:s12], [sflag:$0x2] =	stream.indirect.gather [hbm4b:s6+s10], $0x80, s29, s10, $0xb8;
	[tilespmem:$0x1CC00] =	vst v63  }
0x19a: {  	_ =	swait.ge [sflag:s13], $0x4000  }
0x19b: {  	[sflag:s13] =	ssyncset.done $0x0  }
0x19c: {  	[sflag:s13] =	ssyncadd.s32 $0xFFFFC000  }
0x19d: {  	[spmem:s2] =	stream.indirect.scatter.add.f32 [tilespmem:s11], [sflag:$0x3], $0x80, s30, s10, $0xb8;
	[tilespmem:$0x1CC00] =	vst v63  }
0x19e: {  	_ =	swait.ge [sflag:s14], $0x4000  }
0x19f: {  	[sflag:s14] =	ssyncset.done $0x0  }
0x1a0: {  	[sflag:s14] =	ssyncadd.s32 $0xFFFFC000  }
0x1a1: {  	[tilespmem:s11], [sflag:$0x1] =	stream.indirect.gather [hbm4b:s6+s10], $0x80, s31, s10, $0xb8;
	[tilespmem:$0x1CC00] =	vst v63  }
0x1a2: {  	_ =	swait.ge [sflag:s15], $0x4000  }
0x1a3: {  	[sflag:s15] =	ssyncset.done $0x0  }
0x1a4: {  	[sflag:s15] =	ssyncadd.s32 $0xFFFFC000  }
0x1a5: {  	[spmem:s2] =	stream.indirect.scatter.add.f32 [tilespmem:s12], [sflag:$0x4], $0x80, s0, s10, $0xb8;
	[tilespmem:$0x1CC00] =	vst v63  }
0x1a6: {  	_ =	swait.ge [sflag:s16], $0x4000  }
0x1a7: {  	[sflag:s16] =	ssyncset.done $0x0  }
0x1a8: {  	[sflag:s16] =	ssyncadd.s32 $0xFFFFC000  }
0x1a9: {  	[tilespmem:s12], [sflag:$0x2] =	stream.indirect.gather [hbm4b:s6+s10], $0x80, s1, s10, $0xb8;
	[tilespmem:$0x1CC00] =	vst v63  }
0x1aa: {  	_ =	swait.ge [sflag:s13], $0x4000  }
0x1ab: {  	[sflag:s13] =	ssyncset.done $0x0  }
0x1ac: {  	[sflag:s13] =	ssyncadd.s32 $0xFFFFC000  }
0x1ad: {  	[spmem:s2] =	stream.indirect.scatter.add.f32 [tilespmem:s11], [sflag:$0x3], $0x80, s4, s10, $0xb8;
	[tilespmem:$0x1CC00] =	vst v63  }
0x1ae: {  	_ =	swait.ge [sflag:s15], $0x4000  }
0x1af: {  	[sflag:s15] =	ssyncset.done $0x0  }
0x1b0: {  	[sflag:s15] =	ssyncadd.s32 $0xFFFFC000  }
0x1b1: {  	[spmem:s2] =	stream.indirect.scatter.add.f32 [tilespmem:s12], [sflag:$0x4], $0x80, s7, s10, $0xb8;
	[tilespmem:$0x1CC00] =	vst v63  }
0x1b2: {  	_ =	swait.ge [sflag:s14], $0x4000  }
0x1b3: {  	[sflag:s14] =	ssyncset.done $0x0  }
0x1b4: {  	[sflag:s14] =	ssyncadd.s32 $0xFFFFC000  }
0x1b5: {  	_ =	swait.ge [sflag:s16], $0x4000  }
0x1b6: {  	[sflag:s16] =	ssyncset.done $0x0  }
0x1b7: {  	[sflag:s16] =	ssyncadd.s32 $0xFFFFC000  }
0x1b8: {  	[bflag:$0x0] =	sbarrier.arrive $0xFFFF  }
0x1b9: {  	s17 =	rddreg [dreg:$0x13]  }
0x1ba: {  	s8 =	rddreg [dreg:$0x15]  }
0x1bb: {  	s24 =	rddreg [dreg:$0x16]  }
0x1bc: {  	[hbm:s24], [sflag:s17] =	dma.local [spmem:s8], $0x2780  }
0x1bd: {  	_ =	swait.ge [sflag:s9], $0x2780  }
0x1be: {  	s5 =	rddreg [dreg:$0x17]  }
0x1bf: {  	s24 =	sadd.s32 $0x1, s5;
	s5 =	rddreg [dreg:$0x14]  }
0x1c0: {  	p0 =	sne.s32 s24, s5  }
.Ltmp1:
0x1c1: {  	_ = 	snop;
	(pc) =	sbr.rel @p0 .LBB2_1-.Ltmp1, $3  }
0x1c2: {  	_ =	sdelay $0x1  }
0x1c3: {  	[sflag:s9] =	ssyncset.done $0x0  }
0x1c4: {  	[sflag:s9] =	ssyncadd.s32 $0xFFFFD880  }
0x1c5: {  	_ =	sfence.sel $0x180000  }
0x1c6: {  	[bflag:$0x0] =	sbarrier.arrive $0xFFFF  }
0x1c7: {  	_ =	strace $0x9000004D  }
0x1c8: {  	s0 =	stileid.u32;
	[bflag:$0x2] =	sbarrier.arrive $0xFFFF  }
0x1c9: {  	p0 =	sne.s32 s0, $0x0;
	s0 =	rddreg [dreg:$0x3]  }
0x1ca: {  	s0 =	sadd.s32 @!p0 $0x100000, s0  }
0x1cb: {  	[sflag:s0] =	ssyncadd.tile.s32 @!p0 $0x1;
	_ =	shalt  }
.Lfunc_end2:
_tile_overlayer_lowered:
.L_overlay_start_2:
0x1cc: {  	(tag) =	ssettag $0x2  }
0x1cd: {  	s0 =	rddreg [dreg:$0x0];
	s2 =	stileid.u32  }
0x1ce: {  	s1 =	rddreg [dreg:$0x1];
	p0 =	sne.s32 s2, $0x0  }
0x1cf: {  	s3 =	rddreg [dreg:$0x2];
	[bflag:$0x3] =	sbarrier.arrive $0xFFFF;
	s2 =	simm.s32 @!p0 $0x1C05  }
0x1d0: {  	[timem:s3], [sflag:s2] =	dma.local @!p0 [hbm:s0], s1  }
0x1d1: {  	s0 =	simm.s32 @!p0 $0x5  }
0x1d2: {  	_ =	swait.ge @!p0 [sflag:s0], s1  }
0x1d3: {  	s1 =	ssub.s32 @!p0 $0x0, s1;
	[sflag:s0] =	ssyncset.done @!p0 $0x0  }
0x1d4: {  	[sflag:s0] =	ssyncadd.s32 @!p0 s1  }
0x1d5: {  	[bflag:$0x3] =	sbarrier.arrive $0xFFFF  }
0x1d6: {  	_ =	shalt  }

// kernel: kernel.7.cloned.1.call-start
scs
__scs_entry_jumppad:
0x0: {  	(pc) =	sbr.rel $0x88, $3  }
0x1: {  	(tag) =	ssettag $0x0;
	lr =	simm.s32 $0x1  }
0x2: {  	[smem:$0x3F99] =	sst lr;
	_ =	strace $0xD0000000  }
0x3: {  	_ = 	snop  }
0x4: {  	_ = 	snop  }
0x5: {  	_ = 	snop  }
0x6: {  	_ = 	snop  }
0x7: {  	_ = 	snop  }
__scs_overlays_trampoline_lowered:
0x8: {  	[smem:$0x3FA8] =	sst s0  }
0x9: {  	[smem:$0x3FA9] =	sst s1  }
0xa: {  	[smem:$0x3FAA] =	sst s2  }
0xb: {  	[smem:$0x3FAB] =	sst s3  }
0xc: {  	[smem:$0x3FAC] =	sst s4  }
0xd: {  	[smem:$0x3FAD] =	sst s5  }
0xe: {  	[smem:$0x3FAE] =	sst s6  }
0xf: {  	[smem:$0x3FAF] =	sst s7  }
0x10: {  	[smem:$0x3FB0] =	sst s8  }
0x11: {  	[smem:$0x3FB1] =	sst s9;
	s0 =	simm.s32 @!p0 $0x0  }
0x12: {  	s1 =	sld [smem:$0x3F97];
	s0 =	simm.s32 @p0 $0x1  }
0x13: {  	[smem:$0x3FB2] =	sst s0;
	s0 =	simm.s32 @!p1 $0x0  }
0x14: {  	s2 =	sld [smem:$0x3F96];
	s0 =	simm.s32 @p1 $0x1  }
0x15: {  	[smem:$0x3FB3] =	sst s0;
	s0 =	simm.s32 @!p2 $0x0  }
0x16: {  	s3 =	sld [smem:$0x3FDB];
	s0 =	simm.s32 @p2 $0x1  }
0x17: {  	s4 =	simm.s32 $0x1BF5;
	[smem:$0x3FB5] =	sst s0  }
0x18: {  	s0 =	sld [smem:$0x3F98];
	_ =	swait.ge [sflag:s4], $0x0  }
0x19: {  	s7 =	sld [smem:$0x3F99]  }
0x1a: {  	s8 =	sadd.s32 $0xFFFFE003, lr  }
0x1b: {  	s9 =	sadd.s32 $0xFFFFFEF7, lr;
	s5 =	simm.s32 $0xFFFFFFFF;
	p2 =	slt.u32 s8, $0xFFFFF086  }
0x1c: {  	p1 =	slt.u32 s9, $0xF7A;
	s5 =	simm.s32 @!p2 $0x0  }
0x1d: {  	s5 =	simm.s32 @p1 $0x1;
	p0 =	seq.s32 s7, s2  }
0x1e: {  	s7 =	smul.u32 @!p0 $0xF7A, s2;
	p2 =	seq.s32 @!p0 s5, $0x0  }
0x1f: {  	s9 =	smul.u32 $0xF7A, s1;
	s8 =	simm.s32 @!p0 $0x1BF5;
	p2 =	por !p2, p0  }
0x20: {  	[sflag:s8] =	ssyncset.s32 @!p0 $0xFFFFF086;
	s6 =	sadd.s32 @!p0 s3, s7;
	s7 =	simm.s32 @!p0 $0x108  }
0x21: {  	s3 =	sadd.s32 s3, s9;
	s6 =	sadd.s32 @!p0 $0x88, s6;
	s7 =	simm.s32 @p2 $0x1082  }
0x22: {  	[simem:s7], [sflag:s8] =	dma.local @!p0 [hbm:s6], $0xF7A  }
0x23: {  	s9 =	sor.u32 $0xD0000000, s2;
	s6 =	simm.s32 $0x108;
	_ =	swait.ge @!p0 [sflag:s8], $0x0  }
0x24: {  	s3 =	sadd.s32 $0x88, s3;
	s6 =	simm.s32 @!p1 $0x1082;
	[sflag:s4] =	ssyncset.s32 $0xFFFFF086  }
0x25: {  	[simem:s6], [sflag:s4] =	dma.local [hbm:s3], $0xF7A  }
0x26: {  	[smem:$0x3F99] =	sst s1;
	(tag) =	ssettag s2;
	_ =	strace s9  }
0x27: {  	s1 =	sld [smem:$0x3FA9]  }
0x28: {  	s2 =	sld [smem:$0x3FAA]  }
0x29: {  	s4 =	sld [smem:$0x3FAC]  }
0x2a: {  	p0 =	seq.s32 s5, $0x0;
	s5 =	sld [smem:$0x3FAD]  }
0x2b: {  	s6 =	sld [smem:$0x3FAE]  }
0x2c: {  	s7 =	sld [smem:$0x3FAF]  }
0x2d: {  	s3 =	simm.s32 $0x108;
	s8 =	sld [smem:$0x3FB0]  }
0x2e: {  	s3 =	simm.s32 @!p0 $0x1082;
	s9 =	sld [smem:$0x3FB1]  }
0x2f: {  	lr =	sadd.s32 s0, s3;
	s0 =	sld [smem:$0x3FA8]  }
0x30: {  	s3 =	sld [smem:$0x3FAB]  }
0x31: {  	[smem:$0x3FB4] =	sst s10  }
0x32: {  	s10 =	sld [smem:$0x3FB2];
	_ =	sdelay $0x3  }
0x33: {  	p0 =	seq.s32 s10, $0x1;
	s10 =	sld [smem:$0x3FB4];
	_ =	sdelay $0x3  }
0x34: {  	[smem:$0x3FB4] =	sst s10  }
0x35: {  	s10 =	sld [smem:$0x3FB3];
	_ =	sdelay $0x3  }
0x36: {  	p1 =	seq.s32 s10, $0x1;
	s10 =	sld [smem:$0x3FB4];
	_ =	sdelay $0x3  }
0x37: {  	[smem:$0x3FB4] =	sst s10  }
0x38: {  	s10 =	sld [smem:$0x3FB5]  }
0x39: {  	_ = 	snop;
	(pc) =	sbr.ind lr, $3  }
0x3a: {  	_ = 	snop  }
0x3b: {  	_ = 	snop  }
0x3c: {  	p2 =	seq.s32 s10, $0x1;
	s10 =	sld [smem:$0x3FB4]  }
0x3d: {  	_ =	shalt  }
0x3e: {  	_ =	shalt  }
0x3f: {  	_ =	shalt  }
0x40: {  	_ =	shalt  }
0x41: {  	_ =	shalt  }
0x42: {  	_ =	shalt  }
0x43: {  	_ =	shalt  }
0x44: {  	_ =	shalt  }
0x45: {  	_ =	shalt  }
0x46: {  	_ =	shalt  }
0x47: {  	_ =	shalt  }
0x48: {  	_ =	shalt  }
0x49: {  	_ =	shalt  }
0x4a: {  	_ =	shalt  }
0x4b: {  	_ =	shalt  }
0x4c: {  	_ =	shalt  }
0x4d: {  	_ =	shalt  }
0x4e: {  	_ =	shalt  }
0x4f: {  	_ =	shalt  }
0x50: {  	_ =	shalt  }
0x51: {  	_ =	shalt  }
0x52: {  	_ =	shalt  }
0x53: {  	_ =	shalt  }
0x54: {  	_ =	shalt  }
0x55: {  	_ =	shalt  }
0x56: {  	_ =	shalt  }
0x57: {  	_ =	shalt  }
0x58: {  	_ =	shalt  }
0x59: {  	_ =	shalt  }
0x5a: {  	_ =	shalt  }
0x5b: {  	_ =	shalt  }
0x5c: {  	_ =	shalt  }
0x5d: {  	_ =	shalt  }
0x5e: {  	_ =	shalt  }
0x5f: {  	_ =	shalt  }
0x60: {  	_ =	shalt  }
0x61: {  	_ =	shalt  }
0x62: {  	_ =	shalt  }
0x63: {  	_ =	shalt  }
0x64: {  	_ =	shalt  }
0x65: {  	_ =	shalt  }
0x66: {  	_ =	shalt  }
0x67: {  	_ =	shalt  }
0x68: {  	_ =	shalt  }
0x69: {  	_ =	shalt  }
0x6a: {  	_ =	shalt  }
0x6b: {  	_ =	shalt  }
0x6c: {  	_ =	shalt  }
0x6d: {  	_ =	shalt  }
0x6e: {  	_ =	shalt  }
0x6f: {  	_ =	shalt  }
0x70: {  	_ =	shalt  }
0x71: {  	_ =	shalt  }
0x72: {  	_ =	shalt  }
0x73: {  	_ =	shalt  }
0x74: {  	_ =	shalt  }
0x75: {  	_ =	shalt  }
0x76: {  	_ =	shalt  }
0x77: {  	_ =	shalt  }
0x78: {  	_ =	shalt  }
0x79: {  	_ =	shalt  }
0x7a: {  	_ =	shalt  }
0x7b: {  	_ =	shalt  }
0x7c: {  	_ =	shalt  }
0x7d: {  	_ =	shalt  }
0x7e: {  	_ =	shalt  }
0x7f: {  	_ =	shalt  }
0x80: {  	_ =	shalt  }
0x81: {  	_ =	shalt  }
0x82: {  	_ =	shalt  }
0x83: {  	_ =	shalt  }
0x84: {  	_ =	shalt  }
0x85: {  	_ =	shalt  }
0x86: {  	_ =	shalt  }
0x87: {  	_ =	shalt  }
.Lfunc_end0:
.L_simem_size_0:
called_computation_lowered:
.L_overlay_start_0:
0x88: {  	s2 =	sld [smem:$0x3FD9]  }
0x89: {  	s3 =	sld [smem:$0x3FFE];
	_ =	sdelay $0x1  }
0x8a: {  	s1 =	srdreg.scid  }
0x8b: {  	s0 =	sand.u32 $0x1, s1  }
0x8c: {  	s17 =	sshll.u32 s0, $0xA;
	s2 =	sadd.s32 s3, s2  }
0x8d: {  	s2 =	sadd.s32 s2, s17  }
0x8e: {  	[smem:$0x3FC0] =	sst s2  }
0x8f: {  	_ = 	snop  }
0x90: {  	s18 =	sld [smem:$0x3FD0];
	(tm) =	ssettm $0x1  }
0x91: {  	s19 =	sld [smem:$0x3FFB];
	_ =	sdelay $0x3  }
0x92: {  	_ =	strace s19  }
0x93: {  	s2 =	sld [smem:$0x3FFC];
	_ =	sdelay $0x3  }
0x94: {  	_ =	strace s2  }
0x95: {  	s2 =	sld [smem:$0x3FFD];
	_ =	sdelay $0x3  }
0x96: {  	_ =	strace s2  }
0x97: {  	_ =	strace $0x8FFFFFFF  }
0x98: {  	s20 =	sld [smem:$0x3FDB];
	_ =	sdelay $0x1  }
0x99: {  	s4 =	simm.s32 $_scs_section_size  }
0x9a: {  	s5 =	simm.s32 $_size__tile_overlayer_lowered;
	s6 =	simm.s32 $_tile_overlayer_lowered  }
0x9b: {  	s7 =	simm.s32 $0x1BFF;
	s21 =	sshll.u32 s6, $0x1;
	s4 =	sadd.s32 s4, s20  }
0x9c: {  	s22 =	simm.s32 $0x0;
	s5 =	sshll.u32 s5, $0x1;
	s6 =	sadd.s32 s21, s4  }
0x9d: {  	[timem:s22], [sflag:s7] =	dma.local [hbm:s6], s5  }
0x9e: {  	_ =	swait.ge [sflag:s7], s5  }
0x9f: {  	s5 =	ssub.s32 $0x0, s5;
	[sflag:s7] =	ssyncset.done $0x0  }
0xa0: {  	[sflag:s7] =	ssyncadd.s32 s5;
	_ =	sdelay $0x1  }
0xa1: {  	s23 =	simm.s32 $0x1B8B  }
0xa2: {  	_ =	swait.ge [sflag:s23], $0x1  }
0xa3: {  	[sflag:s23] =	ssyncset.done $0x0  }
0xa4: {  	[sflag:s23] =	ssyncadd.s32 $0xFFFFFFFF  }
0xa5: {  	s5 =	sld [smem:$0x0]  }
0xa6: {  	s6 =	sand.u32 $0xFFFFFFFE, s1  }
0xa7: {  	p0 =	sne.s32 s1, s6  }
0xa8: {  	s6 =	sshll.u32 @p0 s6, $0xE  }
0xa9: {  	s6 =	sadd.s32 @p0 $0x11B8D, s6;
	s7 =	sshll.u32 @p0 s5, $0x11  }
0xaa: {  	s6 =	sor.u32 @p0 s7, s6  }
0xab: {  	[sflag:s6] =	ssyncadd.remote.s32 @p0 $0x1;
	_ =	sdelay $0x1  }
0xac: {  	s6 =	simm.s32 @p0 $0x1B8D  }
0xad: {  	_ =	swait.eq @p0 [sflag:s6], $0x1  }
0xae: {  	[sflag:s6] =	ssyncadd.s32 @p0 $0xFFFFFFFF  }
0xaf: {  	s7 =	sshll.u32 @!p0 s1, $0xE  }
0xb0: {  	s7 =	sor.u32 @!p0 $0x4000, s7;
	s6 =	simm.s32 @!p0 $0x1B8D  }
0xb1: {  	s5 =	sshll.u32 @!p0 s5, $0x11;
	s7 =	sadd.s32 @!p0 $0x11B8D, s7;
	_ =	swait.eq @!p0 [sflag:s6], $0x1  }
0xb2: {  	s5 =	sor.u32 @!p0 s5, s7;
	[sflag:s6] =	ssyncadd.s32 @!p0 $0xFFFFFFFF  }
0xb3: {  	s25 =	simm.s32 $0x1B8E;
	s24 =	sld [smem:$0x3FFE];
	[sflag:s5] =	ssyncadd.remote.s32 @!p0 $0x1  }
0xb4: {  	s26 =	simm.s32 $execute0_lowered;
	[smem:$0x3FD2] =	sst s25  }
0xb5: {  	s6 =	sshll.u32 s26, $0x1;
	_ =	strace $0x80000049;
	[dreg:$0x1] =	wrdreg $0xFFFFFFFF  }
0xb6: {  	s28 =	simm.s32 $_size_execute0_lowered;
	s4 =	sadd.s32 s4, s6;
	[dreg:$0x0] =	wrdreg $0x0  }
0xb7: {  	s6 =	sshll.u32 s28, $0x1;
	[dreg:$0x2] =	wrdreg s4  }
0xb8: {  	[dreg:$0x3] =	wrdreg s6  }
0xb9: {  	[dreg:$0x4] =	wrdreg $0xC0  }
0xba: {  	_ =	task [dreg:s22], $0x5FFFF  }
0xbb: {  	[dreg:$0x1] =	wrdreg $0xFFFFFFFF  }
0xbc: {  	[dreg:$0x0] =	wrdreg $0x60  }
0xbd: {  	[dreg:$0x2] =	wrdreg s18  }
0xbe: {  	[dreg:$0x3] =	wrdreg s24  }
0xbf: {  	[dreg:$0x4] =	wrdreg $0x90000  }
0xc0: {  	[dreg:$0x5] =	wrdreg $0x9  }
0xc1: {  	_ =	task.clear_ibuf [dreg:s22], $0x6FFFF;
	_ =	strace $0x90000049  }
0xc2: {  	s29 =	simm.s32 $0x9;
	_ =	strace $0x8000004B  }
0xc3: {  	_ =	swait.ge [sflag:s29], $0x1  }
0xc4: {  	[sflag:s29] =	ssyncadd.s32 $0xFFFFFFFF  }
0xc5: {  	_ =	strace $0x9000004B  }
0xc6: {  	_ =	sfence  }
0xc7: {  	s30 =	sld [smem:$0x0];
	_ =	sdelay $0x2  }
0xc8: {  	s31 =	sshll.u32 s1, $0xD;
	s1 =	sshrl.u32 s1, $0x2  }
0xc9: {  	s4 =	sand.u32 $0x4000, s31;
	s1 =	sadd.s32 s1, s30  }
0xca: {  	s0 =	sor.u32 s4, s0;
	s1 =	sshll.u32 s1, $0x11  }
0xcb: {  	s0 =	sor.u32 s1, s0  }
0xcc: {  	s0 =	sadd.s32 $0x8F2B, s0  }
0xcd: {  	[sflag:s0] =	ssyncadd.remote.s32 $0x1  }
0xce: {  	_ =	sfence.sel $0xFFFF  }
0xcf: {  	[dreg:$0x0] =	wrdreg $0xFFFFFFFF;
	(pc) =	sbr.abs _section_cstart, $3  }
0xd0: {  	[dreg:$0x1] =	wrdreg $0xFFFFFFFF  }
0xd1: {  	_ =	task.clear_ibuf [dreg:s22], $0x2FFFF;
	_ =	strace $0x9FFFFFFF  }
0xd2: {  	(tm) =	ssettm $0x7FFFFFFF  }
0xd3: {  	_ =	shalt  }
tec
execute0_lowered:
.L_overlay_start_1:
0x0: {  	(tag) =	ssettag $0x1  }
0x1: {  	s1 =	rddreg [dreg:$0x0]  }
0x2: {  	s4 =	rddreg [dreg:$0x1]  }
0x3: {  	s2 =	rddreg [dreg:$0x2];
	s3 =	simm.s32 $0x0  }
0x4: {  	s12 =	stileid.u32;
	s6 =	srdreg.scid;
	s13 =	simm.s32 $0x100  }
0x5: {  	s14 =	simm.s32 $0x880;
	s15 =	simm.s32 $0x180;
	s18 =	simm.s32 $0x900  }
0x6: {  	s19 =	simm.s32 $0x200;
	s20 =	simm.s32 $0x980;
	[smem:$0x7FF] =	sst s3  }
0x7: {  	s21 =	simm.s32 $0x280;
	_ =	strace $0x8000004A;
	[dreg:$0x6] =	wrdreg s13  }
0x8: {  	s22 =	simm.s32 $0xA00;
	s23 =	simm.s32 $0x300;
	[dreg:$0x7] =	wrdreg s14  }
0x9: {  	s24 =	simm.s32 $0xA80;
	s25 =	simm.s32 $0x380;
	[dreg:$0x8] =	wrdreg s15  }
0xa: {  	s28 =	simm.s32 $0xD80;
	s29 =	simm.s32 $0x680;
	[dreg:$0x9] =	wrdreg s18  }
0xb: {  	s30 =	simm.s32 $0xE00;
	s5 =	smul.u32 $0xA00, s12;
	[dreg:$0xa] =	wrdreg s19  }
0xc: {  	s31 =	simm.s32 $0x700;
	s0 =	smul.u32 $0x2780, s12;
	[dreg:$0xb] =	wrdreg s20  }
0xd: {  	s6 =	sand.u32 $0x1, s6;
	s7 =	smul.u32 $0x4F000, s12;
	[dreg:$0xc] =	wrdreg s21  }
0xe: {  	s8 =	smul.u32 $0x27800, s6;
	s9 =	ssub.s32 $0x2, s6;
	[dreg:$0xd] =	wrdreg s22  }
0xf: {  	s6 =	smul.u32 $0x27100, s6;
	s13 =	simm.s32 $0x1;
	[dreg:$0xe] =	wrdreg s23  }
0x10: {  	s14 =	simm.s32 $0x3;
	[dreg:$0xf] =	wrdreg s24;
	s15 =	simm.s32 $0x2  }
0x11: {  	[dreg:$0x10] =	wrdreg s25;
	s18 =	simm.s32 $0xB80;
	s19 =	simm.s32 $0x480  }
0x12: {  	s20 =	simm.s32 $0xC00;
	s21 =	simm.s32 $0x500;
	s22 =	simm.s32 $0xC80  }
0x13: {  	s23 =	simm.s32 $0x580;
	s25 =	simm.s32 $0xD00;
	s24 =	simm.s32 $0x0  }
0x14: {  	s5 =	sadd.s32 s5, s4;
	s10 =	sadd.s32 s0, s4;
	s11 =	sshrl.u32 s9, $0x1  }
0x15: {  	s7 =	sshrl.u32 s7, $0x2;
	s4 =	sadd.s32 s8, s4;
	s26 =	ssub.s32 s9, s11  }
0x16: {  	s7 =	sadd.s32 s7, s2;
	s10 =	sadd.s32 $0x1AE00, s10;
	s11 =	sshll.u32 s12, $0x6  }
0x17: {  	s5 =	sadd.s32 $0x10E00, s5;
	s12 =	simm.s32 $0x800;
	[dreg:$0x12] =	wrdreg s10  }
0x18: {  	s6 =	sadd.s32 s1, s6;
	s9 =	simm.s32 $0x5;
	[dreg:$0x4] =	wrdreg s5  }
0x19: {  	s1 =	simm.s32 $0x780;
	s17 =	sor.u32 $0x1C05, s11;
	[dreg:$0x5] =	wrdreg s12  }
0x1a: {  	s4 =	sadd.s32 $0x42600, s4;
	s16 =	smax.u32 s26, $0x1;
	s8 =	sshrl.u32 s7, $0x3  }
0x1b: {  	s10 =	simm.s32 $0x80;
	s26 =	simm.s32 $0xB00;
	[dreg:$0x14] =	wrdreg s16  }
0x1c: {  	s11 =	simm.s32 $0x1000;
	s12 =	simm.s32 $0x5000;
	[dreg:$0x11] =	wrdreg s26  }
0x1d: {  	s7 =	simm.s32 $0xF80;
	s16 =	simm.s32 $0x4;
	[dreg:$0x13] =	wrdreg s17  }
0x1e: {  	s0 =	sadd.s32 s0, s4;
	s26 =	simm.s32 $0x600;
	[dreg:$0x15] =	wrdreg s8  }
0x1f: {  	s4 =	simm.s32 $0xF00;
	[dreg:$0x16] =	wrdreg s0;
	s0 =	simm.s32 $0xE80  }
.LBB2_1:
0x20: {  	[dreg:$0x17] =	wrdreg s24  }
0x21: {  	s5 =	rddreg [dreg:$0x12]  }
0x22: {  	[spmem:s8], [sflag:s17] =	dma.local [hbm:s5], $0x2780  }
0x23: {  	_ =	swait.ge [sflag:s9], $0x2780  }
0x24: {  	[sflag:s9] =	ssyncset.done $0x0  }
0x25: {  	[sflag:s9] =	ssyncadd.s32 $0xFFFFD880  }
0x26: {  	[bflag:$0x0] =	sbarrier.arrive $0xFFFF  }
0x27: {  	s8 =	rddreg [dreg:$0x4]  }
0x28: {  	s5 =	sadd.s32 $0x0, s8  }
0x29: {  	[tilespmem:s3], [sflag:$0x5] =	stream.linear.gather [hbm4b:s5+s3], $0x1000, $0x38;
	[tilespmem:$0x1CC00] =	vst v63  }
0x2a: {  	_ =	swait.ge [sflag:s9], $0x1000  }
0x2b: {  	[sflag:s9] =	ssyncset.done $0x0  }
0x2c: {  	[sflag:s9] =	ssyncadd.s32 $0xFFFFF000  }
0x2d: {  	[tilespmem:s11], [sflag:$0x1] =	stream.indirect.gather [hbm4b:s6+s10], $0x80, s3, s10, $0xb8;
	[tilespmem:$0x1CC00] =	vst v63  }
0x2e: {  	_ = 	snop  }
0x2f: {  	[tilespmem:s12], [sflag:$0x2] =	stream.indirect.gather [hbm4b:s6+s10], $0x80, s10, s10, $0xb8;
	[tilespmem:$0x1CC00] =	vst v63  }
0x30: {  	_ =	swait.ge [sflag:s13], $0x4000  }
0x31: {  	[sflag:s13] =	ssyncset.done $0x0  }
0x32: {  	s17 =	rddreg [dreg:$0x5];
	[sflag:s13] =	ssyncadd.s32 $0xFFFFC000  }
0x33: {  	[spmem:s2] =	stream.indirect.scatter.add.f32 [tilespmem:s11], [sflag:$0x3], $0x80, s17, s10, $0xb8;
	[tilespmem:$0x1CC00] =	vst v63  }
0x34: {  	_ =	swait.ge [sflag:s14], $0x4000  }
0x35: {  	[sflag:s14] =	ssyncset.done $0x0  }
0x36: {  	s24 =	rddreg [dreg:$0x6];
	[sflag:s14] =	ssyncadd.s32 $0xFFFFC000  }
0x37: {  	[tilespmem:s11], [sflag:$0x1] =	stream.indirect.gather [hbm4b:s6+s10], $0x80, s24, s10, $0xb8;
	[tilespmem:$0x1CC00] =	vst v63  }
0x38: {  	_ =	swait.ge [sflag:s15], $0x4000  }
0x39: {  	[sflag:s15] =	ssyncset.done $0x0  }
0x3a: {  	s8 =	rddreg [dreg:$0x7];
	[sflag:s15] =	ssyncadd.s32 $0xFFFFC000  }
0x3b: {  	[spmem:s2] =	stream.indirect.scatter.add.f32 [tilespmem:s12], [sflag:$0x4], $0x80, s8, s10, $0xb8;
	[tilespmem:$0x1CC00] =	vst v63  }
0x3c: {  	_ =	swait.ge [sflag:s16], $0x4000  }
0x3d: {  	[sflag:s16] =	ssyncset.done $0x0  }
0x3e: {  	s17 =	rddreg [dreg:$0x8];
	[sflag:s16] =	ssyncadd.s32 $0xFFFFC000  }
0x3f: {  	[tilespmem:s12], [sflag:$0x2] =	stream.indirect.gather [hbm4b:s6+s10], $0x80, s17, s10, $0xb8;
	[tilespmem:$0x1CC00] =	vst v63  }
0x40: {  	_ =	swait.ge [sflag:s13], $0x4000  }
0x41: {  	[sflag:s13] =	ssyncset.done $0x0  }
0x42: {  	s24 =	rddreg [dreg:$0x9];
	[sflag:s13] =	ssyncadd.s32 $0xFFFFC000  }
0x43: {  	[spmem:s2] =	stream.indirect.scatter.add.f32 [tilespmem:s11], [sflag:$0x3], $0x80, s24, s10, $0xb8;
	[tilespmem:$0x1CC00] =	vst v63  }
0x44: {  	_ =	swait.ge [sflag:s14], $0x4000  }
0x45: {  	[sflag:s14] =	ssyncset.done $0x0  }
0x46: {  	s8 =	rddreg [dreg:$0xa];
	[sflag:s14] =	ssyncadd.s32 $0xFFFFC000  }
0x47: {  	[tilespmem:s11], [sflag:$0x1] =	stream.indirect.gather [hbm4b:s6+s10], $0x80, s8, s10, $0xb8;
	[tilespmem:$0x1CC00] =	vst v63  }
0x48: {  	_ =	swait.ge [sflag:s15], $0x4000  }
0x49: {  	[sflag:s15] =	ssyncset.done $0x0  }
0x4a: {  	s17 =	rddreg [dreg:$0xb];
	[sflag:s15] =	ssyncadd.s32 $0xFFFFC000  }
0x4b: {  	[spmem:s2] =	stream.indirect.scatter.add.f32 [tilespmem:s12], [sflag:$0x4], $0x80, s17, s10, $0xb8;
	[tilespmem:$0x1CC00] =	vst v63  }
0x4c: {  	_ =	swait.ge [sflag:s16], $0x4000  }
0x4d: {  	[sflag:s16] =	ssyncset.done $0x0  }
0x4e: {  	s24 =	rddreg [dreg:$0xc];
	[sflag:s16] =	ssyncadd.s32 $0xFFFFC000  }
0x4f: {  	[tilespmem:s12], [sflag:$0x2] =	stream.indirect.gather [hbm4b:s6+s10], $0x80, s24, s10, $0xb8;
	[tilespmem:$0x1CC00] =	vst v63  }
0x50: {  	_ =	swait.ge [sflag:s13], $0x4000  }
0x51: {  	[sflag:s13] =	ssyncset.done $0x0  }
0x52: {  	s8 =	rddreg [dreg:$0xd];
	[sflag:s13] =	ssyncadd.s32 $0xFFFFC000  }
0x53: {  	[spmem:s2] =	stream.indirect.scatter.add.f32 [tilespmem:s11], [sflag:$0x3], $0x80, s8, s10, $0xb8;
	[tilespmem:$0x1CC00] =	vst v63  }
0x54: {  	_ =	swait.ge [sflag:s14], $0x4000  }
0x55: {  	[sflag:s14] =	ssyncset.done $0x0  }
0x56: {  	s17 =	rddreg [dreg:$0xe];
	[sflag:s14] =	ssyncadd.s32 $0xFFFFC000  }
0x57: {  	[tilespmem:s11], [sflag:$0x1] =	stream.indirect.gather [hbm4b:s6+s10], $0x80, s17, s10, $0xb8;
	[tilespmem:$0x1CC00] =	vst v63  }
0x58: {  	_ =	swait.ge [sflag:s15], $0x4000  }
0x59: {  	[sflag:s15] =	ssyncset.done $0x0  }
0x5a: {  	s24 =	rddreg [dreg:$0xf];
	[sflag:s15] =	ssyncadd.s32 $0xFFFFC000  }
0x5b: {  	[spmem:s2] =	stream.indirect.scatter.add.f32 [tilespmem:s12], [sflag:$0x4], $0x80, s24, s10, $0xb8;
	[tilespmem:$0x1CC00] =	vst v63  }
0x5c: {  	_ =	swait.ge [sflag:s16], $0x4000  }
0x5d: {  	[sflag:s16] =	ssyncset.done $0x0  }
0x5e: {  	s8 =	rddreg [dreg:$0x10];
	[sflag:s16] =	ssyncadd.s32 $0xFFFFC000  }
0x5f: {  	[tilespmem:s12], [sflag:$0x2] =	stream.indirect.gather [hbm4b:s6+s10], $0x80, s8, s10, $0xb8;
	[tilespmem:$0x1CC00] =	vst v63  }
0x60: {  	_ =	swait.ge [sflag:s13], $0x4000  }
0x61: {  	[sflag:s13] =	ssyncset.done $0x0  }
0x62: {  	s17 =	rddreg [dreg:$0x11];
	[sflag:s13] =	ssyncadd.s32 $0xFFFFC000  }
0x63: {  	[spmem:s2] =	stream.indirect.scatter.add.f32 [tilespmem:s11], [sflag:$0x3], $0x80, s17, s10, $0xb8;
	[tilespmem:$0x1CC00] =	vst v63  }
0x64: {  	_ =	swait.ge [sflag:s14], $0x4000  }
0x65: {  	[sflag:s14] =	ssyncset.done $0x0  }
0x66: {  	s24 =	simm.s32 $0x400;
	[sflag:s14] =	ssyncadd.s32 $0xFFFFC000  }
0x67: {  	[tilespmem:s11], [sflag:$0x1] =	stream.indirect.gather [hbm4b:s6+s10], $0x80, s24, s10, $0xb8;
	[tilespmem:$0x1CC00] =	vst v63  }
0x68: {  	_ =	swait.ge [sflag:s15], $0x4000  }
0x69: {  	[sflag:s15] =	ssyncset.done $0x0  }
0x6a: {  	[sflag:s15] =	ssyncadd.s32 $0xFFFFC000  }
0x6b: {  	[spmem:s2] =	stream.indirect.scatter.add.f32 [tilespmem:s12], [sflag:$0x4], $0x80, s18, s10, $0xb8;
	[tilespmem:$0x1CC00] =	vst v63  }
0x6c: {  	_ =	swait.ge [sflag:s16], $0x4000  }
0x6d: {  	[sflag:s16] =	ssyncset.done $0x0  }
0x6e: {  	[sflag:s16] =	ssyncadd.s32 $0xFFFFC000  }
0x6f: {  	[tilespmem:s12], [sflag:$0x2] =	stream.indirect.gather [hbm4b:s6+s10], $0x80, s19, s10, $0xb8;
	[tilespmem:$0x1CC00] =	vst v63  }
0x70: {  	_ =	swait.ge [sflag:s13], $0x4000  }
0x71: {  	[sflag:s13] =	ssyncset.done $0x0  }
0x72: {  	[sflag:s13] =	ssyncadd.s32 $0xFFFFC000  }
0x73: {  	[spmem:s2] =	stream.indirect.scatter.add.f32 [tilespmem:s11], [sflag:$0x3], $0x80, s20, s10, $0xb8;
	[tilespmem:$0x1CC00] =	vst v63  }
0x74: {  	_ =	swait.ge [sflag:s14], $0x4000  }
0x75: {  	[sflag:s14] =	ssyncset.done $0x0  }
0x76: {  	[sflag:s14] =	ssyncadd.s32 $0xFFFFC000  }
0x77: {  	[tilespmem:s11], [sflag:$0x1] =	stream.indirect.gather [hbm4b:s6+s10], $0x80, s21, s10, $0xb8;
	[tilespmem:$0x1CC00] =	vst v63  }
0x78: {  	_ =	swait.ge [sflag:s15], $0x4000  }
0x79: {  	[sflag:s15] =	ssyncset.done $0x0  }
0x7a: {  	[sflag:s15] =	ssyncadd.s32 $0xFFFFC000  }
0x7b: {  	[spmem:s2] =	stream.indirect.scatter.add.f32 [tilespmem:s12], [sflag:$0x4], $0x80, s22, s10, $0xb8;
	[tilespmem:$0x1CC00] =	vst v63  }
0x7c: {  	_ =	swait.ge [sflag:s16], $0x4000  }
0x7d: {  	[sflag:s16] =	ssyncset.done $0x0  }
0x7e: {  	[sflag:s16] =	ssyncadd.s32 $0xFFFFC000  }
0x7f: {  	[tilespmem:s12], [sflag:$0x2] =	stream.indirect.gather [hbm4b:s6+s10], $0x80, s23, s10, $0xb8;
	[tilespmem:$0x1CC00] =	vst v63  }
0x80: {  	_ =	swait.ge [sflag:s13], $0x4000  }
0x81: {  	[sflag:s13] =	ssyncset.done $0x0  }
0x82: {  	[sflag:s13] =	ssyncadd.s32 $0xFFFFC000  }
0x83: {  	[spmem:s2] =	stream.indirect.scatter.add.f32 [tilespmem:s11], [sflag:$0x3], $0x80, s25, s10, $0xb8;
	[tilespmem:$0x1CC00] =	vst v63  }
0x84: {  	_ =	swait.ge [sflag:s14], $0x4000  }
0x85: {  	[sflag:s14] =	ssyncset.done $0x0  }
0x86: {  	[sflag:s14] =	ssyncadd.s32 $0xFFFFC000  }
0x87: {  	[tilespmem:s11], [sflag:$0x1] =	stream.indirect.gather [hbm4b:s6+s10], $0x80, s26, s10, $0xb8;
	[tilespmem:$0x1CC00] =	vst v63  }
0x88: {  	_ =	swait.ge [sflag:s15], $0x4000  }
0x89: {  	[sflag:s15] =	ssyncset.done $0x0  }
0x8a: {  	[sflag:s15] =	ssyncadd.s32 $0xFFFFC000  }
0x8b: {  	[spmem:s2] =	stream.indirect.scatter.add.f32 [tilespmem:s12], [sflag:$0x4], $0x80, s28, s10, $0xb8;
	[tilespmem:$0x1CC00] =	vst v63  }
0x8c: {  	_ =	swait.ge [sflag:s16], $0x4000  }
0x8d: {  	[sflag:s16] =	ssyncset.done $0x0  }
0x8e: {  	[sflag:s16] =	ssyncadd.s32 $0xFFFFC000  }
0x8f: {  	[tilespmem:s12], [sflag:$0x2] =	stream.indirect.gather [hbm4b:s6+s10], $0x80, s29, s10, $0xb8;
	[tilespmem:$0x1CC00] =	vst v63  }
0x90: {  	_ =	swait.ge [sflag:s13], $0x4000  }
0x91: {  	[sflag:s13] =	ssyncset.done $0x0  }
0x92: {  	[sflag:s13] =	ssyncadd.s32 $0xFFFFC000  }
0x93: {  	[spmem:s2] =	stream.indirect.scatter.add.f32 [tilespmem:s11], [sflag:$0x3], $0x80, s30, s10, $0xb8;
	[tilespmem:$0x1CC00] =	vst v63  }
0x94: {  	_ =	swait.ge [sflag:s14], $0x4000  }
0x95: {  	[sflag:s14] =	ssyncset.done $0x0  }
0x96: {  	[sflag:s14] =	ssyncadd.s32 $0xFFFFC000  }
0x97: {  	[tilespmem:s11], [sflag:$0x1] =	stream.indirect.gather [hbm4b:s6+s10], $0x80, s31, s10, $0xb8;
	[tilespmem:$0x1CC00] =	vst v63  }
0x98: {  	_ =	swait.ge [sflag:s15], $0x4000  }
0x99: {  	[sflag:s15] =	ssyncset.done $0x0  }
0x9a: {  	[sflag:s15] =	ssyncadd.s32 $0xFFFFC000  }
0x9b: {  	[spmem:s2] =	stream.indirect.scatter.add.f32 [tilespmem:s12], [sflag:$0x4], $0x80, s0, s10, $0xb8;
	[tilespmem:$0x1CC00] =	vst v63  }
0x9c: {  	_ =	swait.ge [sflag:s16], $0x4000  }
0x9d: {  	[sflag:s16] =	ssyncset.done $0x0  }
0x9e: {  	[sflag:s16] =	ssyncadd.s32 $0xFFFFC000  }
0x9f: {  	[tilespmem:s12], [sflag:$0x2] =	stream.indirect.gather [hbm4b:s6+s10], $0x80, s1, s10, $0xb8;
	[tilespmem:$0x1CC00] =	vst v63  }
0xa0: {  	_ =	swait.ge [sflag:s13], $0x4000  }
0xa1: {  	[sflag:s13] =	ssyncset.done $0x0  }
0xa2: {  	[sflag:s13] =	ssyncadd.s32 $0xFFFFC000  }
0xa3: {  	[spmem:s2] =	stream.indirect.scatter.add.f32 [tilespmem:s11], [sflag:$0x3], $0x80, s4, s10, $0xb8;
	[tilespmem:$0x1CC00] =	vst v63  }
0xa4: {  	_ =	swait.ge [sflag:s15], $0x4000  }
0xa5: {  	[sflag:s15] =	ssyncset.done $0x0  }
0xa6: {  	[sflag:s15] =	ssyncadd.s32 $0xFFFFC000  }
0xa7: {  	[spmem:s2] =	stream.indirect.scatter.add.f32 [tilespmem:s12], [sflag:$0x4], $0x80, s7, s10, $0xb8;
	[tilespmem:$0x1CC00] =	vst v63  }
0xa8: {  	_ =	swait.ge [sflag:s14], $0x4000  }
0xa9: {  	[sflag:s14] =	ssyncset.done $0x0  }
0xaa: {  	[sflag:s14] =	ssyncadd.s32 $0xFFFFC000  }
0xab: {  	s5 =	simm.s32 $0x200;
	_ =	swait.ge [sflag:s16], $0x4000  }
0xac: {  	s8 =	simm.s32 $0x400;
	s24 =	rddreg [dreg:$0x4];
	[sflag:s16] =	ssyncset.done $0x0  }
.LBB2_2:
0xad: {  	[sflag:s16] =	ssyncadd.s32 $0xFFFFC000;
	s24 =	sadd.s32 s5, s24  }
0xae: {  	[tilespmem:s3], [sflag:$0x5] =	stream.linear.gather [hbm4b:s24+s3], $0x1000, $0x38;
	[tilespmem:$0x1CC00] =	vst v63  }
0xaf: {  	_ =	swait.ge [sflag:s9], $0x1000  }
0xb0: {  	[sflag:s9] =	ssyncset.done $0x0  }
0xb1: {  	[sflag:s9] =	ssyncadd.s32 $0xFFFFF000  }
0xb2: {  	[tilespmem:s11], [sflag:$0x1] =	stream.indirect.gather [hbm4b:s6+s10], $0x80, s3, s10, $0xb8;
	[tilespmem:$0x1CC00] =	vst v63  }
0xb3: {  	_ = 	snop  }
0xb4: {  	[tilespmem:s12], [sflag:$0x2] =	stream.indirect.gather [hbm4b:s6+s10], $0x80, s10, s10, $0xb8;
	[tilespmem:$0x1CC00] =	vst v63  }
0xb5: {  	_ =	swait.ge [sflag:s13], $0x4000  }
0xb6: {  	[sflag:s13] =	ssyncset.done $0x0  }
0xb7: {  	s24 =	rddreg [dreg:$0x5];
	[sflag:s13] =	ssyncadd.s32 $0xFFFFC000  }
0xb8: {  	[spmem:s2] =	stream.indirect.scatter.add.f32 [tilespmem:s11], [sflag:$0x3], $0x80, s24, s10, $0xb8;
	[tilespmem:$0x1CC00] =	vst v63  }
0xb9: {  	_ =	swait.ge [sflag:s14], $0x4000  }
0xba: {  	[sflag:s14] =	ssyncset.done $0x0  }
0xbb: {  	s24 =	rddreg [dreg:$0x6];
	[sflag:s14] =	ssyncadd.s32 $0xFFFFC000  }
0xbc: {  	[tilespmem:s11], [sflag:$0x1] =	stream.indirect.gather [hbm4b:s6+s10], $0x80, s24, s10, $0xb8;
	[tilespmem:$0x1CC00] =	vst v63  }
0xbd: {  	_ =	swait.ge [sflag:s15], $0x4000  }
0xbe: {  	[sflag:s15] =	ssyncset.done $0x0  }
0xbf: {  	s24 =	rddreg [dreg:$0x7];
	[sflag:s15] =	ssyncadd.s32 $0xFFFFC000  }
0xc0: {  	[spmem:s2] =	stream.indirect.scatter.add.f32 [tilespmem:s12], [sflag:$0x4], $0x80, s24, s10, $0xb8;
	[tilespmem:$0x1CC00] =	vst v63  }
0xc1: {  	_ =	swait.ge [sflag:s16], $0x4000  }
0xc2: {  	[sflag:s16] =	ssyncset.done $0x0  }
0xc3: {  	s24 =	rddreg [dreg:$0x8];
	[sflag:s16] =	ssyncadd.s32 $0xFFFFC000  }
0xc4: {  	[tilespmem:s12], [sflag:$0x2] =	stream.indirect.gather [hbm4b:s6+s10], $0x80, s24, s10, $0xb8;
	[tilespmem:$0x1CC00] =	vst v63  }
0xc5: {  	_ =	swait.ge [sflag:s13], $0x4000  }
0xc6: {  	[sflag:s13] =	ssyncset.done $0x0  }
0xc7: {  	s24 =	rddreg [dreg:$0x9];
	[sflag:s13] =	ssyncadd.s32 $0xFFFFC000  }
0xc8: {  	[spmem:s2] =	stream.indirect.scatter.add.f32 [tilespmem:s11], [sflag:$0x3], $0x80, s24, s10, $0xb8;
	[tilespmem:$0x1CC00] =	vst v63  }
0xc9: {  	_ =	swait.ge [sflag:s14], $0x4000  }
0xca: {  	[sflag:s14] =	ssyncset.done $0x0  }
0xcb: {  	s24 =	rddreg [dreg:$0xa];
	[sflag:s14] =	ssyncadd.s32 $0xFFFFC000  }
0xcc: {  	[tilespmem:s11], [sflag:$0x1] =	stream.indirect.gather [hbm4b:s6+s10], $0x80, s24, s10, $0xb8;
	[tilespmem:$0x1CC00] =	vst v63  }
0xcd: {  	_ =	swait.ge [sflag:s15], $0x4000  }
0xce: {  	[sflag:s15] =	ssyncset.done $0x0  }
0xcf: {  	s24 =	rddreg [dreg:$0xb];
	[sflag:s15] =	ssyncadd.s32 $0xFFFFC000  }
0xd0: {  	[spmem:s2] =	stream.indirect.scatter.add.f32 [tilespmem:s12], [sflag:$0x4], $0x80, s24, s10, $0xb8;
	[tilespmem:$0x1CC00] =	vst v63  }
0xd1: {  	_ =	swait.ge [sflag:s16], $0x4000  }
0xd2: {  	[sflag:s16] =	ssyncset.done $0x0  }
0xd3: {  	s24 =	rddreg [dreg:$0xc];
	[sflag:s16] =	ssyncadd.s32 $0xFFFFC000  }
0xd4: {  	[tilespmem:s12], [sflag:$0x2] =	stream.indirect.gather [hbm4b:s6+s10], $0x80, s24, s10, $0xb8;
	[tilespmem:$0x1CC00] =	vst v63  }
0xd5: {  	_ =	swait.ge [sflag:s13], $0x4000  }
0xd6: {  	[sflag:s13] =	ssyncset.done $0x0  }
0xd7: {  	s24 =	rddreg [dreg:$0xd];
	[sflag:s13] =	ssyncadd.s32 $0xFFFFC000  }
0xd8: {  	[spmem:s2] =	stream.indirect.scatter.add.f32 [tilespmem:s11], [sflag:$0x3], $0x80, s24, s10, $0xb8;
	[tilespmem:$0x1CC00] =	vst v63  }
0xd9: {  	_ =	swait.ge [sflag:s14], $0x4000  }
0xda: {  	[sflag:s14] =	ssyncset.done $0x0  }
0xdb: {  	s24 =	rddreg [dreg:$0xe];
	[sflag:s14] =	ssyncadd.s32 $0xFFFFC000  }
0xdc: {  	[tilespmem:s11], [sflag:$0x1] =	stream.indirect.gather [hbm4b:s6+s10], $0x80, s24, s10, $0xb8;
	[tilespmem:$0x1CC00] =	vst v63  }
0xdd: {  	_ =	swait.ge [sflag:s15], $0x4000  }
0xde: {  	[sflag:s15] =	ssyncset.done $0x0  }
0xdf: {  	s24 =	rddreg [dreg:$0xf];
	[sflag:s15] =	ssyncadd.s32 $0xFFFFC000  }
0xe0: {  	[spmem:s2] =	stream.indirect.scatter.add.f32 [tilespmem:s12], [sflag:$0x4], $0x80, s24, s10, $0xb8;
	[tilespmem:$0x1CC00] =	vst v63  }
0xe1: {  	_ =	swait.ge [sflag:s16], $0x4000  }
0xe2: {  	[sflag:s16] =	ssyncset.done $0x0  }
0xe3: {  	s24 =	rddreg [dreg:$0x10];
	[sflag:s16] =	ssyncadd.s32 $0xFFFFC000  }
0xe4: {  	[tilespmem:s12], [sflag:$0x2] =	stream.indirect.gather [hbm4b:s6+s10], $0x80, s24, s10, $0xb8;
	[tilespmem:$0x1CC00] =	vst v63  }
0xe5: {  	_ =	swait.ge [sflag:s13], $0x4000  }
0xe6: {  	[sflag:s13] =	ssyncset.done $0x0  }
0xe7: {  	s24 =	rddreg [dreg:$0x11];
	[sflag:s13] =	ssyncadd.s32 $0xFFFFC000  }
0xe8: {  	[spmem:s2] =	stream.indirect.scatter.add.f32 [tilespmem:s11], [sflag:$0x3], $0x80, s24, s10, $0xb8;
	[tilespmem:$0x1CC00] =	vst v63  }
0xe9: {  	_ =	swait.ge [sflag:s14], $0x4000  }
0xea: {  	[sflag:s14] =	ssyncset.done $0x0  }
0xeb: {  	s24 =	simm.s32 $0x400;
	[sflag:s14] =	ssyncadd.s32 $0xFFFFC000  }
0xec: {  	[tilespmem:s11], [sflag:$0x1] =	stream.indirect.gather [hbm4b:s6+s10], $0x80, s24, s10, $0xb8;
	[tilespmem:$0x1CC00] =	vst v63  }
0xed: {  	_ =	swait.ge [sflag:s15], $0x4000  }
0xee: {  	[sflag:s15] =	ssyncset.done $0x0  }
0xef: {  	[sflag:s15] =	ssyncadd.s32 $0xFFFFC000  }
0xf0: {  	[spmem:s2] =	stream.indirect.scatter.add.f32 [tilespmem:s12], [sflag:$0x4], $0x80, s18, s10, $0xb8;
	[tilespmem:$0x1CC00] =	vst v63  }
0xf1: {  	_ =	swait.ge [sflag:s16], $0x4000  }
0xf2: {  	[sflag:s16] =	ssyncset.done $0x0  }
0xf3: {  	[sflag:s16] =	ssyncadd.s32 $0xFFFFC000  }
0xf4: {  	[tilespmem:s12], [sflag:$0x2] =	stream.indirect.gather [hbm4b:s6+s10], $0x80, s19, s10, $0xb8;
	[tilespmem:$0x1CC00] =	vst v63  }
0xf5: {  	_ =	swait.ge [sflag:s13], $0x4000  }
0xf6: {  	[sflag:s13] =	ssyncset.done $0x0  }
0xf7: {  	[sflag:s13] =	ssyncadd.s32 $0xFFFFC000  }
0xf8: {  	[spmem:s2] =	stream.indirect.scatter.add.f32 [tilespmem:s11], [sflag:$0x3], $0x80, s20, s10, $0xb8;
	[tilespmem:$0x1CC00] =	vst v63  }
0xf9: {  	_ =	swait.ge [sflag:s14], $0x4000  }
0xfa: {  	[sflag:s14] =	ssyncset.done $0x0  }
0xfb: {  	[sflag:s14] =	ssyncadd.s32 $0xFFFFC000  }
0xfc: {  	[tilespmem:s11], [sflag:$0x1] =	stream.indirect.gather [hbm4b:s6+s10], $0x80, s21, s10, $0xb8;
	[tilespmem:$0x1CC00] =	vst v63  }
0xfd: {  	_ =	swait.ge [sflag:s15], $0x4000  }
0xfe: {  	[sflag:s15] =	ssyncset.done $0x0  }
0xff: {  	[sflag:s15] =	ssyncadd.s32 $0xFFFFC000  }
0x100: {  	[spmem:s2] =	stream.indirect.scatter.add.f32 [tilespmem:s12], [sflag:$0x4], $0x80, s22, s10, $0xb8;
	[tilespmem:$0x1CC00] =	vst v63  }
0x101: {  	_ =	swait.ge [sflag:s16], $0x4000  }
0x102: {  	[sflag:s16] =	ssyncset.done $0x0  }
0x103: {  	[sflag:s16] =	ssyncadd.s32 $0xFFFFC000  }
0x104: {  	[tilespmem:s12], [sflag:$0x2] =	stream.indirect.gather [hbm4b:s6+s10], $0x80, s23, s10, $0xb8;
	[tilespmem:$0x1CC00] =	vst v63  }
0x105: {  	_ =	swait.ge [sflag:s13], $0x4000  }
0x106: {  	[sflag:s13] =	ssyncset.done $0x0  }
0x107: {  	[sflag:s13] =	ssyncadd.s32 $0xFFFFC000  }
0x108: {  	[spmem:s2] =	stream.indirect.scatter.add.f32 [tilespmem:s11], [sflag:$0x3], $0x80, s25, s10, $0xb8;
	[tilespmem:$0x1CC00] =	vst v63  }
0x109: {  	_ =	swait.ge [sflag:s14], $0x4000  }
0x10a: {  	[sflag:s14] =	ssyncset.done $0x0  }
0x10b: {  	[sflag:s14] =	ssyncadd.s32 $0xFFFFC000  }
0x10c: {  	[tilespmem:s11], [sflag:$0x1] =	stream.indirect.gather [hbm4b:s6+s10], $0x80, s26, s10, $0xb8;
	[tilespmem:$0x1CC00] =	vst v63  }
0x10d: {  	_ =	swait.ge [sflag:s15], $0x4000  }
0x10e: {  	[sflag:s15] =	ssyncset.done $0x0  }
0x10f: {  	[sflag:s15] =	ssyncadd.s32 $0xFFFFC000  }
0x110: {  	[spmem:s2] =	stream.indirect.scatter.add.f32 [tilespmem:s12], [sflag:$0x4], $0x80, s28, s10, $0xb8;
	[tilespmem:$0x1CC00] =	vst v63  }
0x111: {  	_ =	swait.ge [sflag:s16], $0x4000  }
0x112: {  	[sflag:s16] =	ssyncset.done $0x0  }
0x113: {  	[sflag:s16] =	ssyncadd.s32 $0xFFFFC000  }
0x114: {  	[tilespmem:s12], [sflag:$0x2] =	stream.indirect.gather [hbm4b:s6+s10], $0x80, s29, s10, $0xb8;
	[tilespmem:$0x1CC00] =	vst v63  }
0x115: {  	_ =	swait.ge [sflag:s13], $0x4000  }
0x116: {  	[sflag:s13] =	ssyncset.done $0x0  }
0x117: {  	[sflag:s13] =	ssyncadd.s32 $0xFFFFC000  }
0x118: {  	[spmem:s2] =	stream.indirect.scatter.add.f32 [tilespmem:s11], [sflag:$0x3], $0x80, s30, s10, $0xb8;
	[tilespmem:$0x1CC00] =	vst v63  }
0x119: {  	_ =	swait.ge [sflag:s14], $0x4000  }
0x11a: {  	[sflag:s14] =	ssyncset.done $0x0  }
0x11b: {  	[sflag:s14] =	ssyncadd.s32 $0xFFFFC000  }
0x11c: {  	[tilespmem:s11], [sflag:$0x1] =	stream.indirect.gather [hbm4b:s6+s10], $0x80, s31, s10, $0xb8;
	[tilespmem:$0x1CC00] =	vst v63  }
0x11d: {  	_ =	swait.ge [sflag:s15], $0x4000  }
0x11e: {  	[sflag:s15] =	ssyncset.done $0x0  }
0x11f: {  	[sflag:s15] =	ssyncadd.s32 $0xFFFFC000  }
0x120: {  	[spmem:s2] =	stream.indirect.scatter.add.f32 [tilespmem:s12], [sflag:$0x4], $0x80, s0, s10, $0xb8;
	[tilespmem:$0x1CC00] =	vst v63  }
0x121: {  	_ =	swait.ge [sflag:s16], $0x4000  }
0x122: {  	[sflag:s16] =	ssyncset.done $0x0  }
0x123: {  	[sflag:s16] =	ssyncadd.s32 $0xFFFFC000  }
0x124: {  	[tilespmem:s12], [sflag:$0x2] =	stream.indirect.gather [hbm4b:s6+s10], $0x80, s1, s10, $0xb8;
	[tilespmem:$0x1CC00] =	vst v63  }
0x125: {  	_ =	swait.ge [sflag:s13], $0x4000  }
0x126: {  	[sflag:s13] =	ssyncset.done $0x0  }
0x127: {  	[sflag:s13] =	ssyncadd.s32 $0xFFFFC000  }
0x128: {  	[spmem:s2] =	stream.indirect.scatter.add.f32 [tilespmem:s11], [sflag:$0x3], $0x80, s4, s10, $0xb8;
	[tilespmem:$0x1CC00] =	vst v63  }
0x129: {  	_ =	swait.ge [sflag:s15], $0x4000  }
0x12a: {  	[sflag:s15] =	ssyncset.done $0x0  }
0x12b: {  	p0 =	sne.s32 s8, $0x800;
	[sflag:s15] =	ssyncadd.s32 $0xFFFFC000  }
0x12c: {  	[spmem:s2] =	stream.indirect.scatter.add.f32 [tilespmem:s12], [sflag:$0x4], $0x80, s7, s10, $0xb8;
	[tilespmem:$0x1CC00] =	vst v63  }
.Ltmp0:
0x12d: {  	_ =	swait.ge [sflag:s14], $0x4000;
	(pc) =	sbr.rel @p0 .LBB2_2-.Ltmp0, $4  }
0x12e: {  	[sflag:s14] =	ssyncset.done $0x0  }
0x12f: {  	[sflag:s14] =	ssyncadd.s32 $0xFFFFC000  }
0x130: {  	s17 =	smov.u32 s8;
	s8 =	sadd.s32 $0x200, s8;
	_ =	swait.ge [sflag:s16], $0x4000  }
0x131: {  	s5 =	smov.u32 s17;
	s24 =	rddreg [dreg:$0x4];
	[sflag:s16] =	ssyncset.done $0x0  }
0x132: {  	s5 =	sadd.s32 s5, s24;
	[sflag:s16] =	ssyncadd.s32 $0xFFFFC000  }
0x133: {  	[tilespmem:s3], [sflag:$0x5] =	stream.linear.gather [hbm4b:s5+s3], $0x1000, $0x38;
	[tilespmem:$0x1CC00] =	vst v63  }
0x134: {  	_ =	swait.ge [sflag:s9], $0x1000  }
0x135: {  	[sflag:s9] =	ssyncset.done $0x0  }
0x136: {  	[sflag:s9] =	ssyncadd.s32 $0xFFFFF000  }
0x137: {  	[tilespmem:s11], [sflag:$0x1] =	stream.indirect.gather [hbm4b:s6+s10], $0x80, s3, s10, $0xb8;
	[tilespmem:$0x1CC00] =	vst v63  }
0x138: {  	_ = 	snop  }
0x139: {  	[tilespmem:s12], [sflag:$0x2] =	stream.indirect.gather [hbm4b:s6+s10], $0x80, s10, s10, $0xb8;
	[tilespmem:$0x1CC00] =	vst v63  }
0x13a: {  	_ =	swait.ge [sflag:s13], $0x4000  }
0x13b: {  	[sflag:s13] =	ssyncset.done $0x0  }
0x13c: {  	s8 =	rddreg [dreg:$0x5];
	[sflag:s13] =	ssyncadd.s32 $0xFFFFC000  }
0x13d: {  	[spmem:s2] =	stream.indirect.scatter.add.f32 [tilespmem:s11], [sflag:$0x3], $0x80, s8, s10, $0xb8;
	[tilespmem:$0x1CC00] =	vst v63  }
0x13e: {  	_ =	swait.ge [sflag:s14], $0x4000  }
0x13f: {  	[sflag:s14] =	ssyncset.done $0x0  }
0x140: {  	s17 =	rddreg [dreg:$0x6];
	[sflag:s14] =	ssyncadd.s32 $0xFFFFC000  }
0x141: {  	[tilespmem:s11], [sflag:$0x1] =	stream.indirect.gather [hbm4b:s6+s10], $0x80, s17, s10, $0xb8;
	[tilespmem:$0x1CC00] =	vst v63  }
0x142: {  	_ =	swait.ge [sflag:s15], $0x4000  }
0x143: {  	[sflag:s15] =	ssyncset.done $0x0  }
0x144: {  	s24 =	rddreg [dreg:$0x7];
	[sflag:s15] =	ssyncadd.s32 $0xFFFFC000  }
0x145: {  	[spmem:s2] =	stream.indirect.scatter.add.f32 [tilespmem:s12], [sflag:$0x4], $0x80, s24, s10, $0xb8;
	[tilespmem:$0x1CC00] =	vst v63  }
0x146: {  	_ =	swait.ge [sflag:s16], $0x4000  }
0x147: {  	[sflag:s16] =	ssyncset.done $0x0  }
0x148: {  	s8 =	rddreg [dreg:$0x8];
	[sflag:s16] =	ssyncadd.s32 $0xFFFFC000  }
0x149: {  	[tilespmem:s12], [sflag:$0x2] =	stream.indirect.gather [hbm4b:s6+s10], $0x80, s8, s10, $0xb8;
	[tilespmem:$0x1CC00] =	vst v63  }
0x14a: {  	_ =	swait.ge [sflag:s13], $0x4000  }
0x14b: {  	[sflag:s13] =	ssyncset.done $0x0  }
0x14c: {  	s17 =	rddreg [dreg:$0x9];
	[sflag:s13] =	ssyncadd.s32 $0xFFFFC000  }
0x14d: {  	[spmem:s2] =	stream.indirect.scatter.add.f32 [tilespmem:s11], [sflag:$0x3], $0x80, s17, s10, $0xb8;
	[tilespmem:$0x1CC00] =	vst v63  }
0x14e: {  	_ =	swait.ge [sflag:s14], $0x4000  }
0x14f: {  	[sflag:s14] =	ssyncset.done $0x0  }
0x150: {  	s24 =	rddreg [dreg:$0xa];
	[sflag:s14] =	ssyncadd.s32 $0xFFFFC000  }
0x151: {  	[tilespmem:s11], [sflag:$0x1] =	stream.indirect.gather [hbm4b:s6+s10], $0x80, s24, s10, $0xb8;
	[tilespmem:$0x1CC00] =	vst v63  }
0x152: {  	_ =	swait.ge [sflag:s15], $0x4000  }
0x153: {  	[sflag:s15] =	ssyncset.done $0x0  }
0x154: {  	s8 =	rddreg [dreg:$0xb];
	[sflag:s15] =	ssyncadd.s32 $0xFFFFC000  }
0x155: {  	[spmem:s2] =	stream.indirect.scatter.add.f32 [tilespmem:s12], [sflag:$0x4], $0x80, s8, s10, $0xb8;
	[tilespmem:$0x1CC00] =	vst v63  }
0x156: {  	_ =	swait.ge [sflag:s16], $0x4000  }
0x157: {  	[sflag:s16] =	ssyncset.done $0x0  }
0x158: {  	s17 =	rddreg [dreg:$0xc];
	[sflag:s16] =	ssyncadd.s32 $0xFFFFC000  }
0x159: {  	[tilespmem:s12], [sflag:$0x2] =	stream.indirect.gather [hbm4b:s6+s10], $0x80, s17, s10, $0xb8;
	[tilespmem:$0x1CC00] =	vst v63  }
0x15a: {  	_ =	swait.ge [sflag:s13], $0x4000  }
0x15b: {  	[sflag:s13] =	ssyncset.done $0x0  }
0x15c: {  	s24 =	rddreg [dreg:$0xd];
	[sflag:s13] =	ssyncadd.s32 $0xFFFFC000  }
0x15d: {  	[spmem:s2] =	stream.indirect.scatter.add.f32 [tilespmem:s11], [sflag:$0x3], $0x80, s24, s10, $0xb8;
	[tilespmem:$0x1CC00] =	vst v63  }
0x15e: {  	_ =	swait.ge [sflag:s14], $0x4000  }
0x15f: {  	[sflag:s14] =	ssyncset.done $0x0  }
0x160: {  	s8 =	rddreg [dreg:$0xe];
	[sflag:s14] =	ssyncadd.s32 $0xFFFFC000  }
0x161: {  	[tilespmem:s11], [sflag:$0x1] =	stream.indirect.gather [hbm4b:s6+s10], $0x80, s8, s10, $0xb8;
	[tilespmem:$0x1CC00] =	vst v63  }
0x162: {  	_ =	swait.ge [sflag:s15], $0x4000  }
0x163: {  	[sflag:s15] =	ssyncset.done $0x0  }
0x164: {  	s17 =	rddreg [dreg:$0xf];
	[sflag:s15] =	ssyncadd.s32 $0xFFFFC000  }
0x165: {  	[spmem:s2] =	stream.indirect.scatter.add.f32 [tilespmem:s12], [sflag:$0x4], $0x80, s17, s10, $0xb8;
	[tilespmem:$0x1CC00] =	vst v63  }
0x166: {  	_ =	swait.ge [sflag:s16], $0x4000  }
0x167: {  	[sflag:s16] =	ssyncset.done $0x0  }
0x168: {  	s24 =	rddreg [dreg:$0x10];
	[sflag:s16] =	ssyncadd.s32 $0xFFFFC000  }
0x169: {  	[tilespmem:s12], [sflag:$0x2] =	stream.indirect.gather [hbm4b:s6+s10], $0x80, s24, s10, $0xb8;
	[tilespmem:$0x1CC00] =	vst v63  }
0x16a: {  	_ =	swait.ge [sflag:s13], $0x4000  }
0x16b: {  	[sflag:s13] =	ssyncset.done $0x0  }
0x16c: {  	s8 =	rddreg [dreg:$0x11];
	[sflag:s13] =	ssyncadd.s32 $0xFFFFC000  }
0x16d: {  	[spmem:s2] =	stream.indirect.scatter.add.f32 [tilespmem:s11], [sflag:$0x3], $0x80, s8, s10, $0xb8;
	[tilespmem:$0x1CC00] =	vst v63  }
0x16e: {  	_ =	swait.ge [sflag:s14], $0x4000  }
0x16f: {  	[sflag:s14] =	ssyncset.done $0x0  }
0x170: {  	s17 =	simm.s32 $0x400;
	[sflag:s14] =	ssyncadd.s32 $0xFFFFC000  }
0x171: {  	[tilespmem:s11], [sflag:$0x1] =	stream.indirect.gather [hbm4b:s6+s10], $0x80, s17, s10, $0xb8;
	[tilespmem:$0x1CC00] =	vst v63  }
0x172: {  	_ =	swait.ge [sflag:s15], $0x4000  }
0x173: {  	[sflag:s15] =	ssyncset.done $0x0  }
0x174: {  	[sflag:s15] =	ssyncadd.s32 $0xFFFFC000  }
0x175: {  	[spmem:s2] =	stream.indirect.scatter.add.f32 [tilespmem:s12], [sflag:$0x4], $0x80, s18, s10, $0xb8;
	[tilespmem:$0x1CC00] =	vst v63  }
0x176: {  	_ =	swait.ge [sflag:s16], $0x4000  }
0x177: {  	[sflag:s16] =	ssyncset.done $0x0  }
0x178: {  	[sflag:s16] =	ssyncadd.s32 $0xFFFFC000  }
0x179: {  	[tilespmem:s12], [sflag:$0x2] =	stream.indirect.gather [hbm4b:s6+s10], $0x80, s19, s10, $0xb8;
	[tilespmem:$0x1CC00] =	vst v63  }
0x17a: {  	_ =	swait.ge [sflag:s13], $0x4000  }
0x17b: {  	[sflag:s13] =	ssyncset.done $0x0  }
0x17c: {  	[sflag:s13] =	ssyncadd.s32 $0xFFFFC000  }
0x17d: {  	[spmem:s2] =	stream.indirect.scatter.add.f32 [tilespmem:s11], [sflag:$0x3], $0x80, s20, s10, $0xb8;
	[tilespmem:$0x1CC00] =	vst v63  }
0x17e: {  	_ =	swait.ge [sflag:s14], $0x4000  }
0x17f: {  	[sflag:s14] =	ssyncset.done $0x0  }
0x180: {  	[sflag:s14] =	ssyncadd.s32 $0xFFFFC000  }
0x181: {  	[tilespmem:s11], [sflag:$0x1] =	stream.indirect.gather [hbm4b:s6+s10], $0x80, s21, s10, $0xb8;
	[tilespmem:$0x1CC00] =	vst v63  }
0x182: {  	_ =	swait.ge [sflag:s15], $0x4000  }
0x183: {  	[sflag:s15] =	ssyncset.done $0x0  }
0x184: {  	[sflag:s15] =	ssyncadd.s32 $0xFFFFC000  }
0x185: {  	[spmem:s2] =	stream.indirect.scatter.add.f32 [tilespmem:s12], [sflag:$0x4], $0x80, s22, s10, $0xb8;
	[tilespmem:$0x1CC00] =	vst v63  }
0x186: {  	_ =	swait.ge [sflag:s16], $0x4000  }
0x187: {  	[sflag:s16] =	ssyncset.done $0x0  }
0x188: {  	[sflag:s16] =	ssyncadd.s32 $0xFFFFC000  }
0x189: {  	[tilespmem:s12], [sflag:$0x2] =	stream.indirect.gather [hbm4b:s6+s10], $0x80, s23, s10, $0xb8;
	[tilespmem:$0x1CC00] =	vst v63  }
0x18a: {  	_ =	swait.ge [sflag:s13], $0x4000  }
0x18b: {  	[sflag:s13] =	ssyncset.done $0x0  }
0x18c: {  	[sflag:s13] =	ssyncadd.s32 $0xFFFFC000  }
0x18d: {  	[spmem:s2] =	stream.indirect.scatter.add.f32 [tilespmem:s11], [sflag:$0x3], $0x80, s25, s10, $0xb8;
	[tilespmem:$0x1CC00] =	vst v63  }
0x18e: {  	_ =	swait.ge [sflag:s14], $0x4000  }
0x18f: {  	[sflag:s14] =	ssyncset.done $0x0  }
0x190: {  	[sflag:s14] =	ssyncadd.s32 $0xFFFFC000  }
0x191: {  	[tilespmem:s11], [sflag:$0x1] =	stream.indirect.gather [hbm4b:s6+s10], $0x80, s26, s10, $0xb8;
	[tilespmem:$0x1CC00] =	vst v63  }
0x192: {  	_ =	swait.ge [sflag:s15], $0x4000  }
0x193: {  	[sflag:s15] =	ssyncset.done $0x0  }
0x194: {  	[sflag:s15] =	ssyncadd.s32 $0xFFFFC000  }
0x195: {  	[spmem:s2] =	stream.indirect.scatter.add.f32 [tilespmem:s12], [sflag:$0x4], $0x80, s28, s10, $0xb8;
	[tilespmem:$0x1CC00] =	vst v63  }
0x196: {  	_ =	swait.ge [sflag:s16], $0x4000  }
0x197: {  	[sflag:s16] =	ssyncset.done $0x0  }
0x198: {  	[sflag:s16] =	ssyncadd.s32 $0xFFFFC000  }
0x199: {  	[tilespmem:s12], [sflag:$0x2] =	stream.indirect.gather [hbm4b:s6+s10], $0x80, s29, s10, $0xb8;
	[tilespmem:$0x1CC00] =	vst v63  }
0x19a: {  	_ =	swait.ge [sflag:s13], $0x4000  }
0x19b: {  	[sflag:s13] =	ssyncset.done $0x0  }
0x19c: {  	[sflag:s13] =	ssyncadd.s32 $0xFFFFC000  }
0x19d: {  	[spmem:s2] =	stream.indirect.scatter.add.f32 [tilespmem:s11], [sflag:$0x3], $0x80, s30, s10, $0xb8;
	[tilespmem:$0x1CC00] =	vst v63  }
0x19e: {  	_ =	swait.ge [sflag:s14], $0x4000  }
0x19f: {  	[sflag:s14] =	ssyncset.done $0x0  }
0x1a0: {  	[sflag:s14] =	ssyncadd.s32 $0xFFFFC000  }
0x1a1: {  	[tilespmem:s11], [sflag:$0x1] =	stream.indirect.gather [hbm4b:s6+s10], $0x80, s31, s10, $0xb8;
	[tilespmem:$0x1CC00] =	vst v63  }
0x1a2: {  	_ =	swait.ge [sflag:s15], $0x4000  }
0x1a3: {  	[sflag:s15] =	ssyncset.done $0x0  }
0x1a4: {  	[sflag:s15] =	ssyncadd.s32 $0xFFFFC000  }
0x1a5: {  	[spmem:s2] =	stream.indirect.scatter.add.f32 [tilespmem:s12], [sflag:$0x4], $0x80, s0, s10, $0xb8;
	[tilespmem:$0x1CC00] =	vst v63  }
0x1a6: {  	_ =	swait.ge [sflag:s16], $0x4000  }
0x1a7: {  	[sflag:s16] =	ssyncset.done $0x0  }
0x1a8: {  	[sflag:s16] =	ssyncadd.s32 $0xFFFFC000  }
0x1a9: {  	[tilespmem:s12], [sflag:$0x2] =	stream.indirect.gather [hbm4b:s6+s10], $0x80, s1, s10, $0xb8;
	[tilespmem:$0x1CC00] =	vst v63  }
0x1aa: {  	_ =	swait.ge [sflag:s13], $0x4000  }
0x1ab: {  	[sflag:s13] =	ssyncset.done $0x0  }
0x1ac: {  	[sflag:s13] =	ssyncadd.s32 $0xFFFFC000  }
0x1ad: {  	[spmem:s2] =	stream.indirect.scatter.add.f32 [tilespmem:s11], [sflag:$0x3], $0x80, s4, s10, $0xb8;
	[tilespmem:$0x1CC00] =	vst v63  }
0x1ae: {  	_ =	swait.ge [sflag:s15], $0x4000  }
0x1af: {  	[sflag:s15] =	ssyncset.done $0x0  }
0x1b0: {  	[sflag:s15] =	ssyncadd.s32 $0xFFFFC000  }
0x1b1: {  	[spmem:s2] =	stream.indirect.scatter.add.f32 [tilespmem:s12], [sflag:$0x4], $0x80, s7, s10, $0xb8;
	[tilespmem:$0x1CC00] =	vst v63  }
0x1b2: {  	_ =	swait.ge [sflag:s14], $0x4000  }
0x1b3: {  	[sflag:s14] =	ssyncset.done $0x0  }
0x1b4: {  	[sflag:s14] =	ssyncadd.s32 $0xFFFFC000  }
0x1b5: {  	_ =	swait.ge [sflag:s16], $0x4000  }
0x1b6: {  	[sflag:s16] =	ssyncset.done $0x0  }
0x1b7: {  	[sflag:s16] =	ssyncadd.s32 $0xFFFFC000  }
0x1b8: {  	[bflag:$0x0] =	sbarrier.arrive $0xFFFF  }
0x1b9: {  	s17 =	rddreg [dreg:$0x13]  }
0x1ba: {  	s8 =	rddreg [dreg:$0x15]  }
0x1bb: {  	s24 =	rddreg [dreg:$0x16]  }
0x1bc: {  	[hbm:s24], [sflag:s17] =	dma.local [spmem:s8], $0x2780  }
0x1bd: {  	_ =	swait.ge [sflag:s9], $0x2780  }
0x1be: {  	s5 =	rddreg [dreg:$0x17]  }
0x1bf: {  	s24 =	sadd.s32 $0x1, s5;
	s5 =	rddreg [dreg:$0x14]  }
0x1c0: {  	p0 =	sne.s32 s24, s5  }
.Ltmp1:
0x1c1: {  	_ = 	snop;
	(pc) =	sbr.rel @p0 .LBB2_1-.Ltmp1, $3  }
0x1c2: {  	_ =	sdelay $0x1  }
0x1c3: {  	[sflag:s9] =	ssyncset.done $0x0  }
0x1c4: {  	[sflag:s9] =	ssyncadd.s32 $0xFFFFD880  }
0x1c5: {  	_ =	sfence.sel $0x180000  }
0x1c6: {  	[bflag:$0x0] =	sbarrier.arrive $0xFFFF  }
0x1c7: {  	_ =	strace $0x9000004A  }
0x1c8: {  	s0 =	stileid.u32;
	[bflag:$0x2] =	sbarrier.arrive $0xFFFF  }
0x1c9: {  	p0 =	sne.s32 s0, $0x0;
	s0 =	rddreg [dreg:$0x3]  }
0x1ca: {  	s0 =	sadd.s32 @!p0 $0x100000, s0  }
0x1cb: {  	[sflag:s0] =	ssyncadd.tile.s32 @!p0 $0x1;
	_ =	shalt  }
.Lfunc_end2:
_tile_overlayer_lowered:
.L_overlay_start_2:
0x1cc: {  	(tag) =	ssettag $0x2  }
0x1cd: {  	s0 =	rddreg [dreg:$0x0];
	s2 =	stileid.u32  }
0x1ce: {  	s1 =	rddreg [dreg:$0x1];
	p0 =	sne.s32 s2, $0x0  }
0x1cf: {  	s3 =	rddreg [dreg:$0x2];
	[bflag:$0x3] =	sbarrier.arrive $0xFFFF;
	s2 =	simm.s32 @!p0 $0x1C05  }
0x1d0: {  	[timem:s3], [sflag:s2] =	dma.local @!p0 [hbm:s0], s1  }
0x1d1: {  	s0 =	simm.s32 @!p0 $0x5  }
0x1d2: {  	_ =	swait.ge @!p0 [sflag:s0], s1  }
0x1d3: {  	s1 =	ssub.s32 @!p0 $0x0, s1;
	[sflag:s0] =	ssyncset.done @!p0 $0x0  }
0x1d4: {  	[sflag:s0] =	ssyncadd.s32 @!p0 s1  }
0x1d5: {  	[bflag:$0x3] =	sbarrier.arrive $0xFFFF  }
0x1d6: {  	_ =	shalt  }

</sc_bundles>
